<compile_context>
chip_gen: v7x
topology: tpu7x:2x2x1
jax: 0.10.2.dev20260603
libtpu: 0.0.44.dev20260713+nightly
codegen_flags: <defaults>
</compile_context>

<pallas_src>
import functools

import jax
import jax.numpy as jnp
from jax import lax
from jax.experimental import pallas as pl
from jax.experimental.pallas import tpu as pltpu
from jax.experimental.pallas import tpu_sc as plsc

NC = 2
NS = 16
NW = NC * NS
C = 128
PF = 3


NBUF = 5


def _sc_edge_scatter(ga, gb, src_l, dst_l, n_pad, hw, n_chunks):
    rps = n_pad // NS
    assert n_chunks % NBUF == 0
    mesh = plsc.VectorSubcoreMesh(core_axis_name="c", subcore_axis_name="s")

    @functools.partial(
        pl.kernel,
        mesh=mesh,
        compiler_params=pltpu.CompilerParams(use_tc_tiling_on_sc=False),
        out_type=(jax.ShapeDtypeStruct((n_pad, hw), jnp.float32),
                  jax.ShapeDtypeStruct((n_pad, hw), jnp.float32)),
        scratch_types=[
            pltpu.VMEM((n_chunks * C,), jnp.int32),
            pltpu.VMEM((n_chunks * C,), jnp.int32),
        ]
        + [pltpu.VMEM((C, hw), jnp.float32) for _ in range(NBUF)]
        + [
            pltpu.VMEM_SHARED((n_pad, hw), jnp.float32),
        ]
        + [pltpu.SemaphoreType.DMA for _ in range(2 * NBUF)],
    )
    def k(ga_h, gb_h, src_h, dst_h, oa_h, ob_h, sall, dall, *rest):
        rows = rest[:NBUF]
        acc = rest[NBUF]
        gsem = rest[NBUF + 1:NBUF + 1 + NBUF]
        ssem = rest[NBUF + 1 + NBUF:]
        cid = lax.axis_index("c")
        sid = lax.axis_index("s")
        sl = pl.ds(sid * rps, rps)
        ew = n_chunks * C
        pltpu.sync_copy(src_h.at[pl.ds(sid * ew, ew)], sall)
        pltpu.sync_copy(dst_h.at[pl.ds(sid * ew, ew)], dall)

        def idx(ref, j):
            return ref.at[pl.ds(pl.multiple_of(j * C, C), C)]

        def run(g_h, out_h):
            pltpu.sync_copy(g_h.at[sl], acc.at[sl])
            plsc.subcore_barrier()

            def gath(j, b):
                return pltpu.async_copy(g_h.at[idx(sall, j)], rows[b],
                                        gsem[b])

            for j in range(PF):
                gath(j, j)

            def body(i, carry):
                j0 = i * NBUF
                for u in range(NBUF):
                    j = j0 + u
                    b = u
                    bn = (u + PF) % NBUF
                    pltpu.make_async_copy(g_h.at[idx(sall, j)], rows[b],
                                          gsem[b]).wait()
                    pltpu.async_copy(rows[b], acc.at[idx(dall, j)],
                                     ssem[b], add=True)
                    jp = j + PF - NBUF
                    @pl.when(jp >= 0)
                    def _():
                        pltpu.make_async_copy(rows[bn],
                                              acc.at[idx(dall, jp)],
                                              ssem[bn]).wait()
                    @pl.when(j + PF < n_chunks)
                    def _():
                        gath(j + PF, bn)
                return carry

            lax.fori_loop(0, n_chunks // NBUF, body, 0, unroll=False)
            for j in range(n_chunks - (NBUF - PF), n_chunks):
                b = j % NBUF
                pltpu.make_async_copy(rows[b], acc.at[idx(dall, j)],
                                      ssem[b]).wait()
            plsc.subcore_barrier()
            pltpu.sync_copy(acc.at[sl], out_h.at[sl])

        @pl.when(cid == 0)
        def _():
            run(ga_h, oa_h)

        @pl.when(cid == 1)
        def _():
            run(gb_h, ob_h)

    return k(ga, gb, src_l, dst_l)


def _sc_degree(dst_l, n_pad, n_chunks):
    rps = n_pad // NS
    ZB = 128
    assert rps % ZB == 0 and n_chunks % NBUF == 0
    mesh = plsc.VectorSubcoreMesh(core_axis_name="c", subcore_axis_name="s")

    @functools.partial(
        pl.kernel,
        mesh=mesh,
        compiler_params=pltpu.CompilerParams(use_tc_tiling_on_sc=False),
        out_type=jax.ShapeDtypeStruct((n_pad,), jnp.float32),
        scratch_types=[
            pltpu.VMEM((n_chunks * C,), jnp.int32),
            pltpu.VMEM((ZB,), jnp.float32),
            pltpu.VMEM((ZB,), jnp.float32),
            pltpu.VMEM_SHARED((n_pad,), jnp.float32),
        ]
        + [pltpu.SemaphoreType.DMA for _ in range(NBUF)],
    )
    def k(dst_h, out_h, dall, ones_v, zero_v, acc, *sems):
        cid = lax.axis_index("c")
        sid = lax.axis_index("s")

        @pl.when(cid == 0)
        def _():
            for i in range(ZB // 16):
                ones_v[pl.ds(i * 16, 16)] = jnp.ones((16,), jnp.float32)
                zero_v[pl.ds(i * 16, 16)] = jnp.zeros((16,), jnp.float32)
            ew = n_chunks * C
            pltpu.sync_copy(dst_h.at[pl.ds(sid * ew, ew)], dall)
            for t in range(rps // ZB):
                pltpu.sync_copy(zero_v,
                                acc.at[pl.ds(sid * rps + t * ZB, ZB)])
            plsc.subcore_barrier()
            ones_c = ones_v.at[pl.ds(0, C)]

            def idx(ref, j):
                return ref.at[pl.ds(pl.multiple_of(j * C, C), C)]

            def body(i, carry):
                for u in range(NBUF):
                    j = i * NBUF + u
                    @pl.when(i > 0)
                    def _():
                        pltpu.make_async_copy(ones_c,
                                              acc.at[idx(dall, j - NBUF)],
                                              sems[u]).wait()
                    pltpu.async_copy(ones_c, acc.at[idx(dall, j)], sems[u],
                                     add=True)
                return carry

            lax.fori_loop(0, n_chunks // NBUF, body, 0, unroll=False)
            for u in range(NBUF):
                j = n_chunks - NBUF + u
                pltpu.make_async_copy(ones_c, acc.at[idx(dall, j)],
                                      sems[u]).wait()
            plsc.subcore_barrier()
            pltpu.sync_copy(acc.at[pl.ds(sid * rps, rps)],
                            out_h.at[pl.ds(sid * rps, rps)])

    return k(dst_l)


def _dinv(deg_ref):
    return lax.rsqrt(deg_ref[0, :] + 1.0)[:, None]


def kernel(x, edge_index, batch, W1, b1, W2, b2, W3, b3, Wh, bh, Wo, bo):
    N, D = x.shape
    E = edge_index.shape[1]
    H = W1.shape[1]
    H2 = W2.shape[1]
    H3 = W3.shape[1]
    OUT = Wo.shape[1]

    n_pad = ((N + 2047) // 2048) * 2048
    pad_rows = n_pad - N

    Hh = H // 2
    bc = NS * C * NBUF
    e_pad = ((E + bc - 1) // bc) * bc
    n_chunks = e_pad // (NS * C)

    pi = jnp.arange(e_pad - E, dtype=jnp.int32)
    src_p = jnp.concatenate([edge_index[0], N + (pi % pad_rows)])
    dst_p = jnp.concatenate(
        [edge_index[1], N + ((pi * 7 + pad_rows // 2) % pad_rows)])
    src_l = src_p
    dst_l = dst_p
    x_pad = jnp.pad(x, ((0, pad_rows), (0, 0)))
    batch2d = jnp.pad(batch, (0, pad_rows), constant_values=64)[None, :]
    b1r, b2r, b3r = b1[None, :], b2[None, :], b3[None, :]
    bhr, bor = bh[None, :], bo[None, :]

    T = 8
    R = n_pad // T

    deg = _sc_degree(dst_l, n_pad, n_chunks)
    deg2d = deg[None, :]

    def _b_body(x_ref, w_ref, deg_ref, oa_ref, ob_ref):
        h = jnp.dot(x_ref[...], w_ref[...], preferred_element_type=jnp.float32)
        g = h * _dinv(deg_ref)
        oa_ref[...] = g[:, :Hh]
        ob_ref[...] = g[:, Hh:]

    g1a, g1b = pl.pallas_call(
        _b_body,
        grid=(T,),
        in_specs=[pl.BlockSpec((R, D), lambda i: (i, 0)),
                  pl.BlockSpec((D, H), lambda i: (0, 0)),
                  pl.BlockSpec((1, R), lambda i: (0, i))],
        out_specs=[pl.BlockSpec((R, Hh), lambda i: (i, 0)),
                   pl.BlockSpec((R, Hh), lambda i: (i, 0))],
        out_shape=[jax.ShapeDtypeStruct((n_pad, Hh), jnp.float32),
                   jax.ShapeDtypeStruct((n_pad, Hh), jnp.float32)],
    )(x_pad, W1, deg2d)

    o1a, o1b = _sc_edge_scatter(g1a, g1b, src_l, dst_l, n_pad, Hh, n_chunks)

    def _c_body(oa_ref, ob_ref, deg_ref, b_ref, na_ref, nb_ref):
        dinv = _dinv(deg_ref)
        agg = dinv * jnp.concatenate([oa_ref[...], ob_ref[...]], axis=1)
        g2t = dinv * jnp.maximum(agg + b_ref[...], 0.0)
        na_ref[...] = g2t[:, :Hh]
        nb_ref[...] = g2t[:, Hh:]

    g2a, g2b = pl.pallas_call(
        _c_body,
        grid=(T,),
        in_specs=[pl.BlockSpec((R, Hh), lambda i: (i, 0)),
                  pl.BlockSpec((R, Hh), lambda i: (i, 0)),
                  pl.BlockSpec((1, R), lambda i: (0, i)),
                  pl.BlockSpec((1, H), lambda i: (0, 0))],
        out_specs=[pl.BlockSpec((R, Hh), lambda i: (i, 0)),
                   pl.BlockSpec((R, Hh), lambda i: (i, 0))],
        out_shape=[jax.ShapeDtypeStruct((n_pad, Hh), jnp.float32),
                   jax.ShapeDtypeStruct((n_pad, Hh), jnp.float32)],
    )(o1a, o1b, deg2d, b1r)

    o2a, o2b = _sc_edge_scatter(g2a, g2b, src_l, dst_l, n_pad, Hh, n_chunks)

    def _d_body(oa_ref, ob_ref, deg_ref, w_ref, b_ref, na_ref, nb_ref):
        dinv = _dinv(deg_ref)
        a = dinv * jnp.concatenate([oa_ref[...], ob_ref[...]], axis=1)
        c2 = jnp.maximum(
            jnp.dot(a, w_ref[...], preferred_element_type=jnp.float32)
            + b_ref[...], 0.0)
        g3t = dinv * c2
        na_ref[...] = g3t[:, :H]
        nb_ref[...] = g3t[:, H:]

    g3a, g3b = pl.pallas_call(
        _d_body,
        grid=(T,),
        in_specs=[pl.BlockSpec((R, Hh), lambda i: (i, 0)),
                  pl.BlockSpec((R, Hh), lambda i: (i, 0)),
                  pl.BlockSpec((1, R), lambda i: (0, i)),
                  pl.BlockSpec((H, H2), lambda i: (0, 0)),
                  pl.BlockSpec((1, H2), lambda i: (0, 0))],
        out_specs=[pl.BlockSpec((R, H), lambda i: (i, 0)),
                   pl.BlockSpec((R, H), lambda i: (i, 0))],
        out_shape=[jax.ShapeDtypeStruct((n_pad, H), jnp.float32),
                   jax.ShapeDtypeStruct((n_pad, H), jnp.float32)],
    )(o2a, o2b, deg2d, W2, b2r)

    o3a, o3b = _sc_edge_scatter(g3a, g3b, src_l, dst_l, n_pad, H, n_chunks)

    GR = 64

    def _e_body(oa_ref, ob_ref, deg_ref, w_ref, b_ref,
                batch_ref, sums_ref, cnts_ref):
        i = pl.program_id(0)

        @pl.when(i == 0)
        def _():
            sums_ref[...] = jnp.zeros_like(sums_ref)
            cnts_ref[...] = jnp.zeros_like(cnts_ref)

        dinv = _dinv(deg_ref)
        a = dinv * jnp.concatenate([oa_ref[...], ob_ref[...]], axis=1)
        c3 = jnp.maximum(
            jnp.dot(a, w_ref[...], preferred_element_type=jnp.float32)
            + b_ref[...], 0.0)
        onehot = (lax.broadcasted_iota(jnp.int32, (GR, R), 0)
                  == batch_ref[...]).astype(jnp.float32)
        sums_ref[...] += jnp.dot(onehot, c3,
                                 preferred_element_type=jnp.float32)
        cnts_ref[...] = cnts_ref[...] + jnp.sum(onehot, axis=1, keepdims=True)

    sums, cnts = pl.pallas_call(
        _e_body,
        grid=(T,),
        in_specs=[pl.BlockSpec((R, H), lambda i: (i, 0)),
                  pl.BlockSpec((R, H), lambda i: (i, 0)),
                  pl.BlockSpec((1, R), lambda i: (0, i)),
                  pl.BlockSpec((H2, H3), lambda i: (0, 0)),
                  pl.BlockSpec((1, H3), lambda i: (0, 0)),
                  pl.BlockSpec((1, R), lambda i: (0, i))],
        out_specs=[pl.BlockSpec((GR, H3), lambda i: (0, 0)),
                   pl.BlockSpec((GR, 128), lambda i: (0, 0))],
        out_shape=[jax.ShapeDtypeStruct((GR, H3), jnp.float32),
                   jax.ShapeDtypeStruct((GR, 128), jnp.float32)],
    )(o3a, o3b, deg2d, W3, b3r, batch2d)

    def _f_body(sums_ref, cnts_ref, wh_ref, bh_ref, wo_ref, bo_ref, o_ref):
        cnt = cnts_ref[:, 0:1]
        pooled = sums_ref[...] / jnp.maximum(cnt, 1.0)
        hid = jnp.maximum(
            jnp.dot(pooled, wh_ref[...], preferred_element_type=jnp.float32)
            + bh_ref[...], 0.0)
        logits = jnp.dot(hid, wo_ref[...],
                         preferred_element_type=jnp.float32) + bo_ref[...]
        o_ref[...] = jax.nn.sigmoid(logits)

    out = pl.pallas_call(
        _f_body,
        out_shape=jax.ShapeDtypeStruct((GR, OUT), jnp.float32),
    )(sums, cnts, Wh, bhr, Wo, bor)

    return out

# --- scband reference (transcript-rebuilt; emitter-appended) ---
"""Pipeline reference for scband-irgraph-neural-network-28939489641251 (READ-ONLY COPY).

The authoritative reference and input builder live on the scoring server;
editing this copy changes nothing except your own understanding.
"""

import jax, jax.numpy as jnp
import numpy as np

N = 10000
E = 320000
D = 128
H = 64
G = 64
OUT = 3600


def _gcn_conv(x, edge_index, W, b):
    src = edge_index[0]
    dst = edge_index[1]
    loop = jnp.arange(N, dtype=src.dtype)
    s = jnp.concatenate([src, loop])
    d = jnp.concatenate([dst, loop])
    deg = jnp.zeros((N,), x.dtype).at[d].add(1.0)
    dinv = jax.lax.rsqrt(jnp.maximum(deg, 1e-12))
    norm = dinv[s] * dinv[d]
    h = x @ W
    msg = h[s] * norm[:, None]
    out = jnp.zeros((N, W.shape[1]), x.dtype).at[d].add(msg)
    return out + b


def setup_inputs(seed: int = 0):
    key = jax.random.key(seed)
    ks = jax.random.split(key, 16)
    x = jax.random.normal(ks[0], (N, D), jnp.float32)
    edge_index = jax.random.randint(ks[1], (2, E), 0, N, jnp.int32)
    batch = jnp.sort(jax.random.randint(ks[2], (N,), 0, G, jnp.int32))
    W1 = jax.random.normal(ks[3], (D, H), jnp.float32) * 0.05
    b1 = jnp.zeros((H,), jnp.float32)
    W2 = jax.random.normal(ks[4], (H, 2 * H), jnp.float32) * 0.05
    b2 = jnp.zeros((2 * H,), jnp.float32)
    W3 = jax.random.normal(ks[5], (2 * H, 256), jnp.float32) * 0.05
    b3 = jnp.zeros((256,), jnp.float32)
    Wh = jax.random.normal(ks[6], (256, 512), jnp.float32) * 0.05
    bh = jnp.zeros((512,), jnp.float32)
    Wo = jax.random.normal(ks[7], (512, OUT), jnp.float32) * 0.05
    bo = jnp.zeros((OUT,), jnp.float32)
    return {"x": x, "edge_index": edge_index, "batch": batch,
            "W1": W1, "b1": b1, "W2": W2, "b2": b2, "W3": W3, "b3": b3,
            "Wh": Wh, "bh": bh, "Wo": Wo, "bo": bo}


def reference(x, edge_index, batch, W1, b1, W2, b2, W3, b3, Wh, bh, Wo, bo):
    h = jax.nn.relu(_gcn_conv(x, edge_index, W1, b1))
    h = jax.nn.relu(_gcn_conv(h, edge_index, W2, b2))
    h = jax.nn.relu(_gcn_conv(h, edge_index, W3, b3))
    sums = jax.ops.segment_sum(h, batch, num_segments=G)
    counts = jax.ops.segment_sum(jnp.ones((N,), h.dtype), batch, num_segments=G)
    pooled = sums / jnp.maximum(counts, 1.0)[:, None]
    hid = jax.nn.relu(pooled @ Wh + bh)
    out = jax.nn.sigmoid(hid @ Wo + bo)
    return out

if __name__ == "__main__":
    import jax
    _d = setup_inputs()
    print(jax.jit(kernel)(*tuple(_d.values())))

</pallas_src>

<mosaic_0001>
#map = affine_map<(d0, d1) -> (0)>
module attributes {stable_mosaic.version = 14 : i64} {
  func.func @k(%arg0: i32, %arg1: i32, %arg2: memref<327680xi32, #tpu.memory_space<hbm>>, %arg3: memref<10240xf32, #tpu.memory_space<hbm>>, %arg4: memref<20480xi32, #tpu.memory_space<vmem>>, %arg5: memref<128xf32, #tpu.memory_space<vmem>>, %arg6: memref<128xf32, #tpu.memory_space<vmem>>, %arg7: memref<10240xf32, #tpu.memory_space<vmem_shared>>, %arg8: memref<!tpu.dma_semaphore, #tpu.memory_space<semaphore_mem>>, %arg9: memref<!tpu.dma_semaphore, #tpu.memory_space<semaphore_mem>>, %arg10: memref<!tpu.dma_semaphore, #tpu.memory_space<semaphore_mem>>, %arg11: memref<!tpu.dma_semaphore, #tpu.memory_space<semaphore_mem>>, %arg12: memref<!tpu.dma_semaphore, #tpu.memory_space<semaphore_mem>>) attributes {dimension_semantics = [#tpu.dimension_semantics<core_parallel>, #tpu.dimension_semantics<subcore_parallel>], iteration_bounds = array<i64: 2, 16>, scalar_prefetch = 0 : i64, scratch_operands = 9 : i64, tpu.core_type = #tpu.core_type<sc_vector_subcore>, window_params = [{transform_indices = #map}, {transform_indices = #map}]} {
    %eq3A = arith.constant 0 : i32
    %eq3A_0 = arith.cmpi eq, %arg0, %eq3A : i32
    %convert_element_type3A = arith.extui %eq3A_0 : i1 to i32
    %cond3A = arith.constant 0 : i32
    %cond3A_1 = arith.cmpi ne, %convert_element_type3A, %cond3A : i32
    scf.if %cond3A_1 {
      %broadcast_in_dim3A = arith.constant 1.000000e+00 : f32
      %broadcast_in_dim3A_2 = vector.broadcast %broadcast_in_dim3A : f32 to vector<16xf32>
      %swap3A = arith.constant 0 : index
      %swap3A_3 = tpu.vector_load %arg5[%swap3A] {strides = array<i32>} : memref<128xf32, #tpu.memory_space<vmem>>, vector<16xf32>,
      %swap3A_4 = vector.shape_cast %swap3A_3 : vector<16xf32> to vector<16xf32>
      %swap3A_5 = vector.shape_cast %broadcast_in_dim3A_2 : vector<16xf32> to vector<16xf32>
      tpu.vector_store %arg5[%swap3A], %swap3A_5 {strides = array<i32>} : memref<128xf32, #tpu.memory_space<vmem>>, vector<16xf32>,
      %broadcast_in_dim3A_6 = arith.constant 0.000000e+00 : f32
      %broadcast_in_dim3A_7 = vector.broadcast %broadcast_in_dim3A_6 : f32 to vector<16xf32>
      %swap3A_8 = arith.constant 0 : index
      %swap3A_9 = tpu.vector_load %arg6[%swap3A_8] {strides = array<i32>} : memref<128xf32, #tpu.memory_space<vmem>>, vector<16xf32>,
      %swap3A_10 = vector.shape_cast %swap3A_9 : vector<16xf32> to vector<16xf32>
      %swap3A_11 = vector.shape_cast %broadcast_in_dim3A_7 : vector<16xf32> to vector<16xf32>
      tpu.vector_store %arg6[%swap3A_8], %swap3A_11 {strides = array<i32>} : memref<128xf32, #tpu.memory_space<vmem>>, vector<16xf32>,
      %broadcast_in_dim3A_12 = arith.constant 1.000000e+00 : f32
      %broadcast_in_dim3A_13 = vector.broadcast %broadcast_in_dim3A_12 : f32 to vector<16xf32>
      %swap3A_14 = arith.constant 16 : index
      %swap3A_15 = tpu.vector_load %arg5[%swap3A_14] {strides = array<i32>} : memref<128xf32, #tpu.memory_space<vmem>>, vector<16xf32>,
      %swap3A_16 = vector.shape_cast %swap3A_15 : vector<16xf32> to vector<16xf32>
      %swap3A_17 = vector.shape_cast %broadcast_in_dim3A_13 : vector<16xf32> to vector<16xf32>
      tpu.vector_store %arg5[%swap3A_14], %swap3A_17 {strides = array<i32>} : memref<128xf32, #tpu.memory_space<vmem>>, vector<16xf32>,
      %broadcast_in_dim3A_18 = arith.constant 0.000000e+00 : f32
      %broadcast_in_dim3A_19 = vector.broadcast %broadcast_in_dim3A_18 : f32 to vector<16xf32>
      %swap3A_20 = arith.constant 16 : index
      %swap3A_21 = tpu.vector_load %arg6[%swap3A_20] {strides = array<i32>} : memref<128xf32, #tpu.memory_space<vmem>>, vector<16xf32>,
      %swap3A_22 = vector.shape_cast %swap3A_21 : vector<16xf32> to vector<16xf32>
      %swap3A_23 = vector.shape_cast %broadcast_in_dim3A_19 : vector<16xf32> to vector<16xf32>
      tpu.vector_store %arg6[%swap3A_20], %swap3A_23 {strides = array<i32>} : memref<128xf32, #tpu.memory_space<vmem>>, vector<16xf32>,
      %broadcast_in_dim3A_24 = arith.constant 1.000000e+00 : f32
      %broadcast_in_dim3A_25 = vector.broadcast %broadcast_in_dim3A_24 : f32 to vector<16xf32>
      %swap3A_26 = arith.constant 32 : index
      %swap3A_27 = tpu.vector_load %arg5[%swap3A_26] {strides = array<i32>} : memref<128xf32, #tpu.memory_space<vmem>>, vector<16xf32>,
      %swap3A_28 = vector.shape_cast %swap3A_27 : vector<16xf32> to vector<16xf32>
      %swap3A_29 = vector.shape_cast %broadcast_in_dim3A_25 : vector<16xf32> to vector<16xf32>
      tpu.vector_store %arg5[%swap3A_26], %swap3A_29 {strides = array<i32>} : memref<128xf32, #tpu.memory_space<vmem>>, vector<16xf32>,
      %broadcast_in_dim3A_30 = arith.constant 0.000000e+00 : f32
      %broadcast_in_dim3A_31 = vector.broadcast %broadcast_in_dim3A_30 : f32 to vector<16xf32>
      %swap3A_32 = arith.constant 32 : index
      %swap3A_33 = tpu.vector_load %arg6[%swap3A_32] {strides = array<i32>} : memref<128xf32, #tpu.memory_space<vmem>>, vector<16xf32>,
      %swap3A_34 = vector.shape_cast %swap3A_33 : vector<16xf32> to vector<16xf32>
      %swap3A_35 = vector.shape_cast %broadcast_in_dim3A_31 : vector<16xf32> to vector<16xf32>
      tpu.vector_store %arg6[%swap3A_32], %swap3A_35 {strides = array<i32>} : memref<128xf32, #tpu.memory_space<vmem>>, vector<16xf32>,
      %broadcast_in_dim3A_36 = arith.constant 1.000000e+00 : f32
      %broadcast_in_dim3A_37 = vector.broadcast %broadcast_in_dim3A_36 : f32 to vector<16xf32>
      %swap3A_38 = arith.constant 48 : index
      %swap3A_39 = tpu.vector_load %arg5[%swap3A_38] {strides = array<i32>} : memref<128xf32, #tpu.memory_space<vmem>>, vector<16xf32>,
      %swap3A_40 = vector.shape_cast %swap3A_39 : vector<16xf32> to vector<16xf32>
      %swap3A_41 = vector.shape_cast %broadcast_in_dim3A_37 : vector<16xf32> to vector<16xf32>
      tpu.vector_store %arg5[%swap3A_38], %swap3A_41 {strides = array<i32>} : memref<128xf32, #tpu.memory_space<vmem>>, vector<16xf32>,
      %broadcast_in_dim3A_42 = arith.constant 0.000000e+00 : f32
      %broadcast_in_dim3A_43 = vector.broadcast %broadcast_in_dim3A_42 : f32 to vector<16xf32>
      %swap3A_44 = arith.constant 48 : index
      %swap3A_45 = tpu.vector_load %arg6[%swap3A_44] {strides = array<i32>} : memref<128xf32, #tpu.memory_space<vmem>>, vector<16xf32>,
      %swap3A_46 = vector.shape_cast %swap3A_45 : vector<16xf32> to vector<16xf32>
      %swap3A_47 = vector.shape_cast %broadcast_in_dim3A_43 : vector<16xf32> to vector<16xf32>
      tpu.vector_store %arg6[%swap3A_44], %swap3A_47 {strides = array<i32>} : memref<128xf32, #tpu.memory_space<vmem>>, vector<16xf32>,
      %broadcast_in_dim3A_48 = arith.constant 1.000000e+00 : f32
      %broadcast_in_dim3A_49 = vector.broadcast %broadcast_in_dim3A_48 : f32 to vector<16xf32>
      %swap3A_50 = arith.constant 64 : index
      %swap3A_51 = tpu.vector_load %arg5[%swap3A_50] {strides = array<i32>} : memref<128xf32, #tpu.memory_space<vmem>>, vector<16xf32>,
      %swap3A_52 = vector.shape_cast %swap3A_51 : vector<16xf32> to vector<16xf32>
      %swap3A_53 = vector.shape_cast %broadcast_in_dim3A_49 : vector<16xf32> to vector<16xf32>
      tpu.vector_store %arg5[%swap3A_50], %swap3A_53 {strides = array<i32>} : memref<128xf32, #tpu.memory_space<vmem>>, vector<16xf32>,
      %broadcast_in_dim3A_54 = arith.constant 0.000000e+00 : f32
      %broadcast_in_dim3A_55 = vector.broadcast %broadcast_in_dim3A_54 : f32 to vector<16xf32>
      %swap3A_56 = arith.constant 64 : index
      %swap3A_57 = tpu.vector_load %arg6[%swap3A_56] {strides = array<i32>} : memref<128xf32, #tpu.memory_space<vmem>>, vector<16xf32>,
      %swap3A_58 = vector.shape_cast %swap3A_57 : vector<16xf32> to vector<16xf32>
      %swap3A_59 = vector.shape_cast %broadcast_in_dim3A_55 : vector<16xf32> to vector<16xf32>
      tpu.vector_store %arg6[%swap3A_56], %swap3A_59 {strides = array<i32>} : memref<128xf32, #tpu.memory_space<vmem>>, vector<16xf32>,
      %broadcast_in_dim3A_60 = arith.constant 1.000000e+00 : f32
      %broadcast_in_dim3A_61 = vector.broadcast %broadcast_in_dim3A_60 : f32 to vector<16xf32>
      %swap3A_62 = arith.constant 80 : index
      %swap3A_63 = tpu.vector_load %arg5[%swap3A_62] {strides = array<i32>} : memref<128xf32, #tpu.memory_space<vmem>>, vector<16xf32>,
      %swap3A_64 = vector.shape_cast %swap3A_63 : vector<16xf32> to vector<16xf32>
      %swap3A_65 = vector.shape_cast %broadcast_in_dim3A_61 : vector<16xf32> to vector<16xf32>
      tpu.vector_store %arg5[%swap3A_62], %swap3A_65 {strides = array<i32>} : memref<128xf32, #tpu.memory_space<vmem>>, vector<16xf32>,
      %broadcast_in_dim3A_66 = arith.constant 0.000000e+00 : f32
      %broadcast_in_dim3A_67 = vector.broadcast %broadcast_in_dim3A_66 : f32 to vector<16xf32>
      %swap3A_68 = arith.constant 80 : index
      %swap3A_69 = tpu.vector_load %arg6[%swap3A_68] {strides = array<i32>} : memref<128xf32, #tpu.memory_space<vmem>>, vector<16xf32>,
      %swap3A_70 = vector.shape_cast %swap3A_69 : vector<16xf32> to vector<16xf32>
      %swap3A_71 = vector.shape_cast %broadcast_in_dim3A_67 : vector<16xf32> to vector<16xf32>
      tpu.vector_store %arg6[%swap3A_68], %swap3A_71 {strides = array<i32>} : memref<128xf32, #tpu.memory_space<vmem>>, vector<16xf32>,
      %broadcast_in_dim3A_72 = arith.constant 1.000000e+00 : f32
      %broadcast_in_dim3A_73 = vector.broadcast %broadcast_in_dim3A_72 : f32 to vector<16xf32>
      %swap3A_74 = arith.constant 96 : index
      %swap3A_75 = tpu.vector_load %arg5[%swap3A_74] {strides = array<i32>} : memref<128xf32, #tpu.memory_space<vmem>>, vector<16xf32>,
      %swap3A_76 = vector.shape_cast %swap3A_75 : vector<16xf32> to vector<16xf32>
      %swap3A_77 = vector.shape_cast %broadcast_in_dim3A_73 : vector<16xf32> to vector<16xf32>
      tpu.vector_store %arg5[%swap3A_74], %swap3A_77 {strides = array<i32>} : memref<128xf32, #tpu.memory_space<vmem>>, vector<16xf32>,
      %broadcast_in_dim3A_78 = arith.constant 0.000000e+00 : f32
      %broadcast_in_dim3A_79 = vector.broadcast %broadcast_in_dim3A_78 : f32 to vector<16xf32>
      %swap3A_80 = arith.constant 96 : index
      %swap3A_81 = tpu.vector_load %arg6[%swap3A_80] {strides = array<i32>} : memref<128xf32, #tpu.memory_space<vmem>>, vector<16xf32>,
      %swap3A_82 = vector.shape_cast %swap3A_81 : vector<16xf32> to vector<16xf32>
      %swap3A_83 = vector.shape_cast %broadcast_in_dim3A_79 : vector<16xf32> to vector<16xf32>
      tpu.vector_store %arg6[%swap3A_80], %swap3A_83 {strides = array<i32>} : memref<128xf32, #tpu.memory_space<vmem>>, vector<16xf32>,
      %broadcast_in_dim3A_84 = arith.constant 1.000000e+00 : f32
      %broadcast_in_dim3A_85 = vector.broadcast %broadcast_in_dim3A_84 : f32 to vector<16xf32>
      %swap3A_86 = arith.constant 112 : index
      %swap3A_87 = tpu.vector_load %arg5[%swap3A_86] {strides = array<i32>} : memref<128xf32, #tpu.memory_space<vmem>>, vector<16xf32>,
      %swap3A_88 = vector.shape_cast %swap3A_87 : vector<16xf32> to vector<16xf32>
      %swap3A_89 = vector.shape_cast %broadcast_in_dim3A_85 : vector<16xf32> to vector<16xf32>
      tpu.vector_store %arg5[%swap3A_86], %swap3A_89 {strides = array<i32>} : memref<128xf32, #tpu.memory_space<vmem>>, vector<16xf32>,
      %broadcast_in_dim3A_90 = arith.constant 0.000000e+00 : f32
      %broadcast_in_dim3A_91 = vector.broadcast %broadcast_in_dim3A_90 : f32 to vector<16xf32>
      %swap3A_92 = arith.constant 112 : index
      %swap3A_93 = tpu.vector_load %arg6[%swap3A_92] {strides = array<i32>} : memref<128xf32, #tpu.memory_space<vmem>>, vector<16xf32>,
      %swap3A_94 = vector.shape_cast %swap3A_93 : vector<16xf32> to vector<16xf32>
      %swap3A_95 = vector.shape_cast %broadcast_in_dim3A_91 : vector<16xf32> to vector<16xf32>
      tpu.vector_store %arg6[%swap3A_92], %swap3A_95 {strides = array<i32>} : memref<128xf32, #tpu.memory_space<vmem>>, vector<16xf32>,
      %mul3A = arith.constant 20480 : i32
      %mul3A_96 = arith.muli %arg1, %mul3A : i32
      "tpu.region"() ({
        %run_scoped3A = tpu.sem_alloc : memref<!tpu.dma_semaphore, #tpu.memory_space<semaphore_mem>>
        %dma_start3A = tpu.memref_slice %arg2[%mul3A_96] : memref<327680xi32, #tpu.memory_space<hbm>> -> memref<20480xi32, #tpu.memory_space<hbm>>
        %dma_start3A_159 = tpu.memref_slice %arg2[%mul3A_96] : memref<327680xi32, #tpu.memory_space<hbm>> -> memref<20480xi32, #tpu.memory_space<hbm>>
        tpu.enqueue_dma source(%dma_start3A_159 : memref<20480xi32, #tpu.memory_space<hbm>>) target(%arg4 : memref<20480xi32, #tpu.memory_space<vmem>>) target_semaphore(%run_scoped3A : memref<!tpu.dma_semaphore, #tpu.memory_space<semaphore_mem>>)
        %dma_wait3A_160 = tpu.memref_slice %arg2[%mul3A_96] : memref<327680xi32, #tpu.memory_space<hbm>> -> memref<20480xi32, #tpu.memory_space<hbm>>
        %dma_wait3A_161 = tpu.memref_slice %arg2[%mul3A_96] : memref<327680xi32, #tpu.memory_space<hbm>> -> memref<20480xi32, #tpu.memory_space<hbm>>
        tpu.wait_dma2 semaphore(%run_scoped3A : memref<!tpu.dma_semaphore, #tpu.memory_space<semaphore_mem>>) src(%dma_wait3A_161 : memref<20480xi32, #tpu.memory_space<hbm>>) dst(%arg4 : memref<20480xi32, #tpu.memory_space<vmem>>)
        tpu.yield
      }) : () -> ()
      %mul3A_97 = arith.constant 640 : i32
      %mul3A_98 = arith.muli %arg1, %mul3A_97 : i32
      %add3A = arith.constant 0 : i32
      %add3A_99 = arith.addi %mul3A_98, %add3A : i32
      "tpu.region"() ({
        %run_scoped3A = tpu.sem_alloc : memref<!tpu.dma_semaphore, #tpu.memory_space<semaphore_mem>>
        %dma_start3A = tpu.memref_slice %arg7[%add3A_99] : memref<10240xf32, #tpu.memory_space<vmem_shared>> -> memref<128xf32, #tpu.memory_space<vmem_shared>>
        %dma_start3A_159 = tpu.memref_slice %arg7[%add3A_99] : memref<10240xf32, #tpu.memory_space<vmem_shared>> -> memref<128xf32, #tpu.memory_space<vmem_shared>>
        tpu.enqueue_dma source(%arg6 : memref<128xf32, #tpu.memory_space<vmem>>) target(%dma_start3A_159 : memref<128xf32, #tpu.memory_space<vmem_shared>>) target_semaphore(%run_scoped3A : memref<!tpu.dma_semaphore, #tpu.memory_space<semaphore_mem>>)
        %dma_wait3A_160 = tpu.memref_slice %arg7[%add3A_99] : memref<10240xf32, #tpu.memory_space<vmem_shared>> -> memref<128xf32, #tpu.memory_space<vmem_shared>>
        %dma_wait3A_161 = tpu.memref_slice %arg7[%add3A_99] : memref<10240xf32, #tpu.memory_space<vmem_shared>> -> memref<128xf32, #tpu.memory_space<vmem_shared>>
        tpu.wait_dma2 semaphore(%run_scoped3A : memref<!tpu.dma_semaphore, #tpu.memory_space<semaphore_mem>>) src(%arg6 : memref<128xf32, #tpu.memory_space<vmem>>) dst(%dma_wait3A_161 : memref<128xf32, #tpu.memory_space<vmem_shared>>)
        tpu.yield
      }) : () -> ()
      %mul3A_100 = arith.constant 640 : i32
      %mul3A_101 = arith.muli %arg1, %mul3A_100 : i32
      %add3A_102 = arith.constant 128 : i32
      %add3A_103 = arith.addi %mul3A_101, %add3A_102 : i32
      "tpu.region"() ({
        %run_scoped3A = tpu.sem_alloc : memref<!tpu.dma_semaphore, #tpu.memory_space<semaphore_mem>>
        %dma_start3A = tpu.memref_slice %arg7[%add3A_103] : memref<10240xf32, #tpu.memory_space<vmem_shared>> -> memref<128xf32, #tpu.memory_space<vmem_shared>>
        %dma_start3A_159 = tpu.memref_slice %arg7[%add3A_103] : memref<10240xf32, #tpu.memory_space<vmem_shared>> -> memref<128xf32, #tpu.memory_space<vmem_shared>>
        tpu.enqueue_dma source(%arg6 : memref<128xf32, #tpu.memory_space<vmem>>) target(%dma_start3A_159 : memref<128xf32, #tpu.memory_space<vmem_shared>>) target_semaphore(%run_scoped3A : memref<!tpu.dma_semaphore, #tpu.memory_space<semaphore_mem>>)
        %dma_wait3A_160 = tpu.memref_slice %arg7[%add3A_103] : memref<10240xf32, #tpu.memory_space<vmem_shared>> -> memref<128xf32, #tpu.memory_space<vmem_shared>>
        %dma_wait3A_161 = tpu.memref_slice %arg7[%add3A_103] : memref<10240xf32, #tpu.memory_space<vmem_shared>> -> memref<128xf32, #tpu.memory_space<vmem_shared>>
        tpu.wait_dma2 semaphore(%run_scoped3A : memref<!tpu.dma_semaphore, #tpu.memory_space<semaphore_mem>>) src(%arg6 : memref<128xf32, #tpu.memory_space<vmem>>) dst(%dma_wait3A_161 : memref<128xf32, #tpu.memory_space<vmem_shared>>)
        tpu.yield
      }) : () -> ()
      %mul3A_104 = arith.constant 640 : i32
      %mul3A_105 = arith.muli %arg1, %mul3A_104 : i32
      %add3A_106 = arith.constant 256 : i32
      %add3A_107 = arith.addi %mul3A_105, %add3A_106 : i32
      "tpu.region"() ({
        %run_scoped3A = tpu.sem_alloc : memref<!tpu.dma_semaphore, #tpu.memory_space<semaphore_mem>>
        %dma_start3A = tpu.memref_slice %arg7[%add3A_107] : memref<10240xf32, #tpu.memory_space<vmem_shared>> -> memref<128xf32, #tpu.memory_space<vmem_shared>>
        %dma_start3A_159 = tpu.memref_slice %arg7[%add3A_107] : memref<10240xf32, #tpu.memory_space<vmem_shared>> -> memref<128xf32, #tpu.memory_space<vmem_shared>>
        tpu.enqueue_dma source(%arg6 : memref<128xf32, #tpu.memory_space<vmem>>) target(%dma_start3A_159 : memref<128xf32, #tpu.memory_space<vmem_shared>>) target_semaphore(%run_scoped3A : memref<!tpu.dma_semaphore, #tpu.memory_space<semaphore_mem>>)
        %dma_wait3A_160 = tpu.memref_slice %arg7[%add3A_107] : memref<10240xf32, #tpu.memory_space<vmem_shared>> -> memref<128xf32, #tpu.memory_space<vmem_shared>>
        %dma_wait3A_161 = tpu.memref_slice %arg7[%add3A_107] : memref<10240xf32, #tpu.memory_space<vmem_shared>> -> memref<128xf32, #tpu.memory_space<vmem_shared>>
        tpu.wait_dma2 semaphore(%run_scoped3A : memref<!tpu.dma_semaphore, #tpu.memory_space<semaphore_mem>>) src(%arg6 : memref<128xf32, #tpu.memory_space<vmem>>) dst(%dma_wait3A_161 : memref<128xf32, #tpu.memory_space<vmem_shared>>)
        tpu.yield
      }) : () -> ()
      %mul3A_108 = arith.constant 640 : i32
      %mul3A_109 = arith.muli %arg1, %mul3A_108 : i32
      %add3A_110 = arith.constant 384 : i32
      %add3A_111 = arith.addi %mul3A_109, %add3A_110 : i32
      "tpu.region"() ({
        %run_scoped3A = tpu.sem_alloc : memref<!tpu.dma_semaphore, #tpu.memory_space<semaphore_mem>>
        %dma_start3A = tpu.memref_slice %arg7[%add3A_111] : memref<10240xf32, #tpu.memory_space<vmem_shared>> -> memref<128xf32, #tpu.memory_space<vmem_shared>>
        %dma_start3A_159 = tpu.memref_slice %arg7[%add3A_111] : memref<10240xf32, #tpu.memory_space<vmem_shared>> -> memref<128xf32, #tpu.memory_space<vmem_shared>>
        tpu.enqueue_dma source(%arg6 : memref<128xf32, #tpu.memory_space<vmem>>) target(%dma_start3A_159 : memref<128xf32, #tpu.memory_space<vmem_shared>>) target_semaphore(%run_scoped3A : memref<!tpu.dma_semaphore, #tpu.memory_space<semaphore_mem>>)
        %dma_wait3A_160 = tpu.memref_slice %arg7[%add3A_111] : memref<10240xf32, #tpu.memory_space<vmem_shared>> -> memref<128xf32, #tpu.memory_space<vmem_shared>>
        %dma_wait3A_161 = tpu.memref_slice %arg7[%add3A_111] : memref<10240xf32, #tpu.memory_space<vmem_shared>> -> memref<128xf32, #tpu.memory_space<vmem_shared>>
        tpu.wait_dma2 semaphore(%run_scoped3A : memref<!tpu.dma_semaphore, #tpu.memory_space<semaphore_mem>>) src(%arg6 : memref<128xf32, #tpu.memory_space<vmem>>) dst(%dma_wait3A_161 : memref<128xf32, #tpu.memory_space<vmem_shared>>)
        tpu.yield
      }) : () -> ()
      %mul3A_112 = arith.constant 640 : i32
      %mul3A_113 = arith.muli %arg1, %mul3A_112 : i32
      %add3A_114 = arith.constant 512 : i32
      %add3A_115 = arith.addi %mul3A_113, %add3A_114 : i32
      "tpu.region"() ({
        %run_scoped3A = tpu.sem_alloc : memref<!tpu.dma_semaphore, #tpu.memory_space<semaphore_mem>>
        %dma_start3A = tpu.memref_slice %arg7[%add3A_115] : memref<10240xf32, #tpu.memory_space<vmem_shared>> -> memref<128xf32, #tpu.memory_space<vmem_shared>>
        %dma_start3A_159 = tpu.memref_slice %arg7[%add3A_115] : memref<10240xf32, #tpu.memory_space<vmem_shared>> -> memref<128xf32, #tpu.memory_space<vmem_shared>>
        tpu.enqueue_dma source(%arg6 : memref<128xf32, #tpu.memory_space<vmem>>) target(%dma_start3A_159 : memref<128xf32, #tpu.memory_space<vmem_shared>>) target_semaphore(%run_scoped3A : memref<!tpu.dma_semaphore, #tpu.memory_space<semaphore_mem>>)
        %dma_wait3A_160 = tpu.memref_slice %arg7[%add3A_115] : memref<10240xf32, #tpu.memory_space<vmem_shared>> -> memref<128xf32, #tpu.memory_space<vmem_shared>>
        %dma_wait3A_161 = tpu.memref_slice %arg7[%add3A_115] : memref<10240xf32, #tpu.memory_space<vmem_shared>> -> memref<128xf32, #tpu.memory_space<vmem_shared>>
        tpu.wait_dma2 semaphore(%run_scoped3A : memref<!tpu.dma_semaphore, #tpu.memory_space<semaphore_mem>>) src(%arg6 : memref<128xf32, #tpu.memory_space<vmem>>) dst(%dma_wait3A_161 : memref<128xf32, #tpu.memory_space<vmem_shared>>)
        tpu.yield
      }) : () -> ()
      %barrier3A = arith.constant 0 : index
      tpu.barrier barrier_id(%barrier3A)
      %scan3A = arith.constant 0 : i32
      %scan3A_116 = arith.constant 0 : i32
      %scan3A_117 = arith.constant 32 : i32
      %scan3A_118 = arith.addi %scan3A_116, %scan3A_117 : i32
      %scan3A_119 = arith.constant 1 : i32
      scf.for %scan3A_159 = %scan3A_116 to %scan3A_118 step %scan3A_119  : i32 {
        %mul3A_160 = arith.constant 5 : i32
        %mul3A_161 = arith.muli %scan3A_159, %mul3A_160 : i32
        %add3A_162 = arith.constant 0 : i32
        %add3A_163 = arith.addi %mul3A_161, %add3A_162 : i32
        %gt3A = arith.constant 0 : i32
        %gt3A_164 = arith.cmpi sgt, %scan3A_159, %gt3A : i32
        %convert_element_type3A_165 = arith.extui %gt3A_164 : i1 to i32
        %cond3A_166 = arith.constant 0 : i32
        %cond3A_167 = arith.cmpi ne, %convert_element_type3A_165, %cond3A_166 : i32
        scf.if %cond3A_167 {
          %sub3A = arith.constant 5 : i32
          %sub3A_243 = arith.subi %add3A_163, %sub3A : i32
          %mul3A_244 = arith.constant 128 : i32
          %mul3A_245 = arith.muli %sub3A_243, %mul3A_244 : i32
          %multiple_of3A_246 = tpu.assume_multiple %mul3A_245, 128 : i32
          %dma_wait3A_247 = arith.constant 0 : i32
          %dma_wait3A_248 = tpu.memref_slice %arg5[%dma_wait3A_247] : memref<128xf32, #tpu.memory_space<vmem>> -> memref<128xf32, #tpu.memory_space<vmem>>
          %dma_wait3A_249 = tpu.memref_slice %arg4[%multiple_of3A_246] : memref<20480xi32, #tpu.memory_space<vmem>> -> memref<128xi32, #tpu.memory_space<vmem>>
          %dma_wait3A_250 = arith.constant 0 : i32
          %dma_wait3A_251 = tpu.memref_slice %arg7[%dma_wait3A_250] : memref<10240xf32, #tpu.memory_space<vmem_shared>> -> memref<10240xf32, #tpu.memory_space<vmem_shared>>
          tpu.wait_indirect_dma semaphore(%arg8 : memref<!tpu.dma_semaphore, #tpu.memory_space<semaphore_mem>>) src(%dma_wait3A_248 : memref<128xf32, #tpu.memory_space<vmem>>) dst(%dma_wait3A_251 : memref<10240xf32, #tpu.memory_space<vmem_shared>>)
        } else {
        }
        %mul3A_168 = arith.constant 128 : i32
        %mul3A_169 = arith.muli %add3A_163, %mul3A_168 : i32
        %multiple_of3A_170 = tpu.assume_multiple %mul3A_169, 128 : i32
        %dma_start3A = arith.constant 0 : i32
        %dma_start3A_171 = tpu.memref_slice %arg5[%dma_start3A] : memref<128xf32, #tpu.memory_space<vmem>> -> memref<128xf32, #tpu.memory_space<vmem>>
        %dma_start3A_172 = tpu.memref_slice %arg4[%multiple_of3A_170] : memref<20480xi32, #tpu.memory_space<vmem>> -> memref<128xi32, #tpu.memory_space<vmem>>
        %dma_start3A_173 = arith.constant 0 : i32
        %dma_start3A_174 = tpu.memref_slice %arg7[%dma_start3A_173] : memref<10240xf32, #tpu.memory_space<vmem_shared>> -> memref<10240xf32, #tpu.memory_space<vmem_shared>>
        tpu.enqueue_indirect_dma source(%dma_start3A_171 : memref<128xf32, #tpu.memory_space<vmem>>) target(%dma_start3A_174 : memref<10240xf32, #tpu.memory_space<vmem_shared>>) offsets(%dma_start3A_172 : memref<128xi32, #tpu.memory_space<vmem>>) semaphore(%arg8 : memref<!tpu.dma_semaphore, #tpu.memory_space<semaphore_mem>>) {add = true}
        %mul3A_175 = arith.constant 5 : i32
        %mul3A_176 = arith.muli %scan3A_159, %mul3A_175 : i32
        %add3A_177 = arith.constant 1 : i32
        %add3A_178 = arith.addi %mul3A_176, %add3A_177 : i32
        %gt3A_179 = arith.constant 0 : i32
        %gt3A_180 = arith.cmpi sgt, %scan3A_159, %gt3A_179 : i32
        %convert_element_type3A_181 = arith.extui %gt3A_180 : i1 to i32
        %cond3A_182 = arith.constant 0 : i32
        %cond3A_183 = arith.cmpi ne, %convert_element_type3A_181, %cond3A_182 : i32
        scf.if %cond3A_183 {
          %sub3A = arith.constant 5 : i32
          %sub3A_243 = arith.subi %add3A_178, %sub3A : i32
          %mul3A_244 = arith.constant 128 : i32
          %mul3A_245 = arith.muli %sub3A_243, %mul3A_244 : i32
          %multiple_of3A_246 = tpu.assume_multiple %mul3A_245, 128 : i32
          %dma_wait3A_247 = arith.constant 0 : i32
          %dma_wait3A_248 = tpu.memref_slice %arg5[%dma_wait3A_247] : memref<128xf32, #tpu.memory_space<vmem>> -> memref<128xf32, #tpu.memory_space<vmem>>
          %dma_wait3A_249 = tpu.memref_slice %arg4[%multiple_of3A_246] : memref<20480xi32, #tpu.memory_space<vmem>> -> memref<128xi32, #tpu.memory_space<vmem>>
          %dma_wait3A_250 = arith.constant 0 : i32
          %dma_wait3A_251 = tpu.memref_slice %arg7[%dma_wait3A_250] : memref<10240xf32, #tpu.memory_space<vmem_shared>> -> memref<10240xf32, #tpu.memory_space<vmem_shared>>
          tpu.wait_indirect_dma semaphore(%arg9 : memref<!tpu.dma_semaphore, #tpu.memory_space<semaphore_mem>>) src(%dma_wait3A_248 : memref<128xf32, #tpu.memory_space<vmem>>) dst(%dma_wait3A_251 : memref<10240xf32, #tpu.memory_space<vmem_shared>>)
        } else {
        }
        %mul3A_184 = arith.constant 128 : i32
        %mul3A_185 = arith.muli %add3A_178, %mul3A_184 : i32
        %multiple_of3A_186 = tpu.assume_multiple %mul3A_185, 128 : i32
        %dma_start3A_187 = arith.constant 0 : i32
        %dma_start3A_188 = tpu.memref_slice %arg5[%dma_start3A_187] : memref<128xf32, #tpu.memory_space<vmem>> -> memref<128xf32, #tpu.memory_space<vmem>>
        %dma_start3A_189 = tpu.memref_slice %arg4[%multiple_of3A_186] : memref<20480xi32, #tpu.memory_space<vmem>> -> memref<128xi32, #tpu.memory_space<vmem>>
        %dma_start3A_190 = arith.constant 0 : i32
        %dma_start3A_191 = tpu.memref_slice %arg7[%dma_start3A_190] : memref<10240xf32, #tpu.memory_space<vmem_shared>> -> memref<10240xf32, #tpu.memory_space<vmem_shared>>
        tpu.enqueue_indirect_dma source(%dma_start3A_188 : memref<128xf32, #tpu.memory_space<vmem>>) target(%dma_start3A_191 : memref<10240xf32, #tpu.memory_space<vmem_shared>>) offsets(%dma_start3A_189 : memref<128xi32, #tpu.memory_space<vmem>>) semaphore(%arg9 : memref<!tpu.dma_semaphore, #tpu.memory_space<semaphore_mem>>) {add = true}
        %mul3A_192 = arith.constant 5 : i32
        %mul3A_193 = arith.muli %scan3A_159, %mul3A_192 : i32
        %add3A_194 = arith.constant 2 : i32
        %add3A_195 = arith.addi %mul3A_193, %add3A_194 : i32
        %gt3A_196 = arith.constant 0 : i32
        %gt3A_197 = arith.cmpi sgt, %scan3A_159, %gt3A_196 : i32
        %convert_element_type3A_198 = arith.extui %gt3A_197 : i1 to i32
        %cond3A_199 = arith.constant 0 : i32
        %cond3A_200 = arith.cmpi ne, %convert_element_type3A_198, %cond3A_199 : i32
        scf.if %cond3A_200 {
          %sub3A = arith.constant 5 : i32
          %sub3A_243 = arith.subi %add3A_195, %sub3A : i32
          %mul3A_244 = arith.constant 128 : i32
          %mul3A_245 = arith.muli %sub3A_243, %mul3A_244 : i32
          %multiple_of3A_246 = tpu.assume_multiple %mul3A_245, 128 : i32
          %dma_wait3A_247 = arith.constant 0 : i32
          %dma_wait3A_248 = tpu.memref_slice %arg5[%dma_wait3A_247] : memref<128xf32, #tpu.memory_space<vmem>> -> memref<128xf32, #tpu.memory_space<vmem>>
          %dma_wait3A_249 = tpu.memref_slice %arg4[%multiple_of3A_246] : memref<20480xi32, #tpu.memory_space<vmem>> -> memref<128xi32, #tpu.memory_space<vmem>>
          %dma_wait3A_250 = arith.constant 0 : i32
          %dma_wait3A_251 = tpu.memref_slice %arg7[%dma_wait3A_250] : memref<10240xf32, #tpu.memory_space<vmem_shared>> -> memref<10240xf32, #tpu.memory_space<vmem_shared>>
          tpu.wait_indirect_dma semaphore(%arg10 : memref<!tpu.dma_semaphore, #tpu.memory_space<semaphore_mem>>) src(%dma_wait3A_248 : memref<128xf32, #tpu.memory_space<vmem>>) dst(%dma_wait3A_251 : memref<10240xf32, #tpu.memory_space<vmem_shared>>)
        } else {
        }
        %mul3A_201 = arith.constant 128 : i32
        %mul3A_202 = arith.muli %add3A_195, %mul3A_201 : i32
        %multiple_of3A_203 = tpu.assume_multiple %mul3A_202, 128 : i32
        %dma_start3A_204 = arith.constant 0 : i32
        %dma_start3A_205 = tpu.memref_slice %arg5[%dma_start3A_204] : memref<128xf32, #tpu.memory_space<vmem>> -> memref<128xf32, #tpu.memory_space<vmem>>
        %dma_start3A_206 = tpu.memref_slice %arg4[%multiple_of3A_203] : memref<20480xi32, #tpu.memory_space<vmem>> -> memref<128xi32, #tpu.memory_space<vmem>>
        %dma_start3A_207 = arith.constant 0 : i32
        %dma_start3A_208 = tpu.memref_slice %arg7[%dma_start3A_207] : memref<10240xf32, #tpu.memory_space<vmem_shared>> -> memref<10240xf32, #tpu.memory_space<vmem_shared>>
        tpu.enqueue_indirect_dma source(%dma_start3A_205 : memref<128xf32, #tpu.memory_space<vmem>>) target(%dma_start3A_208 : memref<10240xf32, #tpu.memory_space<vmem_shared>>) offsets(%dma_start3A_206 : memref<128xi32, #tpu.memory_space<vmem>>) semaphore(%arg10 : memref<!tpu.dma_semaphore, #tpu.memory_space<semaphore_mem>>) {add = true}
        %mul3A_209 = arith.constant 5 : i32
        %mul3A_210 = arith.muli %scan3A_159, %mul3A_209 : i32
        %add3A_211 = arith.constant 3 : i32
        %add3A_212 = arith.addi %mul3A_210, %add3A_211 : i32
        %gt3A_213 = arith.constant 0 : i32
        %gt3A_214 = arith.cmpi sgt, %scan3A_159, %gt3A_213 : i32
        %convert_element_type3A_215 = arith.extui %gt3A_214 : i1 to i32
        %cond3A_216 = arith.constant 0 : i32
        %cond3A_217 = arith.cmpi ne, %convert_element_type3A_215, %cond3A_216 : i32
        scf.if %cond3A_217 {
          %sub3A = arith.constant 5 : i32
          %sub3A_243 = arith.subi %add3A_212, %sub3A : i32
          %mul3A_244 = arith.constant 128 : i32
          %mul3A_245 = arith.muli %sub3A_243, %mul3A_244 : i32
          %multiple_of3A_246 = tpu.assume_multiple %mul3A_245, 128 : i32
          %dma_wait3A_247 = arith.constant 0 : i32
          %dma_wait3A_248 = tpu.memref_slice %arg5[%dma_wait3A_247] : memref<128xf32, #tpu.memory_space<vmem>> -> memref<128xf32, #tpu.memory_space<vmem>>
          %dma_wait3A_249 = tpu.memref_slice %arg4[%multiple_of3A_246] : memref<20480xi32, #tpu.memory_space<vmem>> -> memref<128xi32, #tpu.memory_space<vmem>>
          %dma_wait3A_250 = arith.constant 0 : i32
          %dma_wait3A_251 = tpu.memref_slice %arg7[%dma_wait3A_250] : memref<10240xf32, #tpu.memory_space<vmem_shared>> -> memref<10240xf32, #tpu.memory_space<vmem_shared>>
          tpu.wait_indirect_dma semaphore(%arg11 : memref<!tpu.dma_semaphore, #tpu.memory_space<semaphore_mem>>) src(%dma_wait3A_248 : memref<128xf32, #tpu.memory_space<vmem>>) dst(%dma_wait3A_251 : memref<10240xf32, #tpu.memory_space<vmem_shared>>)
        } else {
        }
        %mul3A_218 = arith.constant 128 : i32
        %mul3A_219 = arith.muli %add3A_212, %mul3A_218 : i32
        %multiple_of3A_220 = tpu.assume_multiple %mul3A_219, 128 : i32
        %dma_start3A_221 = arith.constant 0 : i32
        %dma_start3A_222 = tpu.memref_slice %arg5[%dma_start3A_221] : memref<128xf32, #tpu.memory_space<vmem>> -> memref<128xf32, #tpu.memory_space<vmem>>
        %dma_start3A_223 = tpu.memref_slice %arg4[%multiple_of3A_220] : memref<20480xi32, #tpu.memory_space<vmem>> -> memref<128xi32, #tpu.memory_space<vmem>>
        %dma_start3A_224 = arith.constant 0 : i32
        %dma_start3A_225 = tpu.memref_slice %arg7[%dma_start3A_224] : memref<10240xf32, #tpu.memory_space<vmem_shared>> -> memref<10240xf32, #tpu.memory_space<vmem_shared>>
        tpu.enqueue_indirect_dma source(%dma_start3A_222 : memref<128xf32, #tpu.memory_space<vmem>>) target(%dma_start3A_225 : memref<10240xf32, #tpu.memory_space<vmem_shared>>) offsets(%dma_start3A_223 : memref<128xi32, #tpu.memory_space<vmem>>) semaphore(%arg11 : memref<!tpu.dma_semaphore, #tpu.memory_space<semaphore_mem>>) {add = true}
        %mul3A_226 = arith.constant 5 : i32
        %mul3A_227 = arith.muli %scan3A_159, %mul3A_226 : i32
        %add3A_228 = arith.constant 4 : i32
        %add3A_229 = arith.addi %mul3A_227, %add3A_228 : i32
        %gt3A_230 = arith.constant 0 : i32
        %gt3A_231 = arith.cmpi sgt, %scan3A_159, %gt3A_230 : i32
        %convert_element_type3A_232 = arith.extui %gt3A_231 : i1 to i32
        %cond3A_233 = arith.constant 0 : i32
        %cond3A_234 = arith.cmpi ne, %convert_element_type3A_232, %cond3A_233 : i32
        scf.if %cond3A_234 {
          %sub3A = arith.constant 5 : i32
          %sub3A_243 = arith.subi %add3A_229, %sub3A : i32
          %mul3A_244 = arith.constant 128 : i32
          %mul3A_245 = arith.muli %sub3A_243, %mul3A_244 : i32
          %multiple_of3A_246 = tpu.assume_multiple %mul3A_245, 128 : i32
          %dma_wait3A_247 = arith.constant 0 : i32
          %dma_wait3A_248 = tpu.memref_slice %arg5[%dma_wait3A_247] : memref<128xf32, #tpu.memory_space<vmem>> -> memref<128xf32, #tpu.memory_space<vmem>>
          %dma_wait3A_249 = tpu.memref_slice %arg4[%multiple_of3A_246] : memref<20480xi32, #tpu.memory_space<vmem>> -> memref<128xi32, #tpu.memory_space<vmem>>
          %dma_wait3A_250 = arith.constant 0 : i32
          %dma_wait3A_251 = tpu.memref_slice %arg7[%dma_wait3A_250] : memref<10240xf32, #tpu.memory_space<vmem_shared>> -> memref<10240xf32, #tpu.memory_space<vmem_shared>>
          tpu.wait_indirect_dma semaphore(%arg12 : memref<!tpu.dma_semaphore, #tpu.memory_space<semaphore_mem>>) src(%dma_wait3A_248 : memref<128xf32, #tpu.memory_space<vmem>>) dst(%dma_wait3A_251 : memref<10240xf32, #tpu.memory_space<vmem_shared>>)
        } else {
        }
        %mul3A_235 = arith.constant 128 : i32
        %mul3A_236 = arith.muli %add3A_229, %mul3A_235 : i32
        %multiple_of3A_237 = tpu.assume_multiple %mul3A_236, 128 : i32
        %dma_start3A_238 = arith.constant 0 : i32
        %dma_start3A_239 = tpu.memref_slice %arg5[%dma_start3A_238] : memref<128xf32, #tpu.memory_space<vmem>> -> memref<128xf32, #tpu.memory_space<vmem>>
        %dma_start3A_240 = tpu.memref_slice %arg4[%multiple_of3A_237] : memref<20480xi32, #tpu.memory_space<vmem>> -> memref<128xi32, #tpu.memory_space<vmem>>
        %dma_start3A_241 = arith.constant 0 : i32
        %dma_start3A_242 = tpu.memref_slice %arg7[%dma_start3A_241] : memref<10240xf32, #tpu.memory_space<vmem_shared>> -> memref<10240xf32, #tpu.memory_space<vmem_shared>>
        tpu.enqueue_indirect_dma source(%dma_start3A_239 : memref<128xf32, #tpu.memory_space<vmem>>) target(%dma_start3A_242 : memref<10240xf32, #tpu.memory_space<vmem_shared>>) offsets(%dma_start3A_240 : memref<128xi32, #tpu.memory_space<vmem>>) semaphore(%arg12 : memref<!tpu.dma_semaphore, #tpu.memory_space<semaphore_mem>>) {add = true}
      }
      %scan3A_120 = arith.constant 32 : i32
      %multiple_of3A = arith.constant 19840 : i32
      %multiple_of3A_121 = tpu.assume_multiple %multiple_of3A, 128 : i32
      %dma_wait3A = arith.constant 0 : i32
      %dma_wait3A_122 = tpu.memref_slice %arg5[%dma_wait3A] : memref<128xf32, #tpu.memory_space<vmem>> -> memref<128xf32, #tpu.memory_space<vmem>>
      %dma_wait3A_123 = tpu.memref_slice %arg4[%multiple_of3A_121] : memref<20480xi32, #tpu.memory_space<vmem>> -> memref<128xi32, #tpu.memory_space<vmem>>
      %dma_wait3A_124 = arith.constant 0 : i32
      %dma_wait3A_125 = tpu.memref_slice %arg7[%dma_wait3A_124] : memref<10240xf32, #tpu.memory_space<vmem_shared>> -> memref<10240xf32, #tpu.memory_space<vmem_shared>>
      tpu.wait_indirect_dma semaphore(%arg8 : memref<!tpu.dma_semaphore, #tpu.memory_space<semaphore_mem>>) src(%dma_wait3A_122 : memref<128xf32, #tpu.memory_space<vmem>>) dst(%dma_wait3A_125 : memref<10240xf32, #tpu.memory_space<vmem_shared>>)
      %multiple_of3A_126 = arith.constant 19968 : i32
      %multiple_of3A_127 = tpu.assume_multiple %multiple_of3A_126, 128 : i32
      %dma_wait3A_128 = arith.constant 0 : i32
      %dma_wait3A_129 = tpu.memref_slice %arg5[%dma_wait3A_128] : memref<128xf32, #tpu.memory_space<vmem>> -> memref<128xf32, #tpu.memory_space<vmem>>
      %dma_wait3A_130 = tpu.memref_slice %arg4[%multiple_of3A_127] : memref<20480xi32, #tpu.memory_space<vmem>> -> memref<128xi32, #tpu.memory_space<vmem>>
      %dma_wait3A_131 = arith.constant 0 : i32
      %dma_wait3A_132 = tpu.memref_slice %arg7[%dma_wait3A_131] : memref<10240xf32, #tpu.memory_space<vmem_shared>> -> memref<10240xf32, #tpu.memory_space<vmem_shared>>
      tpu.wait_indirect_dma semaphore(%arg9 : memref<!tpu.dma_semaphore, #tpu.memory_space<semaphore_mem>>) src(%dma_wait3A_129 : memref<128xf32, #tpu.memory_space<vmem>>) dst(%dma_wait3A_132 : memref<10240xf32, #tpu.memory_space<vmem_shared>>)
      %multiple_of3A_133 = arith.constant 20096 : i32
      %multiple_of3A_134 = tpu.assume_multiple %multiple_of3A_133, 128 : i32
      %dma_wait3A_135 = arith.constant 0 : i32
      %dma_wait3A_136 = tpu.memref_slice %arg5[%dma_wait3A_135] : memref<128xf32, #tpu.memory_space<vmem>> -> memref<128xf32, #tpu.memory_space<vmem>>
      %dma_wait3A_137 = tpu.memref_slice %arg4[%multiple_of3A_134] : memref<20480xi32, #tpu.memory_space<vmem>> -> memref<128xi32, #tpu.memory_space<vmem>>
      %dma_wait3A_138 = arith.constant 0 : i32
      %dma_wait3A_139 = tpu.memref_slice %arg7[%dma_wait3A_138] : memref<10240xf32, #tpu.memory_space<vmem_shared>> -> memref<10240xf32, #tpu.memory_space<vmem_shared>>
      tpu.wait_indirect_dma semaphore(%arg10 : memref<!tpu.dma_semaphore, #tpu.memory_space<semaphore_mem>>) src(%dma_wait3A_136 : memref<128xf32, #tpu.memory_space<vmem>>) dst(%dma_wait3A_139 : memref<10240xf32, #tpu.memory_space<vmem_shared>>)
      %multiple_of3A_140 = arith.constant 20224 : i32
      %multiple_of3A_141 = tpu.assume_multiple %multiple_of3A_140, 128 : i32
      %dma_wait3A_142 = arith.constant 0 : i32
      %dma_wait3A_143 = tpu.memref_slice %arg5[%dma_wait3A_142] : memref<128xf32, #tpu.memory_space<vmem>> -> memref<128xf32, #tpu.memory_space<vmem>>
      %dma_wait3A_144 = tpu.memref_slice %arg4[%multiple_of3A_141] : memref<20480xi32, #tpu.memory_space<vmem>> -> memref<128xi32, #tpu.memory_space<vmem>>
      %dma_wait3A_145 = arith.constant 0 : i32
      %dma_wait3A_146 = tpu.memref_slice %arg7[%dma_wait3A_145] : memref<10240xf32, #tpu.memory_space<vmem_shared>> -> memref<10240xf32, #tpu.memory_space<vmem_shared>>
      tpu.wait_indirect_dma semaphore(%arg11 : memref<!tpu.dma_semaphore, #tpu.memory_space<semaphore_mem>>) src(%dma_wait3A_143 : memref<128xf32, #tpu.memory_space<vmem>>) dst(%dma_wait3A_146 : memref<10240xf32, #tpu.memory_space<vmem_shared>>)
      %multiple_of3A_147 = arith.constant 20352 : i32
      %multiple_of3A_148 = tpu.assume_multiple %multiple_of3A_147, 128 : i32
      %dma_wait3A_149 = arith.constant 0 : i32
      %dma_wait3A_150 = tpu.memref_slice %arg5[%dma_wait3A_149] : memref<128xf32, #tpu.memory_space<vmem>> -> memref<128xf32, #tpu.memory_space<vmem>>
      %dma_wait3A_151 = tpu.memref_slice %arg4[%multiple_of3A_148] : memref<20480xi32, #tpu.memory_space<vmem>> -> memref<128xi32, #tpu.memory_space<vmem>>
      %dma_wait3A_152 = arith.constant 0 : i32
      %dma_wait3A_153 = tpu.memref_slice %arg7[%dma_wait3A_152] : memref<10240xf32, #tpu.memory_space<vmem_shared>> -> memref<10240xf32, #tpu.memory_space<vmem_shared>>
      tpu.wait_indirect_dma semaphore(%arg12 : memref<!tpu.dma_semaphore, #tpu.memory_space<semaphore_mem>>) src(%dma_wait3A_150 : memref<128xf32, #tpu.memory_space<vmem>>) dst(%dma_wait3A_153 : memref<10240xf32, #tpu.memory_space<vmem_shared>>)
      %barrier3A_154 = arith.constant 0 : index
      tpu.barrier barrier_id(%barrier3A_154)
      %mul3A_155 = arith.constant 640 : i32
      %mul3A_156 = arith.muli %arg1, %mul3A_155 : i32
      %mul3A_157 = arith.constant 640 : i32
      %mul3A_158 = arith.muli %arg1, %mul3A_157 : i32
      "tpu.region"() ({
        %run_scoped3A = tpu.sem_alloc : memref<!tpu.dma_semaphore, #tpu.memory_space<semaphore_mem>>
        %dma_start3A = tpu.memref_slice %arg3[%mul3A_158] : memref<10240xf32, #tpu.memory_space<hbm>> -> memref<640xf32, #tpu.memory_space<hbm>>
        %dma_start3A_159 = tpu.memref_slice %arg7[%mul3A_156] : memref<10240xf32, #tpu.memory_space<vmem_shared>> -> memref<640xf32, #tpu.memory_space<vmem_shared>>
        tpu.enqueue_dma source(%dma_start3A_159 : memref<640xf32, #tpu.memory_space<vmem_shared>>) target(%dma_start3A : memref<640xf32, #tpu.memory_space<hbm>>) target_semaphore(%run_scoped3A : memref<!tpu.dma_semaphore, #tpu.memory_space<semaphore_mem>>)
        %dma_wait3A_160 = tpu.memref_slice %arg3[%mul3A_158] : memref<10240xf32, #tpu.memory_space<hbm>> -> memref<640xf32, #tpu.memory_space<hbm>>
        %dma_wait3A_161 = tpu.memref_slice %arg7[%mul3A_156] : memref<10240xf32, #tpu.memory_space<vmem_shared>> -> memref<640xf32, #tpu.memory_space<vmem_shared>>
        tpu.wait_dma2 semaphore(%run_scoped3A : memref<!tpu.dma_semaphore, #tpu.memory_space<semaphore_mem>>) src(%dma_wait3A_161 : memref<640xf32, #tpu.memory_space<vmem_shared>>) dst(%dma_wait3A_160 : memref<640xf32, #tpu.memory_space<hbm>>)
        tpu.yield
      }) : () -> ()
    } else {
    }
    return
  }
}

#map = affine_map<(d0, d1) -> (0, 0)>
#map1 = affine_map<(d0, d1) -> (0)>
module attributes {stable_mosaic.version = 14 : i64} {
  func.func @k(%arg0: i32, %arg1: i32, %arg2: memref<10240x32xf32, #tpu.memory_space<hbm>>, %arg3: memref<10240x32xf32, #tpu.memory_space<hbm>>, %arg4: memref<327680xi32, #tpu.memory_space<hbm>>, %arg5: memref<327680xi32, #tpu.memory_space<hbm>>, %arg6: memref<10240x32xf32, #tpu.memory_space<hbm>>, %arg7: memref<10240x32xf32, #tpu.memory_space<hbm>>, %arg8: memref<20480xi32, #tpu.memory_space<vmem>>, %arg9: memref<20480xi32, #tpu.memory_space<vmem>>, %arg10: memref<128x32xf32, #tpu.memory_space<vmem>>, %arg11: memref<128x32xf32, #tpu.memory_space<vmem>>, %arg12: memref<128x32xf32, #tpu.memory_space<vmem>>, %arg13: memref<128x32xf32, #tpu.memory_space<vmem>>, %arg14: memref<128x32xf32, #tpu.memory_space<vmem>>, %arg15: memref<10240x32xf32, #tpu.memory_space<vmem_shared>>, %arg16: memref<!tpu.dma_semaphore, #tpu.memory_space<semaphore_mem>>, %arg17: memref<!tpu.dma_semaphore, #tpu.memory_space<semaphore_mem>>, %arg18: memref<!tpu.dma_semaphore, #tpu.memory_space<semaphore_mem>>, %arg19: memref<!tpu.dma_semaphore, #tpu.memory_space<semaphore_mem>>, %arg20: memref<!tpu.dma_semaphore, #tpu.memory_space<semaphore_mem>>, %arg21: memref<!tpu.dma_semaphore, #tpu.memory_space<semaphore_mem>>, %arg22: memref<!tpu.dma_semaphore, #tpu.memory_space<semaphore_mem>>, %arg23: memref<!tpu.dma_semaphore, #tpu.memory_space<semaphore_mem>>, %arg24: memref<!tpu.dma_semaphore, #tpu.memory_space<semaphore_mem>>, %arg25: memref<!tpu.dma_semaphore, #tpu.memory_space<semaphore_mem>>) attributes {dimension_semantics = [#tpu.dimension_semantics<core_parallel>, #tpu.dimension_semantics<subcore_parallel>], iteration_bounds = array<i64: 2, 16>, scalar_prefetch = 0 : i64, scratch_operands = 18 : i64, tpu.core_type = #tpu.core_type<sc_vector_subcore>, window_params = [{transform_indices = #map}, {transform_indices = #map}, {transform_indices = #map1}, {transform_indices = #map1}, {transform_indices = #map}, {transform_indices = #map}]} {
    %mul3A = arith.constant 640 : i32
    %mul3A_0 = arith.muli %arg1, %mul3A : i32
    %mul3A_1 = arith.constant 20480 : i32
    %mul3A_2 = arith.muli %arg1, %mul3A_1 : i32
    "tpu.region"() ({
      %run_scoped3A = tpu.sem_alloc : memref<!tpu.dma_semaphore, #tpu.memory_space<semaphore_mem>>
      %dma_start3A = tpu.memref_slice %arg4[%mul3A_2] : memref<327680xi32, #tpu.memory_space<hbm>> -> memref<20480xi32, #tpu.memory_space<hbm>>
      %dma_start3A_12 = tpu.memref_slice %arg4[%mul3A_2] : memref<327680xi32, #tpu.memory_space<hbm>> -> memref<20480xi32, #tpu.memory_space<hbm>>
      tpu.enqueue_dma source(%dma_start3A_12 : memref<20480xi32, #tpu.memory_space<hbm>>) target(%arg8 : memref<20480xi32, #tpu.memory_space<vmem>>) target_semaphore(%run_scoped3A : memref<!tpu.dma_semaphore, #tpu.memory_space<semaphore_mem>>)
      %dma_wait3A = tpu.memref_slice %arg4[%mul3A_2] : memref<327680xi32, #tpu.memory_space<hbm>> -> memref<20480xi32, #tpu.memory_space<hbm>>
      %dma_wait3A_13 = tpu.memref_slice %arg4[%mul3A_2] : memref<327680xi32, #tpu.memory_space<hbm>> -> memref<20480xi32, #tpu.memory_space<hbm>>
      tpu.wait_dma2 semaphore(%run_scoped3A : memref<!tpu.dma_semaphore, #tpu.memory_space<semaphore_mem>>) src(%dma_wait3A_13 : memref<20480xi32, #tpu.memory_space<hbm>>) dst(%arg8 : memref<20480xi32, #tpu.memory_space<vmem>>)
      tpu.yield
    }) : () -> ()
    %mul3A_3 = arith.constant 20480 : i32
    %mul3A_4 = arith.muli %arg1, %mul3A_3 : i32
    "tpu.region"() ({
      %run_scoped3A = tpu.sem_alloc : memref<!tpu.dma_semaphore, #tpu.memory_space<semaphore_mem>>
      %dma_start3A = tpu.memref_slice %arg5[%mul3A_4] : memref<327680xi32, #tpu.memory_space<hbm>> -> memref<20480xi32, #tpu.memory_space<hbm>>
      %dma_start3A_12 = tpu.memref_slice %arg5[%mul3A_4] : memref<327680xi32, #tpu.memory_space<hbm>> -> memref<20480xi32, #tpu.memory_space<hbm>>
      tpu.enqueue_dma source(%dma_start3A_12 : memref<20480xi32, #tpu.memory_space<hbm>>) target(%arg9 : memref<20480xi32, #tpu.memory_space<vmem>>) target_semaphore(%run_scoped3A : memref<!tpu.dma_semaphore, #tpu.memory_space<semaphore_mem>>)
      %dma_wait3A = tpu.memref_slice %arg5[%mul3A_4] : memref<327680xi32, #tpu.memory_space<hbm>> -> memref<20480xi32, #tpu.memory_space<hbm>>
      %dma_wait3A_13 = tpu.memref_slice %arg5[%mul3A_4] : memref<327680xi32, #tpu.memory_space<hbm>> -> memref<20480xi32, #tpu.memory_space<hbm>>
      tpu.wait_dma2 semaphore(%run_scoped3A : memref<!tpu.dma_semaphore, #tpu.memory_space<semaphore_mem>>) src(%dma_wait3A_13 : memref<20480xi32, #tpu.memory_space<hbm>>) dst(%arg9 : memref<20480xi32, #tpu.memory_space<vmem>>)
      tpu.yield
    }) : () -> ()
    %eq3A = arith.constant 0 : i32
    %eq3A_5 = arith.cmpi eq, %arg0, %eq3A : i32
    %convert_element_type3A = arith.extui %eq3A_5 : i1 to i32
    %cond3A = arith.constant 0 : i32
    %cond3A_6 = arith.cmpi ne, %convert_element_type3A, %cond3A : i32
    scf.if %cond3A_6 {
      "tpu.region"() ({
        %run_scoped3A = tpu.sem_alloc : memref<!tpu.dma_semaphore, #tpu.memory_space<semaphore_mem>>
        %dma_start3A_45 = arith.constant 0 : i32
        %dma_start3A_46 = tpu.memref_slice %arg15[%mul3A_0, %dma_start3A_45] : memref<10240x32xf32, #tpu.memory_space<vmem_shared>> -> memref<640x32xf32, #tpu.memory_space<vmem_shared>>
        %dma_start3A_47 = arith.constant 0 : i32
        %dma_start3A_48 = tpu.memref_slice %arg2[%mul3A_0, %dma_start3A_47] : memref<10240x32xf32, #tpu.memory_space<hbm>> -> memref<640x32xf32, #tpu.memory_space<hbm>>
        tpu.enqueue_dma source(%dma_start3A_48 : memref<640x32xf32, #tpu.memory_space<hbm>>) target(%dma_start3A_46 : memref<640x32xf32, #tpu.memory_space<vmem_shared>>) target_semaphore(%run_scoped3A : memref<!tpu.dma_semaphore, #tpu.memory_space<semaphore_mem>>)
        %dma_wait3A_49 = arith.constant 0 : i32
        %dma_wait3A_50 = tpu.memref_slice %arg15[%mul3A_0, %dma_wait3A_49] : memref<10240x32xf32, #tpu.memory_space<vmem_shared>> -> memref<640x32xf32, #tpu.memory_space<vmem_shared>>
        %dma_wait3A_51 = arith.constant 0 : i32
        %dma_wait3A_52 = tpu.memref_slice %arg2[%mul3A_0, %dma_wait3A_51] : memref<10240x32xf32, #tpu.memory_space<hbm>> -> memref<640x32xf32, #tpu.memory_space<hbm>>
        tpu.wait_dma2 semaphore(%run_scoped3A : memref<!tpu.dma_semaphore, #tpu.memory_space<semaphore_mem>>) src(%dma_wait3A_52 : memref<640x32xf32, #tpu.memory_space<hbm>>) dst(%dma_wait3A_50 : memref<640x32xf32, #tpu.memory_space<vmem_shared>>)
        tpu.yield
      }) : () -> ()
      %barrier3A = arith.constant 0 : index
      tpu.barrier barrier_id(%barrier3A)
      %multiple_of3A = arith.constant 0 : i32
      %multiple_of3A_12 = tpu.assume_multiple %multiple_of3A, 128 : i32
      %dma_start3A = tpu.memref_slice %arg8[%multiple_of3A_12] : memref<20480xi32, #tpu.memory_space<vmem>> -> memref<128xi32, #tpu.memory_space<vmem>>
      %dma_start3A_13 = arith.constant 0 : i32
      %dma_start3A_14 = arith.constant 0 : i32
      %dma_start3A_15 = tpu.memref_slice %arg2[%dma_start3A_13, %dma_start3A_14] : memref<10240x32xf32, #tpu.memory_space<hbm>> -> memref<10240x32xf32, #tpu.memory_space<hbm>>
      tpu.enqueue_indirect_dma source(%dma_start3A_15 : memref<10240x32xf32, #tpu.memory_space<hbm>>) target(%arg10 : memref<128x32xf32, #tpu.memory_space<vmem>>) offsets(%dma_start3A : memref<128xi32, #tpu.memory_space<vmem>>) semaphore(%arg16 : memref<!tpu.dma_semaphore, #tpu.memory_space<semaphore_mem>>)
      %multiple_of3A_16 = arith.constant 128 : i32
      %multiple_of3A_17 = tpu.assume_multiple %multiple_of3A_16, 128 : i32
      %dma_start3A_18 = tpu.memref_slice %arg8[%multiple_of3A_17] : memref<20480xi32, #tpu.memory_space<vmem>> -> memref<128xi32, #tpu.memory_space<vmem>>
      %dma_start3A_19 = arith.constant 0 : i32
      %dma_start3A_20 = arith.constant 0 : i32
      %dma_start3A_21 = tpu.memref_slice %arg2[%dma_start3A_19, %dma_start3A_20] : memref<10240x32xf32, #tpu.memory_space<hbm>> -> memref<10240x32xf32, #tpu.memory_space<hbm>>
      tpu.enqueue_indirect_dma source(%dma_start3A_21 : memref<10240x32xf32, #tpu.memory_space<hbm>>) target(%arg11 : memref<128x32xf32, #tpu.memory_space<vmem>>) offsets(%dma_start3A_18 : memref<128xi32, #tpu.memory_space<vmem>>) semaphore(%arg17 : memref<!tpu.dma_semaphore, #tpu.memory_space<semaphore_mem>>)
      %multiple_of3A_22 = arith.constant 256 : i32
      %multiple_of3A_23 = tpu.assume_multiple %multiple_of3A_22, 128 : i32
      %dma_start3A_24 = tpu.memref_slice %arg8[%multiple_of3A_23] : memref<20480xi32, #tpu.memory_space<vmem>> -> memref<128xi32, #tpu.memory_space<vmem>>
      %dma_start3A_25 = arith.constant 0 : i32
      %dma_start3A_26 = arith.constant 0 : i32
      %dma_start3A_27 = tpu.memref_slice %arg2[%dma_start3A_25, %dma_start3A_26] : memref<10240x32xf32, #tpu.memory_space<hbm>> -> memref<10240x32xf32, #tpu.memory_space<hbm>>
      tpu.enqueue_indirect_dma source(%dma_start3A_27 : memref<10240x32xf32, #tpu.memory_space<hbm>>) target(%arg12 : memref<128x32xf32, #tpu.memory_space<vmem>>) offsets(%dma_start3A_24 : memref<128xi32, #tpu.memory_space<vmem>>) semaphore(%arg18 : memref<!tpu.dma_semaphore, #tpu.memory_space<semaphore_mem>>)
      %scan3A = arith.constant 0 : i32
      %scan3A_28 = arith.constant 0 : i32
      %scan3A_29 = arith.constant 32 : i32
      %scan3A_30 = arith.addi %scan3A_28, %scan3A_29 : i32
      %scan3A_31 = arith.constant 1 : i32
      scf.for %scan3A_45 = %scan3A_28 to %scan3A_30 step %scan3A_31  : i32 {
        %mul3A_46 = arith.constant 5 : i32
        %mul3A_47 = arith.muli %scan3A_45, %mul3A_46 : i32
        %add3A = arith.constant 0 : i32
        %add3A_48 = arith.addi %mul3A_47, %add3A : i32
        %mul3A_49 = arith.constant 128 : i32
        %mul3A_50 = arith.muli %add3A_48, %mul3A_49 : i32
        %multiple_of3A_51 = tpu.assume_multiple %mul3A_50, 128 : i32
        %dma_wait3A_52 = tpu.memref_slice %arg8[%multiple_of3A_51] : memref<20480xi32, #tpu.memory_space<vmem>> -> memref<128xi32, #tpu.memory_space<vmem>>
        %dma_wait3A_53 = arith.constant 0 : i32
        %dma_wait3A_54 = arith.constant 0 : i32
        %dma_wait3A_55 = tpu.memref_slice %arg2[%dma_wait3A_53, %dma_wait3A_54] : memref<10240x32xf32, #tpu.memory_space<hbm>> -> memref<10240x32xf32, #tpu.memory_space<hbm>>
        tpu.wait_indirect_dma semaphore(%arg16 : memref<!tpu.dma_semaphore, #tpu.memory_space<semaphore_mem>>) src(%dma_wait3A_55 : memref<10240x32xf32, #tpu.memory_space<hbm>>) dst(%arg10 : memref<128x32xf32, #tpu.memory_space<vmem>>)
        %mul3A_56 = arith.constant 128 : i32
        %mul3A_57 = arith.muli %add3A_48, %mul3A_56 : i32
        %multiple_of3A_58 = tpu.assume_multiple %mul3A_57, 128 : i32
        %dma_start3A_59 = tpu.memref_slice %arg9[%multiple_of3A_58] : memref<20480xi32, #tpu.memory_space<vmem>> -> memref<128xi32, #tpu.memory_space<vmem>>
        %dma_start3A_60 = arith.constant 0 : i32
        %dma_start3A_61 = arith.constant 0 : i32
        %dma_start3A_62 = tpu.memref_slice %arg15[%dma_start3A_60, %dma_start3A_61] : memref<10240x32xf32, #tpu.memory_space<vmem_shared>> -> memref<10240x32xf32, #tpu.memory_space<vmem_shared>>
        tpu.enqueue_indirect_dma source(%arg10 : memref<128x32xf32, #tpu.memory_space<vmem>>) target(%dma_start3A_62 : memref<10240x32xf32, #tpu.memory_space<vmem_shared>>) offsets(%dma_start3A_59 : memref<128xi32, #tpu.memory_space<vmem>>) semaphore(%arg21 : memref<!tpu.dma_semaphore, #tpu.memory_space<semaphore_mem>>) {add = true}
        %add3A_63 = arith.constant 3 : i32
        %add3A_64 = arith.addi %add3A_48, %add3A_63 : i32
        %sub3A = arith.constant 5 : i32
        %sub3A_65 = arith.subi %add3A_64, %sub3A : i32
        %ge3A = arith.constant 0 : i32
        %ge3A_66 = arith.cmpi sge, %sub3A_65, %ge3A : i32
        %convert_element_type3A_67 = arith.extui %ge3A_66 : i1 to i32
        %cond3A_68 = arith.constant 0 : i32
        %cond3A_69 = arith.cmpi ne, %convert_element_type3A_67, %cond3A_68 : i32
        scf.if %cond3A_69 {
          %mul3A_204 = arith.constant 128 : i32
          %mul3A_205 = arith.muli %sub3A_65, %mul3A_204 : i32
          %multiple_of3A_206 = tpu.assume_multiple %mul3A_205, 128 : i32
          %dma_wait3A_207 = tpu.memref_slice %arg9[%multiple_of3A_206] : memref<20480xi32, #tpu.memory_space<vmem>> -> memref<128xi32, #tpu.memory_space<vmem>>
          %dma_wait3A_208 = arith.constant 0 : i32
          %dma_wait3A_209 = arith.constant 0 : i32
          %dma_wait3A_210 = tpu.memref_slice %arg15[%dma_wait3A_208, %dma_wait3A_209] : memref<10240x32xf32, #tpu.memory_space<vmem_shared>> -> memref<10240x32xf32, #tpu.memory_space<vmem_shared>>
          tpu.wait_indirect_dma semaphore(%arg24 : memref<!tpu.dma_semaphore, #tpu.memory_space<semaphore_mem>>) src(%arg13 : memref<128x32xf32, #tpu.memory_space<vmem>>) dst(%dma_wait3A_210 : memref<10240x32xf32, #tpu.memory_space<vmem_shared>>)
        } else {
        }
        %add3A_70 = arith.constant 3 : i32
        %add3A_71 = arith.addi %add3A_48, %add3A_70 : i32
        %lt3A = arith.constant 160 : i32
        %lt3A_72 = arith.cmpi slt, %add3A_71, %lt3A : i32
        %convert_element_type3A_73 = arith.extui %lt3A_72 : i1 to i32
        %cond3A_74 = arith.constant 0 : i32
        %cond3A_75 = arith.cmpi ne, %convert_element_type3A_73, %cond3A_74 : i32
        scf.if %cond3A_75 {
          %add3A_204 = arith.constant 3 : i32
          %add3A_205 = arith.addi %add3A_48, %add3A_204 : i32
          %mul3A_206 = arith.constant 128 : i32
          %mul3A_207 = arith.muli %add3A_205, %mul3A_206 : i32
          %multiple_of3A_208 = tpu.assume_multiple %mul3A_207, 128 : i32
          %dma_start3A_209 = tpu.memref_slice %arg8[%multiple_of3A_208] : memref<20480xi32, #tpu.memory_space<vmem>> -> memref<128xi32, #tpu.memory_space<vmem>>
          %dma_start3A_210 = arith.constant 0 : i32
          %dma_start3A_211 = arith.constant 0 : i32
          %dma_start3A_212 = tpu.memref_slice %arg2[%dma_start3A_210, %dma_start3A_211] : memref<10240x32xf32, #tpu.memory_space<hbm>> -> memref<10240x32xf32, #tpu.memory_space<hbm>>
          tpu.enqueue_indirect_dma source(%dma_start3A_212 : memref<10240x32xf32, #tpu.memory_space<hbm>>) target(%arg13 : memref<128x32xf32, #tpu.memory_space<vmem>>) offsets(%dma_start3A_209 : memref<128xi32, #tpu.memory_space<vmem>>) semaphore(%arg19 : memref<!tpu.dma_semaphore, #tpu.memory_space<semaphore_mem>>)
        } else {
        }
        %add3A_76 = arith.constant 1 : i32
        %add3A_77 = arith.addi %mul3A_47, %add3A_76 : i32
        %mul3A_78 = arith.constant 128 : i32
        %mul3A_79 = arith.muli %add3A_77, %mul3A_78 : i32
        %multiple_of3A_80 = tpu.assume_multiple %mul3A_79, 128 : i32
        %dma_wait3A_81 = tpu.memref_slice %arg8[%multiple_of3A_80] : memref<20480xi32, #tpu.memory_space<vmem>> -> memref<128xi32, #tpu.memory_space<vmem>>
        %dma_wait3A_82 = arith.constant 0 : i32
        %dma_wait3A_83 = arith.constant 0 : i32
        %dma_wait3A_84 = tpu.memref_slice %arg2[%dma_wait3A_82, %dma_wait3A_83] : memref<10240x32xf32, #tpu.memory_space<hbm>> -> memref<10240x32xf32, #tpu.memory_space<hbm>>
        tpu.wait_indirect_dma semaphore(%arg17 : memref<!tpu.dma_semaphore, #tpu.memory_space<semaphore_mem>>) src(%dma_wait3A_84 : memref<10240x32xf32, #tpu.memory_space<hbm>>) dst(%arg11 : memref<128x32xf32, #tpu.memory_space<vmem>>)
        %mul3A_85 = arith.constant 128 : i32
        %mul3A_86 = arith.muli %add3A_77, %mul3A_85 : i32
        %multiple_of3A_87 = tpu.assume_multiple %mul3A_86, 128 : i32
        %dma_start3A_88 = tpu.memref_slice %arg9[%multiple_of3A_87] : memref<20480xi32, #tpu.memory_space<vmem>> -> memref<128xi32, #tpu.memory_space<vmem>>
        %dma_start3A_89 = arith.constant 0 : i32
        %dma_start3A_90 = arith.constant 0 : i32
        %dma_start3A_91 = tpu.memref_slice %arg15[%dma_start3A_89, %dma_start3A_90] : memref<10240x32xf32, #tpu.memory_space<vmem_shared>> -> memref<10240x32xf32, #tpu.memory_space<vmem_shared>>
        tpu.enqueue_indirect_dma source(%arg11 : memref<128x32xf32, #tpu.memory_space<vmem>>) target(%dma_start3A_91 : memref<10240x32xf32, #tpu.memory_space<vmem_shared>>) offsets(%dma_start3A_88 : memref<128xi32, #tpu.memory_space<vmem>>) semaphore(%arg22 : memref<!tpu.dma_semaphore, #tpu.memory_space<semaphore_mem>>) {add = true}
        %add3A_92 = arith.constant 3 : i32
        %add3A_93 = arith.addi %add3A_77, %add3A_92 : i32
        %sub3A_94 = arith.constant 5 : i32
        %sub3A_95 = arith.subi %add3A_93, %sub3A_94 : i32
        %ge3A_96 = arith.constant 0 : i32
        %ge3A_97 = arith.cmpi sge, %sub3A_95, %ge3A_96 : i32
        %convert_element_type3A_98 = arith.extui %ge3A_97 : i1 to i32
        %cond3A_99 = arith.constant 0 : i32
        %cond3A_100 = arith.cmpi ne, %convert_element_type3A_98, %cond3A_99 : i32
        scf.if %cond3A_100 {
          %mul3A_204 = arith.constant 128 : i32
          %mul3A_205 = arith.muli %sub3A_95, %mul3A_204 : i32
          %multiple_of3A_206 = tpu.assume_multiple %mul3A_205, 128 : i32
          %dma_wait3A_207 = tpu.memref_slice %arg9[%multiple_of3A_206] : memref<20480xi32, #tpu.memory_space<vmem>> -> memref<128xi32, #tpu.memory_space<vmem>>
          %dma_wait3A_208 = arith.constant 0 : i32
          %dma_wait3A_209 = arith.constant 0 : i32
          %dma_wait3A_210 = tpu.memref_slice %arg15[%dma_wait3A_208, %dma_wait3A_209] : memref<10240x32xf32, #tpu.memory_space<vmem_shared>> -> memref<10240x32xf32, #tpu.memory_space<vmem_shared>>
          tpu.wait_indirect_dma semaphore(%arg25 : memref<!tpu.dma_semaphore, #tpu.memory_space<semaphore_mem>>) src(%arg14 : memref<128x32xf32, #tpu.memory_space<vmem>>) dst(%dma_wait3A_210 : memref<10240x32xf32, #tpu.memory_space<vmem_shared>>)
        } else {
        }
        %add3A_101 = arith.constant 3 : i32
        %add3A_102 = arith.addi %add3A_77, %add3A_101 : i32
        %lt3A_103 = arith.constant 160 : i32
        %lt3A_104 = arith.cmpi slt, %add3A_102, %lt3A_103 : i32
        %convert_element_type3A_105 = arith.extui %lt3A_104 : i1 to i32
        %cond3A_106 = arith.constant 0 : i32
        %cond3A_107 = arith.cmpi ne, %convert_element_type3A_105, %cond3A_106 : i32
        scf.if %cond3A_107 {
          %add3A_204 = arith.constant 3 : i32
          %add3A_205 = arith.addi %add3A_77, %add3A_204 : i32
          %mul3A_206 = arith.constant 128 : i32
          %mul3A_207 = arith.muli %add3A_205, %mul3A_206 : i32
          %multiple_of3A_208 = tpu.assume_multiple %mul3A_207, 128 : i32
          %dma_start3A_209 = tpu.memref_slice %arg8[%multiple_of3A_208] : memref<20480xi32, #tpu.memory_space<vmem>> -> memref<128xi32, #tpu.memory_space<vmem>>
          %dma_start3A_210 = arith.constant 0 : i32
          %dma_start3A_211 = arith.constant 0 : i32
          %dma_start3A_212 = tpu.memref_slice %arg2[%dma_start3A_210, %dma_start3A_211] : memref<10240x32xf32, #tpu.memory_space<hbm>> -> memref<10240x32xf32, #tpu.memory_space<hbm>>
          tpu.enqueue_indirect_dma source(%dma_start3A_212 : memref<10240x32xf32, #tpu.memory_space<hbm>>) target(%arg14 : memref<128x32xf32, #tpu.memory_space<vmem>>) offsets(%dma_start3A_209 : memref<128xi32, #tpu.memory_space<vmem>>) semaphore(%arg20 : memref<!tpu.dma_semaphore, #tpu.memory_space<semaphore_mem>>)
        } else {
        }
        %add3A_108 = arith.constant 2 : i32
        %add3A_109 = arith.addi %mul3A_47, %add3A_108 : i32
        %mul3A_110 = arith.constant 128 : i32
        %mul3A_111 = arith.muli %add3A_109, %mul3A_110 : i32
        %multiple_of3A_112 = tpu.assume_multiple %mul3A_111, 128 : i32
        %dma_wait3A_113 = tpu.memref_slice %arg8[%multiple_of3A_112] : memref<20480xi32, #tpu.memory_space<vmem>> -> memref<128xi32, #tpu.memory_space<vmem>>
        %dma_wait3A_114 = arith.constant 0 : i32
        %dma_wait3A_115 = arith.constant 0 : i32
        %dma_wait3A_116 = tpu.memref_slice %arg2[%dma_wait3A_114, %dma_wait3A_115] : memref<10240x32xf32, #tpu.memory_space<hbm>> -> memref<10240x32xf32, #tpu.memory_space<hbm>>
        tpu.wait_indirect_dma semaphore(%arg18 : memref<!tpu.dma_semaphore, #tpu.memory_space<semaphore_mem>>) src(%dma_wait3A_116 : memref<10240x32xf32, #tpu.memory_space<hbm>>) dst(%arg12 : memref<128x32xf32, #tpu.memory_space<vmem>>)
        %mul3A_117 = arith.constant 128 : i32
        %mul3A_118 = arith.muli %add3A_109, %mul3A_117 : i32
        %multiple_of3A_119 = tpu.assume_multiple %mul3A_118, 128 : i32
        %dma_start3A_120 = tpu.memref_slice %arg9[%multiple_of3A_119] : memref<20480xi32, #tpu.memory_space<vmem>> -> memref<128xi32, #tpu.memory_space<vmem>>
        %dma_start3A_121 = arith.constant 0 : i32
        %dma_start3A_122 = arith.constant 0 : i32
        %dma_start3A_123 = tpu.memref_slice %arg15[%dma_start3A_121, %dma_start3A_122] : memref<10240x32xf32, #tpu.memory_space<vmem_shared>> -> memref<10240x32xf32, #tpu.memory_space<vmem_shared>>
        tpu.enqueue_indirect_dma source(%arg12 : memref<128x32xf32, #tpu.memory_space<vmem>>) target(%dma_start3A_123 : memref<10240x32xf32, #tpu.memory_space<vmem_shared>>) offsets(%dma_start3A_120 : memref<128xi32, #tpu.memory_space<vmem>>) semaphore(%arg23 : memref<!tpu.dma_semaphore, #tpu.memory_space<semaphore_mem>>) {add = true}
        %add3A_124 = arith.constant 3 : i32
        %add3A_125 = arith.addi %add3A_109, %add3A_124 : i32
        %sub3A_126 = arith.constant 5 : i32
        %sub3A_127 = arith.subi %add3A_125, %sub3A_126 : i32
        %ge3A_128 = arith.constant 0 : i32
        %ge3A_129 = arith.cmpi sge, %sub3A_127, %ge3A_128 : i32
        %convert_element_type3A_130 = arith.extui %ge3A_129 : i1 to i32
        %cond3A_131 = arith.constant 0 : i32
        %cond3A_132 = arith.cmpi ne, %convert_element_type3A_130, %cond3A_131 : i32
        scf.if %cond3A_132 {
          %mul3A_204 = arith.constant 128 : i32
          %mul3A_205 = arith.muli %sub3A_127, %mul3A_204 : i32
          %multiple_of3A_206 = tpu.assume_multiple %mul3A_205, 128 : i32
          %dma_wait3A_207 = tpu.memref_slice %arg9[%multiple_of3A_206] : memref<20480xi32, #tpu.memory_space<vmem>> -> memref<128xi32, #tpu.memory_space<vmem>>
          %dma_wait3A_208 = arith.constant 0 : i32
          %dma_wait3A_209 = arith.constant 0 : i32
          %dma_wait3A_210 = tpu.memref_slice %arg15[%dma_wait3A_208, %dma_wait3A_209] : memref<10240x32xf32, #tpu.memory_space<vmem_shared>> -> memref<10240x32xf32, #tpu.memory_space<vmem_shared>>
          tpu.wait_indirect_dma semaphore(%arg21 : memref<!tpu.dma_semaphore, #tpu.memory_space<semaphore_mem>>) src(%arg10 : memref<128x32xf32, #tpu.memory_space<vmem>>) dst(%dma_wait3A_210 : memref<10240x32xf32, #tpu.memory_space<vmem_shared>>)
        } else {
        }
        %add3A_133 = arith.constant 3 : i32
        %add3A_134 = arith.addi %add3A_109, %add3A_133 : i32
        %lt3A_135 = arith.constant 160 : i32
        %lt3A_136 = arith.cmpi slt, %add3A_134, %lt3A_135 : i32
        %convert_element_type3A_137 = arith.extui %lt3A_136 : i1 to i32
        %cond3A_138 = arith.constant 0 : i32
        %cond3A_139 = arith.cmpi ne, %convert_element_type3A_137, %cond3A_138 : i32
        scf.if %cond3A_139 {
          %add3A_204 = arith.constant 3 : i32
          %add3A_205 = arith.addi %add3A_109, %add3A_204 : i32
          %mul3A_206 = arith.constant 128 : i32
          %mul3A_207 = arith.muli %add3A_205, %mul3A_206 : i32
          %multiple_of3A_208 = tpu.assume_multiple %mul3A_207, 128 : i32
          %dma_start3A_209 = tpu.memref_slice %arg8[%multiple_of3A_208] : memref<20480xi32, #tpu.memory_space<vmem>> -> memref<128xi32, #tpu.memory_space<vmem>>
          %dma_start3A_210 = arith.constant 0 : i32
          %dma_start3A_211 = arith.constant 0 : i32
          %dma_start3A_212 = tpu.memref_slice %arg2[%dma_start3A_210, %dma_start3A_211] : memref<10240x32xf32, #tpu.memory_space<hbm>> -> memref<10240x32xf32, #tpu.memory_space<hbm>>
          tpu.enqueue_indirect_dma source(%dma_start3A_212 : memref<10240x32xf32, #tpu.memory_space<hbm>>) target(%arg10 : memref<128x32xf32, #tpu.memory_space<vmem>>) offsets(%dma_start3A_209 : memref<128xi32, #tpu.memory_space<vmem>>) semaphore(%arg16 : memref<!tpu.dma_semaphore, #tpu.memory_space<semaphore_mem>>)
        } else {
        }
        %add3A_140 = arith.constant 3 : i32
        %add3A_141 = arith.addi %mul3A_47, %add3A_140 : i32
        %mul3A_142 = arith.constant 128 : i32
        %mul3A_143 = arith.muli %add3A_141, %mul3A_142 : i32
        %multiple_of3A_144 = tpu.assume_multiple %mul3A_143, 128 : i32
        %dma_wait3A_145 = tpu.memref_slice %arg8[%multiple_of3A_144] : memref<20480xi32, #tpu.memory_space<vmem>> -> memref<128xi32, #tpu.memory_space<vmem>>
        %dma_wait3A_146 = arith.constant 0 : i32
        %dma_wait3A_147 = arith.constant 0 : i32
        %dma_wait3A_148 = tpu.memref_slice %arg2[%dma_wait3A_146, %dma_wait3A_147] : memref<10240x32xf32, #tpu.memory_space<hbm>> -> memref<10240x32xf32, #tpu.memory_space<hbm>>
        tpu.wait_indirect_dma semaphore(%arg19 : memref<!tpu.dma_semaphore, #tpu.memory_space<semaphore_mem>>) src(%dma_wait3A_148 : memref<10240x32xf32, #tpu.memory_space<hbm>>) dst(%arg13 : memref<128x32xf32, #tpu.memory_space<vmem>>)
        %mul3A_149 = arith.constant 128 : i32
        %mul3A_150 = arith.muli %add3A_141, %mul3A_149 : i32
        %multiple_of3A_151 = tpu.assume_multiple %mul3A_150, 128 : i32
        %dma_start3A_152 = tpu.memref_slice %arg9[%multiple_of3A_151] : memref<20480xi32, #tpu.memory_space<vmem>> -> memref<128xi32, #tpu.memory_space<vmem>>
        %dma_start3A_153 = arith.constant 0 : i32
        %dma_start3A_154 = arith.constant 0 : i32
        %dma_start3A_155 = tpu.memref_slice %arg15[%dma_start3A_153, %dma_start3A_154] : memref<10240x32xf32, #tpu.memory_space<vmem_shared>> -> memref<10240x32xf32, #tpu.memory_space<vmem_shared>>
        tpu.enqueue_indirect_dma source(%arg13 : memref<128x32xf32, #tpu.memory_space<vmem>>) target(%dma_start3A_155 : memref<10240x32xf32, #tpu.memory_space<vmem_shared>>) offsets(%dma_start3A_152 : memref<128xi32, #tpu.memory_space<vmem>>) semaphore(%arg24 : memref<!tpu.dma_semaphore, #tpu.memory_space<semaphore_mem>>) {add = true}
        %add3A_156 = arith.constant 3 : i32
        %add3A_157 = arith.addi %add3A_141, %add3A_156 : i32
        %sub3A_158 = arith.constant 5 : i32
        %sub3A_159 = arith.subi %add3A_157, %sub3A_158 : i32
        %ge3A_160 = arith.constant 0 : i32
        %ge3A_161 = arith.cmpi sge, %sub3A_159, %ge3A_160 : i32
        %convert_element_type3A_162 = arith.extui %ge3A_161 : i1 to i32
        %cond3A_163 = arith.constant 0 : i32
        %cond3A_164 = arith.cmpi ne, %convert_element_type3A_162, %cond3A_163 : i32
        scf.if %cond3A_164 {
          %mul3A_204 = arith.constant 128 : i32
          %mul3A_205 = arith.muli %sub3A_159, %mul3A_204 : i32
          %multiple_of3A_206 = tpu.assume_multiple %mul3A_205, 128 : i32
          %dma_wait3A_207 = tpu.memref_slice %arg9[%multiple_of3A_206] : memref<20480xi32, #tpu.memory_space<vmem>> -> memref<128xi32, #tpu.memory_space<vmem>>
          %dma_wait3A_208 = arith.constant 0 : i32
          %dma_wait3A_209 = arith.constant 0 : i32
          %dma_wait3A_210 = tpu.memref_slice %arg15[%dma_wait3A_208, %dma_wait3A_209] : memref<10240x32xf32, #tpu.memory_space<vmem_shared>> -> memref<10240x32xf32, #tpu.memory_space<vmem_shared>>
          tpu.wait_indirect_dma semaphore(%arg22 : memref<!tpu.dma_semaphore, #tpu.memory_space<semaphore_mem>>) src(%arg11 : memref<128x32xf32, #tpu.memory_space<vmem>>) dst(%dma_wait3A_210 : memref<10240x32xf32, #tpu.memory_space<vmem_shared>>)
        } else {
        }
        %add3A_165 = arith.constant 3 : i32
        %add3A_166 = arith.addi %add3A_141, %add3A_165 : i32
        %lt3A_167 = arith.constant 160 : i32
        %lt3A_168 = arith.cmpi slt, %add3A_166, %lt3A_167 : i32
        %convert_element_type3A_169 = arith.extui %lt3A_168 : i1 to i32
        %cond3A_170 = arith.constant 0 : i32
        %cond3A_171 = arith.cmpi ne, %convert_element_type3A_169, %cond3A_170 : i32
        scf.if %cond3A_171 {
          %add3A_204 = arith.constant 3 : i32
          %add3A_205 = arith.addi %add3A_141, %add3A_204 : i32
          %mul3A_206 = arith.constant 128 : i32
          %mul3A_207 = arith.muli %add3A_205, %mul3A_206 : i32
          %multiple_of3A_208 = tpu.assume_multiple %mul3A_207, 128 : i32
          %dma_start3A_209 = tpu.memref_slice %arg8[%multiple_of3A_208] : memref<20480xi32, #tpu.memory_space<vmem>> -> memref<128xi32, #tpu.memory_space<vmem>>
          %dma_start3A_210 = arith.constant 0 : i32
          %dma_start3A_211 = arith.constant 0 : i32
          %dma_start3A_212 = tpu.memref_slice %arg2[%dma_start3A_210, %dma_start3A_211] : memref<10240x32xf32, #tpu.memory_space<hbm>> -> memref<10240x32xf32, #tpu.memory_space<hbm>>
          tpu.enqueue_indirect_dma source(%dma_start3A_212 : memref<10240x32xf32, #tpu.memory_space<hbm>>) target(%arg11 : memref<128x32xf32, #tpu.memory_space<vmem>>) offsets(%dma_start3A_209 : memref<128xi32, #tpu.memory_space<vmem>>) semaphore(%arg17 : memref<!tpu.dma_semaphore, #tpu.memory_space<semaphore_mem>>)
        } else {
        }
        %add3A_172 = arith.constant 4 : i32
        %add3A_173 = arith.addi %mul3A_47, %add3A_172 : i32
        %mul3A_174 = arith.constant 128 : i32
        %mul3A_175 = arith.muli %add3A_173, %mul3A_174 : i32
        %multiple_of3A_176 = tpu.assume_multiple %mul3A_175, 128 : i32
        %dma_wait3A_177 = tpu.memref_slice %arg8[%multiple_of3A_176] : memref<20480xi32, #tpu.memory_space<vmem>> -> memref<128xi32, #tpu.memory_space<vmem>>
        %dma_wait3A_178 = arith.constant 0 : i32
        %dma_wait3A_179 = arith.constant 0 : i32
        %dma_wait3A_180 = tpu.memref_slice %arg2[%dma_wait3A_178, %dma_wait3A_179] : memref<10240x32xf32, #tpu.memory_space<hbm>> -> memref<10240x32xf32, #tpu.memory_space<hbm>>
        tpu.wait_indirect_dma semaphore(%arg20 : memref<!tpu.dma_semaphore, #tpu.memory_space<semaphore_mem>>) src(%dma_wait3A_180 : memref<10240x32xf32, #tpu.memory_space<hbm>>) dst(%arg14 : memref<128x32xf32, #tpu.memory_space<vmem>>)
        %mul3A_181 = arith.constant 128 : i32
        %mul3A_182 = arith.muli %add3A_173, %mul3A_181 : i32
        %multiple_of3A_183 = tpu.assume_multiple %mul3A_182, 128 : i32
        %dma_start3A_184 = tpu.memref_slice %arg9[%multiple_of3A_183] : memref<20480xi32, #tpu.memory_space<vmem>> -> memref<128xi32, #tpu.memory_space<vmem>>
        %dma_start3A_185 = arith.constant 0 : i32
        %dma_start3A_186 = arith.constant 0 : i32
        %dma_start3A_187 = tpu.memref_slice %arg15[%dma_start3A_185, %dma_start3A_186] : memref<10240x32xf32, #tpu.memory_space<vmem_shared>> -> memref<10240x32xf32, #tpu.memory_space<vmem_shared>>
        tpu.enqueue_indirect_dma source(%arg14 : memref<128x32xf32, #tpu.memory_space<vmem>>) target(%dma_start3A_187 : memref<10240x32xf32, #tpu.memory_space<vmem_shared>>) offsets(%dma_start3A_184 : memref<128xi32, #tpu.memory_space<vmem>>) semaphore(%arg25 : memref<!tpu.dma_semaphore, #tpu.memory_space<semaphore_mem>>) {add = true}
        %add3A_188 = arith.constant 3 : i32
        %add3A_189 = arith.addi %add3A_173, %add3A_188 : i32
        %sub3A_190 = arith.constant 5 : i32
        %sub3A_191 = arith.subi %add3A_189, %sub3A_190 : i32
        %ge3A_192 = arith.constant 0 : i32
        %ge3A_193 = arith.cmpi sge, %sub3A_191, %ge3A_192 : i32
        %convert_element_type3A_194 = arith.extui %ge3A_193 : i1 to i32
        %cond3A_195 = arith.constant 0 : i32
        %cond3A_196 = arith.cmpi ne, %convert_element_type3A_194, %cond3A_195 : i32
        scf.if %cond3A_196 {
          %mul3A_204 = arith.constant 128 : i32
          %mul3A_205 = arith.muli %sub3A_191, %mul3A_204 : i32
          %multiple_of3A_206 = tpu.assume_multiple %mul3A_205, 128 : i32
          %dma_wait3A_207 = tpu.memref_slice %arg9[%multiple_of3A_206] : memref<20480xi32, #tpu.memory_space<vmem>> -> memref<128xi32, #tpu.memory_space<vmem>>
          %dma_wait3A_208 = arith.constant 0 : i32
          %dma_wait3A_209 = arith.constant 0 : i32
          %dma_wait3A_210 = tpu.memref_slice %arg15[%dma_wait3A_208, %dma_wait3A_209] : memref<10240x32xf32, #tpu.memory_space<vmem_shared>> -> memref<10240x32xf32, #tpu.memory_space<vmem_shared>>
          tpu.wait_indirect_dma semaphore(%arg23 : memref<!tpu.dma_semaphore, #tpu.memory_space<semaphore_mem>>) src(%arg12 : memref<128x32xf32, #tpu.memory_space<vmem>>) dst(%dma_wait3A_210 : memref<10240x32xf32, #tpu.memory_space<vmem_shared>>)
        } else {
        }
        %add3A_197 = arith.constant 3 : i32
        %add3A_198 = arith.addi %add3A_173, %add3A_197 : i32
        %lt3A_199 = arith.constant 160 : i32
        %lt3A_200 = arith.cmpi slt, %add3A_198, %lt3A_199 : i32
        %convert_element_type3A_201 = arith.extui %lt3A_200 : i1 to i32
        %cond3A_202 = arith.constant 0 : i32
        %cond3A_203 = arith.cmpi ne, %convert_element_type3A_201, %cond3A_202 : i32
        scf.if %cond3A_203 {
          %add3A_204 = arith.constant 3 : i32
          %add3A_205 = arith.addi %add3A_173, %add3A_204 : i32
          %mul3A_206 = arith.constant 128 : i32
          %mul3A_207 = arith.muli %add3A_205, %mul3A_206 : i32
          %multiple_of3A_208 = tpu.assume_multiple %mul3A_207, 128 : i32
          %dma_start3A_209 = tpu.memref_slice %arg8[%multiple_of3A_208] : memref<20480xi32, #tpu.memory_space<vmem>> -> memref<128xi32, #tpu.memory_space<vmem>>
          %dma_start3A_210 = arith.constant 0 : i32
          %dma_start3A_211 = arith.constant 0 : i32
          %dma_start3A_212 = tpu.memref_slice %arg2[%dma_start3A_210, %dma_start3A_211] : memref<10240x32xf32, #tpu.memory_space<hbm>> -> memref<10240x32xf32, #tpu.memory_space<hbm>>
          tpu.enqueue_indirect_dma source(%dma_start3A_212 : memref<10240x32xf32, #tpu.memory_space<hbm>>) target(%arg12 : memref<128x32xf32, #tpu.memory_space<vmem>>) offsets(%dma_start3A_209 : memref<128xi32, #tpu.memory_space<vmem>>) semaphore(%arg18 : memref<!tpu.dma_semaphore, #tpu.memory_space<semaphore_mem>>)
        } else {
        }
      }
      %scan3A_32 = arith.constant 32 : i32
      %multiple_of3A_33 = arith.constant 20224 : i32
      %multiple_of3A_34 = tpu.assume_multiple %multiple_of3A_33, 128 : i32
      %dma_wait3A = tpu.memref_slice %arg9[%multiple_of3A_34] : memref<20480xi32, #tpu.memory_space<vmem>> -> memref<128xi32, #tpu.memory_space<vmem>>
      %dma_wait3A_35 = arith.constant 0 : i32
      %dma_wait3A_36 = arith.constant 0 : i32
      %dma_wait3A_37 = tpu.memref_slice %arg15[%dma_wait3A_35, %dma_wait3A_36] : memref<10240x32xf32, #tpu.memory_space<vmem_shared>> -> memref<10240x32xf32, #tpu.memory_space<vmem_shared>>
      tpu.wait_indirect_dma semaphore(%arg24 : memref<!tpu.dma_semaphore, #tpu.memory_space<semaphore_mem>>) src(%arg13 : memref<128x32xf32, #tpu.memory_space<vmem>>) dst(%dma_wait3A_37 : memref<10240x32xf32, #tpu.memory_space<vmem_shared>>)
      %multiple_of3A_38 = arith.constant 20352 : i32
      %multiple_of3A_39 = tpu.assume_multiple %multiple_of3A_38, 128 : i32
      %dma_wait3A_40 = tpu.memref_slice %arg9[%multiple_of3A_39] : memref<20480xi32, #tpu.memory_space<vmem>> -> memref<128xi32, #tpu.memory_space<vmem>>
      %dma_wait3A_41 = arith.constant 0 : i32
      %dma_wait3A_42 = arith.constant 0 : i32
      %dma_wait3A_43 = tpu.memref_slice %arg15[%dma_wait3A_41, %dma_wait3A_42] : memref<10240x32xf32, #tpu.memory_space<vmem_shared>> -> memref<10240x32xf32, #tpu.memory_space<vmem_shared>>
      tpu.wait_indirect_dma semaphore(%arg25 : memref<!tpu.dma_semaphore, #tpu.memory_space<semaphore_mem>>) src(%arg14 : memref<128x32xf32, #tpu.memory_space<vmem>>) dst(%dma_wait3A_43 : memref<10240x32xf32, #tpu.memory_space<vmem_shared>>)
      %barrier3A_44 = arith.constant 0 : index
      tpu.barrier barrier_id(%barrier3A_44)
      "tpu.region"() ({
        %run_scoped3A = tpu.sem_alloc : memref<!tpu.dma_semaphore, #tpu.memory_space<semaphore_mem>>
        %dma_start3A_45 = arith.constant 0 : i32
        %dma_start3A_46 = tpu.memref_slice %arg6[%mul3A_0, %dma_start3A_45] : memref<10240x32xf32, #tpu.memory_space<hbm>> -> memref<640x32xf32, #tpu.memory_space<hbm>>
        %dma_start3A_47 = arith.constant 0 : i32
        %dma_start3A_48 = tpu.memref_slice %arg15[%mul3A_0, %dma_start3A_47] : memref<10240x32xf32, #tpu.memory_space<vmem_shared>> -> memref<640x32xf32, #tpu.memory_space<vmem_shared>>
        tpu.enqueue_dma source(%dma_start3A_48 : memref<640x32xf32, #tpu.memory_space<vmem_shared>>) target(%dma_start3A_46 : memref<640x32xf32, #tpu.memory_space<hbm>>) target_semaphore(%run_scoped3A : memref<!tpu.dma_semaphore, #tpu.memory_space<semaphore_mem>>)
        %dma_wait3A_49 = arith.constant 0 : i32
        %dma_wait3A_50 = tpu.memref_slice %arg6[%mul3A_0, %dma_wait3A_49] : memref<10240x32xf32, #tpu.memory_space<hbm>> -> memref<640x32xf32, #tpu.memory_space<hbm>>
        %dma_wait3A_51 = arith.constant 0 : i32
        %dma_wait3A_52 = tpu.memref_slice %arg15[%mul3A_0, %dma_wait3A_51] : memref<10240x32xf32, #tpu.memory_space<vmem_shared>> -> memref<640x32xf32, #tpu.memory_space<vmem_shared>>
        tpu.wait_dma2 semaphore(%run_scoped3A : memref<!tpu.dma_semaphore, #tpu.memory_space<semaphore_mem>>) src(%dma_wait3A_52 : memref<640x32xf32, #tpu.memory_space<vmem_shared>>) dst(%dma_wait3A_50 : memref<640x32xf32, #tpu.memory_space<hbm>>)
        tpu.yield
      }) : () -> ()
    } else {
    }
    %eq3A_7 = arith.constant 1 : i32
    %eq3A_8 = arith.cmpi eq, %arg0, %eq3A_7 : i32
    %convert_element_type3A_9 = arith.extui %eq3A_8 : i1 to i32
    %cond3A_10 = arith.constant 0 : i32
    %cond3A_11 = arith.cmpi ne, %convert_element_type3A_9, %cond3A_10 : i32
    scf.if %cond3A_11 {
      "tpu.region"() ({
        %run_scoped3A = tpu.sem_alloc : memref<!tpu.dma_semaphore, #tpu.memory_space<semaphore_mem>>
        %dma_start3A_45 = arith.constant 0 : i32
        %dma_start3A_46 = tpu.memref_slice %arg15[%mul3A_0, %dma_start3A_45] : memref<10240x32xf32, #tpu.memory_space<vmem_shared>> -> memref<640x32xf32, #tpu.memory_space<vmem_shared>>
        %dma_start3A_47 = arith.constant 0 : i32
        %dma_start3A_48 = tpu.memref_slice %arg3[%mul3A_0, %dma_start3A_47] : memref<10240x32xf32, #tpu.memory_space<hbm>> -> memref<640x32xf32, #tpu.memory_space<hbm>>
        tpu.enqueue_dma source(%dma_start3A_48 : memref<640x32xf32, #tpu.memory_space<hbm>>) target(%dma_start3A_46 : memref<640x32xf32, #tpu.memory_space<vmem_shared>>) target_semaphore(%run_scoped3A : memref<!tpu.dma_semaphore, #tpu.memory_space<semaphore_mem>>)
        %dma_wait3A_49 = arith.constant 0 : i32
        %dma_wait3A_50 = tpu.memref_slice %arg15[%mul3A_0, %dma_wait3A_49] : memref<10240x32xf32, #tpu.memory_space<vmem_shared>> -> memref<640x32xf32, #tpu.memory_space<vmem_shared>>
        %dma_wait3A_51 = arith.constant 0 : i32
        %dma_wait3A_52 = tpu.memref_slice %arg3[%mul3A_0, %dma_wait3A_51] : memref<10240x32xf32, #tpu.memory_space<hbm>> -> memref<640x32xf32, #tpu.memory_space<hbm>>
        tpu.wait_dma2 semaphore(%run_scoped3A : memref<!tpu.dma_semaphore, #tpu.memory_space<semaphore_mem>>) src(%dma_wait3A_52 : memref<640x32xf32, #tpu.memory_space<hbm>>) dst(%dma_wait3A_50 : memref<640x32xf32, #tpu.memory_space<vmem_shared>>)
        tpu.yield
      }) : () -> ()
      %barrier3A = arith.constant 0 : index
      tpu.barrier barrier_id(%barrier3A)
      %multiple_of3A = arith.constant 0 : i32
      %multiple_of3A_12 = tpu.assume_multiple %multiple_of3A, 128 : i32
      %dma_start3A = tpu.memref_slice %arg8[%multiple_of3A_12] : memref<20480xi32, #tpu.memory_space<vmem>> -> memref<128xi32, #tpu.memory_space<vmem>>
      %dma_start3A_13 = arith.constant 0 : i32
      %dma_start3A_14 = arith.constant 0 : i32
      %dma_start3A_15 = tpu.memref_slice %arg3[%dma_start3A_13, %dma_start3A_14] : memref<10240x32xf32, #tpu.memory_space<hbm>> -> memref<10240x32xf32, #tpu.memory_space<hbm>>
      tpu.enqueue_indirect_dma source(%dma_start3A_15 : memref<10240x32xf32, #tpu.memory_space<hbm>>) target(%arg10 : memref<128x32xf32, #tpu.memory_space<vmem>>) offsets(%dma_start3A : memref<128xi32, #tpu.memory_space<vmem>>) semaphore(%arg16 : memref<!tpu.dma_semaphore, #tpu.memory_space<semaphore_mem>>)
      %multiple_of3A_16 = arith.constant 128 : i32
      %multiple_of3A_17 = tpu.assume_multiple %multiple_of3A_16, 128 : i32
      %dma_start3A_18 = tpu.memref_slice %arg8[%multiple_of3A_17] : memref<20480xi32, #tpu.memory_space<vmem>> -> memref<128xi32, #tpu.memory_space<vmem>>
      %dma_start3A_19 = arith.constant 0 : i32
      %dma_start3A_20 = arith.constant 0 : i32
      %dma_start3A_21 = tpu.memref_slice %arg3[%dma_start3A_19, %dma_start3A_20] : memref<10240x32xf32, #tpu.memory_space<hbm>> -> memref<10240x32xf32, #tpu.memory_space<hbm>>
      tpu.enqueue_indirect_dma source(%dma_start3A_21 : memref<10240x32xf32, #tpu.memory_space<hbm>>) target(%arg11 : memref<128x32xf32, #tpu.memory_space<vmem>>) offsets(%dma_start3A_18 : memref<128xi32, #tpu.memory_space<vmem>>) semaphore(%arg17 : memref<!tpu.dma_semaphore, #tpu.memory_space<semaphore_mem>>)
      %multiple_of3A_22 = arith.constant 256 : i32
      %multiple_of3A_23 = tpu.assume_multiple %multiple_of3A_22, 128 : i32
      %dma_start3A_24 = tpu.memref_slice %arg8[%multiple_of3A_23] : memref<20480xi32, #tpu.memory_space<vmem>> -> memref<128xi32, #tpu.memory_space<vmem>>
      %dma_start3A_25 = arith.constant 0 : i32
      %dma_start3A_26 = arith.constant 0 : i32
      %dma_start3A_27 = tpu.memref_slice %arg3[%dma_start3A_25, %dma_start3A_26] : memref<10240x32xf32, #tpu.memory_space<hbm>> -> memref<10240x32xf32, #tpu.memory_space<hbm>>
      tpu.enqueue_indirect_dma source(%dma_start3A_27 : memref<10240x32xf32, #tpu.memory_space<hbm>>) target(%arg12 : memref<128x32xf32, #tpu.memory_space<vmem>>) offsets(%dma_start3A_24 : memref<128xi32, #tpu.memory_space<vmem>>) semaphore(%arg18 : memref<!tpu.dma_semaphore, #tpu.memory_space<semaphore_mem>>)
      %scan3A = arith.constant 0 : i32
      %scan3A_28 = arith.constant 0 : i32
      %scan3A_29 = arith.constant 32 : i32
      %scan3A_30 = arith.addi %scan3A_28, %scan3A_29 : i32
      %scan3A_31 = arith.constant 1 : i32
      scf.for %scan3A_45 = %scan3A_28 to %scan3A_30 step %scan3A_31  : i32 {
        %mul3A_46 = arith.constant 5 : i32
        %mul3A_47 = arith.muli %scan3A_45, %mul3A_46 : i32
        %add3A = arith.constant 0 : i32
        %add3A_48 = arith.addi %mul3A_47, %add3A : i32
        %mul3A_49 = arith.constant 128 : i32
        %mul3A_50 = arith.muli %add3A_48, %mul3A_49 : i32
        %multiple_of3A_51 = tpu.assume_multiple %mul3A_50, 128 : i32
        %dma_wait3A_52 = tpu.memref_slice %arg8[%multiple_of3A_51] : memref<20480xi32, #tpu.memory_space<vmem>> -> memref<128xi32, #tpu.memory_space<vmem>>
        %dma_wait3A_53 = arith.constant 0 : i32
        %dma_wait3A_54 = arith.constant 0 : i32
        %dma_wait3A_55 = tpu.memref_slice %arg3[%dma_wait3A_53, %dma_wait3A_54] : memref<10240x32xf32, #tpu.memory_space<hbm>> -> memref<10240x32xf32, #tpu.memory_space<hbm>>
        tpu.wait_indirect_dma semaphore(%arg16 : memref<!tpu.dma_semaphore, #tpu.memory_space<semaphore_mem>>) src(%dma_wait3A_55 : memref<10240x32xf32, #tpu.memory_space<hbm>>) dst(%arg10 : memref<128x32xf32, #tpu.memory_space<vmem>>)
        %mul3A_56 = arith.constant 128 : i32
        %mul3A_57 = arith.muli %add3A_48, %mul3A_56 : i32
        %multiple_of3A_58 = tpu.assume_multiple %mul3A_57, 128 : i32
        %dma_start3A_59 = tpu.memref_slice %arg9[%multiple_of3A_58] : memref<20480xi32, #tpu.memory_space<vmem>> -> memref<128xi32, #tpu.memory_space<vmem>>
        %dma_start3A_60 = arith.constant 0 : i32
        %dma_start3A_61 = arith.constant 0 : i32
        %dma_start3A_62 = tpu.memref_slice %arg15[%dma_start3A_60, %dma_start3A_61] : memref<10240x32xf32, #tpu.memory_space<vmem_shared>> -> memref<10240x32xf32, #tpu.memory_space<vmem_shared>>
        tpu.enqueue_indirect_dma source(%arg10 : memref<128x32xf32, #tpu.memory_space<vmem>>) target(%dma_start3A_62 : memref<10240x32xf32, #tpu.memory_space<vmem_shared>>) offsets(%dma_start3A_59 : memref<128xi32, #tpu.memory_space<vmem>>) semaphore(%arg21 : memref<!tpu.dma_semaphore, #tpu.memory_space<semaphore_mem>>) {add = true}
        %add3A_63 = arith.constant 3 : i32
        %add3A_64 = arith.addi %add3A_48, %add3A_63 : i32
        %sub3A = arith.constant 5 : i32
        %sub3A_65 = arith.subi %add3A_64, %sub3A : i32
        %ge3A = arith.constant 0 : i32
        %ge3A_66 = arith.cmpi sge, %sub3A_65, %ge3A : i32
        %convert_element_type3A_67 = arith.extui %ge3A_66 : i1 to i32
        %cond3A_68 = arith.constant 0 : i32
        %cond3A_69 = arith.cmpi ne, %convert_element_type3A_67, %cond3A_68 : i32
        scf.if %cond3A_69 {
          %mul3A_204 = arith.constant 128 : i32
          %mul3A_205 = arith.muli %sub3A_65, %mul3A_204 : i32
          %multiple_of3A_206 = tpu.assume_multiple %mul3A_205, 128 : i32
          %dma_wait3A_207 = tpu.memref_slice %arg9[%multiple_of3A_206] : memref<20480xi32, #tpu.memory_space<vmem>> -> memref<128xi32, #tpu.memory_space<vmem>>
          %dma_wait3A_208 = arith.constant 0 : i32
          %dma_wait3A_209 = arith.constant 0 : i32
          %dma_wait3A_210 = tpu.memref_slice %arg15[%dma_wait3A_208, %dma_wait3A_209] : memref<10240x32xf32, #tpu.memory_space<vmem_shared>> -> memref<10240x32xf32, #tpu.memory_space<vmem_shared>>
          tpu.wait_indirect_dma semaphore(%arg24 : memref<!tpu.dma_semaphore, #tpu.memory_space<semaphore_mem>>) src(%arg13 : memref<128x32xf32, #tpu.memory_space<vmem>>) dst(%dma_wait3A_210 : memref<10240x32xf32, #tpu.memory_space<vmem_shared>>)
        } else {
        }
        %add3A_70 = arith.constant 3 : i32
        %add3A_71 = arith.addi %add3A_48, %add3A_70 : i32
        %lt3A = arith.constant 160 : i32
        %lt3A_72 = arith.cmpi slt, %add3A_71, %lt3A : i32
        %convert_element_type3A_73 = arith.extui %lt3A_72 : i1 to i32
        %cond3A_74 = arith.constant 0 : i32
        %cond3A_75 = arith.cmpi ne, %convert_element_type3A_73, %cond3A_74 : i32
        scf.if %cond3A_75 {
          %add3A_204 = arith.constant 3 : i32
          %add3A_205 = arith.addi %add3A_48, %add3A_204 : i32
          %mul3A_206 = arith.constant 128 : i32
          %mul3A_207 = arith.muli %add3A_205, %mul3A_206 : i32
          %multiple_of3A_208 = tpu.assume_multiple %mul3A_207, 128 : i32
          %dma_start3A_209 = tpu.memref_slice %arg8[%multiple_of3A_208] : memref<20480xi32, #tpu.memory_space<vmem>> -> memref<128xi32, #tpu.memory_space<vmem>>
          %dma_start3A_210 = arith.constant 0 : i32
          %dma_start3A_211 = arith.constant 0 : i32
          %dma_start3A_212 = tpu.memref_slice %arg3[%dma_start3A_210, %dma_start3A_211] : memref<10240x32xf32, #tpu.memory_space<hbm>> -> memref<10240x32xf32, #tpu.memory_space<hbm>>
          tpu.enqueue_indirect_dma source(%dma_start3A_212 : memref<10240x32xf32, #tpu.memory_space<hbm>>) target(%arg13 : memref<128x32xf32, #tpu.memory_space<vmem>>) offsets(%dma_start3A_209 : memref<128xi32, #tpu.memory_space<vmem>>) semaphore(%arg19 : memref<!tpu.dma_semaphore, #tpu.memory_space<semaphore_mem>>)
        } else {
        }
        %add3A_76 = arith.constant 1 : i32
        %add3A_77 = arith.addi %mul3A_47, %add3A_76 : i32
        %mul3A_78 = arith.constant 128 : i32
        %mul3A_79 = arith.muli %add3A_77, %mul3A_78 : i32
        %multiple_of3A_80 = tpu.assume_multiple %mul3A_79, 128 : i32
        %dma_wait3A_81 = tpu.memref_slice %arg8[%multiple_of3A_80] : memref<20480xi32, #tpu.memory_space<vmem>> -> memref<128xi32, #tpu.memory_space<vmem>>
        %dma_wait3A_82 = arith.constant 0 : i32
        %dma_wait3A_83 = arith.constant 0 : i32
        %dma_wait3A_84 = tpu.memref_slice %arg3[%dma_wait3A_82, %dma_wait3A_83] : memref<10240x32xf32, #tpu.memory_space<hbm>> -> memref<10240x32xf32, #tpu.memory_space<hbm>>
        tpu.wait_indirect_dma semaphore(%arg17 : memref<!tpu.dma_semaphore, #tpu.memory_space<semaphore_mem>>) src(%dma_wait3A_84 : memref<10240x32xf32, #tpu.memory_space<hbm>>) dst(%arg11 : memref<128x32xf32, #tpu.memory_space<vmem>>)
        %mul3A_85 = arith.constant 128 : i32
        %mul3A_86 = arith.muli %add3A_77, %mul3A_85 : i32
        %multiple_of3A_87 = tpu.assume_multiple %mul3A_86, 128 : i32
        %dma_start3A_88 = tpu.memref_slice %arg9[%multiple_of3A_87] : memref<20480xi32, #tpu.memory_space<vmem>> -> memref<128xi32, #tpu.memory_space<vmem>>
        %dma_start3A_89 = arith.constant 0 : i32
        %dma_start3A_90 = arith.constant 0 : i32
        %dma_start3A_91 = tpu.memref_slice %arg15[%dma_start3A_89, %dma_start3A_90] : memref<10240x32xf32, #tpu.memory_space<vmem_shared>> -> memref<10240x32xf32, #tpu.memory_space<vmem_shared>>
        tpu.enqueue_indirect_dma source(%arg11 : memref<128x32xf32, #tpu.memory_space<vmem>>) target(%dma_start3A_91 : memref<10240x32xf32, #tpu.memory_space<vmem_shared>>) offsets(%dma_start3A_88 : memref<128xi32, #tpu.memory_space<vmem>>) semaphore(%arg22 : memref<!tpu.dma_semaphore, #tpu.memory_space<semaphore_mem>>) {add = true}
        %add3A_92 = arith.constant 3 : i32
        %add3A_93 = arith.addi %add3A_77, %add3A_92 : i32
        %sub3A_94 = arith.constant 5 : i32
        %sub3A_95 = arith.subi %add3A_93, %sub3A_94 : i32
        %ge3A_96 = arith.constant 0 : i32
        %ge3A_97 = arith.cmpi sge, %sub3A_95, %ge3A_96 : i32
        %convert_element_type3A_98 = arith.extui %ge3A_97 : i1 to i32
        %cond3A_99 = arith.constant 0 : i32
        %cond3A_100 = arith.cmpi ne, %convert_element_type3A_98, %cond3A_99 : i32
        scf.if %cond3A_100 {
          %mul3A_204 = arith.constant 128 : i32
          %mul3A_205 = arith.muli %sub3A_95, %mul3A_204 : i32
          %multiple_of3A_206 = tpu.assume_multiple %mul3A_205, 128 : i32
          %dma_wait3A_207 = tpu.memref_slice %arg9[%multiple_of3A_206] : memref<20480xi32, #tpu.memory_space<vmem>> -> memref<128xi32, #tpu.memory_space<vmem>>
          %dma_wait3A_208 = arith.constant 0 : i32
          %dma_wait3A_209 = arith.constant 0 : i32
          %dma_wait3A_210 = tpu.memref_slice %arg15[%dma_wait3A_208, %dma_wait3A_209] : memref<10240x32xf32, #tpu.memory_space<vmem_shared>> -> memref<10240x32xf32, #tpu.memory_space<vmem_shared>>
          tpu.wait_indirect_dma semaphore(%arg25 : memref<!tpu.dma_semaphore, #tpu.memory_space<semaphore_mem>>) src(%arg14 : memref<128x32xf32, #tpu.memory_space<vmem>>) dst(%dma_wait3A_210 : memref<10240x32xf32, #tpu.memory_space<vmem_shared>>)
        } else {
        }
        %add3A_101 = arith.constant 3 : i32
        %add3A_102 = arith.addi %add3A_77, %add3A_101 : i32
        %lt3A_103 = arith.constant 160 : i32
        %lt3A_104 = arith.cmpi slt, %add3A_102, %lt3A_103 : i32
        %convert_element_type3A_105 = arith.extui %lt3A_104 : i1 to i32
        %cond3A_106 = arith.constant 0 : i32
        %cond3A_107 = arith.cmpi ne, %convert_element_type3A_105, %cond3A_106 : i32
        scf.if %cond3A_107 {
          %add3A_204 = arith.constant 3 : i32
          %add3A_205 = arith.addi %add3A_77, %add3A_204 : i32
          %mul3A_206 = arith.constant 128 : i32
          %mul3A_207 = arith.muli %add3A_205, %mul3A_206 : i32
          %multiple_of3A_208 = tpu.assume_multiple %mul3A_207, 128 : i32
          %dma_start3A_209 = tpu.memref_slice %arg8[%multiple_of3A_208] : memref<20480xi32, #tpu.memory_space<vmem>> -> memref<128xi32, #tpu.memory_space<vmem>>
          %dma_start3A_210 = arith.constant 0 : i32
          %dma_start3A_211 = arith.constant 0 : i32
          %dma_start3A_212 = tpu.memref_slice %arg3[%dma_start3A_210, %dma_start3A_211] : memref<10240x32xf32, #tpu.memory_space<hbm>> -> memref<10240x32xf32, #tpu.memory_space<hbm>>
          tpu.enqueue_indirect_dma source(%dma_start3A_212 : memref<10240x32xf32, #tpu.memory_space<hbm>>) target(%arg14 : memref<128x32xf32, #tpu.memory_space<vmem>>) offsets(%dma_start3A_209 : memref<128xi32, #tpu.memory_space<vmem>>) semaphore(%arg20 : memref<!tpu.dma_semaphore, #tpu.memory_space<semaphore_mem>>)
        } else {
        }
        %add3A_108 = arith.constant 2 : i32
        %add3A_109 = arith.addi %mul3A_47, %add3A_108 : i32
        %mul3A_110 = arith.constant 128 : i32
        %mul3A_111 = arith.muli %add3A_109, %mul3A_110 : i32
        %multiple_of3A_112 = tpu.assume_multiple %mul3A_111, 128 : i32
        %dma_wait3A_113 = tpu.memref_slice %arg8[%multiple_of3A_112] : memref<20480xi32, #tpu.memory_space<vmem>> -> memref<128xi32, #tpu.memory_space<vmem>>
        %dma_wait3A_114 = arith.constant 0 : i32
        %dma_wait3A_115 = arith.constant 0 : i32
        %dma_wait3A_116 = tpu.memref_slice %arg3[%dma_wait3A_114, %dma_wait3A_115] : memref<10240x32xf32, #tpu.memory_space<hbm>> -> memref<10240x32xf32, #tpu.memory_space<hbm>>
        tpu.wait_indirect_dma semaphore(%arg18 : memref<!tpu.dma_semaphore, #tpu.memory_space<semaphore_mem>>) src(%dma_wait3A_116 : memref<10240x32xf32, #tpu.memory_space<hbm>>) dst(%arg12 : memref<128x32xf32, #tpu.memory_space<vmem>>)
        %mul3A_117 = arith.constant 128 : i32
        %mul3A_118 = arith.muli %add3A_109, %mul3A_117 : i32
        %multiple_of3A_119 = tpu.assume_multiple %mul3A_118, 128 : i32
        %dma_start3A_120 = tpu.memref_slice %arg9[%multiple_of3A_119] : memref<20480xi32, #tpu.memory_space<vmem>> -> memref<128xi32, #tpu.memory_space<vmem>>
        %dma_start3A_121 = arith.constant 0 : i32
        %dma_start3A_122 = arith.constant 0 : i32
        %dma_start3A_123 = tpu.memref_slice %arg15[%dma_start3A_121, %dma_start3A_122] : memref<10240x32xf32, #tpu.memory_space<vmem_shared>> -> memref<10240x32xf32, #tpu.memory_space<vmem_shared>>
        tpu.enqueue_indirect_dma source(%arg12 : memref<128x32xf32, #tpu.memory_space<vmem>>) target(%dma_start3A_123 : memref<10240x32xf32, #tpu.memory_space<vmem_shared>>) offsets(%dma_start3A_120 : memref<128xi32, #tpu.memory_space<vmem>>) semaphore(%arg23 : memref<!tpu.dma_semaphore, #tpu.memory_space<semaphore_mem>>) {add = true}
        %add3A_124 = arith.constant 3 : i32
        %add3A_125 = arith.addi %add3A_109, %add3A_124 : i32
        %sub3A_126 = arith.constant 5 : i32
        %sub3A_127 = arith.subi %add3A_125, %sub3A_126 : i32
        %ge3A_128 = arith.constant 0 : i32
        %ge3A_129 = arith.cmpi sge, %sub3A_127, %ge3A_128 : i32
        %convert_element_type3A_130 = arith.extui %ge3A_129 : i1 to i32
        %cond3A_131 = arith.constant 0 : i32
        %cond3A_132 = arith.cmpi ne, %convert_element_type3A_130, %cond3A_131 : i32
        scf.if %cond3A_132 {
          %mul3A_204 = arith.constant 128 : i32
          %mul3A_205 = arith.muli %sub3A_127, %mul3A_204 : i32
          %multiple_of3A_206 = tpu.assume_multiple %mul3A_205, 128 : i32
          %dma_wait3A_207 = tpu.memref_slice %arg9[%multiple_of3A_206] : memref<20480xi32, #tpu.memory_space<vmem>> -> memref<128xi32, #tpu.memory_space<vmem>>
          %dma_wait3A_208 = arith.constant 0 : i32
          %dma_wait3A_209 = arith.constant 0 : i32
          %dma_wait3A_210 = tpu.memref_slice %arg15[%dma_wait3A_208, %dma_wait3A_209] : memref<10240x32xf32, #tpu.memory_space<vmem_shared>> -> memref<10240x32xf32, #tpu.memory_space<vmem_shared>>
          tpu.wait_indirect_dma semaphore(%arg21 : memref<!tpu.dma_semaphore, #tpu.memory_space<semaphore_mem>>) src(%arg10 : memref<128x32xf32, #tpu.memory_space<vmem>>) dst(%dma_wait3A_210 : memref<10240x32xf32, #tpu.memory_space<vmem_shared>>)
        } else {
        }
        %add3A_133 = arith.constant 3 : i32
        %add3A_134 = arith.addi %add3A_109, %add3A_133 : i32
        %lt3A_135 = arith.constant 160 : i32
        %lt3A_136 = arith.cmpi slt, %add3A_134, %lt3A_135 : i32
        %convert_element_type3A_137 = arith.extui %lt3A_136 : i1 to i32
        %cond3A_138 = arith.constant 0 : i32
        %cond3A_139 = arith.cmpi ne, %convert_element_type3A_137, %cond3A_138 : i32
        scf.if %cond3A_139 {
          %add3A_204 = arith.constant 3 : i32
          %add3A_205 = arith.addi %add3A_109, %add3A_204 : i32
          %mul3A_206 = arith.constant 128 : i32
          %mul3A_207 = arith.muli %add3A_205, %mul3A_206 : i32
          %multiple_of3A_208 = tpu.assume_multiple %mul3A_207, 128 : i32
          %dma_start3A_209 = tpu.memref_slice %arg8[%multiple_of3A_208] : memref<20480xi32, #tpu.memory_space<vmem>> -> memref<128xi32, #tpu.memory_space<vmem>>
          %dma_start3A_210 = arith.constant 0 : i32
          %dma_start3A_211 = arith.constant 0 : i32
          %dma_start3A_212 = tpu.memref_slice %arg3[%dma_start3A_210, %dma_start3A_211] : memref<10240x32xf32, #tpu.memory_space<hbm>> -> memref<10240x32xf32, #tpu.memory_space<hbm>>
          tpu.enqueue_indirect_dma source(%dma_start3A_212 : memref<10240x32xf32, #tpu.memory_space<hbm>>) target(%arg10 : memref<128x32xf32, #tpu.memory_space<vmem>>) offsets(%dma_start3A_209 : memref<128xi32, #tpu.memory_space<vmem>>) semaphore(%arg16 : memref<!tpu.dma_semaphore, #tpu.memory_space<semaphore_mem>>)
        } else {
        }
        %add3A_140 = arith.constant 3 : i32
        %add3A_141 = arith.addi %mul3A_47, %add3A_140 : i32
        %mul3A_142 = arith.constant 128 : i32
        %mul3A_143 = arith.muli %add3A_141, %mul3A_142 : i32
        %multiple_of3A_144 = tpu.assume_multiple %mul3A_143, 128 : i32
        %dma_wait3A_145 = tpu.memref_slice %arg8[%multiple_of3A_144] : memref<20480xi32, #tpu.memory_space<vmem>> -> memref<128xi32, #tpu.memory_space<vmem>>
        %dma_wait3A_146 = arith.constant 0 : i32
        %dma_wait3A_147 = arith.constant 0 : i32
        %dma_wait3A_148 = tpu.memref_slice %arg3[%dma_wait3A_146, %dma_wait3A_147] : memref<10240x32xf32, #tpu.memory_space<hbm>> -> memref<10240x32xf32, #tpu.memory_space<hbm>>
        tpu.wait_indirect_dma semaphore(%arg19 : memref<!tpu.dma_semaphore, #tpu.memory_space<semaphore_mem>>) src(%dma_wait3A_148 : memref<10240x32xf32, #tpu.memory_space<hbm>>) dst(%arg13 : memref<128x32xf32, #tpu.memory_space<vmem>>)
        %mul3A_149 = arith.constant 128 : i32
        %mul3A_150 = arith.muli %add3A_141, %mul3A_149 : i32
        %multiple_of3A_151 = tpu.assume_multiple %mul3A_150, 128 : i32
        %dma_start3A_152 = tpu.memref_slice %arg9[%multiple_of3A_151] : memref<20480xi32, #tpu.memory_space<vmem>> -> memref<128xi32, #tpu.memory_space<vmem>>
        %dma_start3A_153 = arith.constant 0 : i32
        %dma_start3A_154 = arith.constant 0 : i32
        %dma_start3A_155 = tpu.memref_slice %arg15[%dma_start3A_153, %dma_start3A_154] : memref<10240x32xf32, #tpu.memory_space<vmem_shared>> -> memref<10240x32xf32, #tpu.memory_space<vmem_shared>>
        tpu.enqueue_indirect_dma source(%arg13 : memref<128x32xf32, #tpu.memory_space<vmem>>) target(%dma_start3A_155 : memref<10240x32xf32, #tpu.memory_space<vmem_shared>>) offsets(%dma_start3A_152 : memref<128xi32, #tpu.memory_space<vmem>>) semaphore(%arg24 : memref<!tpu.dma_semaphore, #tpu.memory_space<semaphore_mem>>) {add = true}
        %add3A_156 = arith.constant 3 : i32
        %add3A_157 = arith.addi %add3A_141, %add3A_156 : i32
        %sub3A_158 = arith.constant 5 : i32
        %sub3A_159 = arith.subi %add3A_157, %sub3A_158 : i32
        %ge3A_160 = arith.constant 0 : i32
        %ge3A_161 = arith.cmpi sge, %sub3A_159, %ge3A_160 : i32
        %convert_element_type3A_162 = arith.extui %ge3A_161 : i1 to i32
        %cond3A_163 = arith.constant 0 : i32
        %cond3A_164 = arith.cmpi ne, %convert_element_type3A_162, %cond3A_163 : i32
        scf.if %cond3A_164 {
          %mul3A_204 = arith.constant 128 : i32
          %mul3A_205 = arith.muli %sub3A_159, %mul3A_204 : i32
          %multiple_of3A_206 = tpu.assume_multiple %mul3A_205, 128 : i32
          %dma_wait3A_207 = tpu.memref_slice %arg9[%multiple_of3A_206] : memref<20480xi32, #tpu.memory_space<vmem>> -> memref<128xi32, #tpu.memory_space<vmem>>
          %dma_wait3A_208 = arith.constant 0 : i32
          %dma_wait3A_209 = arith.constant 0 : i32
          %dma_wait3A_210 = tpu.memref_slice %arg15[%dma_wait3A_208, %dma_wait3A_209] : memref<10240x32xf32, #tpu.memory_space<vmem_shared>> -> memref<10240x32xf32, #tpu.memory_space<vmem_shared>>
          tpu.wait_indirect_dma semaphore(%arg22 : memref<!tpu.dma_semaphore, #tpu.memory_space<semaphore_mem>>) src(%arg11 : memref<128x32xf32, #tpu.memory_space<vmem>>) dst(%dma_wait3A_210 : memref<10240x32xf32, #tpu.memory_space<vmem_shared>>)
        } else {
        }
        %add3A_165 = arith.constant 3 : i32
        %add3A_166 = arith.addi %add3A_141, %add3A_165 : i32
        %lt3A_167 = arith.constant 160 : i32
        %lt3A_168 = arith.cmpi slt, %add3A_166, %lt3A_167 : i32
        %convert_element_type3A_169 = arith.extui %lt3A_168 : i1 to i32
        %cond3A_170 = arith.constant 0 : i32
        %cond3A_171 = arith.cmpi ne, %convert_element_type3A_169, %cond3A_170 : i32
        scf.if %cond3A_171 {
          %add3A_204 = arith.constant 3 : i32
          %add3A_205 = arith.addi %add3A_141, %add3A_204 : i32
          %mul3A_206 = arith.constant 128 : i32
          %mul3A_207 = arith.muli %add3A_205, %mul3A_206 : i32
          %multiple_of3A_208 = tpu.assume_multiple %mul3A_207, 128 : i32
          %dma_start3A_209 = tpu.memref_slice %arg8[%multiple_of3A_208] : memref<20480xi32, #tpu.memory_space<vmem>> -> memref<128xi32, #tpu.memory_space<vmem>>
          %dma_start3A_210 = arith.constant 0 : i32
          %dma_start3A_211 = arith.constant 0 : i32
          %dma_start3A_212 = tpu.memref_slice %arg3[%dma_start3A_210, %dma_start3A_211] : memref<10240x32xf32, #tpu.memory_space<hbm>> -> memref<10240x32xf32, #tpu.memory_space<hbm>>
          tpu.enqueue_indirect_dma source(%dma_start3A_212 : memref<10240x32xf32, #tpu.memory_space<hbm>>) target(%arg11 : memref<128x32xf32, #tpu.memory_space<vmem>>) offsets(%dma_start3A_209 : memref<128xi32, #tpu.memory_space<vmem>>) semaphore(%arg17 : memref<!tpu.dma_semaphore, #tpu.memory_space<semaphore_mem>>)
        } else {
        }
        %add3A_172 = arith.constant 4 : i32
        %add3A_173 = arith.addi %mul3A_47, %add3A_172 : i32
        %mul3A_174 = arith.constant 128 : i32
        %mul3A_175 = arith.muli %add3A_173, %mul3A_174 : i32
        %multiple_of3A_176 = tpu.assume_multiple %mul3A_175, 128 : i32
        %dma_wait3A_177 = tpu.memref_slice %arg8[%multiple_of3A_176] : memref<20480xi32, #tpu.memory_space<vmem>> -> memref<128xi32, #tpu.memory_space<vmem>>
        %dma_wait3A_178 = arith.constant 0 : i32
        %dma_wait3A_179 = arith.constant 0 : i32
        %dma_wait3A_180 = tpu.memref_slice %arg3[%dma_wait3A_178, %dma_wait3A_179] : memref<10240x32xf32, #tpu.memory_space<hbm>> -> memref<10240x32xf32, #tpu.memory_space<hbm>>
        tpu.wait_indirect_dma semaphore(%arg20 : memref<!tpu.dma_semaphore, #tpu.memory_space<semaphore_mem>>) src(%dma_wait3A_180 : memref<10240x32xf32, #tpu.memory_space<hbm>>) dst(%arg14 : memref<128x32xf32, #tpu.memory_space<vmem>>)
        %mul3A_181 = arith.constant 128 : i32
        %mul3A_182 = arith.muli %add3A_173, %mul3A_181 : i32
        %multiple_of3A_183 = tpu.assume_multiple %mul3A_182, 128 : i32
        %dma_start3A_184 = tpu.memref_slice %arg9[%multiple_of3A_183] : memref<20480xi32, #tpu.memory_space<vmem>> -> memref<128xi32, #tpu.memory_space<vmem>>
        %dma_start3A_185 = arith.constant 0 : i32
        %dma_start3A_186 = arith.constant 0 : i32
        %dma_start3A_187 = tpu.memref_slice %arg15[%dma_start3A_185, %dma_start3A_186] : memref<10240x32xf32, #tpu.memory_space<vmem_shared>> -> memref<10240x32xf32, #tpu.memory_space<vmem_shared>>
        tpu.enqueue_indirect_dma source(%arg14 : memref<128x32xf32, #tpu.memory_space<vmem>>) target(%dma_start3A_187 : memref<10240x32xf32, #tpu.memory_space<vmem_shared>>) offsets(%dma_start3A_184 : memref<128xi32, #tpu.memory_space<vmem>>) semaphore(%arg25 : memref<!tpu.dma_semaphore, #tpu.memory_space<semaphore_mem>>) {add = true}
        %add3A_188 = arith.constant 3 : i32
        %add3A_189 = arith.addi %add3A_173, %add3A_188 : i32
        %sub3A_190 = arith.constant 5 : i32
        %sub3A_191 = arith.subi %add3A_189, %sub3A_190 : i32
        %ge3A_192 = arith.constant 0 : i32
        %ge3A_193 = arith.cmpi sge, %sub3A_191, %ge3A_192 : i32
        %convert_element_type3A_194 = arith.extui %ge3A_193 : i1 to i32
        %cond3A_195 = arith.constant 0 : i32
        %cond3A_196 = arith.cmpi ne, %convert_element_type3A_194, %cond3A_195 : i32
        scf.if %cond3A_196 {
          %mul3A_204 = arith.constant 128 : i32
          %mul3A_205 = arith.muli %sub3A_191, %mul3A_204 : i32
          %multiple_of3A_206 = tpu.assume_multiple %mul3A_205, 128 : i32
          %dma_wait3A_207 = tpu.memref_slice %arg9[%multiple_of3A_206] : memref<20480xi32, #tpu.memory_space<vmem>> -> memref<128xi32, #tpu.memory_space<vmem>>
          %dma_wait3A_208 = arith.constant 0 : i32
          %dma_wait3A_209 = arith.constant 0 : i32
          %dma_wait3A_210 = tpu.memref_slice %arg15[%dma_wait3A_208, %dma_wait3A_209] : memref<10240x32xf32, #tpu.memory_space<vmem_shared>> -> memref<10240x32xf32, #tpu.memory_space<vmem_shared>>
          tpu.wait_indirect_dma semaphore(%arg23 : memref<!tpu.dma_semaphore, #tpu.memory_space<semaphore_mem>>) src(%arg12 : memref<128x32xf32, #tpu.memory_space<vmem>>) dst(%dma_wait3A_210 : memref<10240x32xf32, #tpu.memory_space<vmem_shared>>)
        } else {
        }
        %add3A_197 = arith.constant 3 : i32
        %add3A_198 = arith.addi %add3A_173, %add3A_197 : i32
        %lt3A_199 = arith.constant 160 : i32
        %lt3A_200 = arith.cmpi slt, %add3A_198, %lt3A_199 : i32
        %convert_element_type3A_201 = arith.extui %lt3A_200 : i1 to i32
        %cond3A_202 = arith.constant 0 : i32
        %cond3A_203 = arith.cmpi ne, %convert_element_type3A_201, %cond3A_202 : i32
        scf.if %cond3A_203 {
          %add3A_204 = arith.constant 3 : i32
          %add3A_205 = arith.addi %add3A_173, %add3A_204 : i32
          %mul3A_206 = arith.constant 128 : i32
          %mul3A_207 = arith.muli %add3A_205, %mul3A_206 : i32
          %multiple_of3A_208 = tpu.assume_multiple %mul3A_207, 128 : i32
          %dma_start3A_209 = tpu.memref_slice %arg8[%multiple_of3A_208] : memref<20480xi32, #tpu.memory_space<vmem>> -> memref<128xi32, #tpu.memory_space<vmem>>
          %dma_start3A_210 = arith.constant 0 : i32
          %dma_start3A_211 = arith.constant 0 : i32
          %dma_start3A_212 = tpu.memref_slice %arg3[%dma_start3A_210, %dma_start3A_211] : memref<10240x32xf32, #tpu.memory_space<hbm>> -> memref<10240x32xf32, #tpu.memory_space<hbm>>
          tpu.enqueue_indirect_dma source(%dma_start3A_212 : memref<10240x32xf32, #tpu.memory_space<hbm>>) target(%arg12 : memref<128x32xf32, #tpu.memory_space<vmem>>) offsets(%dma_start3A_209 : memref<128xi32, #tpu.memory_space<vmem>>) semaphore(%arg18 : memref<!tpu.dma_semaphore, #tpu.memory_space<semaphore_mem>>)
        } else {
        }
      }
      %scan3A_32 = arith.constant 32 : i32
      %multiple_of3A_33 = arith.constant 20224 : i32
      %multiple_of3A_34 = tpu.assume_multiple %multiple_of3A_33, 128 : i32
      %dma_wait3A = tpu.memref_slice %arg9[%multiple_of3A_34] : memref<20480xi32, #tpu.memory_space<vmem>> -> memref<128xi32, #tpu.memory_space<vmem>>
      %dma_wait3A_35 = arith.constant 0 : i32
      %dma_wait3A_36 = arith.constant 0 : i32
      %dma_wait3A_37 = tpu.memref_slice %arg15[%dma_wait3A_35, %dma_wait3A_36] : memref<10240x32xf32, #tpu.memory_space<vmem_shared>> -> memref<10240x32xf32, #tpu.memory_space<vmem_shared>>
      tpu.wait_indirect_dma semaphore(%arg24 : memref<!tpu.dma_semaphore, #tpu.memory_space<semaphore_mem>>) src(%arg13 : memref<128x32xf32, #tpu.memory_space<vmem>>) dst(%dma_wait3A_37 : memref<10240x32xf32, #tpu.memory_space<vmem_shared>>)
      %multiple_of3A_38 = arith.constant 20352 : i32
      %multiple_of3A_39 = tpu.assume_multiple %multiple_of3A_38, 128 : i32
      %dma_wait3A_40 = tpu.memref_slice %arg9[%multiple_of3A_39] : memref<20480xi32, #tpu.memory_space<vmem>> -> memref<128xi32, #tpu.memory_space<vmem>>
      %dma_wait3A_41 = arith.constant 0 : i32
      %dma_wait3A_42 = arith.constant 0 : i32
      %dma_wait3A_43 = tpu.memref_slice %arg15[%dma_wait3A_41, %dma_wait3A_42] : memref<10240x32xf32, #tpu.memory_space<vmem_shared>> -> memref<10240x32xf32, #tpu.memory_space<vmem_shared>>
      tpu.wait_indirect_dma semaphore(%arg25 : memref<!tpu.dma_semaphore, #tpu.memory_space<semaphore_mem>>) src(%arg14 : memref<128x32xf32, #tpu.memory_space<vmem>>) dst(%dma_wait3A_43 : memref<10240x32xf32, #tpu.memory_space<vmem_shared>>)
      %barrier3A_44 = arith.constant 0 : index
      tpu.barrier barrier_id(%barrier3A_44)
      "tpu.region"() ({
        %run_scoped3A = tpu.sem_alloc : memref<!tpu.dma_semaphore, #tpu.memory_space<semaphore_mem>>
        %dma_start3A_45 = arith.constant 0 : i32
        %dma_start3A_46 = tpu.memref_slice %arg7[%mul3A_0, %dma_start3A_45] : memref<10240x32xf32, #tpu.memory_space<hbm>> -> memref<640x32xf32, #tpu.memory_space<hbm>>
        %dma_start3A_47 = arith.constant 0 : i32
        %dma_start3A_48 = tpu.memref_slice %arg15[%mul3A_0, %dma_start3A_47] : memref<10240x32xf32, #tpu.memory_space<vmem_shared>> -> memref<640x32xf32, #tpu.memory_space<vmem_shared>>
        tpu.enqueue_dma source(%dma_start3A_48 : memref<640x32xf32, #tpu.memory_space<vmem_shared>>) target(%dma_start3A_46 : memref<640x32xf32, #tpu.memory_space<hbm>>) target_semaphore(%run_scoped3A : memref<!tpu.dma_semaphore, #tpu.memory_space<semaphore_mem>>)
        %dma_wait3A_49 = arith.constant 0 : i32
        %dma_wait3A_50 = tpu.memref_slice %arg7[%mul3A_0, %dma_wait3A_49] : memref<10240x32xf32, #tpu.memory_space<hbm>> -> memref<640x32xf32, #tpu.memory_space<hbm>>
        %dma_wait3A_51 = arith.constant 0 : i32
        %dma_wait3A_52 = tpu.memref_slice %arg15[%mul3A_0, %dma_wait3A_51] : memref<10240x32xf32, #tpu.memory_space<vmem_shared>> -> memref<640x32xf32, #tpu.memory_space<vmem_shared>>
        tpu.wait_dma2 semaphore(%run_scoped3A : memref<!tpu.dma_semaphore, #tpu.memory_space<semaphore_mem>>) src(%dma_wait3A_52 : memref<640x32xf32, #tpu.memory_space<vmem_shared>>) dst(%dma_wait3A_50 : memref<640x32xf32, #tpu.memory_space<hbm>>)
        tpu.yield
      }) : () -> ()
    } else {
    }
    return
  }
}

#map = affine_map<(d0, d1) -> (0, 0)>
#map1 = affine_map<(d0, d1) -> (0)>
module attributes {stable_mosaic.version = 14 : i64} {
  func.func @k(%arg0: i32, %arg1: i32, %arg2: memref<10240x64xf32, #tpu.memory_space<hbm>>, %arg3: memref<10240x64xf32, #tpu.memory_space<hbm>>, %arg4: memref<327680xi32, #tpu.memory_space<hbm>>, %arg5: memref<327680xi32, #tpu.memory_space<hbm>>, %arg6: memref<10240x64xf32, #tpu.memory_space<hbm>>, %arg7: memref<10240x64xf32, #tpu.memory_space<hbm>>, %arg8: memref<20480xi32, #tpu.memory_space<vmem>>, %arg9: memref<20480xi32, #tpu.memory_space<vmem>>, %arg10: memref<128x64xf32, #tpu.memory_space<vmem>>, %arg11: memref<128x64xf32, #tpu.memory_space<vmem>>, %arg12: memref<128x64xf32, #tpu.memory_space<vmem>>, %arg13: memref<128x64xf32, #tpu.memory_space<vmem>>, %arg14: memref<128x64xf32, #tpu.memory_space<vmem>>, %arg15: memref<10240x64xf32, #tpu.memory_space<vmem_shared>>, %arg16: memref<!tpu.dma_semaphore, #tpu.memory_space<semaphore_mem>>, %arg17: memref<!tpu.dma_semaphore, #tpu.memory_space<semaphore_mem>>, %arg18: memref<!tpu.dma_semaphore, #tpu.memory_space<semaphore_mem>>, %arg19: memref<!tpu.dma_semaphore, #tpu.memory_space<semaphore_mem>>, %arg20: memref<!tpu.dma_semaphore, #tpu.memory_space<semaphore_mem>>, %arg21: memref<!tpu.dma_semaphore, #tpu.memory_space<semaphore_mem>>, %arg22: memref<!tpu.dma_semaphore, #tpu.memory_space<semaphore_mem>>, %arg23: memref<!tpu.dma_semaphore, #tpu.memory_space<semaphore_mem>>, %arg24: memref<!tpu.dma_semaphore, #tpu.memory_space<semaphore_mem>>, %arg25: memref<!tpu.dma_semaphore, #tpu.memory_space<semaphore_mem>>) attributes {dimension_semantics = [#tpu.dimension_semantics<core_parallel>, #tpu.dimension_semantics<subcore_parallel>], iteration_bounds = array<i64: 2, 16>, scalar_prefetch = 0 : i64, scratch_operands = 18 : i64, tpu.core_type = #tpu.core_type<sc_vector_subcore>, window_params = [{transform_indices = #map}, {transform_indices = #map}, {transform_indices = #map1}, {transform_indices = #map1}, {transform_indices = #map}, {transform_indices = #map}]} {
    %mul3A = arith.constant 640 : i32
    %mul3A_0 = arith.muli %arg1, %mul3A : i32
    %mul3A_1 = arith.constant 20480 : i32
    %mul3A_2 = arith.muli %arg1, %mul3A_1 : i32
    "tpu.region"() ({
      %run_scoped3A = tpu.sem_alloc : memref<!tpu.dma_semaphore, #tpu.memory_space<semaphore_mem>>
      %dma_start3A = tpu.memref_slice %arg4[%mul3A_2] : memref<327680xi32, #tpu.memory_space<hbm>> -> memref<20480xi32, #tpu.memory_space<hbm>>
      %dma_start3A_12 = tpu.memref_slice %arg4[%mul3A_2] : memref<327680xi32, #tpu.memory_space<hbm>> -> memref<20480xi32, #tpu.memory_space<hbm>>
      tpu.enqueue_dma source(%dma_start3A_12 : memref<20480xi32, #tpu.memory_space<hbm>>) target(%arg8 : memref<20480xi32, #tpu.memory_space<vmem>>) target_semaphore(%run_scoped3A : memref<!tpu.dma_semaphore, #tpu.memory_space<semaphore_mem>>)
      %dma_wait3A = tpu.memref_slice %arg4[%mul3A_2] : memref<327680xi32, #tpu.memory_space<hbm>> -> memref<20480xi32, #tpu.memory_space<hbm>>
      %dma_wait3A_13 = tpu.memref_slice %arg4[%mul3A_2] : memref<327680xi32, #tpu.memory_space<hbm>> -> memref<20480xi32, #tpu.memory_space<hbm>>
      tpu.wait_dma2 semaphore(%run_scoped3A : memref<!tpu.dma_semaphore, #tpu.memory_space<semaphore_mem>>) src(%dma_wait3A_13 : memref<20480xi32, #tpu.memory_space<hbm>>) dst(%arg8 : memref<20480xi32, #tpu.memory_space<vmem>>)
      tpu.yield
    }) : () -> ()
    %mul3A_3 = arith.constant 20480 : i32
    %mul3A_4 = arith.muli %arg1, %mul3A_3 : i32
    "tpu.region"() ({
      %run_scoped3A = tpu.sem_alloc : memref<!tpu.dma_semaphore, #tpu.memory_space<semaphore_mem>>
      %dma_start3A = tpu.memref_slice %arg5[%mul3A_4] : memref<327680xi32, #tpu.memory_space<hbm>> -> memref<20480xi32, #tpu.memory_space<hbm>>
      %dma_start3A_12 = tpu.memref_slice %arg5[%mul3A_4] : memref<327680xi32, #tpu.memory_space<hbm>> -> memref<20480xi32, #tpu.memory_space<hbm>>
      tpu.enqueue_dma source(%dma_start3A_12 : memref<20480xi32, #tpu.memory_space<hbm>>) target(%arg9 : memref<20480xi32, #tpu.memory_space<vmem>>) target_semaphore(%run_scoped3A : memref<!tpu.dma_semaphore, #tpu.memory_space<semaphore_mem>>)
      %dma_wait3A = tpu.memref_slice %arg5[%mul3A_4] : memref<327680xi32, #tpu.memory_space<hbm>> -> memref<20480xi32, #tpu.memory_space<hbm>>
      %dma_wait3A_13 = tpu.memref_slice %arg5[%mul3A_4] : memref<327680xi32, #tpu.memory_space<hbm>> -> memref<20480xi32, #tpu.memory_space<hbm>>
      tpu.wait_dma2 semaphore(%run_scoped3A : memref<!tpu.dma_semaphore, #tpu.memory_space<semaphore_mem>>) src(%dma_wait3A_13 : memref<20480xi32, #tpu.memory_space<hbm>>) dst(%arg9 : memref<20480xi32, #tpu.memory_space<vmem>>)
      tpu.yield
    }) : () -> ()
    %eq3A = arith.constant 0 : i32
    %eq3A_5 = arith.cmpi eq, %arg0, %eq3A : i32
    %convert_element_type3A = arith.extui %eq3A_5 : i1 to i32
    %cond3A = arith.constant 0 : i32
    %cond3A_6 = arith.cmpi ne, %convert_element_type3A, %cond3A : i32
    scf.if %cond3A_6 {
      "tpu.region"() ({
        %run_scoped3A = tpu.sem_alloc : memref<!tpu.dma_semaphore, #tpu.memory_space<semaphore_mem>>
        %dma_start3A_45 = arith.constant 0 : i32
        %dma_start3A_46 = tpu.memref_slice %arg15[%mul3A_0, %dma_start3A_45] : memref<10240x64xf32, #tpu.memory_space<vmem_shared>> -> memref<640x64xf32, #tpu.memory_space<vmem_shared>>
        %dma_start3A_47 = arith.constant 0 : i32
        %dma_start3A_48 = tpu.memref_slice %arg2[%mul3A_0, %dma_start3A_47] : memref<10240x64xf32, #tpu.memory_space<hbm>> -> memref<640x64xf32, #tpu.memory_space<hbm>>
        tpu.enqueue_dma source(%dma_start3A_48 : memref<640x64xf32, #tpu.memory_space<hbm>>) target(%dma_start3A_46 : memref<640x64xf32, #tpu.memory_space<vmem_shared>>) target_semaphore(%run_scoped3A : memref<!tpu.dma_semaphore, #tpu.memory_space<semaphore_mem>>)
        %dma_wait3A_49 = arith.constant 0 : i32
        %dma_wait3A_50 = tpu.memref_slice %arg15[%mul3A_0, %dma_wait3A_49] : memref<10240x64xf32, #tpu.memory_space<vmem_shared>> -> memref<640x64xf32, #tpu.memory_space<vmem_shared>>
        %dma_wait3A_51 = arith.constant 0 : i32
        %dma_wait3A_52 = tpu.memref_slice %arg2[%mul3A_0, %dma_wait3A_51] : memref<10240x64xf32, #tpu.memory_space<hbm>> -> memref<640x64xf32, #tpu.memory_space<hbm>>
        tpu.wait_dma2 semaphore(%run_scoped3A : memref<!tpu.dma_semaphore, #tpu.memory_space<semaphore_mem>>) src(%dma_wait3A_52 : memref<640x64xf32, #tpu.memory_space<hbm>>) dst(%dma_wait3A_50 : memref<640x64xf32, #tpu.memory_space<vmem_shared>>)
        tpu.yield
      }) : () -> ()
      %barrier3A = arith.constant 0 : index
      tpu.barrier barrier_id(%barrier3A)
      %multiple_of3A = arith.constant 0 : i32
      %multiple_of3A_12 = tpu.assume_multiple %multiple_of3A, 128 : i32
      %dma_start3A = tpu.memref_slice %arg8[%multiple_of3A_12] : memref<20480xi32, #tpu.memory_space<vmem>> -> memref<128xi32, #tpu.memory_space<vmem>>
      %dma_start3A_13 = arith.constant 0 : i32
      %dma_start3A_14 = arith.constant 0 : i32
      %dma_start3A_15 = tpu.memref_slice %arg2[%dma_start3A_13, %dma_start3A_14] : memref<10240x64xf32, #tpu.memory_space<hbm>> -> memref<10240x64xf32, #tpu.memory_space<hbm>>
      tpu.enqueue_indirect_dma source(%dma_start3A_15 : memref<10240x64xf32, #tpu.memory_space<hbm>>) target(%arg10 : memref<128x64xf32, #tpu.memory_space<vmem>>) offsets(%dma_start3A : memref<128xi32, #tpu.memory_space<vmem>>) semaphore(%arg16 : memref<!tpu.dma_semaphore, #tpu.memory_space<semaphore_mem>>)
      %multiple_of3A_16 = arith.constant 128 : i32
      %multiple_of3A_17 = tpu.assume_multiple %multiple_of3A_16, 128 : i32
      %dma_start3A_18 = tpu.memref_slice %arg8[%multiple_of3A_17] : memref<20480xi32, #tpu.memory_space<vmem>> -> memref<128xi32, #tpu.memory_space<vmem>>
      %dma_start3A_19 = arith.constant 0 : i32
      %dma_start3A_20 = arith.constant 0 : i32
      %dma_start3A_21 = tpu.memref_slice %arg2[%dma_start3A_19, %dma_start3A_20] : memref<10240x64xf32, #tpu.memory_space<hbm>> -> memref<10240x64xf32, #tpu.memory_space<hbm>>
      tpu.enqueue_indirect_dma source(%dma_start3A_21 : memref<10240x64xf32, #tpu.memory_space<hbm>>) target(%arg11 : memref<128x64xf32, #tpu.memory_space<vmem>>) offsets(%dma_start3A_18 : memref<128xi32, #tpu.memory_space<vmem>>) semaphore(%arg17 : memref<!tpu.dma_semaphore, #tpu.memory_space<semaphore_mem>>)
      %multiple_of3A_22 = arith.constant 256 : i32
      %multiple_of3A_23 = tpu.assume_multiple %multiple_of3A_22, 128 : i32
      %dma_start3A_24 = tpu.memref_slice %arg8[%multiple_of3A_23] : memref<20480xi32, #tpu.memory_space<vmem>> -> memref<128xi32, #tpu.memory_space<vmem>>
      %dma_start3A_25 = arith.constant 0 : i32
      %dma_start3A_26 = arith.constant 0 : i32
      %dma_start3A_27 = tpu.memref_slice %arg2[%dma_start3A_25, %dma_start3A_26] : memref<10240x64xf32, #tpu.memory_space<hbm>> -> memref<10240x64xf32, #tpu.memory_space<hbm>>
      tpu.enqueue_indirect_dma source(%dma_start3A_27 : memref<10240x64xf32, #tpu.memory_space<hbm>>) target(%arg12 : memref<128x64xf32, #tpu.memory_space<vmem>>) offsets(%dma_start3A_24 : memref<128xi32, #tpu.memory_space<vmem>>) semaphore(%arg18 : memref<!tpu.dma_semaphore, #tpu.memory_space<semaphore_mem>>)
      %scan3A = arith.constant 0 : i32
      %scan3A_28 = arith.constant 0 : i32
      %scan3A_29 = arith.constant 32 : i32
      %scan3A_30 = arith.addi %scan3A_28, %scan3A_29 : i32
      %scan3A_31 = arith.constant 1 : i32
      scf.for %scan3A_45 = %scan3A_28 to %scan3A_30 step %scan3A_31  : i32 {
        %mul3A_46 = arith.constant 5 : i32
        %mul3A_47 = arith.muli %scan3A_45, %mul3A_46 : i32
        %add3A = arith.constant 0 : i32
        %add3A_48 = arith.addi %mul3A_47, %add3A : i32
        %mul3A_49 = arith.constant 128 : i32
        %mul3A_50 = arith.muli %add3A_48, %mul3A_49 : i32
        %multiple_of3A_51 = tpu.assume_multiple %mul3A_50, 128 : i32
        %dma_wait3A_52 = tpu.memref_slice %arg8[%multiple_of3A_51] : memref<20480xi32, #tpu.memory_space<vmem>> -> memref<128xi32, #tpu.memory_space<vmem>>
        %dma_wait3A_53 = arith.constant 0 : i32
        %dma_wait3A_54 = arith.constant 0 : i32
        %dma_wait3A_55 = tpu.memref_slice %arg2[%dma_wait3A_53, %dma_wait3A_54] : memref<10240x64xf32, #tpu.memory_space<hbm>> -> memref<10240x64xf32, #tpu.memory_space<hbm>>
        tpu.wait_indirect_dma semaphore(%arg16 : memref<!tpu.dma_semaphore, #tpu.memory_space<semaphore_mem>>) src(%dma_wait3A_55 : memref<10240x64xf32, #tpu.memory_space<hbm>>) dst(%arg10 : memref<128x64xf32, #tpu.memory_space<vmem>>)
        %mul3A_56 = arith.constant 128 : i32
        %mul3A_57 = arith.muli %add3A_48, %mul3A_56 : i32
        %multiple_of3A_58 = tpu.assume_multiple %mul3A_57, 128 : i32
        %dma_start3A_59 = tpu.memref_slice %arg9[%multiple_of3A_58] : memref<20480xi32, #tpu.memory_space<vmem>> -> memref<128xi32, #tpu.memory_space<vmem>>
        %dma_start3A_60 = arith.constant 0 : i32
        %dma_start3A_61 = arith.constant 0 : i32
        %dma_start3A_62 = tpu.memref_slice %arg15[%dma_start3A_60, %dma_start3A_61] : memref<10240x64xf32, #tpu.memory_space<vmem_shared>> -> memref<10240x64xf32, #tpu.memory_space<vmem_shared>>
        tpu.enqueue_indirect_dma source(%arg10 : memref<128x64xf32, #tpu.memory_space<vmem>>) target(%dma_start3A_62 : memref<10240x64xf32, #tpu.memory_space<vmem_shared>>) offsets(%dma_start3A_59 : memref<128xi32, #tpu.memory_space<vmem>>) semaphore(%arg21 : memref<!tpu.dma_semaphore, #tpu.memory_space<semaphore_mem>>) {add = true}
        %add3A_63 = arith.constant 3 : i32
        %add3A_64 = arith.addi %add3A_48, %add3A_63 : i32
        %sub3A = arith.constant 5 : i32
        %sub3A_65 = arith.subi %add3A_64, %sub3A : i32
        %ge3A = arith.constant 0 : i32
        %ge3A_66 = arith.cmpi sge, %sub3A_65, %ge3A : i32
        %convert_element_type3A_67 = arith.extui %ge3A_66 : i1 to i32
        %cond3A_68 = arith.constant 0 : i32
        %cond3A_69 = arith.cmpi ne, %convert_element_type3A_67, %cond3A_68 : i32
        scf.if %cond3A_69 {
          %mul3A_204 = arith.constant 128 : i32
          %mul3A_205 = arith.muli %sub3A_65, %mul3A_204 : i32
          %multiple_of3A_206 = tpu.assume_multiple %mul3A_205, 128 : i32
          %dma_wait3A_207 = tpu.memref_slice %arg9[%multiple_of3A_206] : memref<20480xi32, #tpu.memory_space<vmem>> -> memref<128xi32, #tpu.memory_space<vmem>>
          %dma_wait3A_208 = arith.constant 0 : i32
          %dma_wait3A_209 = arith.constant 0 : i32
          %dma_wait3A_210 = tpu.memref_slice %arg15[%dma_wait3A_208, %dma_wait3A_209] : memref<10240x64xf32, #tpu.memory_space<vmem_shared>> -> memref<10240x64xf32, #tpu.memory_space<vmem_shared>>
          tpu.wait_indirect_dma semaphore(%arg24 : memref<!tpu.dma_semaphore, #tpu.memory_space<semaphore_mem>>) src(%arg13 : memref<128x64xf32, #tpu.memory_space<vmem>>) dst(%dma_wait3A_210 : memref<10240x64xf32, #tpu.memory_space<vmem_shared>>)
        } else {
        }
        %add3A_70 = arith.constant 3 : i32
        %add3A_71 = arith.addi %add3A_48, %add3A_70 : i32
        %lt3A = arith.constant 160 : i32
        %lt3A_72 = arith.cmpi slt, %add3A_71, %lt3A : i32
        %convert_element_type3A_73 = arith.extui %lt3A_72 : i1 to i32
        %cond3A_74 = arith.constant 0 : i32
        %cond3A_75 = arith.cmpi ne, %convert_element_type3A_73, %cond3A_74 : i32
        scf.if %cond3A_75 {
          %add3A_204 = arith.constant 3 : i32
          %add3A_205 = arith.addi %add3A_48, %add3A_204 : i32
          %mul3A_206 = arith.constant 128 : i32
          %mul3A_207 = arith.muli %add3A_205, %mul3A_206 : i32
          %multiple_of3A_208 = tpu.assume_multiple %mul3A_207, 128 : i32
          %dma_start3A_209 = tpu.memref_slice %arg8[%multiple_of3A_208] : memref<20480xi32, #tpu.memory_space<vmem>> -> memref<128xi32, #tpu.memory_space<vmem>>
          %dma_start3A_210 = arith.constant 0 : i32
          %dma_start3A_211 = arith.constant 0 : i32
          %dma_start3A_212 = tpu.memref_slice %arg2[%dma_start3A_210, %dma_start3A_211] : memref<10240x64xf32, #tpu.memory_space<hbm>> -> memref<10240x64xf32, #tpu.memory_space<hbm>>
          tpu.enqueue_indirect_dma source(%dma_start3A_212 : memref<10240x64xf32, #tpu.memory_space<hbm>>) target(%arg13 : memref<128x64xf32, #tpu.memory_space<vmem>>) offsets(%dma_start3A_209 : memref<128xi32, #tpu.memory_space<vmem>>) semaphore(%arg19 : memref<!tpu.dma_semaphore, #tpu.memory_space<semaphore_mem>>)
        } else {
        }
        %add3A_76 = arith.constant 1 : i32
        %add3A_77 = arith.addi %mul3A_47, %add3A_76 : i32
        %mul3A_78 = arith.constant 128 : i32
        %mul3A_79 = arith.muli %add3A_77, %mul3A_78 : i32
        %multiple_of3A_80 = tpu.assume_multiple %mul3A_79, 128 : i32
        %dma_wait3A_81 = tpu.memref_slice %arg8[%multiple_of3A_80] : memref<20480xi32, #tpu.memory_space<vmem>> -> memref<128xi32, #tpu.memory_space<vmem>>
        %dma_wait3A_82 = arith.constant 0 : i32
        %dma_wait3A_83 = arith.constant 0 : i32
        %dma_wait3A_84 = tpu.memref_slice %arg2[%dma_wait3A_82, %dma_wait3A_83] : memref<10240x64xf32, #tpu.memory_space<hbm>> -> memref<10240x64xf32, #tpu.memory_space<hbm>>
        tpu.wait_indirect_dma semaphore(%arg17 : memref<!tpu.dma_semaphore, #tpu.memory_space<semaphore_mem>>) src(%dma_wait3A_84 : memref<10240x64xf32, #tpu.memory_space<hbm>>) dst(%arg11 : memref<128x64xf32, #tpu.memory_space<vmem>>)
        %mul3A_85 = arith.constant 128 : i32
        %mul3A_86 = arith.muli %add3A_77, %mul3A_85 : i32
        %multiple_of3A_87 = tpu.assume_multiple %mul3A_86, 128 : i32
        %dma_start3A_88 = tpu.memref_slice %arg9[%multiple_of3A_87] : memref<20480xi32, #tpu.memory_space<vmem>> -> memref<128xi32, #tpu.memory_space<vmem>>
        %dma_start3A_89 = arith.constant 0 : i32
        %dma_start3A_90 = arith.constant 0 : i32
        %dma_start3A_91 = tpu.memref_slice %arg15[%dma_start3A_89, %dma_start3A_90] : memref<10240x64xf32, #tpu.memory_space<vmem_shared>> -> memref<10240x64xf32, #tpu.memory_space<vmem_shared>>
        tpu.enqueue_indirect_dma source(%arg11 : memref<128x64xf32, #tpu.memory_space<vmem>>) target(%dma_start3A_91 : memref<10240x64xf32, #tpu.memory_space<vmem_shared>>) offsets(%dma_start3A_88 : memref<128xi32, #tpu.memory_space<vmem>>) semaphore(%arg22 : memref<!tpu.dma_semaphore, #tpu.memory_space<semaphore_mem>>) {add = true}
        %add3A_92 = arith.constant 3 : i32
        %add3A_93 = arith.addi %add3A_77, %add3A_92 : i32
        %sub3A_94 = arith.constant 5 : i32
        %sub3A_95 = arith.subi %add3A_93, %sub3A_94 : i32
        %ge3A_96 = arith.constant 0 : i32
        %ge3A_97 = arith.cmpi sge, %sub3A_95, %ge3A_96 : i32
        %convert_element_type3A_98 = arith.extui %ge3A_97 : i1 to i32
        %cond3A_99 = arith.constant 0 : i32
        %cond3A_100 = arith.cmpi ne, %convert_element_type3A_98, %cond3A_99 : i32
        scf.if %cond3A_100 {
          %mul3A_204 = arith.constant 128 : i32
          %mul3A_205 = arith.muli %sub3A_95, %mul3A_204 : i32
          %multiple_of3A_206 = tpu.assume_multiple %mul3A_205, 128 : i32
          %dma_wait3A_207 = tpu.memref_slice %arg9[%multiple_of3A_206] : memref<20480xi32, #tpu.memory_space<vmem>> -> memref<128xi32, #tpu.memory_space<vmem>>
          %dma_wait3A_208 = arith.constant 0 : i32
          %dma_wait3A_209 = arith.constant 0 : i32
          %dma_wait3A_210 = tpu.memref_slice %arg15[%dma_wait3A_208, %dma_wait3A_209] : memref<10240x64xf32, #tpu.memory_space<vmem_shared>> -> memref<10240x64xf32, #tpu.memory_space<vmem_shared>>
          tpu.wait_indirect_dma semaphore(%arg25 : memref<!tpu.dma_semaphore, #tpu.memory_space<semaphore_mem>>) src(%arg14 : memref<128x64xf32, #tpu.memory_space<vmem>>) dst(%dma_wait3A_210 : memref<10240x64xf32, #tpu.memory_space<vmem_shared>>)
        } else {
        }
        %add3A_101 = arith.constant 3 : i32
        %add3A_102 = arith.addi %add3A_77, %add3A_101 : i32
        %lt3A_103 = arith.constant 160 : i32
        %lt3A_104 = arith.cmpi slt, %add3A_102, %lt3A_103 : i32
        %convert_element_type3A_105 = arith.extui %lt3A_104 : i1 to i32
        %cond3A_106 = arith.constant 0 : i32
        %cond3A_107 = arith.cmpi ne, %convert_element_type3A_105, %cond3A_106 : i32
        scf.if %cond3A_107 {
          %add3A_204 = arith.constant 3 : i32
          %add3A_205 = arith.addi %add3A_77, %add3A_204 : i32
          %mul3A_206 = arith.constant 128 : i32
          %mul3A_207 = arith.muli %add3A_205, %mul3A_206 : i32
          %multiple_of3A_208 = tpu.assume_multiple %mul3A_207, 128 : i32
          %dma_start3A_209 = tpu.memref_slice %arg8[%multiple_of3A_208] : memref<20480xi32, #tpu.memory_space<vmem>> -> memref<128xi32, #tpu.memory_space<vmem>>
          %dma_start3A_210 = arith.constant 0 : i32
          %dma_start3A_211 = arith.constant 0 : i32
          %dma_start3A_212 = tpu.memref_slice %arg2[%dma_start3A_210, %dma_start3A_211] : memref<10240x64xf32, #tpu.memory_space<hbm>> -> memref<10240x64xf32, #tpu.memory_space<hbm>>
          tpu.enqueue_indirect_dma source(%dma_start3A_212 : memref<10240x64xf32, #tpu.memory_space<hbm>>) target(%arg14 : memref<128x64xf32, #tpu.memory_space<vmem>>) offsets(%dma_start3A_209 : memref<128xi32, #tpu.memory_space<vmem>>) semaphore(%arg20 : memref<!tpu.dma_semaphore, #tpu.memory_space<semaphore_mem>>)
        } else {
        }
        %add3A_108 = arith.constant 2 : i32
        %add3A_109 = arith.addi %mul3A_47, %add3A_108 : i32
        %mul3A_110 = arith.constant 128 : i32
        %mul3A_111 = arith.muli %add3A_109, %mul3A_110 : i32
        %multiple_of3A_112 = tpu.assume_multiple %mul3A_111, 128 : i32
        %dma_wait3A_113 = tpu.memref_slice %arg8[%multiple_of3A_112] : memref<20480xi32, #tpu.memory_space<vmem>> -> memref<128xi32, #tpu.memory_space<vmem>>
        %dma_wait3A_114 = arith.constant 0 : i32
        %dma_wait3A_115 = arith.constant 0 : i32
        %dma_wait3A_116 = tpu.memref_slice %arg2[%dma_wait3A_114, %dma_wait3A_115] : memref<10240x64xf32, #tpu.memory_space<hbm>> -> memref<10240x64xf32, #tpu.memory_space<hbm>>
        tpu.wait_indirect_dma semaphore(%arg18 : memref<!tpu.dma_semaphore, #tpu.memory_space<semaphore_mem>>) src(%dma_wait3A_116 : memref<10240x64xf32, #tpu.memory_space<hbm>>) dst(%arg12 : memref<128x64xf32, #tpu.memory_space<vmem>>)
        %mul3A_117 = arith.constant 128 : i32
        %mul3A_118 = arith.muli %add3A_109, %mul3A_117 : i32
        %multiple_of3A_119 = tpu.assume_multiple %mul3A_118, 128 : i32
        %dma_start3A_120 = tpu.memref_slice %arg9[%multiple_of3A_119] : memref<20480xi32, #tpu.memory_space<vmem>> -> memref<128xi32, #tpu.memory_space<vmem>>
        %dma_start3A_121 = arith.constant 0 : i32
        %dma_start3A_122 = arith.constant 0 : i32
        %dma_start3A_123 = tpu.memref_slice %arg15[%dma_start3A_121, %dma_start3A_122] : memref<10240x64xf32, #tpu.memory_space<vmem_shared>> -> memref<10240x64xf32, #tpu.memory_space<vmem_shared>>
        tpu.enqueue_indirect_dma source(%arg12 : memref<128x64xf32, #tpu.memory_space<vmem>>) target(%dma_start3A_123 : memref<10240x64xf32, #tpu.memory_space<vmem_shared>>) offsets(%dma_start3A_120 : memref<128xi32, #tpu.memory_space<vmem>>) semaphore(%arg23 : memref<!tpu.dma_semaphore, #tpu.memory_space<semaphore_mem>>) {add = true}
        %add3A_124 = arith.constant 3 : i32
        %add3A_125 = arith.addi %add3A_109, %add3A_124 : i32
        %sub3A_126 = arith.constant 5 : i32
        %sub3A_127 = arith.subi %add3A_125, %sub3A_126 : i32
        %ge3A_128 = arith.constant 0 : i32
        %ge3A_129 = arith.cmpi sge, %sub3A_127, %ge3A_128 : i32
        %convert_element_type3A_130 = arith.extui %ge3A_129 : i1 to i32
        %cond3A_131 = arith.constant 0 : i32
        %cond3A_132 = arith.cmpi ne, %convert_element_type3A_130, %cond3A_131 : i32
        scf.if %cond3A_132 {
          %mul3A_204 = arith.constant 128 : i32
          %mul3A_205 = arith.muli %sub3A_127, %mul3A_204 : i32
          %multiple_of3A_206 = tpu.assume_multiple %mul3A_205, 128 : i32
          %dma_wait3A_207 = tpu.memref_slice %arg9[%multiple_of3A_206] : memref<20480xi32, #tpu.memory_space<vmem>> -> memref<128xi32, #tpu.memory_space<vmem>>
          %dma_wait3A_208 = arith.constant 0 : i32
          %dma_wait3A_209 = arith.constant 0 : i32
          %dma_wait3A_210 = tpu.memref_slice %arg15[%dma_wait3A_208, %dma_wait3A_209] : memref<10240x64xf32, #tpu.memory_space<vmem_shared>> -> memref<10240x64xf32, #tpu.memory_space<vmem_shared>>
          tpu.wait_indirect_dma semaphore(%arg21 : memref<!tpu.dma_semaphore, #tpu.memory_space<semaphore_mem>>) src(%arg10 : memref<128x64xf32, #tpu.memory_space<vmem>>) dst(%dma_wait3A_210 : memref<10240x64xf32, #tpu.memory_space<vmem_shared>>)
        } else {
        }
        %add3A_133 = arith.constant 3 : i32
        %add3A_134 = arith.addi %add3A_109, %add3A_133 : i32
        %lt3A_135 = arith.constant 160 : i32
        %lt3A_136 = arith.cmpi slt, %add3A_134, %lt3A_135 : i32
        %convert_element_type3A_137 = arith.extui %lt3A_136 : i1 to i32
        %cond3A_138 = arith.constant 0 : i32
        %cond3A_139 = arith.cmpi ne, %convert_element_type3A_137, %cond3A_138 : i32
        scf.if %cond3A_139 {
          %add3A_204 = arith.constant 3 : i32
          %add3A_205 = arith.addi %add3A_109, %add3A_204 : i32
          %mul3A_206 = arith.constant 128 : i32
          %mul3A_207 = arith.muli %add3A_205, %mul3A_206 : i32
          %multiple_of3A_208 = tpu.assume_multiple %mul3A_207, 128 : i32
          %dma_start3A_209 = tpu.memref_slice %arg8[%multiple_of3A_208] : memref<20480xi32, #tpu.memory_space<vmem>> -> memref<128xi32, #tpu.memory_space<vmem>>
          %dma_start3A_210 = arith.constant 0 : i32
          %dma_start3A_211 = arith.constant 0 : i32
          %dma_start3A_212 = tpu.memref_slice %arg2[%dma_start3A_210, %dma_start3A_211] : memref<10240x64xf32, #tpu.memory_space<hbm>> -> memref<10240x64xf32, #tpu.memory_space<hbm>>
          tpu.enqueue_indirect_dma source(%dma_start3A_212 : memref<10240x64xf32, #tpu.memory_space<hbm>>) target(%arg10 : memref<128x64xf32, #tpu.memory_space<vmem>>) offsets(%dma_start3A_209 : memref<128xi32, #tpu.memory_space<vmem>>) semaphore(%arg16 : memref<!tpu.dma_semaphore, #tpu.memory_space<semaphore_mem>>)
        } else {
        }
        %add3A_140 = arith.constant 3 : i32
        %add3A_141 = arith.addi %mul3A_47, %add3A_140 : i32
        %mul3A_142 = arith.constant 128 : i32
        %mul3A_143 = arith.muli %add3A_141, %mul3A_142 : i32
        %multiple_of3A_144 = tpu.assume_multiple %mul3A_143, 128 : i32
        %dma_wait3A_145 = tpu.memref_slice %arg8[%multiple_of3A_144] : memref<20480xi32, #tpu.memory_space<vmem>> -> memref<128xi32, #tpu.memory_space<vmem>>
        %dma_wait3A_146 = arith.constant 0 : i32
        %dma_wait3A_147 = arith.constant 0 : i32
        %dma_wait3A_148 = tpu.memref_slice %arg2[%dma_wait3A_146, %dma_wait3A_147] : memref<10240x64xf32, #tpu.memory_space<hbm>> -> memref<10240x64xf32, #tpu.memory_space<hbm>>
        tpu.wait_indirect_dma semaphore(%arg19 : memref<!tpu.dma_semaphore, #tpu.memory_space<semaphore_mem>>) src(%dma_wait3A_148 : memref<10240x64xf32, #tpu.memory_space<hbm>>) dst(%arg13 : memref<128x64xf32, #tpu.memory_space<vmem>>)
        %mul3A_149 = arith.constant 128 : i32
        %mul3A_150 = arith.muli %add3A_141, %mul3A_149 : i32
        %multiple_of3A_151 = tpu.assume_multiple %mul3A_150, 128 : i32
        %dma_start3A_152 = tpu.memref_slice %arg9[%multiple_of3A_151] : memref<20480xi32, #tpu.memory_space<vmem>> -> memref<128xi32, #tpu.memory_space<vmem>>
        %dma_start3A_153 = arith.constant 0 : i32
        %dma_start3A_154 = arith.constant 0 : i32
        %dma_start3A_155 = tpu.memref_slice %arg15[%dma_start3A_153, %dma_start3A_154] : memref<10240x64xf32, #tpu.memory_space<vmem_shared>> -> memref<10240x64xf32, #tpu.memory_space<vmem_shared>>
        tpu.enqueue_indirect_dma source(%arg13 : memref<128x64xf32, #tpu.memory_space<vmem>>) target(%dma_start3A_155 : memref<10240x64xf32, #tpu.memory_space<vmem_shared>>) offsets(%dma_start3A_152 : memref<128xi32, #tpu.memory_space<vmem>>) semaphore(%arg24 : memref<!tpu.dma_semaphore, #tpu.memory_space<semaphore_mem>>) {add = true}
        %add3A_156 = arith.constant 3 : i32
        %add3A_157 = arith.addi %add3A_141, %add3A_156 : i32
        %sub3A_158 = arith.constant 5 : i32
        %sub3A_159 = arith.subi %add3A_157, %sub3A_158 : i32
        %ge3A_160 = arith.constant 0 : i32
        %ge3A_161 = arith.cmpi sge, %sub3A_159, %ge3A_160 : i32
        %convert_element_type3A_162 = arith.extui %ge3A_161 : i1 to i32
        %cond3A_163 = arith.constant 0 : i32
        %cond3A_164 = arith.cmpi ne, %convert_element_type3A_162, %cond3A_163 : i32
        scf.if %cond3A_164 {
          %mul3A_204 = arith.constant 128 : i32
          %mul3A_205 = arith.muli %sub3A_159, %mul3A_204 : i32
          %multiple_of3A_206 = tpu.assume_multiple %mul3A_205, 128 : i32
          %dma_wait3A_207 = tpu.memref_slice %arg9[%multiple_of3A_206] : memref<20480xi32, #tpu.memory_space<vmem>> -> memref<128xi32, #tpu.memory_space<vmem>>
          %dma_wait3A_208 = arith.constant 0 : i32
          %dma_wait3A_209 = arith.constant 0 : i32
          %dma_wait3A_210 = tpu.memref_slice %arg15[%dma_wait3A_208, %dma_wait3A_209] : memref<10240x64xf32, #tpu.memory_space<vmem_shared>> -> memref<10240x64xf32, #tpu.memory_space<vmem_shared>>
          tpu.wait_indirect_dma semaphore(%arg22 : memref<!tpu.dma_semaphore, #tpu.memory_space<semaphore_mem>>) src(%arg11 : memref<128x64xf32, #tpu.memory_space<vmem>>) dst(%dma_wait3A_210 : memref<10240x64xf32, #tpu.memory_space<vmem_shared>>)
        } else {
        }
        %add3A_165 = arith.constant 3 : i32
        %add3A_166 = arith.addi %add3A_141, %add3A_165 : i32
        %lt3A_167 = arith.constant 160 : i32
        %lt3A_168 = arith.cmpi slt, %add3A_166, %lt3A_167 : i32
        %convert_element_type3A_169 = arith.extui %lt3A_168 : i1 to i32
        %cond3A_170 = arith.constant 0 : i32
        %cond3A_171 = arith.cmpi ne, %convert_element_type3A_169, %cond3A_170 : i32
        scf.if %cond3A_171 {
          %add3A_204 = arith.constant 3 : i32
          %add3A_205 = arith.addi %add3A_141, %add3A_204 : i32
          %mul3A_206 = arith.constant 128 : i32
          %mul3A_207 = arith.muli %add3A_205, %mul3A_206 : i32
          %multiple_of3A_208 = tpu.assume_multiple %mul3A_207, 128 : i32
          %dma_start3A_209 = tpu.memref_slice %arg8[%multiple_of3A_208] : memref<20480xi32, #tpu.memory_space<vmem>> -> memref<128xi32, #tpu.memory_space<vmem>>
          %dma_start3A_210 = arith.constant 0 : i32
          %dma_start3A_211 = arith.constant 0 : i32
          %dma_start3A_212 = tpu.memref_slice %arg2[%dma_start3A_210, %dma_start3A_211] : memref<10240x64xf32, #tpu.memory_space<hbm>> -> memref<10240x64xf32, #tpu.memory_space<hbm>>
          tpu.enqueue_indirect_dma source(%dma_start3A_212 : memref<10240x64xf32, #tpu.memory_space<hbm>>) target(%arg11 : memref<128x64xf32, #tpu.memory_space<vmem>>) offsets(%dma_start3A_209 : memref<128xi32, #tpu.memory_space<vmem>>) semaphore(%arg17 : memref<!tpu.dma_semaphore, #tpu.memory_space<semaphore_mem>>)
        } else {
        }
        %add3A_172 = arith.constant 4 : i32
        %add3A_173 = arith.addi %mul3A_47, %add3A_172 : i32
        %mul3A_174 = arith.constant 128 : i32
        %mul3A_175 = arith.muli %add3A_173, %mul3A_174 : i32
        %multiple_of3A_176 = tpu.assume_multiple %mul3A_175, 128 : i32
        %dma_wait3A_177 = tpu.memref_slice %arg8[%multiple_of3A_176] : memref<20480xi32, #tpu.memory_space<vmem>> -> memref<128xi32, #tpu.memory_space<vmem>>
        %dma_wait3A_178 = arith.constant 0 : i32
        %dma_wait3A_179 = arith.constant 0 : i32
        %dma_wait3A_180 = tpu.memref_slice %arg2[%dma_wait3A_178, %dma_wait3A_179] : memref<10240x64xf32, #tpu.memory_space<hbm>> -> memref<10240x64xf32, #tpu.memory_space<hbm>>
        tpu.wait_indirect_dma semaphore(%arg20 : memref<!tpu.dma_semaphore, #tpu.memory_space<semaphore_mem>>) src(%dma_wait3A_180 : memref<10240x64xf32, #tpu.memory_space<hbm>>) dst(%arg14 : memref<128x64xf32, #tpu.memory_space<vmem>>)
        %mul3A_181 = arith.constant 128 : i32
        %mul3A_182 = arith.muli %add3A_173, %mul3A_181 : i32
        %multiple_of3A_183 = tpu.assume_multiple %mul3A_182, 128 : i32
        %dma_start3A_184 = tpu.memref_slice %arg9[%multiple_of3A_183] : memref<20480xi32, #tpu.memory_space<vmem>> -> memref<128xi32, #tpu.memory_space<vmem>>
        %dma_start3A_185 = arith.constant 0 : i32
        %dma_start3A_186 = arith.constant 0 : i32
        %dma_start3A_187 = tpu.memref_slice %arg15[%dma_start3A_185, %dma_start3A_186] : memref<10240x64xf32, #tpu.memory_space<vmem_shared>> -> memref<10240x64xf32, #tpu.memory_space<vmem_shared>>
        tpu.enqueue_indirect_dma source(%arg14 : memref<128x64xf32, #tpu.memory_space<vmem>>) target(%dma_start3A_187 : memref<10240x64xf32, #tpu.memory_space<vmem_shared>>) offsets(%dma_start3A_184 : memref<128xi32, #tpu.memory_space<vmem>>) semaphore(%arg25 : memref<!tpu.dma_semaphore, #tpu.memory_space<semaphore_mem>>) {add = true}
        %add3A_188 = arith.constant 3 : i32
        %add3A_189 = arith.addi %add3A_173, %add3A_188 : i32
        %sub3A_190 = arith.constant 5 : i32
        %sub3A_191 = arith.subi %add3A_189, %sub3A_190 : i32
        %ge3A_192 = arith.constant 0 : i32
        %ge3A_193 = arith.cmpi sge, %sub3A_191, %ge3A_192 : i32
        %convert_element_type3A_194 = arith.extui %ge3A_193 : i1 to i32
        %cond3A_195 = arith.constant 0 : i32
        %cond3A_196 = arith.cmpi ne, %convert_element_type3A_194, %cond3A_195 : i32
        scf.if %cond3A_196 {
          %mul3A_204 = arith.constant 128 : i32
          %mul3A_205 = arith.muli %sub3A_191, %mul3A_204 : i32
          %multiple_of3A_206 = tpu.assume_multiple %mul3A_205, 128 : i32
          %dma_wait3A_207 = tpu.memref_slice %arg9[%multiple_of3A_206] : memref<20480xi32, #tpu.memory_space<vmem>> -> memref<128xi32, #tpu.memory_space<vmem>>
          %dma_wait3A_208 = arith.constant 0 : i32
          %dma_wait3A_209 = arith.constant 0 : i32
          %dma_wait3A_210 = tpu.memref_slice %arg15[%dma_wait3A_208, %dma_wait3A_209] : memref<10240x64xf32, #tpu.memory_space<vmem_shared>> -> memref<10240x64xf32, #tpu.memory_space<vmem_shared>>
          tpu.wait_indirect_dma semaphore(%arg23 : memref<!tpu.dma_semaphore, #tpu.memory_space<semaphore_mem>>) src(%arg12 : memref<128x64xf32, #tpu.memory_space<vmem>>) dst(%dma_wait3A_210 : memref<10240x64xf32, #tpu.memory_space<vmem_shared>>)
        } else {
        }
        %add3A_197 = arith.constant 3 : i32
        %add3A_198 = arith.addi %add3A_173, %add3A_197 : i32
        %lt3A_199 = arith.constant 160 : i32
        %lt3A_200 = arith.cmpi slt, %add3A_198, %lt3A_199 : i32
        %convert_element_type3A_201 = arith.extui %lt3A_200 : i1 to i32
        %cond3A_202 = arith.constant 0 : i32
        %cond3A_203 = arith.cmpi ne, %convert_element_type3A_201, %cond3A_202 : i32
        scf.if %cond3A_203 {
          %add3A_204 = arith.constant 3 : i32
          %add3A_205 = arith.addi %add3A_173, %add3A_204 : i32
          %mul3A_206 = arith.constant 128 : i32
          %mul3A_207 = arith.muli %add3A_205, %mul3A_206 : i32
          %multiple_of3A_208 = tpu.assume_multiple %mul3A_207, 128 : i32
          %dma_start3A_209 = tpu.memref_slice %arg8[%multiple_of3A_208] : memref<20480xi32, #tpu.memory_space<vmem>> -> memref<128xi32, #tpu.memory_space<vmem>>
          %dma_start3A_210 = arith.constant 0 : i32
          %dma_start3A_211 = arith.constant 0 : i32
          %dma_start3A_212 = tpu.memref_slice %arg2[%dma_start3A_210, %dma_start3A_211] : memref<10240x64xf32, #tpu.memory_space<hbm>> -> memref<10240x64xf32, #tpu.memory_space<hbm>>
          tpu.enqueue_indirect_dma source(%dma_start3A_212 : memref<10240x64xf32, #tpu.memory_space<hbm>>) target(%arg12 : memref<128x64xf32, #tpu.memory_space<vmem>>) offsets(%dma_start3A_209 : memref<128xi32, #tpu.memory_space<vmem>>) semaphore(%arg18 : memref<!tpu.dma_semaphore, #tpu.memory_space<semaphore_mem>>)
        } else {
        }
      }
      %scan3A_32 = arith.constant 32 : i32
      %multiple_of3A_33 = arith.constant 20224 : i32
      %multiple_of3A_34 = tpu.assume_multiple %multiple_of3A_33, 128 : i32
      %dma_wait3A = tpu.memref_slice %arg9[%multiple_of3A_34] : memref<20480xi32, #tpu.memory_space<vmem>> -> memref<128xi32, #tpu.memory_space<vmem>>
      %dma_wait3A_35 = arith.constant 0 : i32
      %dma_wait3A_36 = arith.constant 0 : i32
      %dma_wait3A_37 = tpu.memref_slice %arg15[%dma_wait3A_35, %dma_wait3A_36] : memref<10240x64xf32, #tpu.memory_space<vmem_shared>> -> memref<10240x64xf32, #tpu.memory_space<vmem_shared>>
      tpu.wait_indirect_dma semaphore(%arg24 : memref<!tpu.dma_semaphore, #tpu.memory_space<semaphore_mem>>) src(%arg13 : memref<128x64xf32, #tpu.memory_space<vmem>>) dst(%dma_wait3A_37 : memref<10240x64xf32, #tpu.memory_space<vmem_shared>>)
      %multiple_of3A_38 = arith.constant 20352 : i32
      %multiple_of3A_39 = tpu.assume_multiple %multiple_of3A_38, 128 : i32
      %dma_wait3A_40 = tpu.memref_slice %arg9[%multiple_of3A_39] : memref<20480xi32, #tpu.memory_space<vmem>> -> memref<128xi32, #tpu.memory_space<vmem>>
      %dma_wait3A_41 = arith.constant 0 : i32
      %dma_wait3A_42 = arith.constant 0 : i32
      %dma_wait3A_43 = tpu.memref_slice %arg15[%dma_wait3A_41, %dma_wait3A_42] : memref<10240x64xf32, #tpu.memory_space<vmem_shared>> -> memref<10240x64xf32, #tpu.memory_space<vmem_shared>>
      tpu.wait_indirect_dma semaphore(%arg25 : memref<!tpu.dma_semaphore, #tpu.memory_space<semaphore_mem>>) src(%arg14 : memref<128x64xf32, #tpu.memory_space<vmem>>) dst(%dma_wait3A_43 : memref<10240x64xf32, #tpu.memory_space<vmem_shared>>)
      %barrier3A_44 = arith.constant 0 : index
      tpu.barrier barrier_id(%barrier3A_44)
      "tpu.region"() ({
        %run_scoped3A = tpu.sem_alloc : memref<!tpu.dma_semaphore, #tpu.memory_space<semaphore_mem>>
        %dma_start3A_45 = arith.constant 0 : i32
        %dma_start3A_46 = tpu.memref_slice %arg6[%mul3A_0, %dma_start3A_45] : memref<10240x64xf32, #tpu.memory_space<hbm>> -> memref<640x64xf32, #tpu.memory_space<hbm>>
        %dma_start3A_47 = arith.constant 0 : i32
        %dma_start3A_48 = tpu.memref_slice %arg15[%mul3A_0, %dma_start3A_47] : memref<10240x64xf32, #tpu.memory_space<vmem_shared>> -> memref<640x64xf32, #tpu.memory_space<vmem_shared>>
        tpu.enqueue_dma source(%dma_start3A_48 : memref<640x64xf32, #tpu.memory_space<vmem_shared>>) target(%dma_start3A_46 : memref<640x64xf32, #tpu.memory_space<hbm>>) target_semaphore(%run_scoped3A : memref<!tpu.dma_semaphore, #tpu.memory_space<semaphore_mem>>)
        %dma_wait3A_49 = arith.constant 0 : i32
        %dma_wait3A_50 = tpu.memref_slice %arg6[%mul3A_0, %dma_wait3A_49] : memref<10240x64xf32, #tpu.memory_space<hbm>> -> memref<640x64xf32, #tpu.memory_space<hbm>>
        %dma_wait3A_51 = arith.constant 0 : i32
        %dma_wait3A_52 = tpu.memref_slice %arg15[%mul3A_0, %dma_wait3A_51] : memref<10240x64xf32, #tpu.memory_space<vmem_shared>> -> memref<640x64xf32, #tpu.memory_space<vmem_shared>>
        tpu.wait_dma2 semaphore(%run_scoped3A : memref<!tpu.dma_semaphore, #tpu.memory_space<semaphore_mem>>) src(%dma_wait3A_52 : memref<640x64xf32, #tpu.memory_space<vmem_shared>>) dst(%dma_wait3A_50 : memref<640x64xf32, #tpu.memory_space<hbm>>)
        tpu.yield
      }) : () -> ()
    } else {
    }
    %eq3A_7 = arith.constant 1 : i32
    %eq3A_8 = arith.cmpi eq, %arg0, %eq3A_7 : i32
    %convert_element_type3A_9 = arith.extui %eq3A_8 : i1 to i32
    %cond3A_10 = arith.constant 0 : i32
    %cond3A_11 = arith.cmpi ne, %convert_element_type3A_9, %cond3A_10 : i32
    scf.if %cond3A_11 {
      "tpu.region"() ({
        %run_scoped3A = tpu.sem_alloc : memref<!tpu.dma_semaphore, #tpu.memory_space<semaphore_mem>>
        %dma_start3A_45 = arith.constant 0 : i32
        %dma_start3A_46 = tpu.memref_slice %arg15[%mul3A_0, %dma_start3A_45] : memref<10240x64xf32, #tpu.memory_space<vmem_shared>> -> memref<640x64xf32, #tpu.memory_space<vmem_shared>>
        %dma_start3A_47 = arith.constant 0 : i32
        %dma_start3A_48 = tpu.memref_slice %arg3[%mul3A_0, %dma_start3A_47] : memref<10240x64xf32, #tpu.memory_space<hbm>> -> memref<640x64xf32, #tpu.memory_space<hbm>>
        tpu.enqueue_dma source(%dma_start3A_48 : memref<640x64xf32, #tpu.memory_space<hbm>>) target(%dma_start3A_46 : memref<640x64xf32, #tpu.memory_space<vmem_shared>>) target_semaphore(%run_scoped3A : memref<!tpu.dma_semaphore, #tpu.memory_space<semaphore_mem>>)
        %dma_wait3A_49 = arith.constant 0 : i32
        %dma_wait3A_50 = tpu.memref_slice %arg15[%mul3A_0, %dma_wait3A_49] : memref<10240x64xf32, #tpu.memory_space<vmem_shared>> -> memref<640x64xf32, #tpu.memory_space<vmem_shared>>
        %dma_wait3A_51 = arith.constant 0 : i32
        %dma_wait3A_52 = tpu.memref_slice %arg3[%mul3A_0, %dma_wait3A_51] : memref<10240x64xf32, #tpu.memory_space<hbm>> -> memref<640x64xf32, #tpu.memory_space<hbm>>
        tpu.wait_dma2 semaphore(%run_scoped3A : memref<!tpu.dma_semaphore, #tpu.memory_space<semaphore_mem>>) src(%dma_wait3A_52 : memref<640x64xf32, #tpu.memory_space<hbm>>) dst(%dma_wait3A_50 : memref<640x64xf32, #tpu.memory_space<vmem_shared>>)
        tpu.yield
      }) : () -> ()
      %barrier3A = arith.constant 0 : index
      tpu.barrier barrier_id(%barrier3A)
      %multiple_of3A = arith.constant 0 : i32
      %multiple_of3A_12 = tpu.assume_multiple %multiple_of3A, 128 : i32
      %dma_start3A = tpu.memref_slice %arg8[%multiple_of3A_12] : memref<20480xi32, #tpu.memory_space<vmem>> -> memref<128xi32, #tpu.memory_space<vmem>>
      %dma_start3A_13 = arith.constant 0 : i32
      %dma_start3A_14 = arith.constant 0 : i32
      %dma_start3A_15 = tpu.memref_slice %arg3[%dma_start3A_13, %dma_start3A_14] : memref<10240x64xf32, #tpu.memory_space<hbm>> -> memref<10240x64xf32, #tpu.memory_space<hbm>>
      tpu.enqueue_indirect_dma source(%dma_start3A_15 : memref<10240x64xf32, #tpu.memory_space<hbm>>) target(%arg10 : memref<128x64xf32, #tpu.memory_space<vmem>>) offsets(%dma_start3A : memref<128xi32, #tpu.memory_space<vmem>>) semaphore(%arg16 : memref<!tpu.dma_semaphore, #tpu.memory_space<semaphore_mem>>)
      %multiple_of3A_16 = arith.constant 128 : i32
      %multiple_of3A_17 = tpu.assume_multiple %multiple_of3A_16, 128 : i32
      %dma_start3A_18 = tpu.memref_slice %arg8[%multiple_of3A_17] : memref<20480xi32, #tpu.memory_space<vmem>> -> memref<128xi32, #tpu.memory_space<vmem>>
      %dma_start3A_19 = arith.constant 0 : i32
      %dma_start3A_20 = arith.constant 0 : i32
      %dma_start3A_21 = tpu.memref_slice %arg3[%dma_start3A_19, %dma_start3A_20] : memref<10240x64xf32, #tpu.memory_space<hbm>> -> memref<10240x64xf32, #tpu.memory_space<hbm>>
      tpu.enqueue_indirect_dma source(%dma_start3A_21 : memref<10240x64xf32, #tpu.memory_space<hbm>>) target(%arg11 : memref<128x64xf32, #tpu.memory_space<vmem>>) offsets(%dma_start3A_18 : memref<128xi32, #tpu.memory_space<vmem>>) semaphore(%arg17 : memref<!tpu.dma_semaphore, #tpu.memory_space<semaphore_mem>>)
      %multiple_of3A_22 = arith.constant 256 : i32
      %multiple_of3A_23 = tpu.assume_multiple %multiple_of3A_22, 128 : i32
      %dma_start3A_24 = tpu.memref_slice %arg8[%multiple_of3A_23] : memref<20480xi32, #tpu.memory_space<vmem>> -> memref<128xi32, #tpu.memory_space<vmem>>
      %dma_start3A_25 = arith.constant 0 : i32
      %dma_start3A_26 = arith.constant 0 : i32
      %dma_start3A_27 = tpu.memref_slice %arg3[%dma_start3A_25, %dma_start3A_26] : memref<10240x64xf32, #tpu.memory_space<hbm>> -> memref<10240x64xf32, #tpu.memory_space<hbm>>
      tpu.enqueue_indirect_dma source(%dma_start3A_27 : memref<10240x64xf32, #tpu.memory_space<hbm>>) target(%arg12 : memref<128x64xf32, #tpu.memory_space<vmem>>) offsets(%dma_start3A_24 : memref<128xi32, #tpu.memory_space<vmem>>) semaphore(%arg18 : memref<!tpu.dma_semaphore, #tpu.memory_space<semaphore_mem>>)
      %scan3A = arith.constant 0 : i32
      %scan3A_28 = arith.constant 0 : i32
      %scan3A_29 = arith.constant 32 : i32
      %scan3A_30 = arith.addi %scan3A_28, %scan3A_29 : i32
      %scan3A_31 = arith.constant 1 : i32
      scf.for %scan3A_45 = %scan3A_28 to %scan3A_30 step %scan3A_31  : i32 {
        %mul3A_46 = arith.constant 5 : i32
        %mul3A_47 = arith.muli %scan3A_45, %mul3A_46 : i32
        %add3A = arith.constant 0 : i32
        %add3A_48 = arith.addi %mul3A_47, %add3A : i32
        %mul3A_49 = arith.constant 128 : i32
        %mul3A_50 = arith.muli %add3A_48, %mul3A_49 : i32
        %multiple_of3A_51 = tpu.assume_multiple %mul3A_50, 128 : i32
        %dma_wait3A_52 = tpu.memref_slice %arg8[%multiple_of3A_51] : memref<20480xi32, #tpu.memory_space<vmem>> -> memref<128xi32, #tpu.memory_space<vmem>>
        %dma_wait3A_53 = arith.constant 0 : i32
        %dma_wait3A_54 = arith.constant 0 : i32
        %dma_wait3A_55 = tpu.memref_slice %arg3[%dma_wait3A_53, %dma_wait3A_54] : memref<10240x64xf32, #tpu.memory_space<hbm>> -> memref<10240x64xf32, #tpu.memory_space<hbm>>
        tpu.wait_indirect_dma semaphore(%arg16 : memref<!tpu.dma_semaphore, #tpu.memory_space<semaphore_mem>>) src(%dma_wait3A_55 : memref<10240x64xf32, #tpu.memory_space<hbm>>) dst(%arg10 : memref<128x64xf32, #tpu.memory_space<vmem>>)
        %mul3A_56 = arith.constant 128 : i32
        %mul3A_57 = arith.muli %add3A_48, %mul3A_56 : i32
        %multiple_of3A_58 = tpu.assume_multiple %mul3A_57, 128 : i32
        %dma_start3A_59 = tpu.memref_slice %arg9[%multiple_of3A_58] : memref<20480xi32, #tpu.memory_space<vmem>> -> memref<128xi32, #tpu.memory_space<vmem>>
        %dma_start3A_60 = arith.constant 0 : i32
        %dma_start3A_61 = arith.constant 0 : i32
        %dma_start3A_62 = tpu.memref_slice %arg15[%dma_start3A_60, %dma_start3A_61] : memref<10240x64xf32, #tpu.memory_space<vmem_shared>> -> memref<10240x64xf32, #tpu.memory_space<vmem_shared>>
        tpu.enqueue_indirect_dma source(%arg10 : memref<128x64xf32, #tpu.memory_space<vmem>>) target(%dma_start3A_62 : memref<10240x64xf32, #tpu.memory_space<vmem_shared>>) offsets(%dma_start3A_59 : memref<128xi32, #tpu.memory_space<vmem>>) semaphore(%arg21 : memref<!tpu.dma_semaphore, #tpu.memory_space<semaphore_mem>>) {add = true}
        %add3A_63 = arith.constant 3 : i32
        %add3A_64 = arith.addi %add3A_48, %add3A_63 : i32
        %sub3A = arith.constant 5 : i32
        %sub3A_65 = arith.subi %add3A_64, %sub3A : i32
        %ge3A = arith.constant 0 : i32
        %ge3A_66 = arith.cmpi sge, %sub3A_65, %ge3A : i32
        %convert_element_type3A_67 = arith.extui %ge3A_66 : i1 to i32
        %cond3A_68 = arith.constant 0 : i32
        %cond3A_69 = arith.cmpi ne, %convert_element_type3A_67, %cond3A_68 : i32
        scf.if %cond3A_69 {
          %mul3A_204 = arith.constant 128 : i32
          %mul3A_205 = arith.muli %sub3A_65, %mul3A_204 : i32
          %multiple_of3A_206 = tpu.assume_multiple %mul3A_205, 128 : i32
          %dma_wait3A_207 = tpu.memref_slice %arg9[%multiple_of3A_206] : memref<20480xi32, #tpu.memory_space<vmem>> -> memref<128xi32, #tpu.memory_space<vmem>>
          %dma_wait3A_208 = arith.constant 0 : i32
          %dma_wait3A_209 = arith.constant 0 : i32
          %dma_wait3A_210 = tpu.memref_slice %arg15[%dma_wait3A_208, %dma_wait3A_209] : memref<10240x64xf32, #tpu.memory_space<vmem_shared>> -> memref<10240x64xf32, #tpu.memory_space<vmem_shared>>
          tpu.wait_indirect_dma semaphore(%arg24 : memref<!tpu.dma_semaphore, #tpu.memory_space<semaphore_mem>>) src(%arg13 : memref<128x64xf32, #tpu.memory_space<vmem>>) dst(%dma_wait3A_210 : memref<10240x64xf32, #tpu.memory_space<vmem_shared>>)
        } else {
        }
        %add3A_70 = arith.constant 3 : i32
        %add3A_71 = arith.addi %add3A_48, %add3A_70 : i32
        %lt3A = arith.constant 160 : i32
        %lt3A_72 = arith.cmpi slt, %add3A_71, %lt3A : i32
        %convert_element_type3A_73 = arith.extui %lt3A_72 : i1 to i32
        %cond3A_74 = arith.constant 0 : i32
        %cond3A_75 = arith.cmpi ne, %convert_element_type3A_73, %cond3A_74 : i32
        scf.if %cond3A_75 {
          %add3A_204 = arith.constant 3 : i32
          %add3A_205 = arith.addi %add3A_48, %add3A_204 : i32
          %mul3A_206 = arith.constant 128 : i32
          %mul3A_207 = arith.muli %add3A_205, %mul3A_206 : i32
          %multiple_of3A_208 = tpu.assume_multiple %mul3A_207, 128 : i32
          %dma_start3A_209 = tpu.memref_slice %arg8[%multiple_of3A_208] : memref<20480xi32, #tpu.memory_space<vmem>> -> memref<128xi32, #tpu.memory_space<vmem>>
          %dma_start3A_210 = arith.constant 0 : i32
          %dma_start3A_211 = arith.constant 0 : i32
          %dma_start3A_212 = tpu.memref_slice %arg3[%dma_start3A_210, %dma_start3A_211] : memref<10240x64xf32, #tpu.memory_space<hbm>> -> memref<10240x64xf32, #tpu.memory_space<hbm>>
          tpu.enqueue_indirect_dma source(%dma_start3A_212 : memref<10240x64xf32, #tpu.memory_space<hbm>>) target(%arg13 : memref<128x64xf32, #tpu.memory_space<vmem>>) offsets(%dma_start3A_209 : memref<128xi32, #tpu.memory_space<vmem>>) semaphore(%arg19 : memref<!tpu.dma_semaphore, #tpu.memory_space<semaphore_mem>>)
        } else {
        }
        %add3A_76 = arith.constant 1 : i32
        %add3A_77 = arith.addi %mul3A_47, %add3A_76 : i32
        %mul3A_78 = arith.constant 128 : i32
        %mul3A_79 = arith.muli %add3A_77, %mul3A_78 : i32
        %multiple_of3A_80 = tpu.assume_multiple %mul3A_79, 128 : i32
        %dma_wait3A_81 = tpu.memref_slice %arg8[%multiple_of3A_80] : memref<20480xi32, #tpu.memory_space<vmem>> -> memref<128xi32, #tpu.memory_space<vmem>>
        %dma_wait3A_82 = arith.constant 0 : i32
        %dma_wait3A_83 = arith.constant 0 : i32
        %dma_wait3A_84 = tpu.memref_slice %arg3[%dma_wait3A_82, %dma_wait3A_83] : memref<10240x64xf32, #tpu.memory_space<hbm>> -> memref<10240x64xf32, #tpu.memory_space<hbm>>
        tpu.wait_indirect_dma semaphore(%arg17 : memref<!tpu.dma_semaphore, #tpu.memory_space<semaphore_mem>>) src(%dma_wait3A_84 : memref<10240x64xf32, #tpu.memory_space<hbm>>) dst(%arg11 : memref<128x64xf32, #tpu.memory_space<vmem>>)
        %mul3A_85 = arith.constant 128 : i32
        %mul3A_86 = arith.muli %add3A_77, %mul3A_85 : i32
        %multiple_of3A_87 = tpu.assume_multiple %mul3A_86, 128 : i32
        %dma_start3A_88 = tpu.memref_slice %arg9[%multiple_of3A_87] : memref<20480xi32, #tpu.memory_space<vmem>> -> memref<128xi32, #tpu.memory_space<vmem>>
        %dma_start3A_89 = arith.constant 0 : i32
        %dma_start3A_90 = arith.constant 0 : i32
        %dma_start3A_91 = tpu.memref_slice %arg15[%dma_start3A_89, %dma_start3A_90] : memref<10240x64xf32, #tpu.memory_space<vmem_shared>> -> memref<10240x64xf32, #tpu.memory_space<vmem_shared>>
        tpu.enqueue_indirect_dma source(%arg11 : memref<128x64xf32, #tpu.memory_space<vmem>>) target(%dma_start3A_91 : memref<10240x64xf32, #tpu.memory_space<vmem_shared>>) offsets(%dma_start3A_88 : memref<128xi32, #tpu.memory_space<vmem>>) semaphore(%arg22 : memref<!tpu.dma_semaphore, #tpu.memory_space<semaphore_mem>>) {add = true}
        %add3A_92 = arith.constant 3 : i32
        %add3A_93 = arith.addi %add3A_77, %add3A_92 : i32
        %sub3A_94 = arith.constant 5 : i32
        %sub3A_95 = arith.subi %add3A_93, %sub3A_94 : i32
        %ge3A_96 = arith.constant 0 : i32
        %ge3A_97 = arith.cmpi sge, %sub3A_95, %ge3A_96 : i32
        %convert_element_type3A_98 = arith.extui %ge3A_97 : i1 to i32
        %cond3A_99 = arith.constant 0 : i32
        %cond3A_100 = arith.cmpi ne, %convert_element_type3A_98, %cond3A_99 : i32
        scf.if %cond3A_100 {
          %mul3A_204 = arith.constant 128 : i32
          %mul3A_205 = arith.muli %sub3A_95, %mul3A_204 : i32
          %multiple_of3A_206 = tpu.assume_multiple %mul3A_205, 128 : i32
          %dma_wait3A_207 = tpu.memref_slice %arg9[%multiple_of3A_206] : memref<20480xi32, #tpu.memory_space<vmem>> -> memref<128xi32, #tpu.memory_space<vmem>>
          %dma_wait3A_208 = arith.constant 0 : i32
          %dma_wait3A_209 = arith.constant 0 : i32
          %dma_wait3A_210 = tpu.memref_slice %arg15[%dma_wait3A_208, %dma_wait3A_209] : memref<10240x64xf32, #tpu.memory_space<vmem_shared>> -> memref<10240x64xf32, #tpu.memory_space<vmem_shared>>
          tpu.wait_indirect_dma semaphore(%arg25 : memref<!tpu.dma_semaphore, #tpu.memory_space<semaphore_mem>>) src(%arg14 : memref<128x64xf32, #tpu.memory_space<vmem>>) dst(%dma_wait3A_210 : memref<10240x64xf32, #tpu.memory_space<vmem_shared>>)
        } else {
        }
        %add3A_101 = arith.constant 3 : i32
        %add3A_102 = arith.addi %add3A_77, %add3A_101 : i32
        %lt3A_103 = arith.constant 160 : i32
        %lt3A_104 = arith.cmpi slt, %add3A_102, %lt3A_103 : i32
        %convert_element_type3A_105 = arith.extui %lt3A_104 : i1 to i32
        %cond3A_106 = arith.constant 0 : i32
        %cond3A_107 = arith.cmpi ne, %convert_element_type3A_105, %cond3A_106 : i32
        scf.if %cond3A_107 {
          %add3A_204 = arith.constant 3 : i32
          %add3A_205 = arith.addi %add3A_77, %add3A_204 : i32
          %mul3A_206 = arith.constant 128 : i32
          %mul3A_207 = arith.muli %add3A_205, %mul3A_206 : i32
          %multiple_of3A_208 = tpu.assume_multiple %mul3A_207, 128 : i32
          %dma_start3A_209 = tpu.memref_slice %arg8[%multiple_of3A_208] : memref<20480xi32, #tpu.memory_space<vmem>> -> memref<128xi32, #tpu.memory_space<vmem>>
          %dma_start3A_210 = arith.constant 0 : i32
          %dma_start3A_211 = arith.constant 0 : i32
          %dma_start3A_212 = tpu.memref_slice %arg3[%dma_start3A_210, %dma_start3A_211] : memref<10240x64xf32, #tpu.memory_space<hbm>> -> memref<10240x64xf32, #tpu.memory_space<hbm>>
          tpu.enqueue_indirect_dma source(%dma_start3A_212 : memref<10240x64xf32, #tpu.memory_space<hbm>>) target(%arg14 : memref<128x64xf32, #tpu.memory_space<vmem>>) offsets(%dma_start3A_209 : memref<128xi32, #tpu.memory_space<vmem>>) semaphore(%arg20 : memref<!tpu.dma_semaphore, #tpu.memory_space<semaphore_mem>>)
        } else {
        }
        %add3A_108 = arith.constant 2 : i32
        %add3A_109 = arith.addi %mul3A_47, %add3A_108 : i32
        %mul3A_110 = arith.constant 128 : i32
        %mul3A_111 = arith.muli %add3A_109, %mul3A_110 : i32
        %multiple_of3A_112 = tpu.assume_multiple %mul3A_111, 128 : i32
        %dma_wait3A_113 = tpu.memref_slice %arg8[%multiple_of3A_112] : memref<20480xi32, #tpu.memory_space<vmem>> -> memref<128xi32, #tpu.memory_space<vmem>>
        %dma_wait3A_114 = arith.constant 0 : i32
        %dma_wait3A_115 = arith.constant 0 : i32
        %dma_wait3A_116 = tpu.memref_slice %arg3[%dma_wait3A_114, %dma_wait3A_115] : memref<10240x64xf32, #tpu.memory_space<hbm>> -> memref<10240x64xf32, #tpu.memory_space<hbm>>
        tpu.wait_indirect_dma semaphore(%arg18 : memref<!tpu.dma_semaphore, #tpu.memory_space<semaphore_mem>>) src(%dma_wait3A_116 : memref<10240x64xf32, #tpu.memory_space<hbm>>) dst(%arg12 : memref<128x64xf32, #tpu.memory_space<vmem>>)
        %mul3A_117 = arith.constant 128 : i32
        %mul3A_118 = arith.muli %add3A_109, %mul3A_117 : i32
        %multiple_of3A_119 = tpu.assume_multiple %mul3A_118, 128 : i32
        %dma_start3A_120 = tpu.memref_slice %arg9[%multiple_of3A_119] : memref<20480xi32, #tpu.memory_space<vmem>> -> memref<128xi32, #tpu.memory_space<vmem>>
        %dma_start3A_121 = arith.constant 0 : i32
        %dma_start3A_122 = arith.constant 0 : i32
        %dma_start3A_123 = tpu.memref_slice %arg15[%dma_start3A_121, %dma_start3A_122] : memref<10240x64xf32, #tpu.memory_space<vmem_shared>> -> memref<10240x64xf32, #tpu.memory_space<vmem_shared>>
        tpu.enqueue_indirect_dma source(%arg12 : memref<128x64xf32, #tpu.memory_space<vmem>>) target(%dma_start3A_123 : memref<10240x64xf32, #tpu.memory_space<vmem_shared>>) offsets(%dma_start3A_120 : memref<128xi32, #tpu.memory_space<vmem>>) semaphore(%arg23 : memref<!tpu.dma_semaphore, #tpu.memory_space<semaphore_mem>>) {add = true}
        %add3A_124 = arith.constant 3 : i32
        %add3A_125 = arith.addi %add3A_109, %add3A_124 : i32
        %sub3A_126 = arith.constant 5 : i32
        %sub3A_127 = arith.subi %add3A_125, %sub3A_126 : i32
        %ge3A_128 = arith.constant 0 : i32
        %ge3A_129 = arith.cmpi sge, %sub3A_127, %ge3A_128 : i32
        %convert_element_type3A_130 = arith.extui %ge3A_129 : i1 to i32
        %cond3A_131 = arith.constant 0 : i32
        %cond3A_132 = arith.cmpi ne, %convert_element_type3A_130, %cond3A_131 : i32
        scf.if %cond3A_132 {
          %mul3A_204 = arith.constant 128 : i32
          %mul3A_205 = arith.muli %sub3A_127, %mul3A_204 : i32
          %multiple_of3A_206 = tpu.assume_multiple %mul3A_205, 128 : i32
          %dma_wait3A_207 = tpu.memref_slice %arg9[%multiple_of3A_206] : memref<20480xi32, #tpu.memory_space<vmem>> -> memref<128xi32, #tpu.memory_space<vmem>>
          %dma_wait3A_208 = arith.constant 0 : i32
          %dma_wait3A_209 = arith.constant 0 : i32
          %dma_wait3A_210 = tpu.memref_slice %arg15[%dma_wait3A_208, %dma_wait3A_209] : memref<10240x64xf32, #tpu.memory_space<vmem_shared>> -> memref<10240x64xf32, #tpu.memory_space<vmem_shared>>
          tpu.wait_indirect_dma semaphore(%arg21 : memref<!tpu.dma_semaphore, #tpu.memory_space<semaphore_mem>>) src(%arg10 : memref<128x64xf32, #tpu.memory_space<vmem>>) dst(%dma_wait3A_210 : memref<10240x64xf32, #tpu.memory_space<vmem_shared>>)
        } else {
        }
        %add3A_133 = arith.constant 3 : i32
        %add3A_134 = arith.addi %add3A_109, %add3A_133 : i32
        %lt3A_135 = arith.constant 160 : i32
        %lt3A_136 = arith.cmpi slt, %add3A_134, %lt3A_135 : i32
        %convert_element_type3A_137 = arith.extui %lt3A_136 : i1 to i32
        %cond3A_138 = arith.constant 0 : i32
        %cond3A_139 = arith.cmpi ne, %convert_element_type3A_137, %cond3A_138 : i32
        scf.if %cond3A_139 {
          %add3A_204 = arith.constant 3 : i32
          %add3A_205 = arith.addi %add3A_109, %add3A_204 : i32
          %mul3A_206 = arith.constant 128 : i32
          %mul3A_207 = arith.muli %add3A_205, %mul3A_206 : i32
          %multiple_of3A_208 = tpu.assume_multiple %mul3A_207, 128 : i32
          %dma_start3A_209 = tpu.memref_slice %arg8[%multiple_of3A_208] : memref<20480xi32, #tpu.memory_space<vmem>> -> memref<128xi32, #tpu.memory_space<vmem>>
          %dma_start3A_210 = arith.constant 0 : i32
          %dma_start3A_211 = arith.constant 0 : i32
          %dma_start3A_212 = tpu.memref_slice %arg3[%dma_start3A_210, %dma_start3A_211] : memref<10240x64xf32, #tpu.memory_space<hbm>> -> memref<10240x64xf32, #tpu.memory_space<hbm>>
          tpu.enqueue_indirect_dma source(%dma_start3A_212 : memref<10240x64xf32, #tpu.memory_space<hbm>>) target(%arg10 : memref<128x64xf32, #tpu.memory_space<vmem>>) offsets(%dma_start3A_209 : memref<128xi32, #tpu.memory_space<vmem>>) semaphore(%arg16 : memref<!tpu.dma_semaphore, #tpu.memory_space<semaphore_mem>>)
        } else {
        }
        %add3A_140 = arith.constant 3 : i32
        %add3A_141 = arith.addi %mul3A_47, %add3A_140 : i32
        %mul3A_142 = arith.constant 128 : i32
        %mul3A_143 = arith.muli %add3A_141, %mul3A_142 : i32
        %multiple_of3A_144 = tpu.assume_multiple %mul3A_143, 128 : i32
        %dma_wait3A_145 = tpu.memref_slice %arg8[%multiple_of3A_144] : memref<20480xi32, #tpu.memory_space<vmem>> -> memref<128xi32, #tpu.memory_space<vmem>>
        %dma_wait3A_146 = arith.constant 0 : i32
        %dma_wait3A_147 = arith.constant 0 : i32
        %dma_wait3A_148 = tpu.memref_slice %arg3[%dma_wait3A_146, %dma_wait3A_147] : memref<10240x64xf32, #tpu.memory_space<hbm>> -> memref<10240x64xf32, #tpu.memory_space<hbm>>
        tpu.wait_indirect_dma semaphore(%arg19 : memref<!tpu.dma_semaphore, #tpu.memory_space<semaphore_mem>>) src(%dma_wait3A_148 : memref<10240x64xf32, #tpu.memory_space<hbm>>) dst(%arg13 : memref<128x64xf32, #tpu.memory_space<vmem>>)
        %mul3A_149 = arith.constant 128 : i32
        %mul3A_150 = arith.muli %add3A_141, %mul3A_149 : i32
        %multiple_of3A_151 = tpu.assume_multiple %mul3A_150, 128 : i32
        %dma_start3A_152 = tpu.memref_slice %arg9[%multiple_of3A_151] : memref<20480xi32, #tpu.memory_space<vmem>> -> memref<128xi32, #tpu.memory_space<vmem>>
        %dma_start3A_153 = arith.constant 0 : i32
        %dma_start3A_154 = arith.constant 0 : i32
        %dma_start3A_155 = tpu.memref_slice %arg15[%dma_start3A_153, %dma_start3A_154] : memref<10240x64xf32, #tpu.memory_space<vmem_shared>> -> memref<10240x64xf32, #tpu.memory_space<vmem_shared>>
        tpu.enqueue_indirect_dma source(%arg13 : memref<128x64xf32, #tpu.memory_space<vmem>>) target(%dma_start3A_155 : memref<10240x64xf32, #tpu.memory_space<vmem_shared>>) offsets(%dma_start3A_152 : memref<128xi32, #tpu.memory_space<vmem>>) semaphore(%arg24 : memref<!tpu.dma_semaphore, #tpu.memory_space<semaphore_mem>>) {add = true}
        %add3A_156 = arith.constant 3 : i32
        %add3A_157 = arith.addi %add3A_141, %add3A_156 : i32
        %sub3A_158 = arith.constant 5 : i32
        %sub3A_159 = arith.subi %add3A_157, %sub3A_158 : i32
        %ge3A_160 = arith.constant 0 : i32
        %ge3A_161 = arith.cmpi sge, %sub3A_159, %ge3A_160 : i32
        %convert_element_type3A_162 = arith.extui %ge3A_161 : i1 to i32
        %cond3A_163 = arith.constant 0 : i32
        %cond3A_164 = arith.cmpi ne, %convert_element_type3A_162, %cond3A_163 : i32
        scf.if %cond3A_164 {
          %mul3A_204 = arith.constant 128 : i32
          %mul3A_205 = arith.muli %sub3A_159, %mul3A_204 : i32
          %multiple_of3A_206 = tpu.assume_multiple %mul3A_205, 128 : i32
          %dma_wait3A_207 = tpu.memref_slice %arg9[%multiple_of3A_206] : memref<20480xi32, #tpu.memory_space<vmem>> -> memref<128xi32, #tpu.memory_space<vmem>>
          %dma_wait3A_208 = arith.constant 0 : i32
          %dma_wait3A_209 = arith.constant 0 : i32
          %dma_wait3A_210 = tpu.memref_slice %arg15[%dma_wait3A_208, %dma_wait3A_209] : memref<10240x64xf32, #tpu.memory_space<vmem_shared>> -> memref<10240x64xf32, #tpu.memory_space<vmem_shared>>
          tpu.wait_indirect_dma semaphore(%arg22 : memref<!tpu.dma_semaphore, #tpu.memory_space<semaphore_mem>>) src(%arg11 : memref<128x64xf32, #tpu.memory_space<vmem>>) dst(%dma_wait3A_210 : memref<10240x64xf32, #tpu.memory_space<vmem_shared>>)
        } else {
        }
        %add3A_165 = arith.constant 3 : i32
        %add3A_166 = arith.addi %add3A_141, %add3A_165 : i32
        %lt3A_167 = arith.constant 160 : i32
        %lt3A_168 = arith.cmpi slt, %add3A_166, %lt3A_167 : i32
        %convert_element_type3A_169 = arith.extui %lt3A_168 : i1 to i32
        %cond3A_170 = arith.constant 0 : i32
        %cond3A_171 = arith.cmpi ne, %convert_element_type3A_169, %cond3A_170 : i32
        scf.if %cond3A_171 {
          %add3A_204 = arith.constant 3 : i32
          %add3A_205 = arith.addi %add3A_141, %add3A_204 : i32
          %mul3A_206 = arith.constant 128 : i32
          %mul3A_207 = arith.muli %add3A_205, %mul3A_206 : i32
          %multiple_of3A_208 = tpu.assume_multiple %mul3A_207, 128 : i32
          %dma_start3A_209 = tpu.memref_slice %arg8[%multiple_of3A_208] : memref<20480xi32, #tpu.memory_space<vmem>> -> memref<128xi32, #tpu.memory_space<vmem>>
          %dma_start3A_210 = arith.constant 0 : i32
          %dma_start3A_211 = arith.constant 0 : i32
          %dma_start3A_212 = tpu.memref_slice %arg3[%dma_start3A_210, %dma_start3A_211] : memref<10240x64xf32, #tpu.memory_space<hbm>> -> memref<10240x64xf32, #tpu.memory_space<hbm>>
          tpu.enqueue_indirect_dma source(%dma_start3A_212 : memref<10240x64xf32, #tpu.memory_space<hbm>>) target(%arg11 : memref<128x64xf32, #tpu.memory_space<vmem>>) offsets(%dma_start3A_209 : memref<128xi32, #tpu.memory_space<vmem>>) semaphore(%arg17 : memref<!tpu.dma_semaphore, #tpu.memory_space<semaphore_mem>>)
        } else {
        }
        %add3A_172 = arith.constant 4 : i32
        %add3A_173 = arith.addi %mul3A_47, %add3A_172 : i32
        %mul3A_174 = arith.constant 128 : i32
        %mul3A_175 = arith.muli %add3A_173, %mul3A_174 : i32
        %multiple_of3A_176 = tpu.assume_multiple %mul3A_175, 128 : i32
        %dma_wait3A_177 = tpu.memref_slice %arg8[%multiple_of3A_176] : memref<20480xi32, #tpu.memory_space<vmem>> -> memref<128xi32, #tpu.memory_space<vmem>>
        %dma_wait3A_178 = arith.constant 0 : i32
        %dma_wait3A_179 = arith.constant 0 : i32
        %dma_wait3A_180 = tpu.memref_slice %arg3[%dma_wait3A_178, %dma_wait3A_179] : memref<10240x64xf32, #tpu.memory_space<hbm>> -> memref<10240x64xf32, #tpu.memory_space<hbm>>
        tpu.wait_indirect_dma semaphore(%arg20 : memref<!tpu.dma_semaphore, #tpu.memory_space<semaphore_mem>>) src(%dma_wait3A_180 : memref<10240x64xf32, #tpu.memory_space<hbm>>) dst(%arg14 : memref<128x64xf32, #tpu.memory_space<vmem>>)
        %mul3A_181 = arith.constant 128 : i32
        %mul3A_182 = arith.muli %add3A_173, %mul3A_181 : i32
        %multiple_of3A_183 = tpu.assume_multiple %mul3A_182, 128 : i32
        %dma_start3A_184 = tpu.memref_slice %arg9[%multiple_of3A_183] : memref<20480xi32, #tpu.memory_space<vmem>> -> memref<128xi32, #tpu.memory_space<vmem>>
        %dma_start3A_185 = arith.constant 0 : i32
        %dma_start3A_186 = arith.constant 0 : i32
        %dma_start3A_187 = tpu.memref_slice %arg15[%dma_start3A_185, %dma_start3A_186] : memref<10240x64xf32, #tpu.memory_space<vmem_shared>> -> memref<10240x64xf32, #tpu.memory_space<vmem_shared>>
        tpu.enqueue_indirect_dma source(%arg14 : memref<128x64xf32, #tpu.memory_space<vmem>>) target(%dma_start3A_187 : memref<10240x64xf32, #tpu.memory_space<vmem_shared>>) offsets(%dma_start3A_184 : memref<128xi32, #tpu.memory_space<vmem>>) semaphore(%arg25 : memref<!tpu.dma_semaphore, #tpu.memory_space<semaphore_mem>>) {add = true}
        %add3A_188 = arith.constant 3 : i32
        %add3A_189 = arith.addi %add3A_173, %add3A_188 : i32
        %sub3A_190 = arith.constant 5 : i32
        %sub3A_191 = arith.subi %add3A_189, %sub3A_190 : i32
        %ge3A_192 = arith.constant 0 : i32
        %ge3A_193 = arith.cmpi sge, %sub3A_191, %ge3A_192 : i32
        %convert_element_type3A_194 = arith.extui %ge3A_193 : i1 to i32
        %cond3A_195 = arith.constant 0 : i32
        %cond3A_196 = arith.cmpi ne, %convert_element_type3A_194, %cond3A_195 : i32
        scf.if %cond3A_196 {
          %mul3A_204 = arith.constant 128 : i32
          %mul3A_205 = arith.muli %sub3A_191, %mul3A_204 : i32
          %multiple_of3A_206 = tpu.assume_multiple %mul3A_205, 128 : i32
          %dma_wait3A_207 = tpu.memref_slice %arg9[%multiple_of3A_206] : memref<20480xi32, #tpu.memory_space<vmem>> -> memref<128xi32, #tpu.memory_space<vmem>>
          %dma_wait3A_208 = arith.constant 0 : i32
          %dma_wait3A_209 = arith.constant 0 : i32
          %dma_wait3A_210 = tpu.memref_slice %arg15[%dma_wait3A_208, %dma_wait3A_209] : memref<10240x64xf32, #tpu.memory_space<vmem_shared>> -> memref<10240x64xf32, #tpu.memory_space<vmem_shared>>
          tpu.wait_indirect_dma semaphore(%arg23 : memref<!tpu.dma_semaphore, #tpu.memory_space<semaphore_mem>>) src(%arg12 : memref<128x64xf32, #tpu.memory_space<vmem>>) dst(%dma_wait3A_210 : memref<10240x64xf32, #tpu.memory_space<vmem_shared>>)
        } else {
        }
        %add3A_197 = arith.constant 3 : i32
        %add3A_198 = arith.addi %add3A_173, %add3A_197 : i32
        %lt3A_199 = arith.constant 160 : i32
        %lt3A_200 = arith.cmpi slt, %add3A_198, %lt3A_199 : i32
        %convert_element_type3A_201 = arith.extui %lt3A_200 : i1 to i32
        %cond3A_202 = arith.constant 0 : i32
        %cond3A_203 = arith.cmpi ne, %convert_element_type3A_201, %cond3A_202 : i32
        scf.if %cond3A_203 {
          %add3A_204 = arith.constant 3 : i32
          %add3A_205 = arith.addi %add3A_173, %add3A_204 : i32
          %mul3A_206 = arith.constant 128 : i32
          %mul3A_207 = arith.muli %add3A_205, %mul3A_206 : i32
          %multiple_of3A_208 = tpu.assume_multiple %mul3A_207, 128 : i32
          %dma_start3A_209 = tpu.memref_slice %arg8[%multiple_of3A_208] : memref<20480xi32, #tpu.memory_space<vmem>> -> memref<128xi32, #tpu.memory_space<vmem>>
          %dma_start3A_210 = arith.constant 0 : i32
          %dma_start3A_211 = arith.constant 0 : i32
          %dma_start3A_212 = tpu.memref_slice %arg3[%dma_start3A_210, %dma_start3A_211] : memref<10240x64xf32, #tpu.memory_space<hbm>> -> memref<10240x64xf32, #tpu.memory_space<hbm>>
          tpu.enqueue_indirect_dma source(%dma_start3A_212 : memref<10240x64xf32, #tpu.memory_space<hbm>>) target(%arg12 : memref<128x64xf32, #tpu.memory_space<vmem>>) offsets(%dma_start3A_209 : memref<128xi32, #tpu.memory_space<vmem>>) semaphore(%arg18 : memref<!tpu.dma_semaphore, #tpu.memory_space<semaphore_mem>>)
        } else {
        }
      }
      %scan3A_32 = arith.constant 32 : i32
      %multiple_of3A_33 = arith.constant 20224 : i32
      %multiple_of3A_34 = tpu.assume_multiple %multiple_of3A_33, 128 : i32
      %dma_wait3A = tpu.memref_slice %arg9[%multiple_of3A_34] : memref<20480xi32, #tpu.memory_space<vmem>> -> memref<128xi32, #tpu.memory_space<vmem>>
      %dma_wait3A_35 = arith.constant 0 : i32
      %dma_wait3A_36 = arith.constant 0 : i32
      %dma_wait3A_37 = tpu.memref_slice %arg15[%dma_wait3A_35, %dma_wait3A_36] : memref<10240x64xf32, #tpu.memory_space<vmem_shared>> -> memref<10240x64xf32, #tpu.memory_space<vmem_shared>>
      tpu.wait_indirect_dma semaphore(%arg24 : memref<!tpu.dma_semaphore, #tpu.memory_space<semaphore_mem>>) src(%arg13 : memref<128x64xf32, #tpu.memory_space<vmem>>) dst(%dma_wait3A_37 : memref<10240x64xf32, #tpu.memory_space<vmem_shared>>)
      %multiple_of3A_38 = arith.constant 20352 : i32
      %multiple_of3A_39 = tpu.assume_multiple %multiple_of3A_38, 128 : i32
      %dma_wait3A_40 = tpu.memref_slice %arg9[%multiple_of3A_39] : memref<20480xi32, #tpu.memory_space<vmem>> -> memref<128xi32, #tpu.memory_space<vmem>>
      %dma_wait3A_41 = arith.constant 0 : i32
      %dma_wait3A_42 = arith.constant 0 : i32
      %dma_wait3A_43 = tpu.memref_slice %arg15[%dma_wait3A_41, %dma_wait3A_42] : memref<10240x64xf32, #tpu.memory_space<vmem_shared>> -> memref<10240x64xf32, #tpu.memory_space<vmem_shared>>
      tpu.wait_indirect_dma semaphore(%arg25 : memref<!tpu.dma_semaphore, #tpu.memory_space<semaphore_mem>>) src(%arg14 : memref<128x64xf32, #tpu.memory_space<vmem>>) dst(%dma_wait3A_43 : memref<10240x64xf32, #tpu.memory_space<vmem_shared>>)
      %barrier3A_44 = arith.constant 0 : index
      tpu.barrier barrier_id(%barrier3A_44)
      "tpu.region"() ({
        %run_scoped3A = tpu.sem_alloc : memref<!tpu.dma_semaphore, #tpu.memory_space<semaphore_mem>>
        %dma_start3A_45 = arith.constant 0 : i32
        %dma_start3A_46 = tpu.memref_slice %arg7[%mul3A_0, %dma_start3A_45] : memref<10240x64xf32, #tpu.memory_space<hbm>> -> memref<640x64xf32, #tpu.memory_space<hbm>>
        %dma_start3A_47 = arith.constant 0 : i32
        %dma_start3A_48 = tpu.memref_slice %arg15[%mul3A_0, %dma_start3A_47] : memref<10240x64xf32, #tpu.memory_space<vmem_shared>> -> memref<640x64xf32, #tpu.memory_space<vmem_shared>>
        tpu.enqueue_dma source(%dma_start3A_48 : memref<640x64xf32, #tpu.memory_space<vmem_shared>>) target(%dma_start3A_46 : memref<640x64xf32, #tpu.memory_space<hbm>>) target_semaphore(%run_scoped3A : memref<!tpu.dma_semaphore, #tpu.memory_space<semaphore_mem>>)
        %dma_wait3A_49 = arith.constant 0 : i32
        %dma_wait3A_50 = tpu.memref_slice %arg7[%mul3A_0, %dma_wait3A_49] : memref<10240x64xf32, #tpu.memory_space<hbm>> -> memref<640x64xf32, #tpu.memory_space<hbm>>
        %dma_wait3A_51 = arith.constant 0 : i32
        %dma_wait3A_52 = tpu.memref_slice %arg15[%mul3A_0, %dma_wait3A_51] : memref<10240x64xf32, #tpu.memory_space<vmem_shared>> -> memref<640x64xf32, #tpu.memory_space<vmem_shared>>
        tpu.wait_dma2 semaphore(%run_scoped3A : memref<!tpu.dma_semaphore, #tpu.memory_space<semaphore_mem>>) src(%dma_wait3A_52 : memref<640x64xf32, #tpu.memory_space<vmem_shared>>) dst(%dma_wait3A_50 : memref<640x64xf32, #tpu.memory_space<hbm>>)
        tpu.yield
      }) : () -> ()
    } else {
    }
    return
  }
}

#map = affine_map<(d0, d1) -> (0, 0)>
#map1 = affine_map<(d0, d1) -> (0)>
module attributes {stable_mosaic.version = 14 : i64} {
  func.func @k(%arg0: i32, %arg1: i32, %arg2: memref<10240x32xf32, #tpu.memory_space<hbm>>, %arg3: memref<10240x32xf32, #tpu.memory_space<hbm>>, %arg4: memref<327680xi32, #tpu.memory_space<hbm>>, %arg5: memref<327680xi32, #tpu.memory_space<hbm>>, %arg6: memref<10240x32xf32, #tpu.memory_space<hbm>>, %arg7: memref<10240x32xf32, #tpu.memory_space<hbm>>, %arg8: memref<20480xi32, #tpu.memory_space<vmem>>, %arg9: memref<20480xi32, #tpu.memory_space<vmem>>, %arg10: memref<128x32xf32, #tpu.memory_space<vmem>>, %arg11: memref<128x32xf32, #tpu.memory_space<vmem>>, %arg12: memref<128x32xf32, #tpu.memory_space<vmem>>, %arg13: memref<128x32xf32, #tpu.memory_space<vmem>>, %arg14: memref<128x32xf32, #tpu.memory_space<vmem>>, %arg15: memref<10240x32xf32, #tpu.memory_space<vmem_shared>>, %arg16: memref<!tpu.dma_semaphore, #tpu.memory_space<semaphore_mem>>, %arg17: memref<!tpu.dma_semaphore, #tpu.memory_space<semaphore_mem>>, %arg18: memref<!tpu.dma_semaphore, #tpu.memory_space<semaphore_mem>>, %arg19: memref<!tpu.dma_semaphore, #tpu.memory_space<semaphore_mem>>, %arg20: memref<!tpu.dma_semaphore, #tpu.memory_space<semaphore_mem>>, %arg21: memref<!tpu.dma_semaphore, #tpu.memory_space<semaphore_mem>>, %arg22: memref<!tpu.dma_semaphore, #tpu.memory_space<semaphore_mem>>, %arg23: memref<!tpu.dma_semaphore, #tpu.memory_space<semaphore_mem>>, %arg24: memref<!tpu.dma_semaphore, #tpu.memory_space<semaphore_mem>>, %arg25: memref<!tpu.dma_semaphore, #tpu.memory_space<semaphore_mem>>) attributes {dimension_semantics = [#tpu.dimension_semantics<core_parallel>, #tpu.dimension_semantics<subcore_parallel>], iteration_bounds = array<i64: 2, 16>, scalar_prefetch = 0 : i64, scratch_operands = 18 : i64, tpu.core_type = #tpu.core_type<sc_vector_subcore>, window_params = [{transform_indices = #map}, {transform_indices = #map}, {transform_indices = #map1}, {transform_indices = #map1}, {transform_indices = #map}, {transform_indices = #map}]} {
    %mul3A = arith.constant 640 : i32
    %mul3A_0 = arith.muli %arg1, %mul3A : i32
    %mul3A_1 = arith.constant 20480 : i32
    %mul3A_2 = arith.muli %arg1, %mul3A_1 : i32
    "tpu.region"() ({
      %run_scoped3A = tpu.sem_alloc : memref<!tpu.dma_semaphore, #tpu.memory_space<semaphore_mem>>
      %dma_start3A = tpu.memref_slice %arg4[%mul3A_2] : memref<327680xi32, #tpu.memory_space<hbm>> -> memref<20480xi32, #tpu.memory_space<hbm>>
      %dma_start3A_12 = tpu.memref_slice %arg4[%mul3A_2] : memref<327680xi32, #tpu.memory_space<hbm>> -> memref<20480xi32, #tpu.memory_space<hbm>>
      tpu.enqueue_dma source(%dma_start3A_12 : memref<20480xi32, #tpu.memory_space<hbm>>) target(%arg8 : memref<20480xi32, #tpu.memory_space<vmem>>) target_semaphore(%run_scoped3A : memref<!tpu.dma_semaphore, #tpu.memory_space<semaphore_mem>>)
      %dma_wait3A = tpu.memref_slice %arg4[%mul3A_2] : memref<327680xi32, #tpu.memory_space<hbm>> -> memref<20480xi32, #tpu.memory_space<hbm>>
      %dma_wait3A_13 = tpu.memref_slice %arg4[%mul3A_2] : memref<327680xi32, #tpu.memory_space<hbm>> -> memref<20480xi32, #tpu.memory_space<hbm>>
      tpu.wait_dma2 semaphore(%run_scoped3A : memref<!tpu.dma_semaphore, #tpu.memory_space<semaphore_mem>>) src(%dma_wait3A_13 : memref<20480xi32, #tpu.memory_space<hbm>>) dst(%arg8 : memref<20480xi32, #tpu.memory_space<vmem>>)
      tpu.yield
    }) : () -> ()
    %mul3A_3 = arith.constant 20480 : i32
    %mul3A_4 = arith.muli %arg1, %mul3A_3 : i32
    "tpu.region"() ({
      %run_scoped3A = tpu.sem_alloc : memref<!tpu.dma_semaphore, #tpu.memory_space<semaphore_mem>>
      %dma_start3A = tpu.memref_slice %arg5[%mul3A_4] : memref<327680xi32, #tpu.memory_space<hbm>> -> memref<20480xi32, #tpu.memory_space<hbm>>
      %dma_start3A_12 = tpu.memref_slice %arg5[%mul3A_4] : memref<327680xi32, #tpu.memory_space<hbm>> -> memref<20480xi32, #tpu.memory_space<hbm>>
      tpu.enqueue_dma source(%dma_start3A_12 : memref<20480xi32, #tpu.memory_space<hbm>>) target(%arg9 : memref<20480xi32, #tpu.memory_space<vmem>>) target_semaphore(%run_scoped3A : memref<!tpu.dma_semaphore, #tpu.memory_space<semaphore_mem>>)
      %dma_wait3A = tpu.memref_slice %arg5[%mul3A_4] : memref<327680xi32, #tpu.memory_space<hbm>> -> memref<20480xi32, #tpu.memory_space<hbm>>
      %dma_wait3A_13 = tpu.memref_slice %arg5[%mul3A_4] : memref<327680xi32, #tpu.memory_space<hbm>> -> memref<20480xi32, #tpu.memory_space<hbm>>
      tpu.wait_dma2 semaphore(%run_scoped3A : memref<!tpu.dma_semaphore, #tpu.memory_space<semaphore_mem>>) src(%dma_wait3A_13 : memref<20480xi32, #tpu.memory_space<hbm>>) dst(%arg9 : memref<20480xi32, #tpu.memory_space<vmem>>)
      tpu.yield
    }) : () -> ()
    %eq3A = arith.constant 0 : i32
    %eq3A_5 = arith.cmpi eq, %arg0, %eq3A : i32
    %convert_element_type3A = arith.extui %eq3A_5 : i1 to i32
    %cond3A = arith.constant 0 : i32
    %cond3A_6 = arith.cmpi ne, %convert_element_type3A, %cond3A : i32
    scf.if %cond3A_6 {
      "tpu.region"() ({
        %run_scoped3A = tpu.sem_alloc : memref<!tpu.dma_semaphore, #tpu.memory_space<semaphore_mem>>
        %dma_start3A_45 = arith.constant 0 : i32
        %dma_start3A_46 = tpu.memref_slice %arg15[%mul3A_0, %dma_start3A_45] : memref<10240x32xf32, #tpu.memory_space<vmem_shared>> -> memref<640x32xf32, #tpu.memory_space<vmem_shared>>
        %dma_start3A_47 = arith.constant 0 : i32
        %dma_start3A_48 = tpu.memref_slice %arg2[%mul3A_0, %dma_start3A_47] : memref<10240x32xf32, #tpu.memory_space<hbm>> -> memref<640x32xf32, #tpu.memory_space<hbm>>
        tpu.enqueue_dma source(%dma_start3A_48 : memref<640x32xf32, #tpu.memory_space<hbm>>) target(%dma_start3A_46 : memref<640x32xf32, #tpu.memory_space<vmem_shared>>) target_semaphore(%run_scoped3A : memref<!tpu.dma_semaphore, #tpu.memory_space<semaphore_mem>>)
        %dma_wait3A_49 = arith.constant 0 : i32
        %dma_wait3A_50 = tpu.memref_slice %arg15[%mul3A_0, %dma_wait3A_49] : memref<10240x32xf32, #tpu.memory_space<vmem_shared>> -> memref<640x32xf32, #tpu.memory_space<vmem_shared>>
        %dma_wait3A_51 = arith.constant 0 : i32
        %dma_wait3A_52 = tpu.memref_slice %arg2[%mul3A_0, %dma_wait3A_51] : memref<10240x32xf32, #tpu.memory_space<hbm>> -> memref<640x32xf32, #tpu.memory_space<hbm>>
        tpu.wait_dma2 semaphore(%run_scoped3A : memref<!tpu.dma_semaphore, #tpu.memory_space<semaphore_mem>>) src(%dma_wait3A_52 : memref<640x32xf32, #tpu.memory_space<hbm>>) dst(%dma_wait3A_50 : memref<640x32xf32, #tpu.memory_space<vmem_shared>>)
        tpu.yield
      }) : () -> ()
      %barrier3A = arith.constant 0 : index
      tpu.barrier barrier_id(%barrier3A)
      %multiple_of3A = arith.constant 0 : i32
      %multiple_of3A_12 = tpu.assume_multiple %multiple_of3A, 128 : i32
      %dma_start3A = tpu.memref_slice %arg8[%multiple_of3A_12] : memref<20480xi32, #tpu.memory_space<vmem>> -> memref<128xi32, #tpu.memory_space<vmem>>
      %dma_start3A_13 = arith.constant 0 : i32
      %dma_start3A_14 = arith.constant 0 : i32
      %dma_start3A_15 = tpu.memref_slice %arg2[%dma_start3A_13, %dma_start3A_14] : memref<10240x32xf32, #tpu.memory_space<hbm>> -> memref<10240x32xf32, #tpu.memory_space<hbm>>
      tpu.enqueue_indirect_dma source(%dma_start3A_15 : memref<10240x32xf32, #tpu.memory_space<hbm>>) target(%arg10 : memref<128x32xf32, #tpu.memory_space<vmem>>) offsets(%dma_start3A : memref<128xi32, #tpu.memory_space<vmem>>) semaphore(%arg16 : memref<!tpu.dma_semaphore, #tpu.memory_space<semaphore_mem>>)
      %multiple_of3A_16 = arith.constant 128 : i32
      %multiple_of3A_17 = tpu.assume_multiple %multiple_of3A_16, 128 : i32
      %dma_start3A_18 = tpu.memref_slice %arg8[%multiple_of3A_17] : memref<20480xi32, #tpu.memory_space<vmem>> -> memref<128xi32, #tpu.memory_space<vmem>>
      %dma_start3A_19 = arith.constant 0 : i32
      %dma_start3A_20 = arith.constant 0 : i32
      %dma_start3A_21 = tpu.memref_slice %arg2[%dma_start3A_19, %dma_start3A_20] : memref<10240x32xf32, #tpu.memory_space<hbm>> -> memref<10240x32xf32, #tpu.memory_space<hbm>>
      tpu.enqueue_indirect_dma source(%dma_start3A_21 : memref<10240x32xf32, #tpu.memory_space<hbm>>) target(%arg11 : memref<128x32xf32, #tpu.memory_space<vmem>>) offsets(%dma_start3A_18 : memref<128xi32, #tpu.memory_space<vmem>>) semaphore(%arg17 : memref<!tpu.dma_semaphore, #tpu.memory_space<semaphore_mem>>)
      %multiple_of3A_22 = arith.constant 256 : i32
      %multiple_of3A_23 = tpu.assume_multiple %multiple_of3A_22, 128 : i32
      %dma_start3A_24 = tpu.memref_slice %arg8[%multiple_of3A_23] : memref<20480xi32, #tpu.memory_space<vmem>> -> memref<128xi32, #tpu.memory_space<vmem>>
      %dma_start3A_25 = arith.constant 0 : i32
      %dma_start3A_26 = arith.constant 0 : i32
      %dma_start3A_27 = tpu.memref_slice %arg2[%dma_start3A_25, %dma_start3A_26] : memref<10240x32xf32, #tpu.memory_space<hbm>> -> memref<10240x32xf32, #tpu.memory_space<hbm>>
      tpu.enqueue_indirect_dma source(%dma_start3A_27 : memref<10240x32xf32, #tpu.memory_space<hbm>>) target(%arg12 : memref<128x32xf32, #tpu.memory_space<vmem>>) offsets(%dma_start3A_24 : memref<128xi32, #tpu.memory_space<vmem>>) semaphore(%arg18 : memref<!tpu.dma_semaphore, #tpu.memory_space<semaphore_mem>>)
      %scan3A = arith.constant 0 : i32
      %scan3A_28 = arith.constant 0 : i32
      %scan3A_29 = arith.constant 32 : i32
      %scan3A_30 = arith.addi %scan3A_28, %scan3A_29 : i32
      %scan3A_31 = arith.constant 1 : i32
      scf.for %scan3A_45 = %scan3A_28 to %scan3A_30 step %scan3A_31  : i32 {
        %mul3A_46 = arith.constant 5 : i32
        %mul3A_47 = arith.muli %scan3A_45, %mul3A_46 : i32
        %add3A = arith.constant 0 : i32
        %add3A_48 = arith.addi %mul3A_47, %add3A : i32
        %mul3A_49 = arith.constant 128 : i32
        %mul3A_50 = arith.muli %add3A_48, %mul3A_49 : i32
        %multiple_of3A_51 = tpu.assume_multiple %mul3A_50, 128 : i32
        %dma_wait3A_52 = tpu.memref_slice %arg8[%multiple_of3A_51] : memref<20480xi32, #tpu.memory_space<vmem>> -> memref<128xi32, #tpu.memory_space<vmem>>
        %dma_wait3A_53 = arith.constant 0 : i32
        %dma_wait3A_54 = arith.constant 0 : i32
        %dma_wait3A_55 = tpu.memref_slice %arg2[%dma_wait3A_53, %dma_wait3A_54] : memref<10240x32xf32, #tpu.memory_space<hbm>> -> memref<10240x32xf32, #tpu.memory_space<hbm>>
        tpu.wait_indirect_dma semaphore(%arg16 : memref<!tpu.dma_semaphore, #tpu.memory_space<semaphore_mem>>) src(%dma_wait3A_55 : memref<10240x32xf32, #tpu.memory_space<hbm>>) dst(%arg10 : memref<128x32xf32, #tpu.memory_space<vmem>>)
        %mul3A_56 = arith.constant 128 : i32
        %mul3A_57 = arith.muli %add3A_48, %mul3A_56 : i32
        %multiple_of3A_58 = tpu.assume_multiple %mul3A_57, 128 : i32
        %dma_start3A_59 = tpu.memref_slice %arg9[%multiple_of3A_58] : memref<20480xi32, #tpu.memory_space<vmem>> -> memref<128xi32, #tpu.memory_space<vmem>>
        %dma_start3A_60 = arith.constant 0 : i32
        %dma_start3A_61 = arith.constant 0 : i32
        %dma_start3A_62 = tpu.memref_slice %arg15[%dma_start3A_60, %dma_start3A_61] : memref<10240x32xf32, #tpu.memory_space<vmem_shared>> -> memref<10240x32xf32, #tpu.memory_space<vmem_shared>>
        tpu.enqueue_indirect_dma source(%arg10 : memref<128x32xf32, #tpu.memory_space<vmem>>) target(%dma_start3A_62 : memref<10240x32xf32, #tpu.memory_space<vmem_shared>>) offsets(%dma_start3A_59 : memref<128xi32, #tpu.memory_space<vmem>>) semaphore(%arg21 : memref<!tpu.dma_semaphore, #tpu.memory_space<semaphore_mem>>) {add = true}
        %add3A_63 = arith.constant 3 : i32
        %add3A_64 = arith.addi %add3A_48, %add3A_63 : i32
        %sub3A = arith.constant 5 : i32
        %sub3A_65 = arith.subi %add3A_64, %sub3A : i32
        %ge3A = arith.constant 0 : i32
        %ge3A_66 = arith.cmpi sge, %sub3A_65, %ge3A : i32
        %convert_element_type3A_67 = arith.extui %ge3A_66 : i1 to i32
        %cond3A_68 = arith.constant 0 : i32
        %cond3A_69 = arith.cmpi ne, %convert_element_type3A_67, %cond3A_68 : i32
        scf.if %cond3A_69 {
          %mul3A_204 = arith.constant 128 : i32
          %mul3A_205 = arith.muli %sub3A_65, %mul3A_204 : i32
          %multiple_of3A_206 = tpu.assume_multiple %mul3A_205, 128 : i32
          %dma_wait3A_207 = tpu.memref_slice %arg9[%multiple_of3A_206] : memref<20480xi32, #tpu.memory_space<vmem>> -> memref<128xi32, #tpu.memory_space<vmem>>
          %dma_wait3A_208 = arith.constant 0 : i32
          %dma_wait3A_209 = arith.constant 0 : i32
          %dma_wait3A_210 = tpu.memref_slice %arg15[%dma_wait3A_208, %dma_wait3A_209] : memref<10240x32xf32, #tpu.memory_space<vmem_shared>> -> memref<10240x32xf32, #tpu.memory_space<vmem_shared>>
          tpu.wait_indirect_dma semaphore(%arg24 : memref<!tpu.dma_semaphore, #tpu.memory_space<semaphore_mem>>) src(%arg13 : memref<128x32xf32, #tpu.memory_space<vmem>>) dst(%dma_wait3A_210 : memref<10240x32xf32, #tpu.memory_space<vmem_shared>>)
        } else {
        }
        %add3A_70 = arith.constant 3 : i32
        %add3A_71 = arith.addi %add3A_48, %add3A_70 : i32
        %lt3A = arith.constant 160 : i32
        %lt3A_72 = arith.cmpi slt, %add3A_71, %lt3A : i32
        %convert_element_type3A_73 = arith.extui %lt3A_72 : i1 to i32
        %cond3A_74 = arith.constant 0 : i32
        %cond3A_75 = arith.cmpi ne, %convert_element_type3A_73, %cond3A_74 : i32
        scf.if %cond3A_75 {
          %add3A_204 = arith.constant 3 : i32
          %add3A_205 = arith.addi %add3A_48, %add3A_204 : i32
          %mul3A_206 = arith.constant 128 : i32
          %mul3A_207 = arith.muli %add3A_205, %mul3A_206 : i32
          %multiple_of3A_208 = tpu.assume_multiple %mul3A_207, 128 : i32
          %dma_start3A_209 = tpu.memref_slice %arg8[%multiple_of3A_208] : memref<20480xi32, #tpu.memory_space<vmem>> -> memref<128xi32, #tpu.memory_space<vmem>>
          %dma_start3A_210 = arith.constant 0 : i32
          %dma_start3A_211 = arith.constant 0 : i32
          %dma_start3A_212 = tpu.memref_slice %arg2[%dma_start3A_210, %dma_start3A_211] : memref<10240x32xf32, #tpu.memory_space<hbm>> -> memref<10240x32xf32, #tpu.memory_space<hbm>>
          tpu.enqueue_indirect_dma source(%dma_start3A_212 : memref<10240x32xf32, #tpu.memory_space<hbm>>) target(%arg13 : memref<128x32xf32, #tpu.memory_space<vmem>>) offsets(%dma_start3A_209 : memref<128xi32, #tpu.memory_space<vmem>>) semaphore(%arg19 : memref<!tpu.dma_semaphore, #tpu.memory_space<semaphore_mem>>)
        } else {
        }
        %add3A_76 = arith.constant 1 : i32
        %add3A_77 = arith.addi %mul3A_47, %add3A_76 : i32
        %mul3A_78 = arith.constant 128 : i32
        %mul3A_79 = arith.muli %add3A_77, %mul3A_78 : i32
        %multiple_of3A_80 = tpu.assume_multiple %mul3A_79, 128 : i32
        %dma_wait3A_81 = tpu.memref_slice %arg8[%multiple_of3A_80] : memref<20480xi32, #tpu.memory_space<vmem>> -> memref<128xi32, #tpu.memory_space<vmem>>
        %dma_wait3A_82 = arith.constant 0 : i32
        %dma_wait3A_83 = arith.constant 0 : i32
        %dma_wait3A_84 = tpu.memref_slice %arg2[%dma_wait3A_82, %dma_wait3A_83] : memref<10240x32xf32, #tpu.memory_space<hbm>> -> memref<10240x32xf32, #tpu.memory_space<hbm>>
        tpu.wait_indirect_dma semaphore(%arg17 : memref<!tpu.dma_semaphore, #tpu.memory_space<semaphore_mem>>) src(%dma_wait3A_84 : memref<10240x32xf32, #tpu.memory_space<hbm>>) dst(%arg11 : memref<128x32xf32, #tpu.memory_space<vmem>>)
        %mul3A_85 = arith.constant 128 : i32
        %mul3A_86 = arith.muli %add3A_77, %mul3A_85 : i32
        %multiple_of3A_87 = tpu.assume_multiple %mul3A_86, 128 : i32
        %dma_start3A_88 = tpu.memref_slice %arg9[%multiple_of3A_87] : memref<20480xi32, #tpu.memory_space<vmem>> -> memref<128xi32, #tpu.memory_space<vmem>>
        %dma_start3A_89 = arith.constant 0 : i32
        %dma_start3A_90 = arith.constant 0 : i32
        %dma_start3A_91 = tpu.memref_slice %arg15[%dma_start3A_89, %dma_start3A_90] : memref<10240x32xf32, #tpu.memory_space<vmem_shared>> -> memref<10240x32xf32, #tpu.memory_space<vmem_shared>>
        tpu.enqueue_indirect_dma source(%arg11 : memref<128x32xf32, #tpu.memory_space<vmem>>) target(%dma_start3A_91 : memref<10240x32xf32, #tpu.memory_space<vmem_shared>>) offsets(%dma_start3A_88 : memref<128xi32, #tpu.memory_space<vmem>>) semaphore(%arg22 : memref<!tpu.dma_semaphore, #tpu.memory_space<semaphore_mem>>) {add = true}
        %add3A_92 = arith.constant 3 : i32
        %add3A_93 = arith.addi %add3A_77, %add3A_92 : i32
        %sub3A_94 = arith.constant 5 : i32
        %sub3A_95 = arith.subi %add3A_93, %sub3A_94 : i32
        %ge3A_96 = arith.constant 0 : i32
        %ge3A_97 = arith.cmpi sge, %sub3A_95, %ge3A_96 : i32
        %convert_element_type3A_98 = arith.extui %ge3A_97 : i1 to i32
        %cond3A_99 = arith.constant 0 : i32
        %cond3A_100 = arith.cmpi ne, %convert_element_type3A_98, %cond3A_99 : i32
        scf.if %cond3A_100 {
          %mul3A_204 = arith.constant 128 : i32
          %mul3A_205 = arith.muli %sub3A_95, %mul3A_204 : i32
          %multiple_of3A_206 = tpu.assume_multiple %mul3A_205, 128 : i32
          %dma_wait3A_207 = tpu.memref_slice %arg9[%multiple_of3A_206] : memref<20480xi32, #tpu.memory_space<vmem>> -> memref<128xi32, #tpu.memory_space<vmem>>
          %dma_wait3A_208 = arith.constant 0 : i32
          %dma_wait3A_209 = arith.constant 0 : i32
          %dma_wait3A_210 = tpu.memref_slice %arg15[%dma_wait3A_208, %dma_wait3A_209] : memref<10240x32xf32, #tpu.memory_space<vmem_shared>> -> memref<10240x32xf32, #tpu.memory_space<vmem_shared>>
          tpu.wait_indirect_dma semaphore(%arg25 : memref<!tpu.dma_semaphore, #tpu.memory_space<semaphore_mem>>) src(%arg14 : memref<128x32xf32, #tpu.memory_space<vmem>>) dst(%dma_wait3A_210 : memref<10240x32xf32, #tpu.memory_space<vmem_shared>>)
        } else {
        }
        %add3A_101 = arith.constant 3 : i32
        %add3A_102 = arith.addi %add3A_77, %add3A_101 : i32
        %lt3A_103 = arith.constant 160 : i32
        %lt3A_104 = arith.cmpi slt, %add3A_102, %lt3A_103 : i32
        %convert_element_type3A_105 = arith.extui %lt3A_104 : i1 to i32
        %cond3A_106 = arith.constant 0 : i32
        %cond3A_107 = arith.cmpi ne, %convert_element_type3A_105, %cond3A_106 : i32
        scf.if %cond3A_107 {
          %add3A_204 = arith.constant 3 : i32
          %add3A_205 = arith.addi %add3A_77, %add3A_204 : i32
          %mul3A_206 = arith.constant 128 : i32
          %mul3A_207 = arith.muli %add3A_205, %mul3A_206 : i32
          %multiple_of3A_208 = tpu.assume_multiple %mul3A_207, 128 : i32
          %dma_start3A_209 = tpu.memref_slice %arg8[%multiple_of3A_208] : memref<20480xi32, #tpu.memory_space<vmem>> -> memref<128xi32, #tpu.memory_space<vmem>>
          %dma_start3A_210 = arith.constant 0 : i32
          %dma_start3A_211 = arith.constant 0 : i32
          %dma_start3A_212 = tpu.memref_slice %arg2[%dma_start3A_210, %dma_start3A_211] : memref<10240x32xf32, #tpu.memory_space<hbm>> -> memref<10240x32xf32, #tpu.memory_space<hbm>>
          tpu.enqueue_indirect_dma source(%dma_start3A_212 : memref<10240x32xf32, #tpu.memory_space<hbm>>) target(%arg14 : memref<128x32xf32, #tpu.memory_space<vmem>>) offsets(%dma_start3A_209 : memref<128xi32, #tpu.memory_space<vmem>>) semaphore(%arg20 : memref<!tpu.dma_semaphore, #tpu.memory_space<semaphore_mem>>)
        } else {
        }
        %add3A_108 = arith.constant 2 : i32
        %add3A_109 = arith.addi %mul3A_47, %add3A_108 : i32
        %mul3A_110 = arith.constant 128 : i32
        %mul3A_111 = arith.muli %add3A_109, %mul3A_110 : i32
        %multiple_of3A_112 = tpu.assume_multiple %mul3A_111, 128 : i32
        %dma_wait3A_113 = tpu.memref_slice %arg8[%multiple_of3A_112] : memref<20480xi32, #tpu.memory_space<vmem>> -> memref<128xi32, #tpu.memory_space<vmem>>
        %dma_wait3A_114 = arith.constant 0 : i32
        %dma_wait3A_115 = arith.constant 0 : i32
        %dma_wait3A_116 = tpu.memref_slice %arg2[%dma_wait3A_114, %dma_wait3A_115] : memref<10240x32xf32, #tpu.memory_space<hbm>> -> memref<10240x32xf32, #tpu.memory_space<hbm>>
        tpu.wait_indirect_dma semaphore(%arg18 : memref<!tpu.dma_semaphore, #tpu.memory_space<semaphore_mem>>) src(%dma_wait3A_116 : memref<10240x32xf32, #tpu.memory_space<hbm>>) dst(%arg12 : memref<128x32xf32, #tpu.memory_space<vmem>>)
        %mul3A_117 = arith.constant 128 : i32
        %mul3A_118 = arith.muli %add3A_109, %mul3A_117 : i32
        %multiple_of3A_119 = tpu.assume_multiple %mul3A_118, 128 : i32
        %dma_start3A_120 = tpu.memref_slice %arg9[%multiple_of3A_119] : memref<20480xi32, #tpu.memory_space<vmem>> -> memref<128xi32, #tpu.memory_space<vmem>>
        %dma_start3A_121 = arith.constant 0 : i32
        %dma_start3A_122 = arith.constant 0 : i32
        %dma_start3A_123 = tpu.memref_slice %arg15[%dma_start3A_121, %dma_start3A_122] : memref<10240x32xf32, #tpu.memory_space<vmem_shared>> -> memref<10240x32xf32, #tpu.memory_space<vmem_shared>>
        tpu.enqueue_indirect_dma source(%arg12 : memref<128x32xf32, #tpu.memory_space<vmem>>) target(%dma_start3A_123 : memref<10240x32xf32, #tpu.memory_space<vmem_shared>>) offsets(%dma_start3A_120 : memref<128xi32, #tpu.memory_space<vmem>>) semaphore(%arg23 : memref<!tpu.dma_semaphore, #tpu.memory_space<semaphore_mem>>) {add = true}
        %add3A_124 = arith.constant 3 : i32
        %add3A_125 = arith.addi %add3A_109, %add3A_124 : i32
        %sub3A_126 = arith.constant 5 : i32
        %sub3A_127 = arith.subi %add3A_125, %sub3A_126 : i32
        %ge3A_128 = arith.constant 0 : i32
        %ge3A_129 = arith.cmpi sge, %sub3A_127, %ge3A_128 : i32
        %convert_element_type3A_130 = arith.extui %ge3A_129 : i1 to i32
        %cond3A_131 = arith.constant 0 : i32
        %cond3A_132 = arith.cmpi ne, %convert_element_type3A_130, %cond3A_131 : i32
        scf.if %cond3A_132 {
          %mul3A_204 = arith.constant 128 : i32
          %mul3A_205 = arith.muli %sub3A_127, %mul3A_204 : i32
          %multiple_of3A_206 = tpu.assume_multiple %mul3A_205, 128 : i32
          %dma_wait3A_207 = tpu.memref_slice %arg9[%multiple_of3A_206] : memref<20480xi32, #tpu.memory_space<vmem>> -> memref<128xi32, #tpu.memory_space<vmem>>
          %dma_wait3A_208 = arith.constant 0 : i32
          %dma_wait3A_209 = arith.constant 0 : i32
          %dma_wait3A_210 = tpu.memref_slice %arg15[%dma_wait3A_208, %dma_wait3A_209] : memref<10240x32xf32, #tpu.memory_space<vmem_shared>> -> memref<10240x32xf32, #tpu.memory_space<vmem_shared>>
          tpu.wait_indirect_dma semaphore(%arg21 : memref<!tpu.dma_semaphore, #tpu.memory_space<semaphore_mem>>) src(%arg10 : memref<128x32xf32, #tpu.memory_space<vmem>>) dst(%dma_wait3A_210 : memref<10240x32xf32, #tpu.memory_space<vmem_shared>>)
        } else {
        }
        %add3A_133 = arith.constant 3 : i32
        %add3A_134 = arith.addi %add3A_109, %add3A_133 : i32
        %lt3A_135 = arith.constant 160 : i32
        %lt3A_136 = arith.cmpi slt, %add3A_134, %lt3A_135 : i32
        %convert_element_type3A_137 = arith.extui %lt3A_136 : i1 to i32
        %cond3A_138 = arith.constant 0 : i32
        %cond3A_139 = arith.cmpi ne, %convert_element_type3A_137, %cond3A_138 : i32
        scf.if %cond3A_139 {
          %add3A_204 = arith.constant 3 : i32
          %add3A_205 = arith.addi %add3A_109, %add3A_204 : i32
          %mul3A_206 = arith.constant 128 : i32
          %mul3A_207 = arith.muli %add3A_205, %mul3A_206 : i32
          %multiple_of3A_208 = tpu.assume_multiple %mul3A_207, 128 : i32
          %dma_start3A_209 = tpu.memref_slice %arg8[%multiple_of3A_208] : memref<20480xi32, #tpu.memory_space<vmem>> -> memref<128xi32, #tpu.memory_space<vmem>>
          %dma_start3A_210 = arith.constant 0 : i32
          %dma_start3A_211 = arith.constant 0 : i32
          %dma_start3A_212 = tpu.memref_slice %arg2[%dma_start3A_210, %dma_start3A_211] : memref<10240x32xf32, #tpu.memory_space<hbm>> -> memref<10240x32xf32, #tpu.memory_space<hbm>>
          tpu.enqueue_indirect_dma source(%dma_start3A_212 : memref<10240x32xf32, #tpu.memory_space<hbm>>) target(%arg10 : memref<128x32xf32, #tpu.memory_space<vmem>>) offsets(%dma_start3A_209 : memref<128xi32, #tpu.memory_space<vmem>>) semaphore(%arg16 : memref<!tpu.dma_semaphore, #tpu.memory_space<semaphore_mem>>)
        } else {
        }
        %add3A_140 = arith.constant 3 : i32
        %add3A_141 = arith.addi %mul3A_47, %add3A_140 : i32
        %mul3A_142 = arith.constant 128 : i32
        %mul3A_143 = arith.muli %add3A_141, %mul3A_142 : i32
        %multiple_of3A_144 = tpu.assume_multiple %mul3A_143, 128 : i32
        %dma_wait3A_145 = tpu.memref_slice %arg8[%multiple_of3A_144] : memref<20480xi32, #tpu.memory_space<vmem>> -> memref<128xi32, #tpu.memory_space<vmem>>
        %dma_wait3A_146 = arith.constant 0 : i32
        %dma_wait3A_147 = arith.constant 0 : i32
        %dma_wait3A_148 = tpu.memref_slice %arg2[%dma_wait3A_146, %dma_wait3A_147] : memref<10240x32xf32, #tpu.memory_space<hbm>> -> memref<10240x32xf32, #tpu.memory_space<hbm>>
        tpu.wait_indirect_dma semaphore(%arg19 : memref<!tpu.dma_semaphore, #tpu.memory_space<semaphore_mem>>) src(%dma_wait3A_148 : memref<10240x32xf32, #tpu.memory_space<hbm>>) dst(%arg13 : memref<128x32xf32, #tpu.memory_space<vmem>>)
        %mul3A_149 = arith.constant 128 : i32
        %mul3A_150 = arith.muli %add3A_141, %mul3A_149 : i32
        %multiple_of3A_151 = tpu.assume_multiple %mul3A_150, 128 : i32
        %dma_start3A_152 = tpu.memref_slice %arg9[%multiple_of3A_151] : memref<20480xi32, #tpu.memory_space<vmem>> -> memref<128xi32, #tpu.memory_space<vmem>>
        %dma_start3A_153 = arith.constant 0 : i32
        %dma_start3A_154 = arith.constant 0 : i32
        %dma_start3A_155 = tpu.memref_slice %arg15[%dma_start3A_153, %dma_start3A_154] : memref<10240x32xf32, #tpu.memory_space<vmem_shared>> -> memref<10240x32xf32, #tpu.memory_space<vmem_shared>>
        tpu.enqueue_indirect_dma source(%arg13 : memref<128x32xf32, #tpu.memory_space<vmem>>) target(%dma_start3A_155 : memref<10240x32xf32, #tpu.memory_space<vmem_shared>>) offsets(%dma_start3A_152 : memref<128xi32, #tpu.memory_space<vmem>>) semaphore(%arg24 : memref<!tpu.dma_semaphore, #tpu.memory_space<semaphore_mem>>) {add = true}
        %add3A_156 = arith.constant 3 : i32
        %add3A_157 = arith.addi %add3A_141, %add3A_156 : i32
        %sub3A_158 = arith.constant 5 : i32
        %sub3A_159 = arith.subi %add3A_157, %sub3A_158 : i32
        %ge3A_160 = arith.constant 0 : i32
        %ge3A_161 = arith.cmpi sge, %sub3A_159, %ge3A_160 : i32
        %convert_element_type3A_162 = arith.extui %ge3A_161 : i1 to i32
        %cond3A_163 = arith.constant 0 : i32
        %cond3A_164 = arith.cmpi ne, %convert_element_type3A_162, %cond3A_163 : i32
        scf.if %cond3A_164 {
          %mul3A_204 = arith.constant 128 : i32
          %mul3A_205 = arith.muli %sub3A_159, %mul3A_204 : i32
          %multiple_of3A_206 = tpu.assume_multiple %mul3A_205, 128 : i32
          %dma_wait3A_207 = tpu.memref_slice %arg9[%multiple_of3A_206] : memref<20480xi32, #tpu.memory_space<vmem>> -> memref<128xi32, #tpu.memory_space<vmem>>
          %dma_wait3A_208 = arith.constant 0 : i32
          %dma_wait3A_209 = arith.constant 0 : i32
          %dma_wait3A_210 = tpu.memref_slice %arg15[%dma_wait3A_208, %dma_wait3A_209] : memref<10240x32xf32, #tpu.memory_space<vmem_shared>> -> memref<10240x32xf32, #tpu.memory_space<vmem_shared>>
          tpu.wait_indirect_dma semaphore(%arg22 : memref<!tpu.dma_semaphore, #tpu.memory_space<semaphore_mem>>) src(%arg11 : memref<128x32xf32, #tpu.memory_space<vmem>>) dst(%dma_wait3A_210 : memref<10240x32xf32, #tpu.memory_space<vmem_shared>>)
        } else {
        }
        %add3A_165 = arith.constant 3 : i32
        %add3A_166 = arith.addi %add3A_141, %add3A_165 : i32
        %lt3A_167 = arith.constant 160 : i32
        %lt3A_168 = arith.cmpi slt, %add3A_166, %lt3A_167 : i32
        %convert_element_type3A_169 = arith.extui %lt3A_168 : i1 to i32
        %cond3A_170 = arith.constant 0 : i32
        %cond3A_171 = arith.cmpi ne, %convert_element_type3A_169, %cond3A_170 : i32
        scf.if %cond3A_171 {
          %add3A_204 = arith.constant 3 : i32
          %add3A_205 = arith.addi %add3A_141, %add3A_204 : i32
          %mul3A_206 = arith.constant 128 : i32
          %mul3A_207 = arith.muli %add3A_205, %mul3A_206 : i32
          %multiple_of3A_208 = tpu.assume_multiple %mul3A_207, 128 : i32
          %dma_start3A_209 = tpu.memref_slice %arg8[%multiple_of3A_208] : memref<20480xi32, #tpu.memory_space<vmem>> -> memref<128xi32, #tpu.memory_space<vmem>>
          %dma_start3A_210 = arith.constant 0 : i32
          %dma_start3A_211 = arith.constant 0 : i32
          %dma_start3A_212 = tpu.memref_slice %arg2[%dma_start3A_210, %dma_start3A_211] : memref<10240x32xf32, #tpu.memory_space<hbm>> -> memref<10240x32xf32, #tpu.memory_space<hbm>>
          tpu.enqueue_indirect_dma source(%dma_start3A_212 : memref<10240x32xf32, #tpu.memory_space<hbm>>) target(%arg11 : memref<128x32xf32, #tpu.memory_space<vmem>>) offsets(%dma_start3A_209 : memref<128xi32, #tpu.memory_space<vmem>>) semaphore(%arg17 : memref<!tpu.dma_semaphore, #tpu.memory_space<semaphore_mem>>)
        } else {
        }
        %add3A_172 = arith.constant 4 : i32
        %add3A_173 = arith.addi %mul3A_47, %add3A_172 : i32
        %mul3A_174 = arith.constant 128 : i32
        %mul3A_175 = arith.muli %add3A_173, %mul3A_174 : i32
        %multiple_of3A_176 = tpu.assume_multiple %mul3A_175, 128 : i32
        %dma_wait3A_177 = tpu.memref_slice %arg8[%multiple_of3A_176] : memref<20480xi32, #tpu.memory_space<vmem>> -> memref<128xi32, #tpu.memory_space<vmem>>
        %dma_wait3A_178 = arith.constant 0 : i32
        %dma_wait3A_179 = arith.constant 0 : i32
        %dma_wait3A_180 = tpu.memref_slice %arg2[%dma_wait3A_178, %dma_wait3A_179] : memref<10240x32xf32, #tpu.memory_space<hbm>> -> memref<10240x32xf32, #tpu.memory_space<hbm>>
        tpu.wait_indirect_dma semaphore(%arg20 : memref<!tpu.dma_semaphore, #tpu.memory_space<semaphore_mem>>) src(%dma_wait3A_180 : memref<10240x32xf32, #tpu.memory_space<hbm>>) dst(%arg14 : memref<128x32xf32, #tpu.memory_space<vmem>>)
        %mul3A_181 = arith.constant 128 : i32
        %mul3A_182 = arith.muli %add3A_173, %mul3A_181 : i32
        %multiple_of3A_183 = tpu.assume_multiple %mul3A_182, 128 : i32
        %dma_start3A_184 = tpu.memref_slice %arg9[%multiple_of3A_183] : memref<20480xi32, #tpu.memory_space<vmem>> -> memref<128xi32, #tpu.memory_space<vmem>>
        %dma_start3A_185 = arith.constant 0 : i32
        %dma_start3A_186 = arith.constant 0 : i32
        %dma_start3A_187 = tpu.memref_slice %arg15[%dma_start3A_185, %dma_start3A_186] : memref<10240x32xf32, #tpu.memory_space<vmem_shared>> -> memref<10240x32xf32, #tpu.memory_space<vmem_shared>>
        tpu.enqueue_indirect_dma source(%arg14 : memref<128x32xf32, #tpu.memory_space<vmem>>) target(%dma_start3A_187 : memref<10240x32xf32, #tpu.memory_space<vmem_shared>>) offsets(%dma_start3A_184 : memref<128xi32, #tpu.memory_space<vmem>>) semaphore(%arg25 : memref<!tpu.dma_semaphore, #tpu.memory_space<semaphore_mem>>) {add = true}
        %add3A_188 = arith.constant 3 : i32
        %add3A_189 = arith.addi %add3A_173, %add3A_188 : i32
        %sub3A_190 = arith.constant 5 : i32
        %sub3A_191 = arith.subi %add3A_189, %sub3A_190 : i32
        %ge3A_192 = arith.constant 0 : i32
        %ge3A_193 = arith.cmpi sge, %sub3A_191, %ge3A_192 : i32
        %convert_element_type3A_194 = arith.extui %ge3A_193 : i1 to i32
        %cond3A_195 = arith.constant 0 : i32
        %cond3A_196 = arith.cmpi ne, %convert_element_type3A_194, %cond3A_195 : i32
        scf.if %cond3A_196 {
          %mul3A_204 = arith.constant 128 : i32
          %mul3A_205 = arith.muli %sub3A_191, %mul3A_204 : i32
          %multiple_of3A_206 = tpu.assume_multiple %mul3A_205, 128 : i32
          %dma_wait3A_207 = tpu.memref_slice %arg9[%multiple_of3A_206] : memref<20480xi32, #tpu.memory_space<vmem>> -> memref<128xi32, #tpu.memory_space<vmem>>
          %dma_wait3A_208 = arith.constant 0 : i32
          %dma_wait3A_209 = arith.constant 0 : i32
          %dma_wait3A_210 = tpu.memref_slice %arg15[%dma_wait3A_208, %dma_wait3A_209] : memref<10240x32xf32, #tpu.memory_space<vmem_shared>> -> memref<10240x32xf32, #tpu.memory_space<vmem_shared>>
          tpu.wait_indirect_dma semaphore(%arg23 : memref<!tpu.dma_semaphore, #tpu.memory_space<semaphore_mem>>) src(%arg12 : memref<128x32xf32, #tpu.memory_space<vmem>>) dst(%dma_wait3A_210 : memref<10240x32xf32, #tpu.memory_space<vmem_shared>>)
        } else {
        }
        %add3A_197 = arith.constant 3 : i32
        %add3A_198 = arith.addi %add3A_173, %add3A_197 : i32
        %lt3A_199 = arith.constant 160 : i32
        %lt3A_200 = arith.cmpi slt, %add3A_198, %lt3A_199 : i32
        %convert_element_type3A_201 = arith.extui %lt3A_200 : i1 to i32
        %cond3A_202 = arith.constant 0 : i32
        %cond3A_203 = arith.cmpi ne, %convert_element_type3A_201, %cond3A_202 : i32
        scf.if %cond3A_203 {
          %add3A_204 = arith.constant 3 : i32
          %add3A_205 = arith.addi %add3A_173, %add3A_204 : i32
          %mul3A_206 = arith.constant 128 : i32
          %mul3A_207 = arith.muli %add3A_205, %mul3A_206 : i32
          %multiple_of3A_208 = tpu.assume_multiple %mul3A_207, 128 : i32
          %dma_start3A_209 = tpu.memref_slice %arg8[%multiple_of3A_208] : memref<20480xi32, #tpu.memory_space<vmem>> -> memref<128xi32, #tpu.memory_space<vmem>>
          %dma_start3A_210 = arith.constant 0 : i32
          %dma_start3A_211 = arith.constant 0 : i32
          %dma_start3A_212 = tpu.memref_slice %arg2[%dma_start3A_210, %dma_start3A_211] : memref<10240x32xf32, #tpu.memory_space<hbm>> -> memref<10240x32xf32, #tpu.memory_space<hbm>>
          tpu.enqueue_indirect_dma source(%dma_start3A_212 : memref<10240x32xf32, #tpu.memory_space<hbm>>) target(%arg12 : memref<128x32xf32, #tpu.memory_space<vmem>>) offsets(%dma_start3A_209 : memref<128xi32, #tpu.memory_space<vmem>>) semaphore(%arg18 : memref<!tpu.dma_semaphore, #tpu.memory_space<semaphore_mem>>)
        } else {
        }
      }
      %scan3A_32 = arith.constant 32 : i32
      %multiple_of3A_33 = arith.constant 20224 : i32
      %multiple_of3A_34 = tpu.assume_multiple %multiple_of3A_33, 128 : i32
      %dma_wait3A = tpu.memref_slice %arg9[%multiple_of3A_34] : memref<20480xi32, #tpu.memory_space<vmem>> -> memref<128xi32, #tpu.memory_space<vmem>>
      %dma_wait3A_35 = arith.constant 0 : i32
      %dma_wait3A_36 = arith.constant 0 : i32
      %dma_wait3A_37 = tpu.memref_slice %arg15[%dma_wait3A_35, %dma_wait3A_36] : memref<10240x32xf32, #tpu.memory_space<vmem_shared>> -> memref<10240x32xf32, #tpu.memory_space<vmem_shared>>
      tpu.wait_indirect_dma semaphore(%arg24 : memref<!tpu.dma_semaphore, #tpu.memory_space<semaphore_mem>>) src(%arg13 : memref<128x32xf32, #tpu.memory_space<vmem>>) dst(%dma_wait3A_37 : memref<10240x32xf32, #tpu.memory_space<vmem_shared>>)
      %multiple_of3A_38 = arith.constant 20352 : i32
      %multiple_of3A_39 = tpu.assume_multiple %multiple_of3A_38, 128 : i32
      %dma_wait3A_40 = tpu.memref_slice %arg9[%multiple_of3A_39] : memref<20480xi32, #tpu.memory_space<vmem>> -> memref<128xi32, #tpu.memory_space<vmem>>
      %dma_wait3A_41 = arith.constant 0 : i32
      %dma_wait3A_42 = arith.constant 0 : i32
      %dma_wait3A_43 = tpu.memref_slice %arg15[%dma_wait3A_41, %dma_wait3A_42] : memref<10240x32xf32, #tpu.memory_space<vmem_shared>> -> memref<10240x32xf32, #tpu.memory_space<vmem_shared>>
      tpu.wait_indirect_dma semaphore(%arg25 : memref<!tpu.dma_semaphore, #tpu.memory_space<semaphore_mem>>) src(%arg14 : memref<128x32xf32, #tpu.memory_space<vmem>>) dst(%dma_wait3A_43 : memref<10240x32xf32, #tpu.memory_space<vmem_shared>>)
      %barrier3A_44 = arith.constant 0 : index
      tpu.barrier barrier_id(%barrier3A_44)
      "tpu.region"() ({
        %run_scoped3A = tpu.sem_alloc : memref<!tpu.dma_semaphore, #tpu.memory_space<semaphore_mem>>
        %dma_start3A_45 = arith.constant 0 : i32
        %dma_start3A_46 = tpu.memref_slice %arg6[%mul3A_0, %dma_start3A_45] : memref<10240x32xf32, #tpu.memory_space<hbm>> -> memref<640x32xf32, #tpu.memory_space<hbm>>
        %dma_start3A_47 = arith.constant 0 : i32
        %dma_start3A_48 = tpu.memref_slice %arg15[%mul3A_0, %dma_start3A_47] : memref<10240x32xf32, #tpu.memory_space<vmem_shared>> -> memref<640x32xf32, #tpu.memory_space<vmem_shared>>
        tpu.enqueue_dma source(%dma_start3A_48 : memref<640x32xf32, #tpu.memory_space<vmem_shared>>) target(%dma_start3A_46 : memref<640x32xf32, #tpu.memory_space<hbm>>) target_semaphore(%run_scoped3A : memref<!tpu.dma_semaphore, #tpu.memory_space<semaphore_mem>>)
        %dma_wait3A_49 = arith.constant 0 : i32
        %dma_wait3A_50 = tpu.memref_slice %arg6[%mul3A_0, %dma_wait3A_49] : memref<10240x32xf32, #tpu.memory_space<hbm>> -> memref<640x32xf32, #tpu.memory_space<hbm>>
        %dma_wait3A_51 = arith.constant 0 : i32
        %dma_wait3A_52 = tpu.memref_slice %arg15[%mul3A_0, %dma_wait3A_51] : memref<10240x32xf32, #tpu.memory_space<vmem_shared>> -> memref<640x32xf32, #tpu.memory_space<vmem_shared>>
        tpu.wait_dma2 semaphore(%run_scoped3A : memref<!tpu.dma_semaphore, #tpu.memory_space<semaphore_mem>>) src(%dma_wait3A_52 : memref<640x32xf32, #tpu.memory_space<vmem_shared>>) dst(%dma_wait3A_50 : memref<640x32xf32, #tpu.memory_space<hbm>>)
        tpu.yield
      }) : () -> ()
    } else {
    }
    %eq3A_7 = arith.constant 1 : i32
    %eq3A_8 = arith.cmpi eq, %arg0, %eq3A_7 : i32
    %convert_element_type3A_9 = arith.extui %eq3A_8 : i1 to i32
    %cond3A_10 = arith.constant 0 : i32
    %cond3A_11 = arith.cmpi ne, %convert_element_type3A_9, %cond3A_10 : i32
    scf.if %cond3A_11 {
      "tpu.region"() ({
        %run_scoped3A = tpu.sem_alloc : memref<!tpu.dma_semaphore, #tpu.memory_space<semaphore_mem>>
        %dma_start3A_45 = arith.constant 0 : i32
        %dma_start3A_46 = tpu.memref_slice %arg15[%mul3A_0, %dma_start3A_45] : memref<10240x32xf32, #tpu.memory_space<vmem_shared>> -> memref<640x32xf32, #tpu.memory_space<vmem_shared>>
        %dma_start3A_47 = arith.constant 0 : i32
        %dma_start3A_48 = tpu.memref_slice %arg3[%mul3A_0, %dma_start3A_47] : memref<10240x32xf32, #tpu.memory_space<hbm>> -> memref<640x32xf32, #tpu.memory_space<hbm>>
        tpu.enqueue_dma source(%dma_start3A_48 : memref<640x32xf32, #tpu.memory_space<hbm>>) target(%dma_start3A_46 : memref<640x32xf32, #tpu.memory_space<vmem_shared>>) target_semaphore(%run_scoped3A : memref<!tpu.dma_semaphore, #tpu.memory_space<semaphore_mem>>)
        %dma_wait3A_49 = arith.constant 0 : i32
        %dma_wait3A_50 = tpu.memref_slice %arg15[%mul3A_0, %dma_wait3A_49] : memref<10240x32xf32, #tpu.memory_space<vmem_shared>> -> memref<640x32xf32, #tpu.memory_space<vmem_shared>>
        %dma_wait3A_51 = arith.constant 0 : i32
        %dma_wait3A_52 = tpu.memref_slice %arg3[%mul3A_0, %dma_wait3A_51] : memref<10240x32xf32, #tpu.memory_space<hbm>> -> memref<640x32xf32, #tpu.memory_space<hbm>>
        tpu.wait_dma2 semaphore(%run_scoped3A : memref<!tpu.dma_semaphore, #tpu.memory_space<semaphore_mem>>) src(%dma_wait3A_52 : memref<640x32xf32, #tpu.memory_space<hbm>>) dst(%dma_wait3A_50 : memref<640x32xf32, #tpu.memory_space<vmem_shared>>)
        tpu.yield
      }) : () -> ()
      %barrier3A = arith.constant 0 : index
      tpu.barrier barrier_id(%barrier3A)
      %multiple_of3A = arith.constant 0 : i32
      %multiple_of3A_12 = tpu.assume_multiple %multiple_of3A, 128 : i32
      %dma_start3A = tpu.memref_slice %arg8[%multiple_of3A_12] : memref<20480xi32, #tpu.memory_space<vmem>> -> memref<128xi32, #tpu.memory_space<vmem>>
      %dma_start3A_13 = arith.constant 0 : i32
      %dma_start3A_14 = arith.constant 0 : i32
      %dma_start3A_15 = tpu.memref_slice %arg3[%dma_start3A_13, %dma_start3A_14] : memref<10240x32xf32, #tpu.memory_space<hbm>> -> memref<10240x32xf32, #tpu.memory_space<hbm>>
      tpu.enqueue_indirect_dma source(%dma_start3A_15 : memref<10240x32xf32, #tpu.memory_space<hbm>>) target(%arg10 : memref<128x32xf32, #tpu.memory_space<vmem>>) offsets(%dma_start3A : memref<128xi32, #tpu.memory_space<vmem>>) semaphore(%arg16 : memref<!tpu.dma_semaphore, #tpu.memory_space<semaphore_mem>>)
      %multiple_of3A_16 = arith.constant 128 : i32
      %multiple_of3A_17 = tpu.assume_multiple %multiple_of3A_16, 128 : i32
      %dma_start3A_18 = tpu.memref_slice %arg8[%multiple_of3A_17] : memref<20480xi32, #tpu.memory_space<vmem>> -> memref<128xi32, #tpu.memory_space<vmem>>
      %dma_start3A_19 = arith.constant 0 : i32
      %dma_start3A_20 = arith.constant 0 : i32
      %dma_start3A_21 = tpu.memref_slice %arg3[%dma_start3A_19, %dma_start3A_20] : memref<10240x32xf32, #tpu.memory_space<hbm>> -> memref<10240x32xf32, #tpu.memory_space<hbm>>
      tpu.enqueue_indirect_dma source(%dma_start3A_21 : memref<10240x32xf32, #tpu.memory_space<hbm>>) target(%arg11 : memref<128x32xf32, #tpu.memory_space<vmem>>) offsets(%dma_start3A_18 : memref<128xi32, #tpu.memory_space<vmem>>) semaphore(%arg17 : memref<!tpu.dma_semaphore, #tpu.memory_space<semaphore_mem>>)
      %multiple_of3A_22 = arith.constant 256 : i32
      %multiple_of3A_23 = tpu.assume_multiple %multiple_of3A_22, 128 : i32
      %dma_start3A_24 = tpu.memref_slice %arg8[%multiple_of3A_23] : memref<20480xi32, #tpu.memory_space<vmem>> -> memref<128xi32, #tpu.memory_space<vmem>>
      %dma_start3A_25 = arith.constant 0 : i32
      %dma_start3A_26 = arith.constant 0 : i32
      %dma_start3A_27 = tpu.memref_slice %arg3[%dma_start3A_25, %dma_start3A_26] : memref<10240x32xf32, #tpu.memory_space<hbm>> -> memref<10240x32xf32, #tpu.memory_space<hbm>>
      tpu.enqueue_indirect_dma source(%dma_start3A_27 : memref<10240x32xf32, #tpu.memory_space<hbm>>) target(%arg12 : memref<128x32xf32, #tpu.memory_space<vmem>>) offsets(%dma_start3A_24 : memref<128xi32, #tpu.memory_space<vmem>>) semaphore(%arg18 : memref<!tpu.dma_semaphore, #tpu.memory_space<semaphore_mem>>)
      %scan3A = arith.constant 0 : i32
      %scan3A_28 = arith.constant 0 : i32
      %scan3A_29 = arith.constant 32 : i32
      %scan3A_30 = arith.addi %scan3A_28, %scan3A_29 : i32
      %scan3A_31 = arith.constant 1 : i32
      scf.for %scan3A_45 = %scan3A_28 to %scan3A_30 step %scan3A_31  : i32 {
        %mul3A_46 = arith.constant 5 : i32
        %mul3A_47 = arith.muli %scan3A_45, %mul3A_46 : i32
        %add3A = arith.constant 0 : i32
        %add3A_48 = arith.addi %mul3A_47, %add3A : i32
        %mul3A_49 = arith.constant 128 : i32
        %mul3A_50 = arith.muli %add3A_48, %mul3A_49 : i32
        %multiple_of3A_51 = tpu.assume_multiple %mul3A_50, 128 : i32
        %dma_wait3A_52 = tpu.memref_slice %arg8[%multiple_of3A_51] : memref<20480xi32, #tpu.memory_space<vmem>> -> memref<128xi32, #tpu.memory_space<vmem>>
        %dma_wait3A_53 = arith.constant 0 : i32
        %dma_wait3A_54 = arith.constant 0 : i32
        %dma_wait3A_55 = tpu.memref_slice %arg3[%dma_wait3A_53, %dma_wait3A_54] : memref<10240x32xf32, #tpu.memory_space<hbm>> -> memref<10240x32xf32, #tpu.memory_space<hbm>>
        tpu.wait_indirect_dma semaphore(%arg16 : memref<!tpu.dma_semaphore, #tpu.memory_space<semaphore_mem>>) src(%dma_wait3A_55 : memref<10240x32xf32, #tpu.memory_space<hbm>>) dst(%arg10 : memref<128x32xf32, #tpu.memory_space<vmem>>)
        %mul3A_56 = arith.constant 128 : i32
        %mul3A_57 = arith.muli %add3A_48, %mul3A_56 : i32
        %multiple_of3A_58 = tpu.assume_multiple %mul3A_57, 128 : i32
        %dma_start3A_59 = tpu.memref_slice %arg9[%multiple_of3A_58] : memref<20480xi32, #tpu.memory_space<vmem>> -> memref<128xi32, #tpu.memory_space<vmem>>
        %dma_start3A_60 = arith.constant 0 : i32
        %dma_start3A_61 = arith.constant 0 : i32
        %dma_start3A_62 = tpu.memref_slice %arg15[%dma_start3A_60, %dma_start3A_61] : memref<10240x32xf32, #tpu.memory_space<vmem_shared>> -> memref<10240x32xf32, #tpu.memory_space<vmem_shared>>
        tpu.enqueue_indirect_dma source(%arg10 : memref<128x32xf32, #tpu.memory_space<vmem>>) target(%dma_start3A_62 : memref<10240x32xf32, #tpu.memory_space<vmem_shared>>) offsets(%dma_start3A_59 : memref<128xi32, #tpu.memory_space<vmem>>) semaphore(%arg21 : memref<!tpu.dma_semaphore, #tpu.memory_space<semaphore_mem>>) {add = true}
        %add3A_63 = arith.constant 3 : i32
        %add3A_64 = arith.addi %add3A_48, %add3A_63 : i32
        %sub3A = arith.constant 5 : i32
        %sub3A_65 = arith.subi %add3A_64, %sub3A : i32
        %ge3A = arith.constant 0 : i32
        %ge3A_66 = arith.cmpi sge, %sub3A_65, %ge3A : i32
        %convert_element_type3A_67 = arith.extui %ge3A_66 : i1 to i32
        %cond3A_68 = arith.constant 0 : i32
        %cond3A_69 = arith.cmpi ne, %convert_element_type3A_67, %cond3A_68 : i32
        scf.if %cond3A_69 {
          %mul3A_204 = arith.constant 128 : i32
          %mul3A_205 = arith.muli %sub3A_65, %mul3A_204 : i32
          %multiple_of3A_206 = tpu.assume_multiple %mul3A_205, 128 : i32
          %dma_wait3A_207 = tpu.memref_slice %arg9[%multiple_of3A_206] : memref<20480xi32, #tpu.memory_space<vmem>> -> memref<128xi32, #tpu.memory_space<vmem>>
          %dma_wait3A_208 = arith.constant 0 : i32
          %dma_wait3A_209 = arith.constant 0 : i32
          %dma_wait3A_210 = tpu.memref_slice %arg15[%dma_wait3A_208, %dma_wait3A_209] : memref<10240x32xf32, #tpu.memory_space<vmem_shared>> -> memref<10240x32xf32, #tpu.memory_space<vmem_shared>>
          tpu.wait_indirect_dma semaphore(%arg24 : memref<!tpu.dma_semaphore, #tpu.memory_space<semaphore_mem>>) src(%arg13 : memref<128x32xf32, #tpu.memory_space<vmem>>) dst(%dma_wait3A_210 : memref<10240x32xf32, #tpu.memory_space<vmem_shared>>)
        } else {
        }
        %add3A_70 = arith.constant 3 : i32
        %add3A_71 = arith.addi %add3A_48, %add3A_70 : i32
        %lt3A = arith.constant 160 : i32
        %lt3A_72 = arith.cmpi slt, %add3A_71, %lt3A : i32
        %convert_element_type3A_73 = arith.extui %lt3A_72 : i1 to i32
        %cond3A_74 = arith.constant 0 : i32
        %cond3A_75 = arith.cmpi ne, %convert_element_type3A_73, %cond3A_74 : i32
        scf.if %cond3A_75 {
          %add3A_204 = arith.constant 3 : i32
          %add3A_205 = arith.addi %add3A_48, %add3A_204 : i32
          %mul3A_206 = arith.constant 128 : i32
          %mul3A_207 = arith.muli %add3A_205, %mul3A_206 : i32
          %multiple_of3A_208 = tpu.assume_multiple %mul3A_207, 128 : i32
          %dma_start3A_209 = tpu.memref_slice %arg8[%multiple_of3A_208] : memref<20480xi32, #tpu.memory_space<vmem>> -> memref<128xi32, #tpu.memory_space<vmem>>
          %dma_start3A_210 = arith.constant 0 : i32
          %dma_start3A_211 = arith.constant 0 : i32
          %dma_start3A_212 = tpu.memref_slice %arg3[%dma_start3A_210, %dma_start3A_211] : memref<10240x32xf32, #tpu.memory_space<hbm>> -> memref<10240x32xf32, #tpu.memory_space<hbm>>
          tpu.enqueue_indirect_dma source(%dma_start3A_212 : memref<10240x32xf32, #tpu.memory_space<hbm>>) target(%arg13 : memref<128x32xf32, #tpu.memory_space<vmem>>) offsets(%dma_start3A_209 : memref<128xi32, #tpu.memory_space<vmem>>) semaphore(%arg19 : memref<!tpu.dma_semaphore, #tpu.memory_space<semaphore_mem>>)
        } else {
        }
        %add3A_76 = arith.constant 1 : i32
        %add3A_77 = arith.addi %mul3A_47, %add3A_76 : i32
        %mul3A_78 = arith.constant 128 : i32
        %mul3A_79 = arith.muli %add3A_77, %mul3A_78 : i32
        %multiple_of3A_80 = tpu.assume_multiple %mul3A_79, 128 : i32
        %dma_wait3A_81 = tpu.memref_slice %arg8[%multiple_of3A_80] : memref<20480xi32, #tpu.memory_space<vmem>> -> memref<128xi32, #tpu.memory_space<vmem>>
        %dma_wait3A_82 = arith.constant 0 : i32
        %dma_wait3A_83 = arith.constant 0 : i32
        %dma_wait3A_84 = tpu.memref_slice %arg3[%dma_wait3A_82, %dma_wait3A_83] : memref<10240x32xf32, #tpu.memory_space<hbm>> -> memref<10240x32xf32, #tpu.memory_space<hbm>>
        tpu.wait_indirect_dma semaphore(%arg17 : memref<!tpu.dma_semaphore, #tpu.memory_space<semaphore_mem>>) src(%dma_wait3A_84 : memref<10240x32xf32, #tpu.memory_space<hbm>>) dst(%arg11 : memref<128x32xf32, #tpu.memory_space<vmem>>)
        %mul3A_85 = arith.constant 128 : i32
        %mul3A_86 = arith.muli %add3A_77, %mul3A_85 : i32
        %multiple_of3A_87 = tpu.assume_multiple %mul3A_86, 128 : i32
        %dma_start3A_88 = tpu.memref_slice %arg9[%multiple_of3A_87] : memref<20480xi32, #tpu.memory_space<vmem>> -> memref<128xi32, #tpu.memory_space<vmem>>
        %dma_start3A_89 = arith.constant 0 : i32
        %dma_start3A_90 = arith.constant 0 : i32
        %dma_start3A_91 = tpu.memref_slice %arg15[%dma_start3A_89, %dma_start3A_90] : memref<10240x32xf32, #tpu.memory_space<vmem_shared>> -> memref<10240x32xf32, #tpu.memory_space<vmem_shared>>
        tpu.enqueue_indirect_dma source(%arg11 : memref<128x32xf32, #tpu.memory_space<vmem>>) target(%dma_start3A_91 : memref<10240x32xf32, #tpu.memory_space<vmem_shared>>) offsets(%dma_start3A_88 : memref<128xi32, #tpu.memory_space<vmem>>) semaphore(%arg22 : memref<!tpu.dma_semaphore, #tpu.memory_space<semaphore_mem>>) {add = true}
        %add3A_92 = arith.constant 3 : i32
        %add3A_93 = arith.addi %add3A_77, %add3A_92 : i32
        %sub3A_94 = arith.constant 5 : i32
        %sub3A_95 = arith.subi %add3A_93, %sub3A_94 : i32
        %ge3A_96 = arith.constant 0 : i32
        %ge3A_97 = arith.cmpi sge, %sub3A_95, %ge3A_96 : i32
        %convert_element_type3A_98 = arith.extui %ge3A_97 : i1 to i32
        %cond3A_99 = arith.constant 0 : i32
        %cond3A_100 = arith.cmpi ne, %convert_element_type3A_98, %cond3A_99 : i32
        scf.if %cond3A_100 {
          %mul3A_204 = arith.constant 128 : i32
          %mul3A_205 = arith.muli %sub3A_95, %mul3A_204 : i32
          %multiple_of3A_206 = tpu.assume_multiple %mul3A_205, 128 : i32
          %dma_wait3A_207 = tpu.memref_slice %arg9[%multiple_of3A_206] : memref<20480xi32, #tpu.memory_space<vmem>> -> memref<128xi32, #tpu.memory_space<vmem>>
          %dma_wait3A_208 = arith.constant 0 : i32
          %dma_wait3A_209 = arith.constant 0 : i32
          %dma_wait3A_210 = tpu.memref_slice %arg15[%dma_wait3A_208, %dma_wait3A_209] : memref<10240x32xf32, #tpu.memory_space<vmem_shared>> -> memref<10240x32xf32, #tpu.memory_space<vmem_shared>>
          tpu.wait_indirect_dma semaphore(%arg25 : memref<!tpu.dma_semaphore, #tpu.memory_space<semaphore_mem>>) src(%arg14 : memref<128x32xf32, #tpu.memory_space<vmem>>) dst(%dma_wait3A_210 : memref<10240x32xf32, #tpu.memory_space<vmem_shared>>)
        } else {
        }
        %add3A_101 = arith.constant 3 : i32
        %add3A_102 = arith.addi %add3A_77, %add3A_101 : i32
        %lt3A_103 = arith.constant 160 : i32
        %lt3A_104 = arith.cmpi slt, %add3A_102, %lt3A_103 : i32
        %convert_element_type3A_105 = arith.extui %lt3A_104 : i1 to i32
        %cond3A_106 = arith.constant 0 : i32
        %cond3A_107 = arith.cmpi ne, %convert_element_type3A_105, %cond3A_106 : i32
        scf.if %cond3A_107 {
          %add3A_204 = arith.constant 3 : i32
          %add3A_205 = arith.addi %add3A_77, %add3A_204 : i32
          %mul3A_206 = arith.constant 128 : i32
          %mul3A_207 = arith.muli %add3A_205, %mul3A_206 : i32
          %multiple_of3A_208 = tpu.assume_multiple %mul3A_207, 128 : i32
          %dma_start3A_209 = tpu.memref_slice %arg8[%multiple_of3A_208] : memref<20480xi32, #tpu.memory_space<vmem>> -> memref<128xi32, #tpu.memory_space<vmem>>
          %dma_start3A_210 = arith.constant 0 : i32
          %dma_start3A_211 = arith.constant 0 : i32
          %dma_start3A_212 = tpu.memref_slice %arg3[%dma_start3A_210, %dma_start3A_211] : memref<10240x32xf32, #tpu.memory_space<hbm>> -> memref<10240x32xf32, #tpu.memory_space<hbm>>
          tpu.enqueue_indirect_dma source(%dma_start3A_212 : memref<10240x32xf32, #tpu.memory_space<hbm>>) target(%arg14 : memref<128x32xf32, #tpu.memory_space<vmem>>) offsets(%dma_start3A_209 : memref<128xi32, #tpu.memory_space<vmem>>) semaphore(%arg20 : memref<!tpu.dma_semaphore, #tpu.memory_space<semaphore_mem>>)
        } else {
        }
        %add3A_108 = arith.constant 2 : i32
        %add3A_109 = arith.addi %mul3A_47, %add3A_108 : i32
        %mul3A_110 = arith.constant 128 : i32
        %mul3A_111 = arith.muli %add3A_109, %mul3A_110 : i32
        %multiple_of3A_112 = tpu.assume_multiple %mul3A_111, 128 : i32
        %dma_wait3A_113 = tpu.memref_slice %arg8[%multiple_of3A_112] : memref<20480xi32, #tpu.memory_space<vmem>> -> memref<128xi32, #tpu.memory_space<vmem>>
        %dma_wait3A_114 = arith.constant 0 : i32
        %dma_wait3A_115 = arith.constant 0 : i32
        %dma_wait3A_116 = tpu.memref_slice %arg3[%dma_wait3A_114, %dma_wait3A_115] : memref<10240x32xf32, #tpu.memory_space<hbm>> -> memref<10240x32xf32, #tpu.memory_space<hbm>>
        tpu.wait_indirect_dma semaphore(%arg18 : memref<!tpu.dma_semaphore, #tpu.memory_space<semaphore_mem>>) src(%dma_wait3A_116 : memref<10240x32xf32, #tpu.memory_space<hbm>>) dst(%arg12 : memref<128x32xf32, #tpu.memory_space<vmem>>)
        %mul3A_117 = arith.constant 128 : i32
        %mul3A_118 = arith.muli %add3A_109, %mul3A_117 : i32
        %multiple_of3A_119 = tpu.assume_multiple %mul3A_118, 128 : i32
        %dma_start3A_120 = tpu.memref_slice %arg9[%multiple_of3A_119] : memref<20480xi32, #tpu.memory_space<vmem>> -> memref<128xi32, #tpu.memory_space<vmem>>
        %dma_start3A_121 = arith.constant 0 : i32
        %dma_start3A_122 = arith.constant 0 : i32
        %dma_start3A_123 = tpu.memref_slice %arg15[%dma_start3A_121, %dma_start3A_122] : memref<10240x32xf32, #tpu.memory_space<vmem_shared>> -> memref<10240x32xf32, #tpu.memory_space<vmem_shared>>
        tpu.enqueue_indirect_dma source(%arg12 : memref<128x32xf32, #tpu.memory_space<vmem>>) target(%dma_start3A_123 : memref<10240x32xf32, #tpu.memory_space<vmem_shared>>) offsets(%dma_start3A_120 : memref<128xi32, #tpu.memory_space<vmem>>) semaphore(%arg23 : memref<!tpu.dma_semaphore, #tpu.memory_space<semaphore_mem>>) {add = true}
        %add3A_124 = arith.constant 3 : i32
        %add3A_125 = arith.addi %add3A_109, %add3A_124 : i32
        %sub3A_126 = arith.constant 5 : i32
        %sub3A_127 = arith.subi %add3A_125, %sub3A_126 : i32
        %ge3A_128 = arith.constant 0 : i32
        %ge3A_129 = arith.cmpi sge, %sub3A_127, %ge3A_128 : i32
        %convert_element_type3A_130 = arith.extui %ge3A_129 : i1 to i32
        %cond3A_131 = arith.constant 0 : i32
        %cond3A_132 = arith.cmpi ne, %convert_element_type3A_130, %cond3A_131 : i32
        scf.if %cond3A_132 {
          %mul3A_204 = arith.constant 128 : i32
          %mul3A_205 = arith.muli %sub3A_127, %mul3A_204 : i32
          %multiple_of3A_206 = tpu.assume_multiple %mul3A_205, 128 : i32
          %dma_wait3A_207 = tpu.memref_slice %arg9[%multiple_of3A_206] : memref<20480xi32, #tpu.memory_space<vmem>> -> memref<128xi32, #tpu.memory_space<vmem>>
          %dma_wait3A_208 = arith.constant 0 : i32
          %dma_wait3A_209 = arith.constant 0 : i32
          %dma_wait3A_210 = tpu.memref_slice %arg15[%dma_wait3A_208, %dma_wait3A_209] : memref<10240x32xf32, #tpu.memory_space<vmem_shared>> -> memref<10240x32xf32, #tpu.memory_space<vmem_shared>>
          tpu.wait_indirect_dma semaphore(%arg21 : memref<!tpu.dma_semaphore, #tpu.memory_space<semaphore_mem>>) src(%arg10 : memref<128x32xf32, #tpu.memory_space<vmem>>) dst(%dma_wait3A_210 : memref<10240x32xf32, #tpu.memory_space<vmem_shared>>)
        } else {
        }
        %add3A_133 = arith.constant 3 : i32
        %add3A_134 = arith.addi %add3A_109, %add3A_133 : i32
        %lt3A_135 = arith.constant 160 : i32
        %lt3A_136 = arith.cmpi slt, %add3A_134, %lt3A_135 : i32
        %convert_element_type3A_137 = arith.extui %lt3A_136 : i1 to i32
        %cond3A_138 = arith.constant 0 : i32
        %cond3A_139 = arith.cmpi ne, %convert_element_type3A_137, %cond3A_138 : i32
        scf.if %cond3A_139 {
          %add3A_204 = arith.constant 3 : i32
          %add3A_205 = arith.addi %add3A_109, %add3A_204 : i32
          %mul3A_206 = arith.constant 128 : i32
          %mul3A_207 = arith.muli %add3A_205, %mul3A_206 : i32
          %multiple_of3A_208 = tpu.assume_multiple %mul3A_207, 128 : i32
          %dma_start3A_209 = tpu.memref_slice %arg8[%multiple_of3A_208] : memref<20480xi32, #tpu.memory_space<vmem>> -> memref<128xi32, #tpu.memory_space<vmem>>
          %dma_start3A_210 = arith.constant 0 : i32
          %dma_start3A_211 = arith.constant 0 : i32
          %dma_start3A_212 = tpu.memref_slice %arg3[%dma_start3A_210, %dma_start3A_211] : memref<10240x32xf32, #tpu.memory_space<hbm>> -> memref<10240x32xf32, #tpu.memory_space<hbm>>
          tpu.enqueue_indirect_dma source(%dma_start3A_212 : memref<10240x32xf32, #tpu.memory_space<hbm>>) target(%arg10 : memref<128x32xf32, #tpu.memory_space<vmem>>) offsets(%dma_start3A_209 : memref<128xi32, #tpu.memory_space<vmem>>) semaphore(%arg16 : memref<!tpu.dma_semaphore, #tpu.memory_space<semaphore_mem>>)
        } else {
        }
        %add3A_140 = arith.constant 3 : i32
        %add3A_141 = arith.addi %mul3A_47, %add3A_140 : i32
        %mul3A_142 = arith.constant 128 : i32
        %mul3A_143 = arith.muli %add3A_141, %mul3A_142 : i32
        %multiple_of3A_144 = tpu.assume_multiple %mul3A_143, 128 : i32
        %dma_wait3A_145 = tpu.memref_slice %arg8[%multiple_of3A_144] : memref<20480xi32, #tpu.memory_space<vmem>> -> memref<128xi32, #tpu.memory_space<vmem>>
        %dma_wait3A_146 = arith.constant 0 : i32
        %dma_wait3A_147 = arith.constant 0 : i32
        %dma_wait3A_148 = tpu.memref_slice %arg3[%dma_wait3A_146, %dma_wait3A_147] : memref<10240x32xf32, #tpu.memory_space<hbm>> -> memref<10240x32xf32, #tpu.memory_space<hbm>>
        tpu.wait_indirect_dma semaphore(%arg19 : memref<!tpu.dma_semaphore, #tpu.memory_space<semaphore_mem>>) src(%dma_wait3A_148 : memref<10240x32xf32, #tpu.memory_space<hbm>>) dst(%arg13 : memref<128x32xf32, #tpu.memory_space<vmem>>)
        %mul3A_149 = arith.constant 128 : i32
        %mul3A_150 = arith.muli %add3A_141, %mul3A_149 : i32
        %multiple_of3A_151 = tpu.assume_multiple %mul3A_150, 128 : i32
        %dma_start3A_152 = tpu.memref_slice %arg9[%multiple_of3A_151] : memref<20480xi32, #tpu.memory_space<vmem>> -> memref<128xi32, #tpu.memory_space<vmem>>
        %dma_start3A_153 = arith.constant 0 : i32
        %dma_start3A_154 = arith.constant 0 : i32
        %dma_start3A_155 = tpu.memref_slice %arg15[%dma_start3A_153, %dma_start3A_154] : memref<10240x32xf32, #tpu.memory_space<vmem_shared>> -> memref<10240x32xf32, #tpu.memory_space<vmem_shared>>
        tpu.enqueue_indirect_dma source(%arg13 : memref<128x32xf32, #tpu.memory_space<vmem>>) target(%dma_start3A_155 : memref<10240x32xf32, #tpu.memory_space<vmem_shared>>) offsets(%dma_start3A_152 : memref<128xi32, #tpu.memory_space<vmem>>) semaphore(%arg24 : memref<!tpu.dma_semaphore, #tpu.memory_space<semaphore_mem>>) {add = true}
        %add3A_156 = arith.constant 3 : i32
        %add3A_157 = arith.addi %add3A_141, %add3A_156 : i32
        %sub3A_158 = arith.constant 5 : i32
        %sub3A_159 = arith.subi %add3A_157, %sub3A_158 : i32
        %ge3A_160 = arith.constant 0 : i32
        %ge3A_161 = arith.cmpi sge, %sub3A_159, %ge3A_160 : i32
        %convert_element_type3A_162 = arith.extui %ge3A_161 : i1 to i32
        %cond3A_163 = arith.constant 0 : i32
        %cond3A_164 = arith.cmpi ne, %convert_element_type3A_162, %cond3A_163 : i32
        scf.if %cond3A_164 {
          %mul3A_204 = arith.constant 128 : i32
          %mul3A_205 = arith.muli %sub3A_159, %mul3A_204 : i32
          %multiple_of3A_206 = tpu.assume_multiple %mul3A_205, 128 : i32
          %dma_wait3A_207 = tpu.memref_slice %arg9[%multiple_of3A_206] : memref<20480xi32, #tpu.memory_space<vmem>> -> memref<128xi32, #tpu.memory_space<vmem>>
          %dma_wait3A_208 = arith.constant 0 : i32
          %dma_wait3A_209 = arith.constant 0 : i32
          %dma_wait3A_210 = tpu.memref_slice %arg15[%dma_wait3A_208, %dma_wait3A_209] : memref<10240x32xf32, #tpu.memory_space<vmem_shared>> -> memref<10240x32xf32, #tpu.memory_space<vmem_shared>>
          tpu.wait_indirect_dma semaphore(%arg22 : memref<!tpu.dma_semaphore, #tpu.memory_space<semaphore_mem>>) src(%arg11 : memref<128x32xf32, #tpu.memory_space<vmem>>) dst(%dma_wait3A_210 : memref<10240x32xf32, #tpu.memory_space<vmem_shared>>)
        } else {
        }
        %add3A_165 = arith.constant 3 : i32
        %add3A_166 = arith.addi %add3A_141, %add3A_165 : i32
        %lt3A_167 = arith.constant 160 : i32
        %lt3A_168 = arith.cmpi slt, %add3A_166, %lt3A_167 : i32
        %convert_element_type3A_169 = arith.extui %lt3A_168 : i1 to i32
        %cond3A_170 = arith.constant 0 : i32
        %cond3A_171 = arith.cmpi ne, %convert_element_type3A_169, %cond3A_170 : i32
        scf.if %cond3A_171 {
          %add3A_204 = arith.constant 3 : i32
          %add3A_205 = arith.addi %add3A_141, %add3A_204 : i32
          %mul3A_206 = arith.constant 128 : i32
          %mul3A_207 = arith.muli %add3A_205, %mul3A_206 : i32
          %multiple_of3A_208 = tpu.assume_multiple %mul3A_207, 128 : i32
          %dma_start3A_209 = tpu.memref_slice %arg8[%multiple_of3A_208] : memref<20480xi32, #tpu.memory_space<vmem>> -> memref<128xi32, #tpu.memory_space<vmem>>
          %dma_start3A_210 = arith.constant 0 : i32
          %dma_start3A_211 = arith.constant 0 : i32
          %dma_start3A_212 = tpu.memref_slice %arg3[%dma_start3A_210, %dma_start3A_211] : memref<10240x32xf32, #tpu.memory_space<hbm>> -> memref<10240x32xf32, #tpu.memory_space<hbm>>
          tpu.enqueue_indirect_dma source(%dma_start3A_212 : memref<10240x32xf32, #tpu.memory_space<hbm>>) target(%arg11 : memref<128x32xf32, #tpu.memory_space<vmem>>) offsets(%dma_start3A_209 : memref<128xi32, #tpu.memory_space<vmem>>) semaphore(%arg17 : memref<!tpu.dma_semaphore, #tpu.memory_space<semaphore_mem>>)
        } else {
        }
        %add3A_172 = arith.constant 4 : i32
        %add3A_173 = arith.addi %mul3A_47, %add3A_172 : i32
        %mul3A_174 = arith.constant 128 : i32
        %mul3A_175 = arith.muli %add3A_173, %mul3A_174 : i32
        %multiple_of3A_176 = tpu.assume_multiple %mul3A_175, 128 : i32
        %dma_wait3A_177 = tpu.memref_slice %arg8[%multiple_of3A_176] : memref<20480xi32, #tpu.memory_space<vmem>> -> memref<128xi32, #tpu.memory_space<vmem>>
        %dma_wait3A_178 = arith.constant 0 : i32
        %dma_wait3A_179 = arith.constant 0 : i32
        %dma_wait3A_180 = tpu.memref_slice %arg3[%dma_wait3A_178, %dma_wait3A_179] : memref<10240x32xf32, #tpu.memory_space<hbm>> -> memref<10240x32xf32, #tpu.memory_space<hbm>>
        tpu.wait_indirect_dma semaphore(%arg20 : memref<!tpu.dma_semaphore, #tpu.memory_space<semaphore_mem>>) src(%dma_wait3A_180 : memref<10240x32xf32, #tpu.memory_space<hbm>>) dst(%arg14 : memref<128x32xf32, #tpu.memory_space<vmem>>)
        %mul3A_181 = arith.constant 128 : i32
        %mul3A_182 = arith.muli %add3A_173, %mul3A_181 : i32
        %multiple_of3A_183 = tpu.assume_multiple %mul3A_182, 128 : i32
        %dma_start3A_184 = tpu.memref_slice %arg9[%multiple_of3A_183] : memref<20480xi32, #tpu.memory_space<vmem>> -> memref<128xi32, #tpu.memory_space<vmem>>
        %dma_start3A_185 = arith.constant 0 : i32
        %dma_start3A_186 = arith.constant 0 : i32
        %dma_start3A_187 = tpu.memref_slice %arg15[%dma_start3A_185, %dma_start3A_186] : memref<10240x32xf32, #tpu.memory_space<vmem_shared>> -> memref<10240x32xf32, #tpu.memory_space<vmem_shared>>
        tpu.enqueue_indirect_dma source(%arg14 : memref<128x32xf32, #tpu.memory_space<vmem>>) target(%dma_start3A_187 : memref<10240x32xf32, #tpu.memory_space<vmem_shared>>) offsets(%dma_start3A_184 : memref<128xi32, #tpu.memory_space<vmem>>) semaphore(%arg25 : memref<!tpu.dma_semaphore, #tpu.memory_space<semaphore_mem>>) {add = true}
        %add3A_188 = arith.constant 3 : i32
        %add3A_189 = arith.addi %add3A_173, %add3A_188 : i32
        %sub3A_190 = arith.constant 5 : i32
        %sub3A_191 = arith.subi %add3A_189, %sub3A_190 : i32
        %ge3A_192 = arith.constant 0 : i32
        %ge3A_193 = arith.cmpi sge, %sub3A_191, %ge3A_192 : i32
        %convert_element_type3A_194 = arith.extui %ge3A_193 : i1 to i32
        %cond3A_195 = arith.constant 0 : i32
        %cond3A_196 = arith.cmpi ne, %convert_element_type3A_194, %cond3A_195 : i32
        scf.if %cond3A_196 {
          %mul3A_204 = arith.constant 128 : i32
          %mul3A_205 = arith.muli %sub3A_191, %mul3A_204 : i32
          %multiple_of3A_206 = tpu.assume_multiple %mul3A_205, 128 : i32
          %dma_wait3A_207 = tpu.memref_slice %arg9[%multiple_of3A_206] : memref<20480xi32, #tpu.memory_space<vmem>> -> memref<128xi32, #tpu.memory_space<vmem>>
          %dma_wait3A_208 = arith.constant 0 : i32
          %dma_wait3A_209 = arith.constant 0 : i32
          %dma_wait3A_210 = tpu.memref_slice %arg15[%dma_wait3A_208, %dma_wait3A_209] : memref<10240x32xf32, #tpu.memory_space<vmem_shared>> -> memref<10240x32xf32, #tpu.memory_space<vmem_shared>>
          tpu.wait_indirect_dma semaphore(%arg23 : memref<!tpu.dma_semaphore, #tpu.memory_space<semaphore_mem>>) src(%arg12 : memref<128x32xf32, #tpu.memory_space<vmem>>) dst(%dma_wait3A_210 : memref<10240x32xf32, #tpu.memory_space<vmem_shared>>)
        } else {
        }
        %add3A_197 = arith.constant 3 : i32
        %add3A_198 = arith.addi %add3A_173, %add3A_197 : i32
        %lt3A_199 = arith.constant 160 : i32
        %lt3A_200 = arith.cmpi slt, %add3A_198, %lt3A_199 : i32
        %convert_element_type3A_201 = arith.extui %lt3A_200 : i1 to i32
        %cond3A_202 = arith.constant 0 : i32
        %cond3A_203 = arith.cmpi ne, %convert_element_type3A_201, %cond3A_202 : i32
        scf.if %cond3A_203 {
          %add3A_204 = arith.constant 3 : i32
          %add3A_205 = arith.addi %add3A_173, %add3A_204 : i32
          %mul3A_206 = arith.constant 128 : i32
          %mul3A_207 = arith.muli %add3A_205, %mul3A_206 : i32
          %multiple_of3A_208 = tpu.assume_multiple %mul3A_207, 128 : i32
          %dma_start3A_209 = tpu.memref_slice %arg8[%multiple_of3A_208] : memref<20480xi32, #tpu.memory_space<vmem>> -> memref<128xi32, #tpu.memory_space<vmem>>
          %dma_start3A_210 = arith.constant 0 : i32
          %dma_start3A_211 = arith.constant 0 : i32
          %dma_start3A_212 = tpu.memref_slice %arg3[%dma_start3A_210, %dma_start3A_211] : memref<10240x32xf32, #tpu.memory_space<hbm>> -> memref<10240x32xf32, #tpu.memory_space<hbm>>
          tpu.enqueue_indirect_dma source(%dma_start3A_212 : memref<10240x32xf32, #tpu.memory_space<hbm>>) target(%arg12 : memref<128x32xf32, #tpu.memory_space<vmem>>) offsets(%dma_start3A_209 : memref<128xi32, #tpu.memory_space<vmem>>) semaphore(%arg18 : memref<!tpu.dma_semaphore, #tpu.memory_space<semaphore_mem>>)
        } else {
        }
      }
      %scan3A_32 = arith.constant 32 : i32
      %multiple_of3A_33 = arith.constant 20224 : i32
      %multiple_of3A_34 = tpu.assume_multiple %multiple_of3A_33, 128 : i32
      %dma_wait3A = tpu.memref_slice %arg9[%multiple_of3A_34] : memref<20480xi32, #tpu.memory_space<vmem>> -> memref<128xi32, #tpu.memory_space<vmem>>
      %dma_wait3A_35 = arith.constant 0 : i32
      %dma_wait3A_36 = arith.constant 0 : i32
      %dma_wait3A_37 = tpu.memref_slice %arg15[%dma_wait3A_35, %dma_wait3A_36] : memref<10240x32xf32, #tpu.memory_space<vmem_shared>> -> memref<10240x32xf32, #tpu.memory_space<vmem_shared>>
      tpu.wait_indirect_dma semaphore(%arg24 : memref<!tpu.dma_semaphore, #tpu.memory_space<semaphore_mem>>) src(%arg13 : memref<128x32xf32, #tpu.memory_space<vmem>>) dst(%dma_wait3A_37 : memref<10240x32xf32, #tpu.memory_space<vmem_shared>>)
      %multiple_of3A_38 = arith.constant 20352 : i32
      %multiple_of3A_39 = tpu.assume_multiple %multiple_of3A_38, 128 : i32
      %dma_wait3A_40 = tpu.memref_slice %arg9[%multiple_of3A_39] : memref<20480xi32, #tpu.memory_space<vmem>> -> memref<128xi32, #tpu.memory_space<vmem>>
      %dma_wait3A_41 = arith.constant 0 : i32
      %dma_wait3A_42 = arith.constant 0 : i32
      %dma_wait3A_43 = tpu.memref_slice %arg15[%dma_wait3A_41, %dma_wait3A_42] : memref<10240x32xf32, #tpu.memory_space<vmem_shared>> -> memref<10240x32xf32, #tpu.memory_space<vmem_shared>>
      tpu.wait_indirect_dma semaphore(%arg25 : memref<!tpu.dma_semaphore, #tpu.memory_space<semaphore_mem>>) src(%arg14 : memref<128x32xf32, #tpu.memory_space<vmem>>) dst(%dma_wait3A_43 : memref<10240x32xf32, #tpu.memory_space<vmem_shared>>)
      %barrier3A_44 = arith.constant 0 : index
      tpu.barrier barrier_id(%barrier3A_44)
      "tpu.region"() ({
        %run_scoped3A = tpu.sem_alloc : memref<!tpu.dma_semaphore, #tpu.memory_space<semaphore_mem>>
        %dma_start3A_45 = arith.constant 0 : i32
        %dma_start3A_46 = tpu.memref_slice %arg7[%mul3A_0, %dma_start3A_45] : memref<10240x32xf32, #tpu.memory_space<hbm>> -> memref<640x32xf32, #tpu.memory_space<hbm>>
        %dma_start3A_47 = arith.constant 0 : i32
        %dma_start3A_48 = tpu.memref_slice %arg15[%mul3A_0, %dma_start3A_47] : memref<10240x32xf32, #tpu.memory_space<vmem_shared>> -> memref<640x32xf32, #tpu.memory_space<vmem_shared>>
        tpu.enqueue_dma source(%dma_start3A_48 : memref<640x32xf32, #tpu.memory_space<vmem_shared>>) target(%dma_start3A_46 : memref<640x32xf32, #tpu.memory_space<hbm>>) target_semaphore(%run_scoped3A : memref<!tpu.dma_semaphore, #tpu.memory_space<semaphore_mem>>)
        %dma_wait3A_49 = arith.constant 0 : i32
        %dma_wait3A_50 = tpu.memref_slice %arg7[%mul3A_0, %dma_wait3A_49] : memref<10240x32xf32, #tpu.memory_space<hbm>> -> memref<640x32xf32, #tpu.memory_space<hbm>>
        %dma_wait3A_51 = arith.constant 0 : i32
        %dma_wait3A_52 = tpu.memref_slice %arg15[%mul3A_0, %dma_wait3A_51] : memref<10240x32xf32, #tpu.memory_space<vmem_shared>> -> memref<640x32xf32, #tpu.memory_space<vmem_shared>>
        tpu.wait_dma2 semaphore(%run_scoped3A : memref<!tpu.dma_semaphore, #tpu.memory_space<semaphore_mem>>) src(%dma_wait3A_52 : memref<640x32xf32, #tpu.memory_space<vmem_shared>>) dst(%dma_wait3A_50 : memref<640x32xf32, #tpu.memory_space<hbm>>)
        tpu.yield
      }) : () -> ()
    } else {
    }
    return
  }
}

module attributes {stable_mosaic.version = 14 : i64} {
  func.func @_b_body(%arg0: i32, %arg1: memref<1280x128xf32, #tpu.memory_space<vmem>>, %arg2: memref<128x64xf32, #tpu.memory_space<vmem>>, %arg3: memref<1x1280xf32, #tpu.memory_space<vmem>>, %arg4: memref<1280x32xf32, #tpu.memory_space<vmem>>, %arg5: memref<1280x32xf32, #tpu.memory_space<vmem>>) attributes {dimension_semantics = [#tpu.dimension_semantics<arbitrary>], iteration_bounds = array<i64: 8>, scalar_prefetch = 0 : i64, scratch_operands = 0 : i64, tpu.core_type = #tpu.core_type<tc>, window_params = [{transform_indices = @transform_0, window_bounds = array<i64: 1280, 128>}, {pipeline_mode = #tpu.pipeline_mode<synchronous>, transform_indices = @transform_1, window_bounds = array<i64: 128, 64>}, {transform_indices = @transform_2, window_bounds = array<i64: 1, 1280>}, {transform_indices = @transform_3, window_bounds = array<i64: 1280, 32>}, {transform_indices = @transform_4, window_bounds = array<i64: 1280, 32>}]} {
    %get3A = arith.constant 0 : index
    %get3A_0 = arith.constant 0 : index
    %get3A_1 = vector.load %arg1[%get3A, %get3A_0] : memref<1280x128xf32, #tpu.memory_space<vmem>>, vector<1280x128xf32>
    %get3A_2 = arith.constant 0 : index
    %get3A_3 = arith.constant 0 : index
    %get3A_4 = vector.load %arg2[%get3A_2, %get3A_3] : memref<128x64xf32, #tpu.memory_space<vmem>>, vector<128x64xf32>
    %dot_general3A = arith.constant dense<0.000000e+00> : vector<1280x64xf32>
    %dot_general3A_5 = tpu.matmul %get3A_1, %get3A_4, %dot_general3A {dimension_numbers = #tpu.dot_dimension_numbers<[1], [0], [0], [1], [0, 0, 1, 1], [], []>, transpose_lhs_hint = false} : vector<1280x128xf32>, vector<128x64xf32>, vector<1280x64xf32> -> vector<1280x64xf32>
    %get3A_6 = arith.constant 0 : index
    %get3A_7 = arith.constant 0 : index
    %get3A_8 = vector.load %arg3[%get3A_6, %get3A_7] : memref<1x1280xf32, #tpu.memory_space<vmem>>, vector<1x1280xf32>
    %get3A_9 = vector.shape_cast %get3A_8 : vector<1x1280xf32> to vector<1280xf32>
    %add3A = arith.constant 1.000000e+00 : f32
    %add3A_10 = vector.broadcast %add3A : f32 to vector<1280xf32>
    %add3A_11 = arith.addf %get3A_9, %add3A_10 : vector<1280xf32>
    %rsqrt3A = math.rsqrt %add3A_11 : vector<1280xf32>
    %broadcast_in_dim3A = vector.shape_cast %rsqrt3A : vector<1280xf32> to vector<1280x1xf32>
    %mul3A = vector.broadcast %broadcast_in_dim3A : vector<1280x1xf32> to vector<1280x64xf32>
    %mul3A_12 = arith.mulf %dot_general3A_5, %mul3A : vector<1280x64xf32>
    %slice3A = vector.extract_strided_slice %mul3A_12 {offsets = [0, 0], sizes = [1280, 32], strides = [1, 1]} : vector<1280x64xf32> to vector<1280x32xf32>
    %swap3A = arith.constant 0 : index
    %swap3A_13 = arith.constant 0 : index
    %swap3A_14 = vector.load %arg4[%swap3A, %swap3A_13] : memref<1280x32xf32, #tpu.memory_space<vmem>>, vector<1280x32xf32>
    tpu.vector_store %arg4[%swap3A, %swap3A_13], %slice3A {strides = array<i32>} : memref<1280x32xf32, #tpu.memory_space<vmem>>, vector<1280x32xf32>,
    %slice3A_15 = vector.extract_strided_slice %mul3A_12 {offsets = [0, 32], sizes = [1280, 32], strides = [1, 1]} : vector<1280x64xf32> to vector<1280x32xf32>
    %swap3A_16 = arith.constant 0 : index
    %swap3A_17 = arith.constant 0 : index
    %swap3A_18 = vector.load %arg5[%swap3A_16, %swap3A_17] : memref<1280x32xf32, #tpu.memory_space<vmem>>, vector<1280x32xf32>
    tpu.vector_store %arg5[%swap3A_16, %swap3A_17], %slice3A_15 {strides = array<i32>} : memref<1280x32xf32, #tpu.memory_space<vmem>>, vector<1280x32xf32>,
    return
  }
  func.func @transform_0(%arg0: i32) -> (i32, i32) {
    %c0_i32 = arith.constant 0 : i32
    %c0_i32_0 = arith.constant 0 : i32
    return %arg0, %c0_i32 : i32, i32
  }
  func.func @transform_1(%arg0: i32) -> (i32, i32) {
    %c0_i32 = arith.constant 0 : i32
    %c0_i32_0 = arith.constant 0 : i32
    %c0_i32_1 = arith.constant 0 : i32
    return %c0_i32, %c0_i32_0 : i32, i32
  }
  func.func @transform_2(%arg0: i32) -> (i32, i32) {
    %c0_i32 = arith.constant 0 : i32
    %c0_i32_0 = arith.constant 0 : i32
    return %c0_i32, %arg0 : i32, i32
  }
  func.func @transform_3(%arg0: i32) -> (i32, i32) {
    %c0_i32 = arith.constant 0 : i32
    %c0_i32_0 = arith.constant 0 : i32
    return %arg0, %c0_i32 : i32, i32
  }
  func.func @transform_4(%arg0: i32) -> (i32, i32) {
    %c0_i32 = arith.constant 0 : i32
    %c0_i32_0 = arith.constant 0 : i32
    return %arg0, %c0_i32 : i32, i32
  }
}

module attributes {stable_mosaic.version = 14 : i64} {
  func.func @_c_body(%arg0: i32, %arg1: memref<1280x32xf32, #tpu.memory_space<vmem>>, %arg2: memref<1280x32xf32, #tpu.memory_space<vmem>>, %arg3: memref<1x1280xf32, #tpu.memory_space<vmem>>, %arg4: memref<1x64xf32, #tpu.memory_space<vmem>>, %arg5: memref<1280x32xf32, #tpu.memory_space<vmem>>, %arg6: memref<1280x32xf32, #tpu.memory_space<vmem>>) attributes {dimension_semantics = [#tpu.dimension_semantics<arbitrary>], iteration_bounds = array<i64: 8>, scalar_prefetch = 0 : i64, scratch_operands = 0 : i64, tpu.core_type = #tpu.core_type<tc>, window_params = [{transform_indices = @transform_0, window_bounds = array<i64: 1280, 32>}, {transform_indices = @transform_1, window_bounds = array<i64: 1280, 32>}, {transform_indices = @transform_2, window_bounds = array<i64: 1, 1280>}, {pipeline_mode = #tpu.pipeline_mode<synchronous>, transform_indices = @transform_3, window_bounds = array<i64: 1, 64>}, {transform_indices = @transform_4, window_bounds = array<i64: 1280, 32>}, {transform_indices = @transform_5, window_bounds = array<i64: 1280, 32>}]} {
    %get3A = arith.constant 0 : index
    %get3A_0 = arith.constant 0 : index
    %get3A_1 = vector.load %arg3[%get3A, %get3A_0] : memref<1x1280xf32, #tpu.memory_space<vmem>>, vector<1x1280xf32>
    %get3A_2 = vector.shape_cast %get3A_1 : vector<1x1280xf32> to vector<1280xf32>
    %add3A = arith.constant 1.000000e+00 : f32
    %add3A_3 = vector.broadcast %add3A : f32 to vector<1280xf32>
    %add3A_4 = arith.addf %get3A_2, %add3A_3 : vector<1280xf32>
    %rsqrt3A = math.rsqrt %add3A_4 : vector<1280xf32>
    %broadcast_in_dim3A = vector.shape_cast %rsqrt3A : vector<1280xf32> to vector<1280x1xf32>
    %get3A_5 = arith.constant 0 : index
    %get3A_6 = arith.constant 0 : index
    %get3A_7 = vector.load %arg1[%get3A_5, %get3A_6] : memref<1280x32xf32, #tpu.memory_space<vmem>>, vector<1280x32xf32>
    %get3A_8 = arith.constant 0 : index
    %get3A_9 = arith.constant 0 : index
    %get3A_10 = vector.load %arg2[%get3A_8, %get3A_9] : memref<1280x32xf32, #tpu.memory_space<vmem>>, vector<1280x32xf32>
    %concatenate3A = tpu.concatenate %get3A_7, %get3A_10 in 1 : vector<1280x32xf32>, vector<1280x32xf32> -> vector<1280x64xf32>
    %mul3A = vector.broadcast %broadcast_in_dim3A : vector<1280x1xf32> to vector<1280x64xf32>
    %mul3A_11 = arith.mulf %mul3A, %concatenate3A : vector<1280x64xf32>
    %get3A_12 = arith.constant 0 : index
    %get3A_13 = arith.constant 0 : index
    %get3A_14 = vector.load %arg4[%get3A_12, %get3A_13] : memref<1x64xf32, #tpu.memory_space<vmem>>, vector<1x64xf32>
    %add3A_15 = vector.broadcast %get3A_14 : vector<1x64xf32> to vector<1280x64xf32>
    %add3A_16 = arith.addf %mul3A_11, %add3A_15 : vector<1280x64xf32>
    %max3A = arith.constant 0.000000e+00 : f32
    %max3A_17 = vector.broadcast %max3A : f32 to vector<1280x64xf32>
    %max3A_18 = arith.maximumf %add3A_16, %max3A_17 : vector<1280x64xf32>
    %mul3A_19 = vector.broadcast %broadcast_in_dim3A : vector<1280x1xf32> to vector<1280x64xf32>
    %mul3A_20 = arith.mulf %mul3A_19, %max3A_18 : vector<1280x64xf32>
    %slice3A = vector.extract_strided_slice %mul3A_20 {offsets = [0, 0], sizes = [1280, 32], strides = [1, 1]} : vector<1280x64xf32> to vector<1280x32xf32>
    %swap3A = arith.constant 0 : index
    %swap3A_21 = arith.constant 0 : index
    %swap3A_22 = vector.load %arg5[%swap3A, %swap3A_21] : memref<1280x32xf32, #tpu.memory_space<vmem>>, vector<1280x32xf32>
    tpu.vector_store %arg5[%swap3A, %swap3A_21], %slice3A {strides = array<i32>} : memref<1280x32xf32, #tpu.memory_space<vmem>>, vector<1280x32xf32>,
    %slice3A_23 = vector.extract_strided_slice %mul3A_20 {offsets = [0, 32], sizes = [1280, 32], strides = [1, 1]} : vector<1280x64xf32> to vector<1280x32xf32>
    %swap3A_24 = arith.constant 0 : index
    %swap3A_25 = arith.constant 0 : index
    %swap3A_26 = vector.load %arg6[%swap3A_24, %swap3A_25] : memref<1280x32xf32, #tpu.memory_space<vmem>>, vector<1280x32xf32>
    tpu.vector_store %arg6[%swap3A_24, %swap3A_25], %slice3A_23 {strides = array<i32>} : memref<1280x32xf32, #tpu.memory_space<vmem>>, vector<1280x32xf32>,
    return
  }
  func.func @transform_0(%arg0: i32) -> (i32, i32) {
    %c0_i32 = arith.constant 0 : i32
    %c0_i32_0 = arith.constant 0 : i32
    return %arg0, %c0_i32 : i32, i32
  }
  func.func @transform_1(%arg0: i32) -> (i32, i32) {
    %c0_i32 = arith.constant 0 : i32
    %c0_i32_0 = arith.constant 0 : i32
    return %arg0, %c0_i32 : i32, i32
  }
  func.func @transform_2(%arg0: i32) -> (i32, i32) {
    %c0_i32 = arith.constant 0 : i32
    %c0_i32_0 = arith.constant 0 : i32
    return %c0_i32, %arg0 : i32, i32
  }
  func.func @transform_3(%arg0: i32) -> (i32, i32) {
    %c0_i32 = arith.constant 0 : i32
    %c0_i32_0 = arith.constant 0 : i32
    %c0_i32_1 = arith.constant 0 : i32
    return %c0_i32, %c0_i32_0 : i32, i32
  }
  func.func @transform_4(%arg0: i32) -> (i32, i32) {
    %c0_i32 = arith.constant 0 : i32
    %c0_i32_0 = arith.constant 0 : i32
    return %arg0, %c0_i32 : i32, i32
  }
  func.func @transform_5(%arg0: i32) -> (i32, i32) {
    %c0_i32 = arith.constant 0 : i32
    %c0_i32_0 = arith.constant 0 : i32
    return %arg0, %c0_i32 : i32, i32
  }
}

module attributes {stable_mosaic.version = 14 : i64} {
  func.func @_d_body(%arg0: i32, %arg1: memref<1280x32xf32, #tpu.memory_space<vmem>>, %arg2: memref<1280x32xf32, #tpu.memory_space<vmem>>, %arg3: memref<1x1280xf32, #tpu.memory_space<vmem>>, %arg4: memref<64x128xf32, #tpu.memory_space<vmem>>, %arg5: memref<1x128xf32, #tpu.memory_space<vmem>>, %arg6: memref<1280x64xf32, #tpu.memory_space<vmem>>, %arg7: memref<1280x64xf32, #tpu.memory_space<vmem>>) attributes {dimension_semantics = [#tpu.dimension_semantics<arbitrary>], iteration_bounds = array<i64: 8>, scalar_prefetch = 0 : i64, scratch_operands = 0 : i64, tpu.core_type = #tpu.core_type<tc>, window_params = [{transform_indices = @transform_0, window_bounds = array<i64: 1280, 32>}, {transform_indices = @transform_1, window_bounds = array<i64: 1280, 32>}, {transform_indices = @transform_2, window_bounds = array<i64: 1, 1280>}, {pipeline_mode = #tpu.pipeline_mode<synchronous>, transform_indices = @transform_3, window_bounds = array<i64: 64, 128>}, {pipeline_mode = #tpu.pipeline_mode<synchronous>, transform_indices = @transform_4, window_bounds = array<i64: 1, 128>}, {transform_indices = @transform_5, window_bounds = array<i64: 1280, 64>}, {transform_indices = @transform_6, window_bounds = array<i64: 1280, 64>}]} {
    %get3A = arith.constant 0 : index
    %get3A_0 = arith.constant 0 : index
    %get3A_1 = vector.load %arg3[%get3A, %get3A_0] : memref<1x1280xf32, #tpu.memory_space<vmem>>, vector<1x1280xf32>
    %get3A_2 = vector.shape_cast %get3A_1 : vector<1x1280xf32> to vector<1280xf32>
    %add3A = arith.constant 1.000000e+00 : f32
    %add3A_3 = vector.broadcast %add3A : f32 to vector<1280xf32>
    %add3A_4 = arith.addf %get3A_2, %add3A_3 : vector<1280xf32>
    %rsqrt3A = math.rsqrt %add3A_4 : vector<1280xf32>
    %broadcast_in_dim3A = vector.shape_cast %rsqrt3A : vector<1280xf32> to vector<1280x1xf32>
    %get3A_5 = arith.constant 0 : index
    %get3A_6 = arith.constant 0 : index
    %get3A_7 = vector.load %arg1[%get3A_5, %get3A_6] : memref<1280x32xf32, #tpu.memory_space<vmem>>, vector<1280x32xf32>
    %get3A_8 = arith.constant 0 : index
    %get3A_9 = arith.constant 0 : index
    %get3A_10 = vector.load %arg2[%get3A_8, %get3A_9] : memref<1280x32xf32, #tpu.memory_space<vmem>>, vector<1280x32xf32>
    %concatenate3A = tpu.concatenate %get3A_7, %get3A_10 in 1 : vector<1280x32xf32>, vector<1280x32xf32> -> vector<1280x64xf32>
    %mul3A = vector.broadcast %broadcast_in_dim3A : vector<1280x1xf32> to vector<1280x64xf32>
    %mul3A_11 = arith.mulf %mul3A, %concatenate3A : vector<1280x64xf32>
    %get3A_12 = arith.constant 0 : index
    %get3A_13 = arith.constant 0 : index
    %get3A_14 = vector.load %arg4[%get3A_12, %get3A_13] : memref<64x128xf32, #tpu.memory_space<vmem>>, vector<64x128xf32>
    %dot_general3A = arith.constant dense<0.000000e+00> : vector<1280x128xf32>
    %dot_general3A_15 = tpu.matmul %mul3A_11, %get3A_14, %dot_general3A {dimension_numbers = #tpu.dot_dimension_numbers<[1], [0], [0], [1], [0, 0, 1, 1], [], []>, transpose_lhs_hint = false} : vector<1280x64xf32>, vector<64x128xf32>, vector<1280x128xf32> -> vector<1280x128xf32>
    %get3A_16 = arith.constant 0 : index
    %get3A_17 = arith.constant 0 : index
    %get3A_18 = vector.load %arg5[%get3A_16, %get3A_17] : memref<1x128xf32, #tpu.memory_space<vmem>>, vector<1x128xf32>
    %add3A_19 = vector.broadcast %get3A_18 : vector<1x128xf32> to vector<1280x128xf32>
    %add3A_20 = arith.addf %dot_general3A_15, %add3A_19 : vector<1280x128xf32>
    %max3A = arith.constant 0.000000e+00 : f32
    %max3A_21 = vector.broadcast %max3A : f32 to vector<1280x128xf32>
    %max3A_22 = arith.maximumf %add3A_20, %max3A_21 : vector<1280x128xf32>
    %mul3A_23 = vector.broadcast %broadcast_in_dim3A : vector<1280x1xf32> to vector<1280x128xf32>
    %mul3A_24 = arith.mulf %mul3A_23, %max3A_22 : vector<1280x128xf32>
    %slice3A = vector.extract_strided_slice %mul3A_24 {offsets = [0, 0], sizes = [1280, 64], strides = [1, 1]} : vector<1280x128xf32> to vector<1280x64xf32>
    %swap3A = arith.constant 0 : index
    %swap3A_25 = arith.constant 0 : index
    %swap3A_26 = vector.load %arg6[%swap3A, %swap3A_25] : memref<1280x64xf32, #tpu.memory_space<vmem>>, vector<1280x64xf32>
    tpu.vector_store %arg6[%swap3A, %swap3A_25], %slice3A {strides = array<i32>} : memref<1280x64xf32, #tpu.memory_space<vmem>>, vector<1280x64xf32>,
    %slice3A_27 = vector.extract_strided_slice %mul3A_24 {offsets = [0, 64], sizes = [1280, 64], strides = [1, 1]} : vector<1280x128xf32> to vector<1280x64xf32>
    %swap3A_28 = arith.constant 0 : index
    %swap3A_29 = arith.constant 0 : index
    %swap3A_30 = vector.load %arg7[%swap3A_28, %swap3A_29] : memref<1280x64xf32, #tpu.memory_space<vmem>>, vector<1280x64xf32>
    tpu.vector_store %arg7[%swap3A_28, %swap3A_29], %slice3A_27 {strides = array<i32>} : memref<1280x64xf32, #tpu.memory_space<vmem>>, vector<1280x64xf32>,
    return
  }
  func.func @transform_0(%arg0: i32) -> (i32, i32) {
    %c0_i32 = arith.constant 0 : i32
    %c0_i32_0 = arith.constant 0 : i32
    return %arg0, %c0_i32 : i32, i32
  }
  func.func @transform_1(%arg0: i32) -> (i32, i32) {
    %c0_i32 = arith.constant 0 : i32
    %c0_i32_0 = arith.constant 0 : i32
    return %arg0, %c0_i32 : i32, i32
  }
  func.func @transform_2(%arg0: i32) -> (i32, i32) {
    %c0_i32 = arith.constant 0 : i32
    %c0_i32_0 = arith.constant 0 : i32
    return %c0_i32, %arg0 : i32, i32
  }
  func.func @transform_3(%arg0: i32) -> (i32, i32) {
    %c0_i32 = arith.constant 0 : i32
    %c0_i32_0 = arith.constant 0 : i32
    %c0_i32_1 = arith.constant 0 : i32
    return %c0_i32, %c0_i32_0 : i32, i32
  }
  func.func @transform_4(%arg0: i32) -> (i32, i32) {
    %c0_i32 = arith.constant 0 : i32
    %c0_i32_0 = arith.constant 0 : i32
    %c0_i32_1 = arith.constant 0 : i32
    return %c0_i32, %c0_i32_0 : i32, i32
  }
  func.func @transform_5(%arg0: i32) -> (i32, i32) {
    %c0_i32 = arith.constant 0 : i32
    %c0_i32_0 = arith.constant 0 : i32
    return %arg0, %c0_i32 : i32, i32
  }
  func.func @transform_6(%arg0: i32) -> (i32, i32) {
    %c0_i32 = arith.constant 0 : i32
    %c0_i32_0 = arith.constant 0 : i32
    return %arg0, %c0_i32 : i32, i32
  }
}

module attributes {stable_mosaic.version = 14 : i64} {
  func.func @_e_body(%arg0: i32, %arg1: memref<1280x64xf32, #tpu.memory_space<vmem>>, %arg2: memref<1280x64xf32, #tpu.memory_space<vmem>>, %arg3: memref<1x1280xf32, #tpu.memory_space<vmem>>, %arg4: memref<128x256xf32, #tpu.memory_space<vmem>>, %arg5: memref<1x256xf32, #tpu.memory_space<vmem>>, %arg6: memref<1x1280xi32, #tpu.memory_space<vmem>>, %arg7: memref<64x256xf32, #tpu.memory_space<vmem>>, %arg8: memref<64x128xf32, #tpu.memory_space<vmem>>) attributes {dimension_semantics = [#tpu.dimension_semantics<arbitrary>], iteration_bounds = array<i64: 8>, scalar_prefetch = 0 : i64, scratch_operands = 0 : i64, tpu.core_type = #tpu.core_type<tc>, window_params = [{transform_indices = @transform_0, window_bounds = array<i64: 1280, 64>}, {transform_indices = @transform_1, window_bounds = array<i64: 1280, 64>}, {transform_indices = @transform_2, window_bounds = array<i64: 1, 1280>}, {pipeline_mode = #tpu.pipeline_mode<synchronous>, transform_indices = @transform_3, window_bounds = array<i64: 128, 256>}, {pipeline_mode = #tpu.pipeline_mode<synchronous>, transform_indices = @transform_4, window_bounds = array<i64: 1, 256>}, {transform_indices = @transform_5, window_bounds = array<i64: 1, 1280>}, {pipeline_mode = #tpu.pipeline_mode<synchronous>, transform_indices = @transform_6, window_bounds = array<i64: 64, 256>}, {pipeline_mode = #tpu.pipeline_mode<synchronous>, transform_indices = @transform_7, window_bounds = array<i64: 64, 128>}]} {
    %eq3A = arith.constant 0 : i32
    %eq3A_0 = arith.cmpi eq, %arg0, %eq3A : i32
    %convert_element_type3A = arith.extui %eq3A_0 : i1 to i32
    %cond3A = arith.constant 0 : i32
    %cond3A_1 = arith.cmpi ne, %convert_element_type3A, %cond3A : i32
    scf.if %cond3A_1 {
      %broadcast_in_dim3A_50 = arith.constant 0.000000e+00 : f32
      %broadcast_in_dim3A_51 = vector.broadcast %broadcast_in_dim3A_50 : f32 to vector<64x256xf32>
      %swap3A_52 = arith.constant 0 : index
      %swap3A_53 = arith.constant 0 : index
      %swap3A_54 = vector.load %arg7[%swap3A_52, %swap3A_53] : memref<64x256xf32, #tpu.memory_space<vmem>>, vector<64x256xf32>
      tpu.vector_store %arg7[%swap3A_52, %swap3A_53], %broadcast_in_dim3A_51 {strides = array<i32>} : memref<64x256xf32, #tpu.memory_space<vmem>>, vector<64x256xf32>,
      %broadcast_in_dim3A_55 = arith.constant 0.000000e+00 : f32
      %broadcast_in_dim3A_56 = vector.broadcast %broadcast_in_dim3A_55 : f32 to vector<64x128xf32>
      %swap3A_57 = arith.constant 0 : index
      %swap3A_58 = arith.constant 0 : index
      %swap3A_59 = vector.load %arg8[%swap3A_57, %swap3A_58] : memref<64x128xf32, #tpu.memory_space<vmem>>, vector<64x128xf32>
      tpu.vector_store %arg8[%swap3A_57, %swap3A_58], %broadcast_in_dim3A_56 {strides = array<i32>} : memref<64x128xf32, #tpu.memory_space<vmem>>, vector<64x128xf32>,
    } else {
    }
    %get3A = arith.constant 0 : index
    %get3A_2 = arith.constant 0 : index
    %get3A_3 = vector.load %arg3[%get3A, %get3A_2] : memref<1x1280xf32, #tpu.memory_space<vmem>>, vector<1x1280xf32>
    %get3A_4 = vector.shape_cast %get3A_3 : vector<1x1280xf32> to vector<1280xf32>
    %add3A = arith.constant 1.000000e+00 : f32
    %add3A_5 = vector.broadcast %add3A : f32 to vector<1280xf32>
    %add3A_6 = arith.addf %get3A_4, %add3A_5 : vector<1280xf32>
    %rsqrt3A = math.rsqrt %add3A_6 : vector<1280xf32>
    %broadcast_in_dim3A = vector.shape_cast %rsqrt3A : vector<1280xf32> to vector<1280x1xf32>
    %get3A_7 = arith.constant 0 : index
    %get3A_8 = arith.constant 0 : index
    %get3A_9 = vector.load %arg1[%get3A_7, %get3A_8] : memref<1280x64xf32, #tpu.memory_space<vmem>>, vector<1280x64xf32>
    %get3A_10 = arith.constant 0 : index
    %get3A_11 = arith.constant 0 : index
    %get3A_12 = vector.load %arg2[%get3A_10, %get3A_11] : memref<1280x64xf32, #tpu.memory_space<vmem>>, vector<1280x64xf32>
    %concatenate3A = tpu.concatenate %get3A_9, %get3A_12 in 1 : vector<1280x64xf32>, vector<1280x64xf32> -> vector<1280x128xf32>
    %mul3A = vector.broadcast %broadcast_in_dim3A : vector<1280x1xf32> to vector<1280x128xf32>
    %mul3A_13 = arith.mulf %mul3A, %concatenate3A : vector<1280x128xf32>
    %get3A_14 = arith.constant 0 : index
    %get3A_15 = arith.constant 0 : index
    %get3A_16 = vector.load %arg4[%get3A_14, %get3A_15] : memref<128x256xf32, #tpu.memory_space<vmem>>, vector<128x256xf32>
    %dot_general3A = arith.constant dense<0.000000e+00> : vector<1280x256xf32>
    %dot_general3A_17 = tpu.matmul %mul3A_13, %get3A_16, %dot_general3A {dimension_numbers = #tpu.dot_dimension_numbers<[1], [0], [0], [1], [0, 0, 1, 1], [], []>, transpose_lhs_hint = false} : vector<1280x128xf32>, vector<128x256xf32>, vector<1280x256xf32> -> vector<1280x256xf32>
    %get3A_18 = arith.constant 0 : index
    %get3A_19 = arith.constant 0 : index
    %get3A_20 = vector.load %arg5[%get3A_18, %get3A_19] : memref<1x256xf32, #tpu.memory_space<vmem>>, vector<1x256xf32>
    %add3A_21 = vector.broadcast %get3A_20 : vector<1x256xf32> to vector<1280x256xf32>
    %add3A_22 = arith.addf %dot_general3A_17, %add3A_21 : vector<1280x256xf32>
    %max3A = arith.constant 0.000000e+00 : f32
    %max3A_23 = vector.broadcast %max3A : f32 to vector<1280x256xf32>
    %max3A_24 = arith.maximumf %add3A_22, %max3A_23 : vector<1280x256xf32>
    %iota3A = tpu.iota {dimensions = array<i32: 0>} : vector<64x1280xi32>
    %get3A_25 = arith.constant 0 : index
    %get3A_26 = arith.constant 0 : index
    %get3A_27 = vector.load %arg6[%get3A_25, %get3A_26] : memref<1x1280xi32, #tpu.memory_space<vmem>>, vector<1x1280xi32>
    %eq3A_28 = vector.broadcast %get3A_27 : vector<1x1280xi32> to vector<64x1280xi32>
    %eq3A_29 = arith.cmpi eq, %iota3A, %eq3A_28 : vector<64x1280xi32>
    %convert_element_type3A_30 = arith.extui %eq3A_29 : vector<64x1280xi1> to vector<64x1280xi32>
    %convert_element_type3A_31 = arith.sitofp %convert_element_type3A_30 : vector<64x1280xi32> to vector<64x1280xf32>
    %get3A_32 = arith.constant 0 : index
    %get3A_33 = arith.constant 0 : index
    %get3A_34 = vector.load %arg7[%get3A_32, %get3A_33] : memref<64x256xf32, #tpu.memory_space<vmem>>, vector<64x256xf32>
    %dot_general3A_35 = arith.constant dense<0.000000e+00> : vector<64x256xf32>
    %dot_general3A_36 = tpu.matmul %convert_element_type3A_31, %max3A_24, %dot_general3A_35 {dimension_numbers = #tpu.dot_dimension_numbers<[1], [0], [0], [1], [0, 0, 1, 1], [], []>, transpose_lhs_hint = false} : vector<64x1280xf32>, vector<1280x256xf32>, vector<64x256xf32> -> vector<64x256xf32>
    %add3A_37 = arith.addf %get3A_34, %dot_general3A_36 : vector<64x256xf32>
    %swap3A = arith.constant 0 : index
    %swap3A_38 = arith.constant 0 : index
    %swap3A_39 = vector.load %arg7[%swap3A, %swap3A_38] : memref<64x256xf32, #tpu.memory_space<vmem>>, vector<64x256xf32>
    tpu.vector_store %arg7[%swap3A, %swap3A_38], %add3A_37 {strides = array<i32>} : memref<64x256xf32, #tpu.memory_space<vmem>>, vector<64x256xf32>,
    %get3A_40 = arith.constant 0 : index
    %get3A_41 = arith.constant 0 : index
    %get3A_42 = vector.load %arg8[%get3A_40, %get3A_41] : memref<64x128xf32, #tpu.memory_space<vmem>>, vector<64x128xf32>
    %reduce_sum3A = arith.constant dense<0.000000e+00> : vector<64xf32>
    %reduce_sum3A_43 = vector.multi_reduction <add>, %convert_element_type3A_31, %reduce_sum3A [1] : vector<64x1280xf32> to vector<64xf32>
    %broadcast_in_dim3A_44 = vector.shape_cast %reduce_sum3A_43 : vector<64xf32> to vector<64x1xf32>
    %add3A_45 = vector.broadcast %broadcast_in_dim3A_44 : vector<64x1xf32> to vector<64x128xf32>
    %add3A_46 = arith.addf %get3A_42, %add3A_45 : vector<64x128xf32>
    %swap3A_47 = arith.constant 0 : index
    %swap3A_48 = arith.constant 0 : index
    %swap3A_49 = vector.load %arg8[%swap3A_47, %swap3A_48] : memref<64x128xf32, #tpu.memory_space<vmem>>, vector<64x128xf32>
    tpu.vector_store %arg8[%swap3A_47, %swap3A_48], %add3A_46 {strides = array<i32>} : memref<64x128xf32, #tpu.memory_space<vmem>>, vector<64x128xf32>,
    return
  }
  func.func @transform_0(%arg0: i32) -> (i32, i32) {
    %c0_i32 = arith.constant 0 : i32
    %c0_i32_0 = arith.constant 0 : i32
    return %arg0, %c0_i32 : i32, i32
  }
  func.func @transform_1(%arg0: i32) -> (i32, i32) {
    %c0_i32 = arith.constant 0 : i32
    %c0_i32_0 = arith.constant 0 : i32
    return %arg0, %c0_i32 : i32, i32
  }
  func.func @transform_2(%arg0: i32) -> (i32, i32) {
    %c0_i32 = arith.constant 0 : i32
    %c0_i32_0 = arith.constant 0 : i32
    return %c0_i32, %arg0 : i32, i32
  }
  func.func @transform_3(%arg0: i32) -> (i32, i32) {
    %c0_i32 = arith.constant 0 : i32
    %c0_i32_0 = arith.constant 0 : i32
    %c0_i32_1 = arith.constant 0 : i32
    return %c0_i32, %c0_i32_0 : i32, i32
  }
  func.func @transform_4(%arg0: i32) -> (i32, i32) {
    %c0_i32 = arith.constant 0 : i32
    %c0_i32_0 = arith.constant 0 : i32
    %c0_i32_1 = arith.constant 0 : i32
    return %c0_i32, %c0_i32_0 : i32, i32
  }
  func.func @transform_5(%arg0: i32) -> (i32, i32) {
    %c0_i32 = arith.constant 0 : i32
    %c0_i32_0 = arith.constant 0 : i32
    return %c0_i32, %arg0 : i32, i32
  }
  func.func @transform_6(%arg0: i32) -> (i32, i32) {
    %c0_i32 = arith.constant 0 : i32
    %c0_i32_0 = arith.constant 0 : i32
    %c0_i32_1 = arith.constant 0 : i32
    return %c0_i32, %c0_i32_0 : i32, i32
  }
  func.func @transform_7(%arg0: i32) -> (i32, i32) {
    %c0_i32 = arith.constant 0 : i32
    %c0_i32_0 = arith.constant 0 : i32
    %c0_i32_1 = arith.constant 0 : i32
    return %c0_i32, %c0_i32_0 : i32, i32
  }
}

module attributes {stable_mosaic.version = 14 : i64} {
  func.func @_f_body(%arg0: memref<64x256xf32, #tpu.memory_space<vmem>>, %arg1: memref<64x128xf32, #tpu.memory_space<vmem>>, %arg2: memref<256x512xf32, #tpu.memory_space<vmem>>, %arg3: memref<1x512xf32, #tpu.memory_space<vmem>>, %arg4: memref<512x3600xf32, #tpu.memory_space<vmem>>, %arg5: memref<1x3600xf32, #tpu.memory_space<vmem>>, %arg6: memref<64x3600xf32, #tpu.memory_space<vmem>>) attributes {dimension_semantics = [], scalar_prefetch = 0 : i64, scratch_operands = 0 : i64, tpu.core_type = #tpu.core_type<tc>} {
    %get3A = arith.constant 0 : index
    %get3A_0 = arith.constant 0 : index
    %get3A_1 = vector.load %arg1[%get3A, %get3A_0] : memref<64x128xf32, #tpu.memory_space<vmem>>, vector<64x1xf32>
    %get3A_2 = arith.constant 0 : index
    %get3A_3 = arith.constant 0 : index
    %get3A_4 = vector.load %arg0[%get3A_2, %get3A_3] : memref<64x256xf32, #tpu.memory_space<vmem>>, vector<64x256xf32>
    %max3A = arith.constant 1.000000e+00 : f32
    %max3A_5 = vector.broadcast %max3A : f32 to vector<64x1xf32>
    %max3A_6 = arith.maximumf %get3A_1, %max3A_5 : vector<64x1xf32>
    %div3A = vector.broadcast %max3A_6 : vector<64x1xf32> to vector<64x256xf32>
    %div3A_7 = arith.divf %get3A_4, %div3A : vector<64x256xf32>
    %get3A_8 = arith.constant 0 : index
    %get3A_9 = arith.constant 0 : index
    %get3A_10 = vector.load %arg2[%get3A_8, %get3A_9] : memref<256x512xf32, #tpu.memory_space<vmem>>, vector<256x512xf32>
    %dot_general3A = arith.constant dense<0.000000e+00> : vector<64x512xf32>
    %dot_general3A_11 = tpu.matmul %div3A_7, %get3A_10, %dot_general3A {dimension_numbers = #tpu.dot_dimension_numbers<[1], [0], [0], [1], [0, 0, 1, 1], [], []>, transpose_lhs_hint = false} : vector<64x256xf32>, vector<256x512xf32>, vector<64x512xf32> -> vector<64x512xf32>
    %get3A_12 = arith.constant 0 : index
    %get3A_13 = arith.constant 0 : index
    %get3A_14 = vector.load %arg3[%get3A_12, %get3A_13] : memref<1x512xf32, #tpu.memory_space<vmem>>, vector<1x512xf32>
    %add3A = vector.broadcast %get3A_14 : vector<1x512xf32> to vector<64x512xf32>
    %add3A_15 = arith.addf %dot_general3A_11, %add3A : vector<64x512xf32>
    %max3A_16 = arith.constant 0.000000e+00 : f32
    %max3A_17 = vector.broadcast %max3A_16 : f32 to vector<64x512xf32>
    %max3A_18 = arith.maximumf %add3A_15, %max3A_17 : vector<64x512xf32>
    %get3A_19 = arith.constant 0 : index
    %get3A_20 = arith.constant 0 : index
    %get3A_21 = vector.load %arg4[%get3A_19, %get3A_20] : memref<512x3600xf32, #tpu.memory_space<vmem>>, vector<512x3600xf32>
    %dot_general3A_22 = arith.constant dense<0.000000e+00> : vector<64x3600xf32>
    %dot_general3A_23 = tpu.matmul %max3A_18, %get3A_21, %dot_general3A_22 {dimension_numbers = #tpu.dot_dimension_numbers<[1], [0], [0], [1], [0, 0, 1, 1], [], []>, transpose_lhs_hint = false} : vector<64x512xf32>, vector<512x3600xf32>, vector<64x3600xf32> -> vector<64x3600xf32>
    %get3A_24 = arith.constant 0 : index
    %get3A_25 = arith.constant 0 : index
    %get3A_26 = vector.load %arg5[%get3A_24, %get3A_25] : memref<1x3600xf32, #tpu.memory_space<vmem>>, vector<1x3600xf32>
    %add3A_27 = vector.broadcast %get3A_26 : vector<1x3600xf32> to vector<64x3600xf32>
    %add3A_28 = arith.addf %dot_general3A_23, %add3A_27 : vector<64x3600xf32>
    %logistic3A = arith.negf %add3A_28 : vector<64x3600xf32>
    %logistic3A_29 = math.exp %logistic3A : vector<64x3600xf32>
    %logistic3A_30 = arith.constant 1.000000e+00 : f32
    %logistic3A_31 = vector.broadcast %logistic3A_30 : f32 to vector<64x3600xf32>
    %logistic3A_32 = arith.addf %logistic3A_31, %logistic3A_29 : vector<64x3600xf32>
    %logistic3A_33 = arith.divf %logistic3A_31, %logistic3A_32 : vector<64x3600xf32>
    %swap3A = arith.constant 0 : index
    %swap3A_34 = arith.constant 0 : index
    %swap3A_35 = vector.load %arg6[%swap3A, %swap3A_34] : memref<64x3600xf32, #tpu.memory_space<vmem>>, vector<64x3600xf32>
    tpu.vector_store %arg6[%swap3A, %swap3A_34], %logistic3A_33 {strides = array<i32>} : memref<64x3600xf32, #tpu.memory_space<vmem>>, vector<64x3600xf32>,
    return
  }
}

</mosaic_0001>

<sc_bundles>
// kernel: kernel.11.cloned.1.call-start
scs
__scs_entry_jumppad:
0x0: {  	(pc) =	sbr.rel $0x88, $3  }
0x1: {  	(tag) =	ssettag $0x0;
	lr =	simm.s32 $0x1  }
0x2: {  	[smem:$0x3F94] =	sst lr;
	_ =	strace $0xD0000000  }
0x3: {  	_ = 	snop  }
0x4: {  	_ = 	snop  }
0x5: {  	_ = 	snop  }
0x6: {  	_ = 	snop  }
0x7: {  	_ = 	snop  }
__scs_overlays_trampoline_lowered:
0x8: {  	[smem:$0x3FA3] =	sst s0  }
0x9: {  	[smem:$0x3FA4] =	sst s1  }
0xa: {  	[smem:$0x3FA5] =	sst s2  }
0xb: {  	[smem:$0x3FA6] =	sst s3  }
0xc: {  	[smem:$0x3FA7] =	sst s4  }
0xd: {  	[smem:$0x3FA8] =	sst s5  }
0xe: {  	[smem:$0x3FA9] =	sst s6  }
0xf: {  	[smem:$0x3FAA] =	sst s7  }
0x10: {  	[smem:$0x3FAB] =	sst s8  }
0x11: {  	[smem:$0x3FAC] =	sst s9;
	s0 =	simm.s32 @!p0 $0x0  }
0x12: {  	s1 =	sld [smem:$0x3F92];
	s0 =	simm.s32 @p0 $0x1  }
0x13: {  	[smem:$0x3FAD] =	sst s0;
	s0 =	simm.s32 @!p1 $0x0  }
0x14: {  	s2 =	sld [smem:$0x3F91];
	s0 =	simm.s32 @p1 $0x1  }
0x15: {  	[smem:$0x3FAE] =	sst s0;
	s0 =	simm.s32 @!p2 $0x0  }
0x16: {  	s3 =	sld [smem:$0x3FDB];
	s0 =	simm.s32 @p2 $0x1  }
0x17: {  	s4 =	simm.s32 $0x1BF5;
	[smem:$0x3FB0] =	sst s0  }
0x18: {  	s0 =	sld [smem:$0x3F93];
	_ =	swait.ge [sflag:s4], $0x0  }
0x19: {  	s7 =	sld [smem:$0x3F94]  }
0x1a: {  	s8 =	sadd.s32 $0xFFFFE003, lr  }
0x1b: {  	s9 =	sadd.s32 $0xFFFFFEF7, lr;
	s5 =	simm.s32 $0xFFFFFFFF;
	p2 =	slt.u32 s8, $0xFFFFF086  }
0x1c: {  	p1 =	slt.u32 s9, $0xF7A;
	s5 =	simm.s32 @!p2 $0x0  }
0x1d: {  	s5 =	simm.s32 @p1 $0x1;
	p0 =	seq.s32 s7, s2  }
0x1e: {  	s7 =	smul.u32 @!p0 $0xF7A, s2;
	p2 =	seq.s32 @!p0 s5, $0x0  }
0x1f: {  	s9 =	smul.u32 $0xF7A, s1;
	s8 =	simm.s32 @!p0 $0x1BF5;
	p2 =	por !p2, p0  }
0x20: {  	[sflag:s8] =	ssyncset.s32 @!p0 $0xFFFFF086;
	s6 =	sadd.s32 @!p0 s3, s7;
	s7 =	simm.s32 @!p0 $0x108  }
0x21: {  	s3 =	sadd.s32 s3, s9;
	s6 =	sadd.s32 @!p0 $0x88, s6;
	s7 =	simm.s32 @p2 $0x1082  }
0x22: {  	[simem:s7], [sflag:s8] =	dma.local @!p0 [hbm:s6], $0xF7A  }
0x23: {  	s9 =	sor.u32 $0xD0000000, s2;
	s6 =	simm.s32 $0x108;
	_ =	swait.ge @!p0 [sflag:s8], $0x0  }
0x24: {  	s3 =	sadd.s32 $0x88, s3;
	s6 =	simm.s32 @!p1 $0x1082;
	[sflag:s4] =	ssyncset.s32 $0xFFFFF086  }
0x25: {  	[simem:s6], [sflag:s4] =	dma.local [hbm:s3], $0xF7A  }
0x26: {  	[smem:$0x3F94] =	sst s1;
	(tag) =	ssettag s2;
	_ =	strace s9  }
0x27: {  	s1 =	sld [smem:$0x3FA4]  }
0x28: {  	s2 =	sld [smem:$0x3FA5]  }
0x29: {  	s4 =	sld [smem:$0x3FA7]  }
0x2a: {  	p0 =	seq.s32 s5, $0x0;
	s5 =	sld [smem:$0x3FA8]  }
0x2b: {  	s6 =	sld [smem:$0x3FA9]  }
0x2c: {  	s7 =	sld [smem:$0x3FAA]  }
0x2d: {  	s3 =	simm.s32 $0x108;
	s8 =	sld [smem:$0x3FAB]  }
0x2e: {  	s3 =	simm.s32 @!p0 $0x1082;
	s9 =	sld [smem:$0x3FAC]  }
0x2f: {  	lr =	sadd.s32 s0, s3;
	s0 =	sld [smem:$0x3FA3]  }
0x30: {  	s3 =	sld [smem:$0x3FA6]  }
0x31: {  	[smem:$0x3FAF] =	sst s10  }
0x32: {  	s10 =	sld [smem:$0x3FAD];
	_ =	sdelay $0x3  }
0x33: {  	p0 =	seq.s32 s10, $0x1;
	s10 =	sld [smem:$0x3FAF];
	_ =	sdelay $0x3  }
0x34: {  	[smem:$0x3FAF] =	sst s10  }
0x35: {  	s10 =	sld [smem:$0x3FAE];
	_ =	sdelay $0x3  }
0x36: {  	p1 =	seq.s32 s10, $0x1;
	s10 =	sld [smem:$0x3FAF];
	_ =	sdelay $0x3  }
0x37: {  	[smem:$0x3FAF] =	sst s10  }
0x38: {  	s10 =	sld [smem:$0x3FB0]  }
0x39: {  	_ = 	snop;
	(pc) =	sbr.ind lr, $3  }
0x3a: {  	_ = 	snop  }
0x3b: {  	_ = 	snop  }
0x3c: {  	p2 =	seq.s32 s10, $0x1;
	s10 =	sld [smem:$0x3FAF]  }
0x3d: {  	_ =	shalt  }
0x3e: {  	_ =	shalt  }
0x3f: {  	_ =	shalt  }
0x40: {  	_ =	shalt  }
0x41: {  	_ =	shalt  }
0x42: {  	_ =	shalt  }
0x43: {  	_ =	shalt  }
0x44: {  	_ =	shalt  }
0x45: {  	_ =	shalt  }
0x46: {  	_ =	shalt  }
0x47: {  	_ =	shalt  }
0x48: {  	_ =	shalt  }
0x49: {  	_ =	shalt  }
0x4a: {  	_ =	shalt  }
0x4b: {  	_ =	shalt  }
0x4c: {  	_ =	shalt  }
0x4d: {  	_ =	shalt  }
0x4e: {  	_ =	shalt  }
0x4f: {  	_ =	shalt  }
0x50: {  	_ =	shalt  }
0x51: {  	_ =	shalt  }
0x52: {  	_ =	shalt  }
0x53: {  	_ =	shalt  }
0x54: {  	_ =	shalt  }
0x55: {  	_ =	shalt  }
0x56: {  	_ =	shalt  }
0x57: {  	_ =	shalt  }
0x58: {  	_ =	shalt  }
0x59: {  	_ =	shalt  }
0x5a: {  	_ =	shalt  }
0x5b: {  	_ =	shalt  }
0x5c: {  	_ =	shalt  }
0x5d: {  	_ =	shalt  }
0x5e: {  	_ =	shalt  }
0x5f: {  	_ =	shalt  }
0x60: {  	_ =	shalt  }
0x61: {  	_ =	shalt  }
0x62: {  	_ =	shalt  }
0x63: {  	_ =	shalt  }
0x64: {  	_ =	shalt  }
0x65: {  	_ =	shalt  }
0x66: {  	_ =	shalt  }
0x67: {  	_ =	shalt  }
0x68: {  	_ =	shalt  }
0x69: {  	_ =	shalt  }
0x6a: {  	_ =	shalt  }
0x6b: {  	_ =	shalt  }
0x6c: {  	_ =	shalt  }
0x6d: {  	_ =	shalt  }
0x6e: {  	_ =	shalt  }
0x6f: {  	_ =	shalt  }
0x70: {  	_ =	shalt  }
0x71: {  	_ =	shalt  }
0x72: {  	_ =	shalt  }
0x73: {  	_ =	shalt  }
0x74: {  	_ =	shalt  }
0x75: {  	_ =	shalt  }
0x76: {  	_ =	shalt  }
0x77: {  	_ =	shalt  }
0x78: {  	_ =	shalt  }
0x79: {  	_ =	shalt  }
0x7a: {  	_ =	shalt  }
0x7b: {  	_ =	shalt  }
0x7c: {  	_ =	shalt  }
0x7d: {  	_ =	shalt  }
0x7e: {  	_ =	shalt  }
0x7f: {  	_ =	shalt  }
0x80: {  	_ =	shalt  }
0x81: {  	_ =	shalt  }
0x82: {  	_ =	shalt  }
0x83: {  	_ =	shalt  }
0x84: {  	_ =	shalt  }
0x85: {  	_ =	shalt  }
0x86: {  	_ =	shalt  }
0x87: {  	_ =	shalt  }
.Lfunc_end0:
.L_simem_size_0:
called_computation_lowered:
.L_overlay_start_0:
0x88: {  	s2 =	sld [smem:$0x3FD9]  }
0x89: {  	s3 =	sld [smem:$0x3FFE];
	_ =	sdelay $0x1  }
0x8a: {  	s1 =	srdreg.scid  }
0x8b: {  	s0 =	sand.u32 $0x1, s1  }
0x8c: {  	s17 =	sshll.u32 s0, $0xA;
	s2 =	sadd.s32 s3, s2  }
0x8d: {  	s2 =	sadd.s32 s2, s17  }
0x8e: {  	[smem:$0x3FBB] =	sst s2  }
0x8f: {  	_ = 	snop  }
0x90: {  	s2 =	sld [smem:$0x3FD0];
	(tm) =	ssettm $0x1  }
0x91: {  	s18 =	sld [smem:$0x3FFB];
	_ =	sdelay $0x3  }
0x92: {  	_ =	strace s18  }
0x93: {  	s3 =	sld [smem:$0x3FFC];
	_ =	sdelay $0x3  }
0x94: {  	_ =	strace s3  }
0x95: {  	s3 =	sld [smem:$0x3FFD];
	_ =	sdelay $0x3  }
0x96: {  	_ =	strace s3  }
0x97: {  	_ =	strace $0x8FFFFFFF  }
0x98: {  	s19 =	sld [smem:$0x3FDB];
	_ =	sdelay $0x1  }
0x99: {  	s4 =	simm.s32 $_scs_section_size  }
0x9a: {  	s5 =	simm.s32 $_size__tile_overlayer_lowered;
	s6 =	simm.s32 $_tile_overlayer_lowered  }
0x9b: {  	s22 =	simm.s32 $0x1BFF;
	s21 =	sshll.u32 s6, $0x1;
	s3 =	sadd.s32 s4, s19  }
0x9c: {  	s7 =	simm.s32 $0x0;
	s20 =	sshll.u32 s5, $0x1;
	s5 =	sadd.s32 s21, s3  }
0x9d: {  	[timem:s7], [sflag:s22] =	dma.local [hbm:s5], s20  }
0x9e: {  	_ =	swait.ge [sflag:s22], s20  }
0x9f: {  	s4 =	ssub.s32 $0x0, s20;
	[sflag:s22] =	ssyncset.done $0x0  }
0xa0: {  	[sflag:s22] =	ssyncadd.s32 s4;
	_ =	sdelay $0x1  }
0xa1: {  	s23 =	simm.s32 $0x1B8B  }
0xa2: {  	_ =	swait.ge [sflag:s23], $0x1  }
0xa3: {  	[sflag:s23] =	ssyncset.done $0x0  }
0xa4: {  	s25 =	simm.s32 $0x1B8E;
	s24 =	sld [smem:$0x3FFE];
	[sflag:s23] =	ssyncadd.s32 $0xFFFFFFFF  }
0xa5: {  	s26 =	simm.s32 $execute0_lowered;
	[smem:$0x3FD2] =	sst s25  }
0xa6: {  	s5 =	sshll.u32 s26, $0x1;
	_ =	strace $0x80000046;
	[dreg:$0x1] =	wrdreg $0xFFFFFFFF  }
0xa7: {  	s28 =	simm.s32 $_size_execute0_lowered;
	s3 =	sadd.s32 s3, s5;
	[dreg:$0x0] =	wrdreg $0x0  }
0xa8: {  	s5 =	sshll.u32 s28, $0x1;
	[dreg:$0x2] =	wrdreg s3  }
0xa9: {  	[dreg:$0x3] =	wrdreg s5  }
0xaa: {  	[dreg:$0x4] =	wrdreg $0xC0  }
0xab: {  	_ =	task [dreg:s7], $0x5FFFF  }
0xac: {  	[dreg:$0x1] =	wrdreg $0xFFFFFFFF  }
0xad: {  	[dreg:$0x0] =	wrdreg $0x60  }
0xae: {  	[dreg:$0x2] =	wrdreg s24  }
0xaf: {  	[dreg:$0x3] =	wrdreg s2  }
0xb0: {  	[dreg:$0x4] =	wrdreg $0x51000  }
0xb1: {  	[dreg:$0x5] =	wrdreg $0x9  }
0xb2: {  	_ =	task.clear_ibuf [dreg:s7], $0x6FFFF;
	_ =	strace $0x90000046  }
0xb3: {  	s29 =	simm.s32 $0x9;
	_ =	strace $0x80000048  }
0xb4: {  	_ =	swait.ge [sflag:s29], $0x1  }
0xb5: {  	[sflag:s29] =	ssyncadd.s32 $0xFFFFFFFF  }
0xb6: {  	_ =	strace $0x90000048  }
0xb7: {  	_ =	sfence  }
0xb8: {  	s30 =	sld [smem:$0x0];
	_ =	sdelay $0x2  }
0xb9: {  	s31 =	sshll.u32 s1, $0xD;
	s1 =	sshrl.u32 s1, $0x2  }
0xba: {  	s3 =	sand.u32 $0x4000, s31;
	s1 =	sadd.s32 s1, s30  }
0xbb: {  	s0 =	sor.u32 s3, s0;
	s1 =	sshll.u32 s1, $0x11  }
0xbc: {  	s0 =	sor.u32 s1, s0  }
0xbd: {  	s0 =	sadd.s32 $0x8F2B, s0  }
0xbe: {  	[sflag:s0] =	ssyncadd.remote.s32 $0x1  }
0xbf: {  	_ =	sfence.sel $0xFFFF  }
0xc0: {  	[dreg:$0x0] =	wrdreg $0xFFFFFFFF;
	(pc) =	sbr.abs _section_cstart, $3  }
0xc1: {  	[dreg:$0x1] =	wrdreg $0xFFFFFFFF  }
0xc2: {  	_ =	task.clear_ibuf [dreg:s7], $0x2FFFF;
	_ =	strace $0x9FFFFFFF  }
0xc3: {  	(tm) =	ssettm $0x7FFFFFFF  }
tec
execute0_lowered:
.L_overlay_start_1:
0x0: {  	(tag) =	ssettag $0x1  }
0x1: {  	s1 =	srdreg.scid  }
0x2: {  	s1 =	sand.u32 $0x1, s1  }
0x3: {  	p0 =	seq.s32 s1, $0x1  }
.Ltmp0:
0x4: {  	s3 =	rddreg [dreg:$0x0];
	(pc) =	sbr.rel @p0 .LBB2_4-.Ltmp0, $4  }
0x5: {  	s4 =	rddreg [dreg:$0x1]  }
0x6: {  	s2 =	rddreg [dreg:$0x2];
	s7 =	simm.s32 $0x0  }
0x7: {  	[smem:$0x7FF] =	sst s7  }
0x8: {  	s0 =	rddreg [dreg:$0x3];
	_ =	strace $0x80000047;
	s1 =	stileid.u32  }
0x9: {  	v0 =	vimm.f32 $1.000000000e+00  }
0xa: {  	v1 =	vimm.f32 $0.0e+00;
	[tilespmem:$0x5000] =	vst v0  }
0xb: {  	[tilespmem:$0x5080] =	vst v1  }
0xc: {  	[tilespmem:$0x5010] =	vst v0  }
0xd: {  	[tilespmem:$0x5090] =	vst v1  }
0xe: {  	[tilespmem:$0x5020] =	vst v0  }
0xf: {  	[tilespmem:$0x50A0] =	vst v1  }
0x10: {  	[tilespmem:$0x5030] =	vst v0  }
0x11: {  	[tilespmem:$0x50B0] =	vst v1  }
0x12: {  	[tilespmem:$0x5040] =	vst v0  }
0x13: {  	[tilespmem:$0x50C0] =	vst v1  }
0x14: {  	[tilespmem:$0x5050] =	vst v0  }
0x15: {  	[tilespmem:$0x50D0] =	vst v1  }
0x16: {  	[tilespmem:$0x5060] =	vst v0  }
0x17: {  	s5 =	smul.u32 $0xA00, s1;
	[tilespmem:$0x50E0] =	vst v1  }
0x18: {  	s3 =	sadd.s32 $0x4A00, s3;
	[tilespmem:$0x5070] =	vst v0  }
0x19: {  	s24 =	simm.s32 $0x6;
	[tilespmem:$0x50F0] =	vst v1;
	s3 =	sadd.s32 s3, s5  }
0x1a: {  	[tilespmem:s7], [sflag:$0x6] =	stream.linear.gather [hbm4b:s3+s7], $0x5000, $0x38;
	[tilespmem:$0x5380] =	vst v63  }
0x1b: {  	s11 =	smul.u32 $0x280, s1;
	_ =	swait.ge [sflag:s24], $0x5000  }
0x1c: {  	[sflag:s24] =	ssyncset.done $0x0  }
0x1d: {  	s6 =	simm.s32 $0x5080;
	s3 =	sadd.s32 s11, s2;
	[sflag:s24] =	ssyncadd.s32 $0xFFFFB000  }
0x1e: {  	[spmem:s3] =	stream.linear.scatter [tilespmem:s6], [sflag:$0x6], $0x80, $0x38;
	[tilespmem:$0x5380] =	vst v63  }
0x1f: {  	_ =	swait.ge [sflag:s24], $0x80  }
0x20: {  	[sflag:s24] =	ssyncset.done $0x0  }
0x21: {  	s8 =	sadd.s32 $0x80, s3;
	[sflag:s24] =	ssyncadd.s32 $0xFFFFFF80  }
0x22: {  	[spmem:s8] =	stream.linear.scatter [tilespmem:s6], [sflag:$0x6], $0x80, $0x38;
	[tilespmem:$0x5380] =	vst v63  }
0x23: {  	_ =	swait.ge [sflag:s24], $0x80  }
0x24: {  	[sflag:s24] =	ssyncset.done $0x0  }
0x25: {  	s25 =	sadd.s32 $0x100, s3;
	[sflag:s24] =	ssyncadd.s32 $0xFFFFFF80  }
0x26: {  	[spmem:s25] =	stream.linear.scatter [tilespmem:s6], [sflag:$0x6], $0x80, $0x38;
	[tilespmem:$0x5380] =	vst v63  }
0x27: {  	_ =	swait.ge [sflag:s24], $0x80  }
0x28: {  	[sflag:s24] =	ssyncset.done $0x0  }
0x29: {  	s26 =	sadd.s32 $0x180, s3;
	[sflag:s24] =	ssyncadd.s32 $0xFFFFFF80  }
0x2a: {  	[spmem:s26] =	stream.linear.scatter [tilespmem:s6], [sflag:$0x6], $0x80, $0x38;
	[tilespmem:$0x5380] =	vst v63  }
0x2b: {  	_ =	swait.ge [sflag:s24], $0x80  }
0x2c: {  	[sflag:s24] =	ssyncset.done $0x0  }
0x2d: {  	s28 =	sadd.s32 $0x200, s3;
	[sflag:s24] =	ssyncadd.s32 $0xFFFFFF80  }
0x2e: {  	[spmem:s28] =	stream.linear.scatter [tilespmem:s6], [sflag:$0x6], $0x80, $0x38;
	[tilespmem:$0x5380] =	vst v63  }
0x2f: {  	_ =	swait.ge [sflag:s24], $0x80  }
0x30: {  	[sflag:s24] =	ssyncset.done $0x0  }
0x31: {  	[sflag:s24] =	ssyncadd.s32 $0xFFFFFF80  }
0x32: {  	s5 =	simm.s32 $0x80;
	s6 =	simm.s32 $0x5000;
	[bflag:$0x0] =	sbarrier.arrive $0xFFFF  }
0x33: {  	[spmem:s2] =	stream.indirect.scatter.add.f32 [tilespmem:s6], [sflag:$0x1], $0x1, s7, s5, $0xb8;
	[tilespmem:$0x5380] =	vst v63  }
0x34: {  	_ = 	snop  }
0x35: {  	[spmem:s2] =	stream.indirect.scatter.add.f32 [tilespmem:s6], [sflag:$0x2], $0x1, s5, s5, $0xb8;
	[tilespmem:$0x5380] =	vst v63  }
0x36: {  	s29 =	simm.s32 $0x100  }
0x37: {  	[spmem:s2] =	stream.indirect.scatter.add.f32 [tilespmem:s6], [sflag:$0x3], $0x1, s29, s5, $0xb8;
	[tilespmem:$0x5380] =	vst v63  }
0x38: {  	s30 =	simm.s32 $0x180  }
0x39: {  	[spmem:s2] =	stream.indirect.scatter.add.f32 [tilespmem:s6], [sflag:$0x4], $0x1, s30, s5, $0xb8;
	[tilespmem:$0x5380] =	vst v63  }
0x3a: {  	s31 =	simm.s32 $0x200;
	s7 =	simm.s32 $0x1  }
0x3b: {  	[spmem:s2] =	stream.indirect.scatter.add.f32 [tilespmem:s6], [sflag:$0x5], $0x1, s31, s5, $0xb8;
	[tilespmem:$0x5380] =	vst v63  }
0x3c: {  	_ =	swait.ge [sflag:s7], $0x80  }
0x3d: {  	[sflag:s7] =	ssyncset.done $0x0  }
0x3e: {  	s9 =	simm.s32 $0x280;
	s8 =	simm.s32 $0x2;
	[sflag:s7] =	ssyncadd.s32 $0xFFFFFF80  }
0x3f: {  	[spmem:s2] =	stream.indirect.scatter.add.f32 [tilespmem:s6], [sflag:$0x1], $0x1, s9, s5, $0xb8;
	[tilespmem:$0x5380] =	vst v63  }
0x40: {  	_ =	swait.ge [sflag:s8], $0x80  }
0x41: {  	[sflag:s8] =	ssyncset.done $0x0  }
0x42: {  	s10 =	simm.s32 $0x300;
	s9 =	simm.s32 $0x3;
	[sflag:s8] =	ssyncadd.s32 $0xFFFFFF80  }
0x43: {  	[spmem:s2] =	stream.indirect.scatter.add.f32 [tilespmem:s6], [sflag:$0x2], $0x1, s10, s5, $0xb8;
	[tilespmem:$0x5380] =	vst v63  }
0x44: {  	_ =	swait.ge [sflag:s9], $0x80  }
0x45: {  	[sflag:s9] =	ssyncset.done $0x0  }
0x46: {  	s12 =	simm.s32 $0x380;
	s10 =	simm.s32 $0x4;
	[sflag:s9] =	ssyncadd.s32 $0xFFFFFF80  }
0x47: {  	[spmem:s2] =	stream.indirect.scatter.add.f32 [tilespmem:s6], [sflag:$0x3], $0x1, s12, s5, $0xb8;
	[tilespmem:$0x5380] =	vst v63  }
0x48: {  	_ =	swait.ge [sflag:s10], $0x80  }
0x49: {  	[sflag:s10] =	ssyncset.done $0x0  }
0x4a: {  	s13 =	simm.s32 $0x400;
	s12 =	simm.s32 $0x5;
	[sflag:s10] =	ssyncadd.s32 $0xFFFFFF80  }
0x4b: {  	[spmem:s2] =	stream.indirect.scatter.add.f32 [tilespmem:s6], [sflag:$0x4], $0x1, s13, s5, $0xb8;
	[tilespmem:$0x5380] =	vst v63  }
0x4c: {  	s11 =	sshrl.u32 s11, $0x3;
	_ =	swait.ge [sflag:s12], $0x80  }
0x4d: {  	s4 =	sadd.s32 s4, s11;
	[sflag:s12] =	ssyncset.done $0x0  }
0x4e: {  	s11 =	simm.s32 $0xFFFED400;
	s13 =	simm.s32 $0x480;
	[sflag:s12] =	ssyncadd.s32 $0xFFFFFF80  }
.LBB2_2:
0x4f: {  	[spmem:s2] =	stream.indirect.scatter.add.f32 [tilespmem:s6], [sflag:$0x5], $0x1, s13, s5, $0xb8;
	[tilespmem:$0x5380] =	vst v63  }
0x50: {  	s13 =	smov.u32 s11  }
0x51: {  	p0 =	sne.s32 s11, $0xFFFFF600;
	s11 =	sadd.s32 $0xA00, s11;
	_ =	swait.ge [sflag:s7], $0x80  }
0x52: {  	s13 =	sshra.s32 s13, $0x2;
	[sflag:s7] =	ssyncset.done $0x0  }
0x53: {  	s14 =	sadd.s32 $0x5000, s13;
	[sflag:s7] =	ssyncadd.s32 $0xFFFFFF80  }
0x54: {  	[spmem:s2] =	stream.indirect.scatter.add.f32 [tilespmem:s6], [sflag:$0x1], $0x1, s14, s5, $0xb8;
	[tilespmem:$0x5380] =	vst v63  }
0x55: {  	_ =	swait.ge [sflag:s8], $0x80  }
0x56: {  	[sflag:s8] =	ssyncset.done $0x0  }
0x57: {  	s14 =	sadd.s32 $0x5080, s13;
	[sflag:s8] =	ssyncadd.s32 $0xFFFFFF80  }
0x58: {  	[spmem:s2] =	stream.indirect.scatter.add.f32 [tilespmem:s6], [sflag:$0x2], $0x1, s14, s5, $0xb8;
	[tilespmem:$0x5380] =	vst v63  }
0x59: {  	_ =	swait.ge [sflag:s9], $0x80  }
0x5a: {  	[sflag:s9] =	ssyncset.done $0x0  }
0x5b: {  	s14 =	sadd.s32 $0x5100, s13;
	[sflag:s9] =	ssyncadd.s32 $0xFFFFFF80  }
0x5c: {  	[spmem:s2] =	stream.indirect.scatter.add.f32 [tilespmem:s6], [sflag:$0x3], $0x1, s14, s5, $0xb8;
	[tilespmem:$0x5380] =	vst v63  }
0x5d: {  	_ =	swait.ge [sflag:s10], $0x80  }
0x5e: {  	[sflag:s10] =	ssyncset.done $0x0  }
.Ltmp1:
0x5f: {  	s14 =	sadd.s32 $0x5180, s13;
	[sflag:s10] =	ssyncadd.s32 $0xFFFFFF80;
	(pc) =	sbr.rel @p0 .LBB2_2-.Ltmp1, $4  }
0x60: {  	[spmem:s2] =	stream.indirect.scatter.add.f32 [tilespmem:s6], [sflag:$0x4], $0x1, s14, s5, $0xb8;
	[tilespmem:$0x5380] =	vst v63  }
0x61: {  	_ =	swait.ge [sflag:s12], $0x80  }
0x62: {  	[sflag:s12] =	ssyncset.done $0x0  }
0x63: {  	s13 =	sadd.s32 $0x5200, s13;
	[sflag:s12] =	ssyncadd.s32 $0xFFFFFF80  }
0x64: {  	[spmem:s2] =	stream.indirect.scatter.add.f32 [tilespmem:s6], [sflag:$0x5], $0x1, s13, s5, $0xb8;
	[tilespmem:$0x5380] =	vst v63  }
0x65: {  	s24 =	simm.s32 $0x1  }
0x66: {  	_ =	swait.ge [sflag:s24], $0x80  }
0x67: {  	[sflag:s24] =	ssyncset.done $0x0  }
0x68: {  	s25 =	simm.s32 $0x2;
	[sflag:s24] =	ssyncadd.s32 $0xFFFFFF80  }
0x69: {  	_ =	swait.ge [sflag:s25], $0x80  }
0x6a: {  	[sflag:s25] =	ssyncset.done $0x0  }
0x6b: {  	s26 =	simm.s32 $0x3;
	[sflag:s25] =	ssyncadd.s32 $0xFFFFFF80  }
0x6c: {  	_ =	swait.ge [sflag:s26], $0x80  }
0x6d: {  	[sflag:s26] =	ssyncset.done $0x0  }
0x6e: {  	s28 =	simm.s32 $0x4;
	[sflag:s26] =	ssyncadd.s32 $0xFFFFFF80  }
0x6f: {  	_ =	swait.ge [sflag:s28], $0x80  }
0x70: {  	[sflag:s28] =	ssyncset.done $0x0  }
0x71: {  	s29 =	simm.s32 $0x5;
	[sflag:s28] =	ssyncadd.s32 $0xFFFFFF80  }
0x72: {  	_ =	swait.ge [sflag:s29], $0x80  }
0x73: {  	[sflag:s29] =	ssyncset.done $0x0  }
0x74: {  	s30 =	sshll.u32 s1, $0x6;
	s3 =	sshrl.u32 s3, $0x3;
	[sflag:s29] =	ssyncadd.s32 $0xFFFFFF80  }
0x75: {  	s31 =	simm.s32 $0x6;
	s2 =	sor.u32 $0x1C06, s30;
	[bflag:$0x0] =	sbarrier.arrive $0xFFFF  }
0x76: {  	[hbm:s4], [sflag:s2] =	dma.local [spmem:s3], $0x50  }
0x77: {  	_ =	swait.ge [sflag:s31], $0x50  }
0x78: {  	[sflag:s31] =	ssyncset.done $0x0  }
0x79: {  	[sflag:s31] =	ssyncadd.s32 $0xFFFFFFB0  }
.LBB2_4:
0x7a: {  	_ =	sfence.sel $0x180000  }
0x7b: {  	[bflag:$0x0] =	sbarrier.arrive $0xFFFF  }
0x7c: {  	p0 =	sne.s32 s1, $0x0;
	_ =	strace $0x90000047  }
0x7d: {  	s0 =	sadd.s32 @!p0 $0x100000, s0;
	[bflag:$0x2] =	sbarrier.arrive $0xFFFF  }
0x7e: {  	[sflag:s0] =	ssyncadd.tile.s32 @!p0 $0x1;
	_ =	shalt  }
.Lfunc_end2:
_tile_overlayer_lowered:
.L_overlay_start_2:
0x7f: {  	(tag) =	ssettag $0x2  }
0x80: {  	s0 =	rddreg [dreg:$0x0];
	s2 =	stileid.u32  }
0x81: {  	s1 =	rddreg [dreg:$0x1];
	p0 =	sne.s32 s2, $0x0  }
0x82: {  	s3 =	rddreg [dreg:$0x2];
	[bflag:$0x3] =	sbarrier.arrive $0xFFFF;
	s2 =	simm.s32 @!p0 $0x1C06  }
0x83: {  	[timem:s3], [sflag:s2] =	dma.local @!p0 [hbm:s0], s1  }
0x84: {  	s0 =	simm.s32 @!p0 $0x6  }
0x85: {  	_ =	swait.ge @!p0 [sflag:s0], s1  }
0x86: {  	s1 =	ssub.s32 @!p0 $0x0, s1;
	[sflag:s0] =	ssyncset.done @!p0 $0x0  }
0x87: {  	[sflag:s0] =	ssyncadd.s32 @!p0 s1  }
0x88: {  	[bflag:$0x3] =	sbarrier.arrive $0xFFFF  }
0x89: {  	_ =	shalt  }

// kernel: kernel.14.cloned.1.call-start
scs
__scs_entry_jumppad:
0x0: {  	(pc) =	sbr.rel $0x88, $3  }
0x1: {  	(tag) =	ssettag $0x0;
	lr =	simm.s32 $0x1  }
0x2: {  	[smem:$0x3F94] =	sst lr;
	_ =	strace $0xD0000000  }
0x3: {  	_ = 	snop  }
0x4: {  	_ = 	snop  }
0x5: {  	_ = 	snop  }
0x6: {  	_ = 	snop  }
0x7: {  	_ = 	snop  }
__scs_overlays_trampoline_lowered:
0x8: {  	[smem:$0x3FA3] =	sst s0  }
0x9: {  	[smem:$0x3FA4] =	sst s1  }
0xa: {  	[smem:$0x3FA5] =	sst s2  }
0xb: {  	[smem:$0x3FA6] =	sst s3  }
0xc: {  	[smem:$0x3FA7] =	sst s4  }
0xd: {  	[smem:$0x3FA8] =	sst s5  }
0xe: {  	[smem:$0x3FA9] =	sst s6  }
0xf: {  	[smem:$0x3FAA] =	sst s7  }
0x10: {  	[smem:$0x3FAB] =	sst s8  }
0x11: {  	[smem:$0x3FAC] =	sst s9;
	s0 =	simm.s32 @!p0 $0x0  }
0x12: {  	s1 =	sld [smem:$0x3F92];
	s0 =	simm.s32 @p0 $0x1  }
0x13: {  	[smem:$0x3FAD] =	sst s0;
	s0 =	simm.s32 @!p1 $0x0  }
0x14: {  	s2 =	sld [smem:$0x3F91];
	s0 =	simm.s32 @p1 $0x1  }
0x15: {  	[smem:$0x3FAE] =	sst s0;
	s0 =	simm.s32 @!p2 $0x0  }
0x16: {  	s3 =	sld [smem:$0x3FDB];
	s0 =	simm.s32 @p2 $0x1  }
0x17: {  	s4 =	simm.s32 $0x1BF5;
	[smem:$0x3FB0] =	sst s0  }
0x18: {  	s0 =	sld [smem:$0x3F93];
	_ =	swait.ge [sflag:s4], $0x0  }
0x19: {  	s7 =	sld [smem:$0x3F94]  }
0x1a: {  	s8 =	sadd.s32 $0xFFFFE003, lr  }
0x1b: {  	s9 =	sadd.s32 $0xFFFFFEF7, lr;
	s5 =	simm.s32 $0xFFFFFFFF;
	p2 =	slt.u32 s8, $0xFFFFF086  }
0x1c: {  	p1 =	slt.u32 s9, $0xF7A;
	s5 =	simm.s32 @!p2 $0x0  }
0x1d: {  	s5 =	simm.s32 @p1 $0x1;
	p0 =	seq.s32 s7, s2  }
0x1e: {  	s7 =	smul.u32 @!p0 $0xF7A, s2;
	p2 =	seq.s32 @!p0 s5, $0x0  }
0x1f: {  	s9 =	smul.u32 $0xF7A, s1;
	s8 =	simm.s32 @!p0 $0x1BF5;
	p2 =	por !p2, p0  }
0x20: {  	[sflag:s8] =	ssyncset.s32 @!p0 $0xFFFFF086;
	s6 =	sadd.s32 @!p0 s3, s7;
	s7 =	simm.s32 @!p0 $0x108  }
0x21: {  	s3 =	sadd.s32 s3, s9;
	s6 =	sadd.s32 @!p0 $0x88, s6;
	s7 =	simm.s32 @p2 $0x1082  }
0x22: {  	[simem:s7], [sflag:s8] =	dma.local @!p0 [hbm:s6], $0xF7A  }
0x23: {  	s9 =	sor.u32 $0xD0000000, s2;
	s6 =	simm.s32 $0x108;
	_ =	swait.ge @!p0 [sflag:s8], $0x0  }
0x24: {  	s3 =	sadd.s32 $0x88, s3;
	s6 =	simm.s32 @!p1 $0x1082;
	[sflag:s4] =	ssyncset.s32 $0xFFFFF086  }
0x25: {  	[simem:s6], [sflag:s4] =	dma.local [hbm:s3], $0xF7A  }
0x26: {  	[smem:$0x3F94] =	sst s1;
	(tag) =	ssettag s2;
	_ =	strace s9  }
0x27: {  	s1 =	sld [smem:$0x3FA4]  }
0x28: {  	s2 =	sld [smem:$0x3FA5]  }
0x29: {  	s4 =	sld [smem:$0x3FA7]  }
0x2a: {  	p0 =	seq.s32 s5, $0x0;
	s5 =	sld [smem:$0x3FA8]  }
0x2b: {  	s6 =	sld [smem:$0x3FA9]  }
0x2c: {  	s7 =	sld [smem:$0x3FAA]  }
0x2d: {  	s3 =	simm.s32 $0x108;
	s8 =	sld [smem:$0x3FAB]  }
0x2e: {  	s3 =	simm.s32 @!p0 $0x1082;
	s9 =	sld [smem:$0x3FAC]  }
0x2f: {  	lr =	sadd.s32 s0, s3;
	s0 =	sld [smem:$0x3FA3]  }
0x30: {  	s3 =	sld [smem:$0x3FA6]  }
0x31: {  	[smem:$0x3FAF] =	sst s10  }
0x32: {  	s10 =	sld [smem:$0x3FAD];
	_ =	sdelay $0x3  }
0x33: {  	p0 =	seq.s32 s10, $0x1;
	s10 =	sld [smem:$0x3FAF];
	_ =	sdelay $0x3  }
0x34: {  	[smem:$0x3FAF] =	sst s10  }
0x35: {  	s10 =	sld [smem:$0x3FAE];
	_ =	sdelay $0x3  }
0x36: {  	p1 =	seq.s32 s10, $0x1;
	s10 =	sld [smem:$0x3FAF];
	_ =	sdelay $0x3  }
0x37: {  	[smem:$0x3FAF] =	sst s10  }
0x38: {  	s10 =	sld [smem:$0x3FB0]  }
0x39: {  	_ = 	snop;
	(pc) =	sbr.ind lr, $3  }
0x3a: {  	_ = 	snop  }
0x3b: {  	_ = 	snop  }
0x3c: {  	p2 =	seq.s32 s10, $0x1;
	s10 =	sld [smem:$0x3FAF]  }
0x3d: {  	_ =	shalt  }
0x3e: {  	_ =	shalt  }
0x3f: {  	_ =	shalt  }
0x40: {  	_ =	shalt  }
0x41: {  	_ =	shalt  }
0x42: {  	_ =	shalt  }
0x43: {  	_ =	shalt  }
0x44: {  	_ =	shalt  }
0x45: {  	_ =	shalt  }
0x46: {  	_ =	shalt  }
0x47: {  	_ =	shalt  }
0x48: {  	_ =	shalt  }
0x49: {  	_ =	shalt  }
0x4a: {  	_ =	shalt  }
0x4b: {  	_ =	shalt  }
0x4c: {  	_ =	shalt  }
0x4d: {  	_ =	shalt  }
0x4e: {  	_ =	shalt  }
0x4f: {  	_ =	shalt  }
0x50: {  	_ =	shalt  }
0x51: {  	_ =	shalt  }
0x52: {  	_ =	shalt  }
0x53: {  	_ =	shalt  }
0x54: {  	_ =	shalt  }
0x55: {  	_ =	shalt  }
0x56: {  	_ =	shalt  }
0x57: {  	_ =	shalt  }
0x58: {  	_ =	shalt  }
0x59: {  	_ =	shalt  }
0x5a: {  	_ =	shalt  }
0x5b: {  	_ =	shalt  }
0x5c: {  	_ =	shalt  }
0x5d: {  	_ =	shalt  }
0x5e: {  	_ =	shalt  }
0x5f: {  	_ =	shalt  }
0x60: {  	_ =	shalt  }
0x61: {  	_ =	shalt  }
0x62: {  	_ =	shalt  }
0x63: {  	_ =	shalt  }
0x64: {  	_ =	shalt  }
0x65: {  	_ =	shalt  }
0x66: {  	_ =	shalt  }
0x67: {  	_ =	shalt  }
0x68: {  	_ =	shalt  }
0x69: {  	_ =	shalt  }
0x6a: {  	_ =	shalt  }
0x6b: {  	_ =	shalt  }
0x6c: {  	_ =	shalt  }
0x6d: {  	_ =	shalt  }
0x6e: {  	_ =	shalt  }
0x6f: {  	_ =	shalt  }
0x70: {  	_ =	shalt  }
0x71: {  	_ =	shalt  }
0x72: {  	_ =	shalt  }
0x73: {  	_ =	shalt  }
0x74: {  	_ =	shalt  }
0x75: {  	_ =	shalt  }
0x76: {  	_ =	shalt  }
0x77: {  	_ =	shalt  }
0x78: {  	_ =	shalt  }
0x79: {  	_ =	shalt  }
0x7a: {  	_ =	shalt  }
0x7b: {  	_ =	shalt  }
0x7c: {  	_ =	shalt  }
0x7d: {  	_ =	shalt  }
0x7e: {  	_ =	shalt  }
0x7f: {  	_ =	shalt  }
0x80: {  	_ =	shalt  }
0x81: {  	_ =	shalt  }
0x82: {  	_ =	shalt  }
0x83: {  	_ =	shalt  }
0x84: {  	_ =	shalt  }
0x85: {  	_ =	shalt  }
0x86: {  	_ =	shalt  }
0x87: {  	_ =	shalt  }
.Lfunc_end0:
.L_simem_size_0:
called_computation.1_lowered:
.L_overlay_start_0:
0x88: {  	s2 =	sld [smem:$0x3FD9]  }
0x89: {  	s3 =	sld [smem:$0x3FFE];
	_ =	sdelay $0x1  }
0x8a: {  	s1 =	srdreg.scid  }
0x8b: {  	s0 =	sand.u32 $0x1, s1  }
0x8c: {  	s16 =	sshll.u32 s0, $0xA;
	s2 =	sadd.s32 s3, s2  }
0x8d: {  	s2 =	sadd.s32 s2, s16  }
0x8e: {  	[smem:$0x3FBB] =	sst s2  }
0x8f: {  	_ = 	snop  }
0x90: {  	(tm) =	ssettm $0x1  }
0x91: {  	s17 =	sld [smem:$0x3FFB];
	_ =	sdelay $0x3  }
0x92: {  	_ =	strace s17  }
0x93: {  	s2 =	sld [smem:$0x3FFC];
	_ =	sdelay $0x3  }
0x94: {  	_ =	strace s2  }
0x95: {  	s2 =	sld [smem:$0x3FFD];
	_ =	sdelay $0x3  }
0x96: {  	_ =	strace s2  }
0x97: {  	_ =	strace $0x8FFFFFFF  }
0x98: {  	s18 =	sld [smem:$0x3FDB];
	_ =	sdelay $0x1  }
0x99: {  	s19 =	simm.s32 $_scs_section_size  }
0x9a: {  	s4 =	simm.s32 $_size__tile_overlayer_lowered;
	s5 =	simm.s32 $_tile_overlayer_lowered  }
0x9b: {  	s22 =	simm.s32 $0x1BFF;
	s21 =	sshll.u32 s5, $0x1;
	s2 =	sadd.s32 s19, s18  }
0x9c: {  	s6 =	simm.s32 $0x0;
	s20 =	sshll.u32 s4, $0x1;
	s4 =	sadd.s32 s21, s2  }
0x9d: {  	[timem:s6], [sflag:s22] =	dma.local [hbm:s4], s20  }
0x9e: {  	_ =	swait.ge [sflag:s22], s20  }
0x9f: {  	s3 =	ssub.s32 $0x0, s20;
	[sflag:s22] =	ssyncset.done $0x0  }
0xa0: {  	[sflag:s22] =	ssyncadd.s32 s3;
	_ =	sdelay $0x1  }
0xa1: {  	s23 =	simm.s32 $0x1B8B  }
0xa2: {  	_ =	swait.ge [sflag:s23], $0x1  }
0xa3: {  	[sflag:s23] =	ssyncset.done $0x0  }
0xa4: {  	s25 =	simm.s32 $0x1B8E;
	s24 =	sld [smem:$0x3FFE];
	[sflag:s23] =	ssyncadd.s32 $0xFFFFFFFF  }
0xa5: {  	s26 =	simm.s32 $execute0_lowered;
	[smem:$0x3FD2] =	sst s25  }
0xa6: {  	s4 =	sshll.u32 s26, $0x1;
	_ =	strace $0x80000049;
	[dreg:$0x1] =	wrdreg $0xFFFFFFFF  }
0xa7: {  	s28 =	simm.s32 $_size_execute0_lowered;
	s2 =	sadd.s32 s2, s4;
	[dreg:$0x0] =	wrdreg $0x0  }
0xa8: {  	s4 =	sshll.u32 s28, $0x1;
	[dreg:$0x2] =	wrdreg s2  }
0xa9: {  	[dreg:$0x3] =	wrdreg s4  }
0xaa: {  	[dreg:$0x4] =	wrdreg $0xC0  }
0xab: {  	_ =	task [dreg:s6], $0x5FFFF  }
0xac: {  	[dreg:$0x1] =	wrdreg $0xFFFFFFFF  }
0xad: {  	[dreg:$0x0] =	wrdreg $0x60  }
0xae: {  	[dreg:$0x2] =	wrdreg s24  }
0xaf: {  	[dreg:$0x3] =	wrdreg $0xF0000  }
0xb0: {  	[dreg:$0x4] =	wrdreg $0x9  }
0xb1: {  	_ =	task.clear_ibuf [dreg:s6], $0x5FFFF;
	_ =	strace $0x90000049  }
0xb2: {  	s29 =	simm.s32 $0x9;
	_ =	strace $0x8000004B  }
0xb3: {  	_ =	swait.ge [sflag:s29], $0x1  }
0xb4: {  	[sflag:s29] =	ssyncadd.s32 $0xFFFFFFFF  }
0xb5: {  	_ =	strace $0x9000004B  }
0xb6: {  	_ =	sfence  }
0xb7: {  	s30 =	sld [smem:$0x0];
	_ =	sdelay $0x2  }
0xb8: {  	s31 =	sshll.u32 s1, $0xD;
	s1 =	sshrl.u32 s1, $0x2  }
0xb9: {  	s3 =	sand.u32 $0x4000, s31;
	s1 =	sadd.s32 s1, s30  }
0xba: {  	s0 =	sor.u32 s3, s0;
	s1 =	sshll.u32 s1, $0x11  }
0xbb: {  	s0 =	sor.u32 s1, s0  }
0xbc: {  	s0 =	sadd.s32 $0x8F2B, s0  }
0xbd: {  	[sflag:s0] =	ssyncadd.remote.s32 $0x1  }
0xbe: {  	_ =	sfence.sel $0xFFFF  }
0xbf: {  	[dreg:$0x0] =	wrdreg $0xFFFFFFFF;
	(pc) =	sbr.abs _section_cstart, $3  }
0xc0: {  	[dreg:$0x1] =	wrdreg $0xFFFFFFFF  }
0xc1: {  	_ =	task.clear_ibuf [dreg:s6], $0x2FFFF;
	_ =	strace $0x9FFFFFFF  }
0xc2: {  	(tm) =	ssettm $0x7FFFFFFF  }
0xc3: {  	_ =	shalt  }
tec
execute0_lowered:
.L_overlay_start_1:
0x0: {  	(tag) =	ssettag $0x1  }
0x1: {  	s0 =	rddreg [dreg:$0x0]  }
0x2: {  	s2 =	rddreg [dreg:$0x1];
	s1 =	simm.s32 $0x0  }
0x3: {  	s8 =	stileid.u32;
	s3 =	srdreg.scid;
	s14 =	simm.s32 $0xB  }
0x4: {  	s9 =	simm.s32 $0x5000;
	s28 =	simm.s32 $0x2;
	s31 =	simm.s32 $0xE000  }
0x5: {  	s29 =	simm.s32 $0x5;
	s12 =	simm.s32 $0x9;
	s30 =	simm.s32 $0x0  }
0x6: {  	[smem:$0x7FF] =	sst s1;
	s19 =	smul.u32 $0xA00, s8;
	s4 =	sadd.s32 $0x22A00, s0  }
0x7: {  	s3 =	sand.u32 $0x1, s3;
	s5 =	sadd.s32 $0x18A00, s0;
	s7 =	sadd.s32 $0x36A00, s0  }
0x8: {  	s11 =	smul.u32 $0x5000, s8;
	s26 =	sshll.u32 s8, $0x6;
	_ =	strace $0x8000004A  }
0x9: {  	s6 =	ssub.s32 $0x2, s3;
	[dreg:$0x3] =	wrdreg s7;
	p0 =	seq.s32 s3, $0x1  }
0xa: {  	[dreg:$0xa] =	wrdreg s26;
	s7 =	sor.u32 $0x1C0B, s26;
	s26 =	simm.s32 $0xD000  }
0xb: {  	s1 =	sadd.s32 s19, s0;
	s20 =	sshrl.u32 s6, $0x1;
	s0 =	sadd.s32 $0x2CA00, s0  }
0xc: {  	s10 =	sshrl.u32 s11, $0x3;
	s23 =	sadd.s32 s11, s2;
	s19 =	simm.s32 $0x80  }
0xd: {  	s11 =	simm.s32 $0x4;
	[dreg:$0x4] =	wrdreg s0;
	s21 =	ssub.s32 s6, s20  }
0xe: {  	s22 =	sadd.s32 $0xEA00, s1;
	s1 =	sadd.s32 $0x4A00, s1;
	s24 =	sadd.s32 s4, s10  }
0xf: {  	s25 =	sadd.s32 s5, s10;
	s18 =	sshrl.u32 s23, $0x3;
	[dreg:$0x5] =	wrdreg s22  }
.Ltmp0:
0x10: {  	s20 =	simm.s32 $0xA000;
	[dreg:$0x6] =	wrdreg s1;
	(pc) =	sbr.rel .LBB2_1-.Ltmp0, $4  }
0x11: {  	s23 =	simm.s32 $0xC000;
	s6 =	simm.s32 $0x6;
	[dreg:$0x7] =	wrdreg s24  }
0x12: {  	[dreg:$0x8] =	wrdreg s25;
	s0 =	smax.u32 s21, $0x1;
	s21 =	simm.s32 $0xB000  }
0x13: {  	s24 =	simm.s32 $0x1;
	s22 =	simm.s32 $0x7;
	s1 =	simm.s32 $0x8  }
0x14: {  	s25 =	simm.s32 $0xA;
	[dreg:$0x9] =	wrdreg s0;
	s0 =	simm.s32 $0x3  }
.LBB2_8:
0x15: {  	s3 =	rddreg [dreg:$0x4];
	s17 =	smov.u32 s7  }
.LBB2_9:
0x16: {  	_ =	swait.ge [sflag:s12], $0x1000  }
0x17: {  	[sflag:s12] =	ssyncset.done $0x0  }
0x18: {  	[sflag:s12] =	ssyncadd.s32 $0xFFFFF000  }
0x19: {  	_ =	swait.ge [sflag:s25], $0x1000  }
0x1a: {  	[sflag:s25] =	ssyncset.done $0x0  }
0x1b: {  	[sflag:s25] =	ssyncadd.s32 $0xFFFFF000  }
0x1c: {  	s3 =	sadd.s32 s3, s10;
	[bflag:$0x0] =	sbarrier.arrive $0xFFFF  }
0x1d: {  	[hbm:s3], [sflag:s17] =	dma.local [spmem:s18], $0xA00  }
0x1e: {  	_ =	swait.ge [sflag:s14], $0xA00  }
0x1f: {  	s30 =	sadd.s32 $0x1, s30;
	s17 =	rddreg [dreg:$0x9]  }
0x20: {  	p1 =	sne.s32 s30, s17  }
.Ltmp1:
0x21: {  	_ = 	snop;
	(pc) =	sbr.rel @!p1 .LBB2_10-.Ltmp1, $3  }
0x22: {  	_ =	sdelay $0x1  }
0x23: {  	[sflag:s14] =	ssyncset.done $0x0  }
0x24: {  	s9 =	simm.s32 $0x5000;
	[sflag:s14] =	ssyncadd.s32 $0xFFFFF600  }
.LBB2_1:
0x25: {  	s3 =	simm.s32 $0x0;
	s8 =	rddreg [dreg:$0x5]  }
0x26: {  	[tilespmem:s3], [sflag:$0xB] =	stream.linear.gather [hbm4b:s8+s3], $0x5000, $0x38;
	[tilespmem:$0x14000] =	vst v63  }
0x27: {  	_ =	swait.ge [sflag:s14], $0x5000  }
0x28: {  	[sflag:s14] =	ssyncset.done $0x0  }
.Ltmp2:
0x29: {  	s17 =	rddreg [dreg:$0x6];
	[sflag:s14] =	ssyncadd.s32 $0xFFFFB000;
	(pc) =	sbr.rel @!p0 .LBB2_2-.Ltmp2, $4  }
0x2a: {  	[tilespmem:s9], [sflag:$0xB] =	stream.linear.gather [hbm4b:s17+s3], $0x5000, $0x38;
	[tilespmem:$0x14000] =	vst v63  }
0x2b: {  	_ =	swait.ge [sflag:s14], $0x5000  }
0x2c: {  	[sflag:s14] =	ssyncset.done $0x0  }
0x2d: {  	[sflag:s14] =	ssyncadd.s32 $0xFFFFB000  }
0x2e: {  	s3 =	rddreg [dreg:$0x8]  }
0x2f: {  	[spmem:s18], [sflag:s7] =	dma.local [hbm:s3], $0xA00  }
0x30: {  	_ =	swait.ge [sflag:s14], $0xA00  }
0x31: {  	[sflag:s14] =	ssyncset.done $0x0  }
0x32: {  	[sflag:s14] =	ssyncadd.s32 $0xFFFFF600  }
0x33: {  	s15 =	simm.s32 $0x0;
	[bflag:$0x0] =	sbarrier.arrive $0xFFFF  }
0x34: {  	[tilespmem:s20], [sflag:$0x1] =	stream.indirect.gather [hbm4b:s5+s19], $0x20, s15, s19, $0xb8;
	[tilespmem:$0x14000] =	vst v63  }
0x35: {  	_ = 	snop  }
0x36: {  	[tilespmem:s21], [sflag:$0x2] =	stream.indirect.gather [hbm4b:s5+s19], $0x20, s19, s19, $0xb8;
	[tilespmem:$0x14000] =	vst v63  }
0x37: {  	s8 =	simm.s32 $0x100  }
0x38: {  	[tilespmem:s23], [sflag:$0x3] =	stream.indirect.gather [hbm4b:s5+s19], $0x20, s8, s19, $0xb8;
	[tilespmem:$0x14000] =	vst v63  }
0x39: {  	_ =	swait.ge [sflag:s24], $0x1000  }
0x3a: {  	[sflag:s24] =	ssyncset.done $0x0  }
0x3b: {  	[sflag:s24] =	ssyncadd.s32 $0xFFFFF000  }
0x3c: {  	[spmem:s2] =	stream.indirect.scatter.add.f32 [tilespmem:s20], [sflag:$0x6], $0x20, s9, s19, $0xb8;
	[tilespmem:$0x14000] =	vst v63  }
0x3d: {  	s9 =	simm.s32 $0x180  }
0x3e: {  	[tilespmem:s26], [sflag:$0x4] =	stream.indirect.gather [hbm4b:s5+s19], $0x20, s9, s19, $0xb8;
	[tilespmem:$0x14000] =	vst v63  }
0x3f: {  	_ =	swait.ge [sflag:s28], $0x1000  }
0x40: {  	[sflag:s28] =	ssyncset.done $0x0  }
0x41: {  	s13 =	simm.s32 $0x5080;
	[sflag:s28] =	ssyncadd.s32 $0xFFFFF000  }
0x42: {  	[spmem:s2] =	stream.indirect.scatter.add.f32 [tilespmem:s21], [sflag:$0x7], $0x20, s13, s19, $0xb8;
	[tilespmem:$0x14000] =	vst v63  }
0x43: {  	s16 =	simm.s32 $0x200  }
0x44: {  	[tilespmem:s31], [sflag:$0x5] =	stream.indirect.gather [hbm4b:s5+s19], $0x20, s16, s19, $0xb8;
	[tilespmem:$0x14000] =	vst v63  }
0x45: {  	_ =	swait.ge [sflag:s0], $0x1000  }
0x46: {  	[sflag:s0] =	ssyncset.done $0x0  }
0x47: {  	s17 =	simm.s32 $0x5100;
	[sflag:s0] =	ssyncadd.s32 $0xFFFFF000  }
0x48: {  	[spmem:s2] =	stream.indirect.scatter.add.f32 [tilespmem:s23], [sflag:$0x8], $0x20, s17, s19, $0xb8;
	[tilespmem:$0x14000] =	vst v63  }
0x49: {  	_ =	swait.ge [sflag:s6], $0x1000  }
0x4a: {  	[sflag:s6] =	ssyncset.done $0x0  }
0x4b: {  	s8 =	simm.s32 $0x280;
	[sflag:s6] =	ssyncadd.s32 $0xFFFFF000  }
0x4c: {  	[tilespmem:s20], [sflag:$0x1] =	stream.indirect.gather [hbm4b:s5+s19], $0x20, s8, s19, $0xb8;
	[tilespmem:$0x14000] =	vst v63  }
0x4d: {  	_ =	swait.ge [sflag:s11], $0x1000  }
0x4e: {  	[sflag:s11] =	ssyncset.done $0x0  }
0x4f: {  	s9 =	simm.s32 $0x5180;
	[sflag:s11] =	ssyncadd.s32 $0xFFFFF000  }
0x50: {  	[spmem:s2] =	stream.indirect.scatter.add.f32 [tilespmem:s26], [sflag:$0x9], $0x20, s9, s19, $0xb8;
	[tilespmem:$0x14000] =	vst v63  }
0x51: {  	_ =	swait.ge [sflag:s22], $0x1000  }
0x52: {  	[sflag:s22] =	ssyncset.done $0x0  }
0x53: {  	s13 =	simm.s32 $0x300;
	[sflag:s22] =	ssyncadd.s32 $0xFFFFF000  }
0x54: {  	[tilespmem:s21], [sflag:$0x2] =	stream.indirect.gather [hbm4b:s5+s19], $0x20, s13, s19, $0xb8;
	[tilespmem:$0x14000] =	vst v63  }
0x55: {  	_ =	swait.ge [sflag:s29], $0x1000  }
0x56: {  	[sflag:s29] =	ssyncset.done $0x0  }
0x57: {  	s16 =	simm.s32 $0x5200;
	[sflag:s29] =	ssyncadd.s32 $0xFFFFF000  }
0x58: {  	[spmem:s2] =	stream.indirect.scatter.add.f32 [tilespmem:s31], [sflag:$0xA], $0x20, s16, s19, $0xb8;
	[tilespmem:$0x14000] =	vst v63  }
0x59: {  	_ =	swait.ge [sflag:s1], $0x1000  }
0x5a: {  	[sflag:s1] =	ssyncset.done $0x0  }
0x5b: {  	s17 =	simm.s32 $0x380;
	[sflag:s1] =	ssyncadd.s32 $0xFFFFF000  }
0x5c: {  	[tilespmem:s23], [sflag:$0x3] =	stream.indirect.gather [hbm4b:s5+s19], $0x20, s17, s19, $0xb8;
	[tilespmem:$0x14000] =	vst v63  }
.LBB2_7:
0x5d: {  	_ =	swait.ge [sflag:s24], $0x1000  }
0x5e: {  	s3 =	sshra.s32 s15, $0x2;
	[sflag:s24] =	ssyncset.done $0x0  }
0x5f: {  	s8 =	sadd.s32 $0x5280, s3;
	[sflag:s24] =	ssyncadd.s32 $0xFFFFF000  }
0x60: {  	[spmem:s2] =	stream.indirect.scatter.add.f32 [tilespmem:s20], [sflag:$0x6], $0x20, s8, s19, $0xb8;
	[tilespmem:$0x14000] =	vst v63  }
0x61: {  	_ =	swait.ge [sflag:s12], $0x1000  }
0x62: {  	[sflag:s12] =	ssyncset.done $0x0  }
0x63: {  	s17 =	sadd.s32 $0x400, s3;
	[sflag:s12] =	ssyncadd.s32 $0xFFFFF000  }
0x64: {  	[tilespmem:s26], [sflag:$0x4] =	stream.indirect.gather [hbm4b:s5+s19], $0x20, s17, s19, $0xb8;
	[tilespmem:$0x14000] =	vst v63  }
0x65: {  	_ =	swait.ge [sflag:s28], $0x1000  }
0x66: {  	[sflag:s28] =	ssyncset.done $0x0  }
0x67: {  	s9 =	sadd.s32 $0x5300, s3;
	[sflag:s28] =	ssyncadd.s32 $0xFFFFF000  }
0x68: {  	[spmem:s2] =	stream.indirect.scatter.add.f32 [tilespmem:s21], [sflag:$0x7], $0x20, s9, s19, $0xb8;
	[tilespmem:$0x14000] =	vst v63  }
0x69: {  	_ =	swait.ge [sflag:s25], $0x1000  }
0x6a: {  	[sflag:s25] =	ssyncset.done $0x0  }
0x6b: {  	s13 =	sadd.s32 $0x480, s3;
	[sflag:s25] =	ssyncadd.s32 $0xFFFFF000  }
0x6c: {  	[tilespmem:s31], [sflag:$0x5] =	stream.indirect.gather [hbm4b:s5+s19], $0x20, s13, s19, $0xb8;
	[tilespmem:$0x14000] =	vst v63  }
0x6d: {  	_ =	swait.ge [sflag:s0], $0x1000  }
0x6e: {  	[sflag:s0] =	ssyncset.done $0x0  }
0x6f: {  	s16 =	sadd.s32 $0x5380, s3;
	[sflag:s0] =	ssyncadd.s32 $0xFFFFF000  }
0x70: {  	[spmem:s2] =	stream.indirect.scatter.add.f32 [tilespmem:s23], [sflag:$0x8], $0x20, s16, s19, $0xb8;
	[tilespmem:$0x14000] =	vst v63  }
0x71: {  	_ =	swait.ge [sflag:s6], $0x1000  }
0x72: {  	p1 =	seq.s32 s15, $0x12C00;
	[sflag:s6] =	ssyncset.done $0x0  }
0x73: {  	s8 =	simm.s32 @p1 $0x4;
	[sflag:s6] =	ssyncadd.s32 $0xFFFFF000  }
0x74: {  	_ =	swait.ge @p1 [sflag:s8], $0x1000  }
0x75: {  	[sflag:s8] =	ssyncset.done @p1 $0x0  }
0x76: {  	[sflag:s8] =	ssyncadd.s32 @p1 $0xFFFFF000;
	s8 =	sshra.s32 @p1 s15, $0x2  }
0x77: {  	s9 =	simm.s32 @p1 $0x80;
	s13 =	simm.s32 @p1 $0xD000;
	s8 =	sadd.s32 @p1 $0x5400, s8  }
0x78: {  	[spmem:s2] =	stream.indirect.scatter.add.f32 @p1 [tilespmem:s13], [sflag:$0x9], $0x20, s8, s9, $0xb8;
	[tilespmem:$0x14000] =	vst v63  }
0x79: {  	s8 =	simm.s32 @p1 $0x7  }
0x7a: {  	_ =	swait.ge @p1 [sflag:s8], $0x1000  }
0x7b: {  	[sflag:s8] =	ssyncset.done @p1 $0x0  }
0x7c: {  	[sflag:s8] =	ssyncadd.s32 @p1 $0xFFFFF000;
	s8 =	sshra.s32 @!p1 s15, $0x2  }
0x7d: {  	s16 =	simm.s32 @!p1 $0xA000;
	s13 =	simm.s32 @!p1 $0x80;
	s9 =	sadd.s32 @!p1 $0x500, s8  }
0x7e: {  	[tilespmem:s16], [sflag:$0x1] =	stream.indirect.gather @!p1 [hbm4b:s5+s13], $0x20, s9, s13, $0xb8;
	[tilespmem:$0x14000] =	vst v63  }
0x7f: {  	s9 =	simm.s32 @!p1 $0x4  }
0x80: {  	_ =	swait.ge @!p1 [sflag:s9], $0x1000  }
0x81: {  	[sflag:s9] =	ssyncset.done @!p1 $0x0  }
0x82: {  	s16 =	simm.s32 @!p1 $0xD000;
	[sflag:s9] =	ssyncadd.s32 @!p1 $0xFFFFF000;
	s9 =	sadd.s32 @!p1 $0x5400, s8  }
0x83: {  	[spmem:s2] =	stream.indirect.scatter.add.f32 @!p1 [tilespmem:s16], [sflag:$0x9], $0x20, s9, s13, $0xb8;
	[tilespmem:$0x14000] =	vst v63  }
0x84: {  	s9 =	simm.s32 @!p1 $0x7  }
0x85: {  	_ =	swait.ge @!p1 [sflag:s9], $0x1000  }
0x86: {  	[sflag:s9] =	ssyncset.done @!p1 $0x0  }
0x87: {  	s8 =	sadd.s32 @!p1 $0x580, s8;
	[sflag:s9] =	ssyncadd.s32 @!p1 $0xFFFFF000;
	s9 =	simm.s32 @!p1 $0xB000  }
0x88: {  	[tilespmem:s9], [sflag:$0x2] =	stream.indirect.gather @!p1 [hbm4b:s5+s13], $0x20, s8, s13, $0xb8;
	[tilespmem:$0x14000] =	vst v63  }
0x89: {  	_ =	swait.ge [sflag:s29], $0x1000  }
0x8a: {  	[sflag:s29] =	ssyncset.done $0x0  }
.Ltmp3:
0x8b: {  	s17 =	sadd.s32 $0x5480, s3;
	[sflag:s29] =	ssyncadd.s32 $0xFFFFF000;
	(pc) =	sbr.rel @p1 .LBB2_8-.Ltmp3, $4  }
0x8c: {  	[spmem:s2] =	stream.indirect.scatter.add.f32 [tilespmem:s31], [sflag:$0xA], $0x20, s17, s19, $0xb8;
	[tilespmem:$0x14000] =	vst v63  }
0x8d: {  	_ =	swait.ge [sflag:s1], $0x1000  }
0x8e: {  	[sflag:s1] =	ssyncset.done $0x0  }
0x8f: {  	[sflag:s1] =	ssyncadd.s32 $0xFFFFF000  }
.Ltmp4:
0x90: {  	(pc) =	sbr.rel .LBB2_7-.Ltmp4, $3  }
0x91: {  	_ =	sdelay $0x1  }
0x92: {  	s3 =	sadd.s32 $0x600, s3;
	s15 =	sadd.s32 $0xA00, s15  }
0x93: {  	[tilespmem:s23], [sflag:$0x3] =	stream.indirect.gather [hbm4b:s5+s19], $0x20, s3, s19, $0xb8;
	[tilespmem:$0x14000] =	vst v63  }
.LBB2_2:
0x94: {  	s3 =	rddreg [dreg:$0xa]  }
0x95: {  	s8 =	rddreg [dreg:$0x7];
	s17 =	sor.u32 $0x1C0B, s3  }
0x96: {  	[spmem:s18], [sflag:s17] =	dma.local [hbm:s8], $0xA00  }
0x97: {  	_ =	swait.ge [sflag:s14], $0xA00  }
0x98: {  	[sflag:s14] =	ssyncset.done $0x0  }
0x99: {  	[sflag:s14] =	ssyncadd.s32 $0xFFFFF600  }
0x9a: {  	s15 =	simm.s32 $0x0;
	[bflag:$0x0] =	sbarrier.arrive $0xFFFF  }
0x9b: {  	[tilespmem:s20], [sflag:$0x1] =	stream.indirect.gather [hbm4b:s4+s19], $0x20, s15, s19, $0xb8;
	[tilespmem:$0x14000] =	vst v63  }
0x9c: {  	_ = 	snop  }
0x9d: {  	[tilespmem:s21], [sflag:$0x2] =	stream.indirect.gather [hbm4b:s4+s19], $0x20, s19, s19, $0xb8;
	[tilespmem:$0x14000] =	vst v63  }
0x9e: {  	s13 =	simm.s32 $0x100  }
0x9f: {  	[tilespmem:s23], [sflag:$0x3] =	stream.indirect.gather [hbm4b:s4+s19], $0x20, s13, s19, $0xb8;
	[tilespmem:$0x14000] =	vst v63  }
0xa0: {  	_ =	swait.ge [sflag:s24], $0x1000  }
0xa1: {  	[sflag:s24] =	ssyncset.done $0x0  }
0xa2: {  	[sflag:s24] =	ssyncadd.s32 $0xFFFFF000  }
0xa3: {  	[spmem:s2] =	stream.indirect.scatter.add.f32 [tilespmem:s20], [sflag:$0x6], $0x20, s9, s19, $0xb8;
	[tilespmem:$0x14000] =	vst v63  }
0xa4: {  	s16 =	simm.s32 $0x180  }
0xa5: {  	[tilespmem:s26], [sflag:$0x4] =	stream.indirect.gather [hbm4b:s4+s19], $0x20, s16, s19, $0xb8;
	[tilespmem:$0x14000] =	vst v63  }
0xa6: {  	_ =	swait.ge [sflag:s28], $0x1000  }
0xa7: {  	[sflag:s28] =	ssyncset.done $0x0  }
0xa8: {  	s8 =	simm.s32 $0x5080;
	[sflag:s28] =	ssyncadd.s32 $0xFFFFF000  }
0xa9: {  	[spmem:s2] =	stream.indirect.scatter.add.f32 [tilespmem:s21], [sflag:$0x7], $0x20, s8, s19, $0xb8;
	[tilespmem:$0x14000] =	vst v63  }
0xaa: {  	s9 =	simm.s32 $0x200  }
0xab: {  	[tilespmem:s31], [sflag:$0x5] =	stream.indirect.gather [hbm4b:s4+s19], $0x20, s9, s19, $0xb8;
	[tilespmem:$0x14000] =	vst v63  }
0xac: {  	_ =	swait.ge [sflag:s0], $0x1000  }
0xad: {  	[sflag:s0] =	ssyncset.done $0x0  }
0xae: {  	s13 =	simm.s32 $0x5100;
	[sflag:s0] =	ssyncadd.s32 $0xFFFFF000  }
0xaf: {  	[spmem:s2] =	stream.indirect.scatter.add.f32 [tilespmem:s23], [sflag:$0x8], $0x20, s13, s19, $0xb8;
	[tilespmem:$0x14000] =	vst v63  }
0xb0: {  	_ =	swait.ge [sflag:s6], $0x1000  }
0xb1: {  	[sflag:s6] =	ssyncset.done $0x0  }
0xb2: {  	s16 =	simm.s32 $0x280;
	[sflag:s6] =	ssyncadd.s32 $0xFFFFF000  }
0xb3: {  	[tilespmem:s20], [sflag:$0x1] =	stream.indirect.gather [hbm4b:s4+s19], $0x20, s16, s19, $0xb8;
	[tilespmem:$0x14000] =	vst v63  }
0xb4: {  	_ =	swait.ge [sflag:s11], $0x1000  }
0xb5: {  	[sflag:s11] =	ssyncset.done $0x0  }
0xb6: {  	s8 =	simm.s32 $0x5180;
	[sflag:s11] =	ssyncadd.s32 $0xFFFFF000  }
0xb7: {  	[spmem:s2] =	stream.indirect.scatter.add.f32 [tilespmem:s26], [sflag:$0x9], $0x20, s8, s19, $0xb8;
	[tilespmem:$0x14000] =	vst v63  }
0xb8: {  	_ =	swait.ge [sflag:s22], $0x1000  }
0xb9: {  	[sflag:s22] =	ssyncset.done $0x0  }
0xba: {  	s9 =	simm.s32 $0x300;
	[sflag:s22] =	ssyncadd.s32 $0xFFFFF000  }
0xbb: {  	[tilespmem:s21], [sflag:$0x2] =	stream.indirect.gather [hbm4b:s4+s19], $0x20, s9, s19, $0xb8;
	[tilespmem:$0x14000] =	vst v63  }
0xbc: {  	_ =	swait.ge [sflag:s29], $0x1000  }
0xbd: {  	[sflag:s29] =	ssyncset.done $0x0  }
0xbe: {  	s13 =	simm.s32 $0x5200;
	[sflag:s29] =	ssyncadd.s32 $0xFFFFF000  }
0xbf: {  	[spmem:s2] =	stream.indirect.scatter.add.f32 [tilespmem:s31], [sflag:$0xA], $0x20, s13, s19, $0xb8;
	[tilespmem:$0x14000] =	vst v63  }
0xc0: {  	_ =	swait.ge [sflag:s1], $0x1000  }
0xc1: {  	[sflag:s1] =	ssyncset.done $0x0  }
0xc2: {  	s16 =	simm.s32 $0x380;
	[sflag:s1] =	ssyncadd.s32 $0xFFFFF000  }
0xc3: {  	[tilespmem:s23], [sflag:$0x3] =	stream.indirect.gather [hbm4b:s4+s19], $0x20, s16, s19, $0xb8;
	[tilespmem:$0x14000] =	vst v63  }
.LBB2_3:
0xc4: {  	_ =	swait.ge [sflag:s24], $0x1000  }
0xc5: {  	s3 =	sshra.s32 s15, $0x2;
	[sflag:s24] =	ssyncset.done $0x0  }
0xc6: {  	s8 =	sadd.s32 $0x5280, s3;
	[sflag:s24] =	ssyncadd.s32 $0xFFFFF000  }
0xc7: {  	[spmem:s2] =	stream.indirect.scatter.add.f32 [tilespmem:s20], [sflag:$0x6], $0x20, s8, s19, $0xb8;
	[tilespmem:$0x14000] =	vst v63  }
0xc8: {  	_ =	swait.ge [sflag:s12], $0x1000  }
0xc9: {  	[sflag:s12] =	ssyncset.done $0x0  }
0xca: {  	s13 =	sadd.s32 $0x400, s3;
	[sflag:s12] =	ssyncadd.s32 $0xFFFFF000  }
0xcb: {  	[tilespmem:s26], [sflag:$0x4] =	stream.indirect.gather [hbm4b:s4+s19], $0x20, s13, s19, $0xb8;
	[tilespmem:$0x14000] =	vst v63  }
0xcc: {  	_ =	swait.ge [sflag:s28], $0x1000  }
0xcd: {  	[sflag:s28] =	ssyncset.done $0x0  }
0xce: {  	s16 =	sadd.s32 $0x5300, s3;
	[sflag:s28] =	ssyncadd.s32 $0xFFFFF000  }
0xcf: {  	[spmem:s2] =	stream.indirect.scatter.add.f32 [tilespmem:s21], [sflag:$0x7], $0x20, s16, s19, $0xb8;
	[tilespmem:$0x14000] =	vst v63  }
0xd0: {  	_ =	swait.ge [sflag:s25], $0x1000  }
0xd1: {  	[sflag:s25] =	ssyncset.done $0x0  }
0xd2: {  	s9 =	sadd.s32 $0x480, s3;
	[sflag:s25] =	ssyncadd.s32 $0xFFFFF000  }
0xd3: {  	[tilespmem:s31], [sflag:$0x5] =	stream.indirect.gather [hbm4b:s4+s19], $0x20, s9, s19, $0xb8;
	[tilespmem:$0x14000] =	vst v63  }
0xd4: {  	_ =	swait.ge [sflag:s0], $0x1000  }
0xd5: {  	[sflag:s0] =	ssyncset.done $0x0  }
0xd6: {  	s13 =	sadd.s32 $0x5380, s3;
	[sflag:s0] =	ssyncadd.s32 $0xFFFFF000  }
0xd7: {  	[spmem:s2] =	stream.indirect.scatter.add.f32 [tilespmem:s23], [sflag:$0x8], $0x20, s13, s19, $0xb8;
	[tilespmem:$0x14000] =	vst v63  }
0xd8: {  	_ =	swait.ge [sflag:s6], $0x1000  }
0xd9: {  	p1 =	seq.s32 s15, $0x12C00;
	[sflag:s6] =	ssyncset.done $0x0  }
0xda: {  	s8 =	simm.s32 @p1 $0x4;
	[sflag:s6] =	ssyncadd.s32 $0xFFFFF000  }
0xdb: {  	_ =	swait.ge @p1 [sflag:s8], $0x1000  }
0xdc: {  	[sflag:s8] =	ssyncset.done @p1 $0x0  }
0xdd: {  	[sflag:s8] =	ssyncadd.s32 @p1 $0xFFFFF000;
	s8 =	sshra.s32 @p1 s15, $0x2  }
0xde: {  	s16 =	simm.s32 @p1 $0xD000;
	s9 =	simm.s32 @p1 $0x80;
	s8 =	sadd.s32 @p1 $0x5400, s8  }
0xdf: {  	[spmem:s2] =	stream.indirect.scatter.add.f32 @p1 [tilespmem:s16], [sflag:$0x9], $0x20, s8, s9, $0xb8;
	[tilespmem:$0x14000] =	vst v63  }
0xe0: {  	s8 =	simm.s32 @p1 $0x7  }
0xe1: {  	_ =	swait.ge @p1 [sflag:s8], $0x1000  }
0xe2: {  	[sflag:s8] =	ssyncset.done @p1 $0x0  }
0xe3: {  	[sflag:s8] =	ssyncadd.s32 @p1 $0xFFFFF000;
	s8 =	sshra.s32 @!p1 s15, $0x2  }
0xe4: {  	s13 =	simm.s32 @!p1 $0xA000;
	s16 =	simm.s32 @!p1 $0x80;
	s9 =	sadd.s32 @!p1 $0x500, s8  }
0xe5: {  	[tilespmem:s13], [sflag:$0x1] =	stream.indirect.gather @!p1 [hbm4b:s4+s16], $0x20, s9, s16, $0xb8;
	[tilespmem:$0x14000] =	vst v63  }
0xe6: {  	s9 =	simm.s32 @!p1 $0x4  }
0xe7: {  	_ =	swait.ge @!p1 [sflag:s9], $0x1000  }
0xe8: {  	[sflag:s9] =	ssyncset.done @!p1 $0x0  }
0xe9: {  	s13 =	simm.s32 @!p1 $0xD000;
	[sflag:s9] =	ssyncadd.s32 @!p1 $0xFFFFF000;
	s9 =	sadd.s32 @!p1 $0x5400, s8  }
0xea: {  	[spmem:s2] =	stream.indirect.scatter.add.f32 @!p1 [tilespmem:s13], [sflag:$0x9], $0x20, s9, s16, $0xb8;
	[tilespmem:$0x14000] =	vst v63  }
0xeb: {  	s9 =	simm.s32 @!p1 $0x7  }
0xec: {  	_ =	swait.ge @!p1 [sflag:s9], $0x1000  }
0xed: {  	[sflag:s9] =	ssyncset.done @!p1 $0x0  }
0xee: {  	s8 =	sadd.s32 @!p1 $0x580, s8;
	[sflag:s9] =	ssyncadd.s32 @!p1 $0xFFFFF000;
	s9 =	simm.s32 @!p1 $0xB000  }
0xef: {  	[tilespmem:s9], [sflag:$0x2] =	stream.indirect.gather @!p1 [hbm4b:s4+s16], $0x20, s8, s16, $0xb8;
	[tilespmem:$0x14000] =	vst v63  }
0xf0: {  	_ =	swait.ge [sflag:s29], $0x1000  }
0xf1: {  	[sflag:s29] =	ssyncset.done $0x0  }
.Ltmp5:
0xf2: {  	s16 =	sadd.s32 $0x5480, s3;
	[sflag:s29] =	ssyncadd.s32 $0xFFFFF000;
	(pc) =	sbr.rel @p1 .LBB2_4-.Ltmp5, $4  }
0xf3: {  	[spmem:s2] =	stream.indirect.scatter.add.f32 [tilespmem:s31], [sflag:$0xA], $0x20, s16, s19, $0xb8;
	[tilespmem:$0x14000] =	vst v63  }
0xf4: {  	_ =	swait.ge [sflag:s1], $0x1000  }
0xf5: {  	[sflag:s1] =	ssyncset.done $0x0  }
0xf6: {  	[sflag:s1] =	ssyncadd.s32 $0xFFFFF000  }
.Ltmp6:
0xf7: {  	(pc) =	sbr.rel .LBB2_3-.Ltmp6, $3  }
0xf8: {  	_ =	sdelay $0x1  }
0xf9: {  	s3 =	sadd.s32 $0x600, s3;
	s15 =	sadd.s32 $0xA00, s15  }
0xfa: {  	[tilespmem:s23], [sflag:$0x3] =	stream.indirect.gather [hbm4b:s4+s19], $0x20, s3, s19, $0xb8;
	[tilespmem:$0x14000] =	vst v63  }
.LBB2_4:
.Ltmp7:
0xfb: {  	(pc) =	sbr.rel .LBB2_9-.Ltmp7, $2  }
0xfc: {  	_ =	sdelay $0x2  }
0xfd: {  	s3 =	rddreg [dreg:$0x3]  }
.LBB2_10:
0xfe: {  	_ =	sfence.sel $0x180000  }
0xff: {  	[bflag:$0x0] =	sbarrier.arrive $0xFFFF  }
0x100: {  	_ =	strace $0x9000004A  }
0x101: {  	s0 =	stileid.u32;
	[bflag:$0x2] =	sbarrier.arrive $0xFFFF  }
0x102: {  	p0 =	sne.s32 s0, $0x0;
	s0 =	rddreg [dreg:$0x2]  }
0x103: {  	s0 =	sadd.s32 @!p0 $0x100000, s0  }
0x104: {  	[sflag:s0] =	ssyncadd.tile.s32 @!p0 $0x1;
	_ =	shalt  }
.Lfunc_end2:
_tile_overlayer_lowered:
.L_overlay_start_2:
0x105: {  	(tag) =	ssettag $0x2  }
0x106: {  	s0 =	rddreg [dreg:$0x0];
	s2 =	stileid.u32  }
0x107: {  	s1 =	rddreg [dreg:$0x1];
	p0 =	sne.s32 s2, $0x0  }
0x108: {  	s3 =	rddreg [dreg:$0x2];
	[bflag:$0x3] =	sbarrier.arrive $0xFFFF;
	s2 =	simm.s32 @!p0 $0x1C0B  }
0x109: {  	[timem:s3], [sflag:s2] =	dma.local @!p0 [hbm:s0], s1  }
0x10a: {  	s0 =	simm.s32 @!p0 $0xB  }
0x10b: {  	_ =	swait.ge @!p0 [sflag:s0], s1  }
0x10c: {  	s1 =	ssub.s32 @!p0 $0x0, s1;
	[sflag:s0] =	ssyncset.done @!p0 $0x0  }
0x10d: {  	[sflag:s0] =	ssyncadd.s32 @!p0 s1  }
0x10e: {  	[bflag:$0x3] =	sbarrier.arrive $0xFFFF  }
0x10f: {  	_ =	shalt  }

// kernel: kernel.17.cloned.1.call-start
scs
__scs_entry_jumppad:
0x0: {  	(pc) =	sbr.rel $0x88, $3  }
0x1: {  	(tag) =	ssettag $0x0;
	lr =	simm.s32 $0x1  }
0x2: {  	[smem:$0x3F94] =	sst lr;
	_ =	strace $0xD0000000  }
0x3: {  	_ = 	snop  }
0x4: {  	_ = 	snop  }
0x5: {  	_ = 	snop  }
0x6: {  	_ = 	snop  }
0x7: {  	_ = 	snop  }
__scs_overlays_trampoline_lowered:
0x8: {  	[smem:$0x3FA3] =	sst s0  }
0x9: {  	[smem:$0x3FA4] =	sst s1  }
0xa: {  	[smem:$0x3FA5] =	sst s2  }
0xb: {  	[smem:$0x3FA6] =	sst s3  }
0xc: {  	[smem:$0x3FA7] =	sst s4  }
0xd: {  	[smem:$0x3FA8] =	sst s5  }
0xe: {  	[smem:$0x3FA9] =	sst s6  }
0xf: {  	[smem:$0x3FAA] =	sst s7  }
0x10: {  	[smem:$0x3FAB] =	sst s8  }
0x11: {  	[smem:$0x3FAC] =	sst s9;
	s0 =	simm.s32 @!p0 $0x0  }
0x12: {  	s1 =	sld [smem:$0x3F92];
	s0 =	simm.s32 @p0 $0x1  }
0x13: {  	[smem:$0x3FAD] =	sst s0;
	s0 =	simm.s32 @!p1 $0x0  }
0x14: {  	s2 =	sld [smem:$0x3F91];
	s0 =	simm.s32 @p1 $0x1  }
0x15: {  	[smem:$0x3FAE] =	sst s0;
	s0 =	simm.s32 @!p2 $0x0  }
0x16: {  	s3 =	sld [smem:$0x3FDB];
	s0 =	simm.s32 @p2 $0x1  }
0x17: {  	s4 =	simm.s32 $0x1BF5;
	[smem:$0x3FB0] =	sst s0  }
0x18: {  	s0 =	sld [smem:$0x3F93];
	_ =	swait.ge [sflag:s4], $0x0  }
0x19: {  	s7 =	sld [smem:$0x3F94]  }
0x1a: {  	s8 =	sadd.s32 $0xFFFFE003, lr  }
0x1b: {  	s9 =	sadd.s32 $0xFFFFFEF7, lr;
	s5 =	simm.s32 $0xFFFFFFFF;
	p2 =	slt.u32 s8, $0xFFFFF086  }
0x1c: {  	p1 =	slt.u32 s9, $0xF7A;
	s5 =	simm.s32 @!p2 $0x0  }
0x1d: {  	s5 =	simm.s32 @p1 $0x1;
	p0 =	seq.s32 s7, s2  }
0x1e: {  	s7 =	smul.u32 @!p0 $0xF7A, s2;
	p2 =	seq.s32 @!p0 s5, $0x0  }
0x1f: {  	s9 =	smul.u32 $0xF7A, s1;
	s8 =	simm.s32 @!p0 $0x1BF5;
	p2 =	por !p2, p0  }
0x20: {  	[sflag:s8] =	ssyncset.s32 @!p0 $0xFFFFF086;
	s6 =	sadd.s32 @!p0 s3, s7;
	s7 =	simm.s32 @!p0 $0x108  }
0x21: {  	s3 =	sadd.s32 s3, s9;
	s6 =	sadd.s32 @!p0 $0x88, s6;
	s7 =	simm.s32 @p2 $0x1082  }
0x22: {  	[simem:s7], [sflag:s8] =	dma.local @!p0 [hbm:s6], $0xF7A  }
0x23: {  	s9 =	sor.u32 $0xD0000000, s2;
	s6 =	simm.s32 $0x108;
	_ =	swait.ge @!p0 [sflag:s8], $0x0  }
0x24: {  	s3 =	sadd.s32 $0x88, s3;
	s6 =	simm.s32 @!p1 $0x1082;
	[sflag:s4] =	ssyncset.s32 $0xFFFFF086  }
0x25: {  	[simem:s6], [sflag:s4] =	dma.local [hbm:s3], $0xF7A  }
0x26: {  	[smem:$0x3F94] =	sst s1;
	(tag) =	ssettag s2;
	_ =	strace s9  }
0x27: {  	s1 =	sld [smem:$0x3FA4]  }
0x28: {  	s2 =	sld [smem:$0x3FA5]  }
0x29: {  	s4 =	sld [smem:$0x3FA7]  }
0x2a: {  	p0 =	seq.s32 s5, $0x0;
	s5 =	sld [smem:$0x3FA8]  }
0x2b: {  	s6 =	sld [smem:$0x3FA9]  }
0x2c: {  	s7 =	sld [smem:$0x3FAA]  }
0x2d: {  	s3 =	simm.s32 $0x108;
	s8 =	sld [smem:$0x3FAB]  }
0x2e: {  	s3 =	simm.s32 @!p0 $0x1082;
	s9 =	sld [smem:$0x3FAC]  }
0x2f: {  	lr =	sadd.s32 s0, s3;
	s0 =	sld [smem:$0x3FA3]  }
0x30: {  	s3 =	sld [smem:$0x3FA6]  }
0x31: {  	[smem:$0x3FAF] =	sst s10  }
0x32: {  	s10 =	sld [smem:$0x3FAD];
	_ =	sdelay $0x3  }
0x33: {  	p0 =	seq.s32 s10, $0x1;
	s10 =	sld [smem:$0x3FAF];
	_ =	sdelay $0x3  }
0x34: {  	[smem:$0x3FAF] =	sst s10  }
0x35: {  	s10 =	sld [smem:$0x3FAE];
	_ =	sdelay $0x3  }
0x36: {  	p1 =	seq.s32 s10, $0x1;
	s10 =	sld [smem:$0x3FAF];
	_ =	sdelay $0x3  }
0x37: {  	[smem:$0x3FAF] =	sst s10  }
0x38: {  	s10 =	sld [smem:$0x3FB0]  }
0x39: {  	_ = 	snop;
	(pc) =	sbr.ind lr, $3  }
0x3a: {  	_ = 	snop  }
0x3b: {  	_ = 	snop  }
0x3c: {  	p2 =	seq.s32 s10, $0x1;
	s10 =	sld [smem:$0x3FAF]  }
0x3d: {  	_ =	shalt  }
0x3e: {  	_ =	shalt  }
0x3f: {  	_ =	shalt  }
0x40: {  	_ =	shalt  }
0x41: {  	_ =	shalt  }
0x42: {  	_ =	shalt  }
0x43: {  	_ =	shalt  }
0x44: {  	_ =	shalt  }
0x45: {  	_ =	shalt  }
0x46: {  	_ =	shalt  }
0x47: {  	_ =	shalt  }
0x48: {  	_ =	shalt  }
0x49: {  	_ =	shalt  }
0x4a: {  	_ =	shalt  }
0x4b: {  	_ =	shalt  }
0x4c: {  	_ =	shalt  }
0x4d: {  	_ =	shalt  }
0x4e: {  	_ =	shalt  }
0x4f: {  	_ =	shalt  }
0x50: {  	_ =	shalt  }
0x51: {  	_ =	shalt  }
0x52: {  	_ =	shalt  }
0x53: {  	_ =	shalt  }
0x54: {  	_ =	shalt  }
0x55: {  	_ =	shalt  }
0x56: {  	_ =	shalt  }
0x57: {  	_ =	shalt  }
0x58: {  	_ =	shalt  }
0x59: {  	_ =	shalt  }
0x5a: {  	_ =	shalt  }
0x5b: {  	_ =	shalt  }
0x5c: {  	_ =	shalt  }
0x5d: {  	_ =	shalt  }
0x5e: {  	_ =	shalt  }
0x5f: {  	_ =	shalt  }
0x60: {  	_ =	shalt  }
0x61: {  	_ =	shalt  }
0x62: {  	_ =	shalt  }
0x63: {  	_ =	shalt  }
0x64: {  	_ =	shalt  }
0x65: {  	_ =	shalt  }
0x66: {  	_ =	shalt  }
0x67: {  	_ =	shalt  }
0x68: {  	_ =	shalt  }
0x69: {  	_ =	shalt  }
0x6a: {  	_ =	shalt  }
0x6b: {  	_ =	shalt  }
0x6c: {  	_ =	shalt  }
0x6d: {  	_ =	shalt  }
0x6e: {  	_ =	shalt  }
0x6f: {  	_ =	shalt  }
0x70: {  	_ =	shalt  }
0x71: {  	_ =	shalt  }
0x72: {  	_ =	shalt  }
0x73: {  	_ =	shalt  }
0x74: {  	_ =	shalt  }
0x75: {  	_ =	shalt  }
0x76: {  	_ =	shalt  }
0x77: {  	_ =	shalt  }
0x78: {  	_ =	shalt  }
0x79: {  	_ =	shalt  }
0x7a: {  	_ =	shalt  }
0x7b: {  	_ =	shalt  }
0x7c: {  	_ =	shalt  }
0x7d: {  	_ =	shalt  }
0x7e: {  	_ =	shalt  }
0x7f: {  	_ =	shalt  }
0x80: {  	_ =	shalt  }
0x81: {  	_ =	shalt  }
0x82: {  	_ =	shalt  }
0x83: {  	_ =	shalt  }
0x84: {  	_ =	shalt  }
0x85: {  	_ =	shalt  }
0x86: {  	_ =	shalt  }
0x87: {  	_ =	shalt  }
.Lfunc_end0:
.L_simem_size_0:
called_computation.2_lowered:
.L_overlay_start_0:
0x88: {  	s2 =	sld [smem:$0x3FD9]  }
0x89: {  	s3 =	sld [smem:$0x3FFE];
	_ =	sdelay $0x1  }
0x8a: {  	s1 =	srdreg.scid  }
0x8b: {  	s0 =	sand.u32 $0x1, s1  }
0x8c: {  	s16 =	sshll.u32 s0, $0xA;
	s2 =	sadd.s32 s3, s2  }
0x8d: {  	s2 =	sadd.s32 s2, s16  }
0x8e: {  	[smem:$0x3FBB] =	sst s2  }
0x8f: {  	_ = 	snop  }
0x90: {  	(tm) =	ssettm $0x1  }
0x91: {  	s17 =	sld [smem:$0x3FFB];
	_ =	sdelay $0x3  }
0x92: {  	_ =	strace s17  }
0x93: {  	s2 =	sld [smem:$0x3FFC];
	_ =	sdelay $0x3  }
0x94: {  	_ =	strace s2  }
0x95: {  	s2 =	sld [smem:$0x3FFD];
	_ =	sdelay $0x3  }
0x96: {  	_ =	strace s2  }
0x97: {  	_ =	strace $0x8FFFFFFF  }
0x98: {  	s18 =	sld [smem:$0x3FDB];
	_ =	sdelay $0x1  }
0x99: {  	s19 =	simm.s32 $_scs_section_size  }
0x9a: {  	s4 =	simm.s32 $_size__tile_overlayer_lowered;
	s5 =	simm.s32 $_tile_overlayer_lowered  }
0x9b: {  	s22 =	simm.s32 $0x1BFF;
	s21 =	sshll.u32 s5, $0x1;
	s2 =	sadd.s32 s19, s18  }
0x9c: {  	s6 =	simm.s32 $0x0;
	s20 =	sshll.u32 s4, $0x1;
	s4 =	sadd.s32 s21, s2  }
0x9d: {  	[timem:s6], [sflag:s22] =	dma.local [hbm:s4], s20  }
0x9e: {  	_ =	swait.ge [sflag:s22], s20  }
0x9f: {  	s3 =	ssub.s32 $0x0, s20;
	[sflag:s22] =	ssyncset.done $0x0  }
0xa0: {  	[sflag:s22] =	ssyncadd.s32 s3;
	_ =	sdelay $0x1  }
0xa1: {  	s23 =	simm.s32 $0x1B8B  }
0xa2: {  	_ =	swait.ge [sflag:s23], $0x1  }
0xa3: {  	[sflag:s23] =	ssyncset.done $0x0  }
0xa4: {  	s25 =	simm.s32 $0x1B8E;
	s24 =	sld [smem:$0x3FFE];
	[sflag:s23] =	ssyncadd.s32 $0xFFFFFFFF  }
0xa5: {  	s26 =	simm.s32 $execute0_lowered;
	[smem:$0x3FD2] =	sst s25  }
0xa6: {  	s4 =	sshll.u32 s26, $0x1;
	_ =	strace $0x8000004C;
	[dreg:$0x1] =	wrdreg $0xFFFFFFFF  }
0xa7: {  	s28 =	simm.s32 $_size_execute0_lowered;
	s2 =	sadd.s32 s2, s4;
	[dreg:$0x0] =	wrdreg $0x0  }
0xa8: {  	s4 =	sshll.u32 s28, $0x1;
	[dreg:$0x2] =	wrdreg s2  }
0xa9: {  	[dreg:$0x3] =	wrdreg s4  }
0xaa: {  	[dreg:$0x4] =	wrdreg $0xC0  }
0xab: {  	_ =	task [dreg:s6], $0x5FFFF  }
0xac: {  	[dreg:$0x1] =	wrdreg $0xFFFFFFFF  }
0xad: {  	[dreg:$0x0] =	wrdreg $0x60  }
0xae: {  	[dreg:$0x2] =	wrdreg s24  }
0xaf: {  	[dreg:$0x3] =	wrdreg $0xF0000  }
0xb0: {  	[dreg:$0x4] =	wrdreg $0x9  }
0xb1: {  	_ =	task.clear_ibuf [dreg:s6], $0x5FFFF;
	_ =	strace $0x9000004C  }
0xb2: {  	s29 =	simm.s32 $0x9;
	_ =	strace $0x8000004E  }
0xb3: {  	_ =	swait.ge [sflag:s29], $0x1  }
0xb4: {  	[sflag:s29] =	ssyncadd.s32 $0xFFFFFFFF  }
0xb5: {  	_ =	strace $0x9000004E  }
0xb6: {  	_ =	sfence  }
0xb7: {  	s30 =	sld [smem:$0x0];
	_ =	sdelay $0x2  }
0xb8: {  	s31 =	sshll.u32 s1, $0xD;
	s1 =	sshrl.u32 s1, $0x2  }
0xb9: {  	s3 =	sand.u32 $0x4000, s31;
	s1 =	sadd.s32 s1, s30  }
0xba: {  	s0 =	sor.u32 s3, s0;
	s1 =	sshll.u32 s1, $0x11  }
0xbb: {  	s0 =	sor.u32 s1, s0  }
0xbc: {  	s0 =	sadd.s32 $0x8F2B, s0  }
0xbd: {  	[sflag:s0] =	ssyncadd.remote.s32 $0x1  }
0xbe: {  	_ =	sfence.sel $0xFFFF  }
0xbf: {  	[dreg:$0x0] =	wrdreg $0xFFFFFFFF;
	(pc) =	sbr.abs _section_cstart, $3  }
0xc0: {  	[dreg:$0x1] =	wrdreg $0xFFFFFFFF  }
0xc1: {  	_ =	task.clear_ibuf [dreg:s6], $0x2FFFF;
	_ =	strace $0x9FFFFFFF  }
0xc2: {  	(tm) =	ssettm $0x7FFFFFFF  }
0xc3: {  	_ =	shalt  }
tec
execute0_lowered:
.L_overlay_start_1:
0x0: {  	(tag) =	ssettag $0x1  }
0x1: {  	s0 =	rddreg [dreg:$0x0]  }
0x2: {  	s2 =	rddreg [dreg:$0x1];
	s1 =	simm.s32 $0x0  }
0x3: {  	s8 =	stileid.u32;
	s3 =	srdreg.scid;
	s14 =	simm.s32 $0xB  }
0x4: {  	s9 =	simm.s32 $0x5000;
	s28 =	simm.s32 $0x2;
	s31 =	simm.s32 $0xE000  }
0x5: {  	s29 =	simm.s32 $0x5;
	s12 =	simm.s32 $0x9;
	s30 =	simm.s32 $0x0  }
0x6: {  	[smem:$0x7FF] =	sst s1;
	s19 =	smul.u32 $0xA00, s8;
	s4 =	sadd.s32 $0x22A00, s0  }
0x7: {  	s3 =	sand.u32 $0x1, s3;
	s5 =	sadd.s32 $0x18A00, s0;
	s7 =	sadd.s32 $0x36A00, s0  }
0x8: {  	s11 =	smul.u32 $0x5000, s8;
	s26 =	sshll.u32 s8, $0x6;
	_ =	strace $0x8000004D  }
0x9: {  	s6 =	ssub.s32 $0x2, s3;
	[dreg:$0x3] =	wrdreg s7;
	p0 =	seq.s32 s3, $0x1  }
0xa: {  	[dreg:$0xa] =	wrdreg s26;
	s7 =	sor.u32 $0x1C0B, s26;
	s26 =	simm.s32 $0xD000  }
0xb: {  	s1 =	sadd.s32 s19, s0;
	s20 =	sshrl.u32 s6, $0x1;
	s0 =	sadd.s32 $0x2CA00, s0  }
0xc: {  	s10 =	sshrl.u32 s11, $0x3;
	s23 =	sadd.s32 s11, s2;
	s19 =	simm.s32 $0x80  }
0xd: {  	s11 =	simm.s32 $0x4;
	[dreg:$0x4] =	wrdreg s0;
	s21 =	ssub.s32 s6, s20  }
0xe: {  	s22 =	sadd.s32 $0xEA00, s1;
	s1 =	sadd.s32 $0x4A00, s1;
	s24 =	sadd.s32 s4, s10  }
0xf: {  	s25 =	sadd.s32 s5, s10;
	s18 =	sshrl.u32 s23, $0x3;
	[dreg:$0x5] =	wrdreg s22  }
.Ltmp0:
0x10: {  	s20 =	simm.s32 $0xA000;
	[dreg:$0x6] =	wrdreg s1;
	(pc) =	sbr.rel .LBB2_1-.Ltmp0, $4  }
0x11: {  	s23 =	simm.s32 $0xC000;
	s6 =	simm.s32 $0x6;
	[dreg:$0x7] =	wrdreg s24  }
0x12: {  	[dreg:$0x8] =	wrdreg s25;
	s0 =	smax.u32 s21, $0x1;
	s21 =	simm.s32 $0xB000  }
0x13: {  	s24 =	simm.s32 $0x1;
	s22 =	simm.s32 $0x7;
	s1 =	simm.s32 $0x8  }
0x14: {  	s25 =	simm.s32 $0xA;
	[dreg:$0x9] =	wrdreg s0;
	s0 =	simm.s32 $0x3  }
.LBB2_8:
0x15: {  	s3 =	rddreg [dreg:$0x4];
	s17 =	smov.u32 s7  }
.LBB2_9:
0x16: {  	_ =	swait.ge [sflag:s12], $0x1000  }
0x17: {  	[sflag:s12] =	ssyncset.done $0x0  }
0x18: {  	[sflag:s12] =	ssyncadd.s32 $0xFFFFF000  }
0x19: {  	_ =	swait.ge [sflag:s25], $0x1000  }
0x1a: {  	[sflag:s25] =	ssyncset.done $0x0  }
0x1b: {  	[sflag:s25] =	ssyncadd.s32 $0xFFFFF000  }
0x1c: {  	s3 =	sadd.s32 s3, s10;
	[bflag:$0x0] =	sbarrier.arrive $0xFFFF  }
0x1d: {  	[hbm:s3], [sflag:s17] =	dma.local [spmem:s18], $0xA00  }
0x1e: {  	_ =	swait.ge [sflag:s14], $0xA00  }
0x1f: {  	s30 =	sadd.s32 $0x1, s30;
	s17 =	rddreg [dreg:$0x9]  }
0x20: {  	p1 =	sne.s32 s30, s17  }
.Ltmp1:
0x21: {  	_ = 	snop;
	(pc) =	sbr.rel @!p1 .LBB2_10-.Ltmp1, $3  }
0x22: {  	_ =	sdelay $0x1  }
0x23: {  	[sflag:s14] =	ssyncset.done $0x0  }
0x24: {  	s9 =	simm.s32 $0x5000;
	[sflag:s14] =	ssyncadd.s32 $0xFFFFF600  }
.LBB2_1:
0x25: {  	s3 =	simm.s32 $0x0;
	s8 =	rddreg [dreg:$0x5]  }
0x26: {  	[tilespmem:s3], [sflag:$0xB] =	stream.linear.gather [hbm4b:s8+s3], $0x5000, $0x38;
	[tilespmem:$0x14000] =	vst v63  }
0x27: {  	_ =	swait.ge [sflag:s14], $0x5000  }
0x28: {  	[sflag:s14] =	ssyncset.done $0x0  }
.Ltmp2:
0x29: {  	s17 =	rddreg [dreg:$0x6];
	[sflag:s14] =	ssyncadd.s32 $0xFFFFB000;
	(pc) =	sbr.rel @!p0 .LBB2_2-.Ltmp2, $4  }
0x2a: {  	[tilespmem:s9], [sflag:$0xB] =	stream.linear.gather [hbm4b:s17+s3], $0x5000, $0x38;
	[tilespmem:$0x14000] =	vst v63  }
0x2b: {  	_ =	swait.ge [sflag:s14], $0x5000  }
0x2c: {  	[sflag:s14] =	ssyncset.done $0x0  }
0x2d: {  	[sflag:s14] =	ssyncadd.s32 $0xFFFFB000  }
0x2e: {  	s3 =	rddreg [dreg:$0x8]  }
0x2f: {  	[spmem:s18], [sflag:s7] =	dma.local [hbm:s3], $0xA00  }
0x30: {  	_ =	swait.ge [sflag:s14], $0xA00  }
0x31: {  	[sflag:s14] =	ssyncset.done $0x0  }
0x32: {  	[sflag:s14] =	ssyncadd.s32 $0xFFFFF600  }
0x33: {  	s15 =	simm.s32 $0x0;
	[bflag:$0x0] =	sbarrier.arrive $0xFFFF  }
0x34: {  	[tilespmem:s20], [sflag:$0x1] =	stream.indirect.gather [hbm4b:s5+s19], $0x20, s15, s19, $0xb8;
	[tilespmem:$0x14000] =	vst v63  }
0x35: {  	_ = 	snop  }
0x36: {  	[tilespmem:s21], [sflag:$0x2] =	stream.indirect.gather [hbm4b:s5+s19], $0x20, s19, s19, $0xb8;
	[tilespmem:$0x14000] =	vst v63  }
0x37: {  	s8 =	simm.s32 $0x100  }
0x38: {  	[tilespmem:s23], [sflag:$0x3] =	stream.indirect.gather [hbm4b:s5+s19], $0x20, s8, s19, $0xb8;
	[tilespmem:$0x14000] =	vst v63  }
0x39: {  	_ =	swait.ge [sflag:s24], $0x1000  }
0x3a: {  	[sflag:s24] =	ssyncset.done $0x0  }
0x3b: {  	[sflag:s24] =	ssyncadd.s32 $0xFFFFF000  }
0x3c: {  	[spmem:s2] =	stream.indirect.scatter.add.f32 [tilespmem:s20], [sflag:$0x6], $0x20, s9, s19, $0xb8;
	[tilespmem:$0x14000] =	vst v63  }
0x3d: {  	s9 =	simm.s32 $0x180  }
0x3e: {  	[tilespmem:s26], [sflag:$0x4] =	stream.indirect.gather [hbm4b:s5+s19], $0x20, s9, s19, $0xb8;
	[tilespmem:$0x14000] =	vst v63  }
0x3f: {  	_ =	swait.ge [sflag:s28], $0x1000  }
0x40: {  	[sflag:s28] =	ssyncset.done $0x0  }
0x41: {  	s13 =	simm.s32 $0x5080;
	[sflag:s28] =	ssyncadd.s32 $0xFFFFF000  }
0x42: {  	[spmem:s2] =	stream.indirect.scatter.add.f32 [tilespmem:s21], [sflag:$0x7], $0x20, s13, s19, $0xb8;
	[tilespmem:$0x14000] =	vst v63  }
0x43: {  	s16 =	simm.s32 $0x200  }
0x44: {  	[tilespmem:s31], [sflag:$0x5] =	stream.indirect.gather [hbm4b:s5+s19], $0x20, s16, s19, $0xb8;
	[tilespmem:$0x14000] =	vst v63  }
0x45: {  	_ =	swait.ge [sflag:s0], $0x1000  }
0x46: {  	[sflag:s0] =	ssyncset.done $0x0  }
0x47: {  	s17 =	simm.s32 $0x5100;
	[sflag:s0] =	ssyncadd.s32 $0xFFFFF000  }
0x48: {  	[spmem:s2] =	stream.indirect.scatter.add.f32 [tilespmem:s23], [sflag:$0x8], $0x20, s17, s19, $0xb8;
	[tilespmem:$0x14000] =	vst v63  }
0x49: {  	_ =	swait.ge [sflag:s6], $0x1000  }
0x4a: {  	[sflag:s6] =	ssyncset.done $0x0  }
0x4b: {  	s8 =	simm.s32 $0x280;
	[sflag:s6] =	ssyncadd.s32 $0xFFFFF000  }
0x4c: {  	[tilespmem:s20], [sflag:$0x1] =	stream.indirect.gather [hbm4b:s5+s19], $0x20, s8, s19, $0xb8;
	[tilespmem:$0x14000] =	vst v63  }
0x4d: {  	_ =	swait.ge [sflag:s11], $0x1000  }
0x4e: {  	[sflag:s11] =	ssyncset.done $0x0  }
0x4f: {  	s9 =	simm.s32 $0x5180;
	[sflag:s11] =	ssyncadd.s32 $0xFFFFF000  }
0x50: {  	[spmem:s2] =	stream.indirect.scatter.add.f32 [tilespmem:s26], [sflag:$0x9], $0x20, s9, s19, $0xb8;
	[tilespmem:$0x14000] =	vst v63  }
0x51: {  	_ =	swait.ge [sflag:s22], $0x1000  }
0x52: {  	[sflag:s22] =	ssyncset.done $0x0  }
0x53: {  	s13 =	simm.s32 $0x300;
	[sflag:s22] =	ssyncadd.s32 $0xFFFFF000  }
0x54: {  	[tilespmem:s21], [sflag:$0x2] =	stream.indirect.gather [hbm4b:s5+s19], $0x20, s13, s19, $0xb8;
	[tilespmem:$0x14000] =	vst v63  }
0x55: {  	_ =	swait.ge [sflag:s29], $0x1000  }
0x56: {  	[sflag:s29] =	ssyncset.done $0x0  }
0x57: {  	s16 =	simm.s32 $0x5200;
	[sflag:s29] =	ssyncadd.s32 $0xFFFFF000  }
0x58: {  	[spmem:s2] =	stream.indirect.scatter.add.f32 [tilespmem:s31], [sflag:$0xA], $0x20, s16, s19, $0xb8;
	[tilespmem:$0x14000] =	vst v63  }
0x59: {  	_ =	swait.ge [sflag:s1], $0x1000  }
0x5a: {  	[sflag:s1] =	ssyncset.done $0x0  }
0x5b: {  	s17 =	simm.s32 $0x380;
	[sflag:s1] =	ssyncadd.s32 $0xFFFFF000  }
0x5c: {  	[tilespmem:s23], [sflag:$0x3] =	stream.indirect.gather [hbm4b:s5+s19], $0x20, s17, s19, $0xb8;
	[tilespmem:$0x14000] =	vst v63  }
.LBB2_7:
0x5d: {  	_ =	swait.ge [sflag:s24], $0x1000  }
0x5e: {  	s3 =	sshra.s32 s15, $0x2;
	[sflag:s24] =	ssyncset.done $0x0  }
0x5f: {  	s8 =	sadd.s32 $0x5280, s3;
	[sflag:s24] =	ssyncadd.s32 $0xFFFFF000  }
0x60: {  	[spmem:s2] =	stream.indirect.scatter.add.f32 [tilespmem:s20], [sflag:$0x6], $0x20, s8, s19, $0xb8;
	[tilespmem:$0x14000] =	vst v63  }
0x61: {  	_ =	swait.ge [sflag:s12], $0x1000  }
0x62: {  	[sflag:s12] =	ssyncset.done $0x0  }
0x63: {  	s17 =	sadd.s32 $0x400, s3;
	[sflag:s12] =	ssyncadd.s32 $0xFFFFF000  }
0x64: {  	[tilespmem:s26], [sflag:$0x4] =	stream.indirect.gather [hbm4b:s5+s19], $0x20, s17, s19, $0xb8;
	[tilespmem:$0x14000] =	vst v63  }
0x65: {  	_ =	swait.ge [sflag:s28], $0x1000  }
0x66: {  	[sflag:s28] =	ssyncset.done $0x0  }
0x67: {  	s9 =	sadd.s32 $0x5300, s3;
	[sflag:s28] =	ssyncadd.s32 $0xFFFFF000  }
0x68: {  	[spmem:s2] =	stream.indirect.scatter.add.f32 [tilespmem:s21], [sflag:$0x7], $0x20, s9, s19, $0xb8;
	[tilespmem:$0x14000] =	vst v63  }
0x69: {  	_ =	swait.ge [sflag:s25], $0x1000  }
0x6a: {  	[sflag:s25] =	ssyncset.done $0x0  }
0x6b: {  	s13 =	sadd.s32 $0x480, s3;
	[sflag:s25] =	ssyncadd.s32 $0xFFFFF000  }
0x6c: {  	[tilespmem:s31], [sflag:$0x5] =	stream.indirect.gather [hbm4b:s5+s19], $0x20, s13, s19, $0xb8;
	[tilespmem:$0x14000] =	vst v63  }
0x6d: {  	_ =	swait.ge [sflag:s0], $0x1000  }
0x6e: {  	[sflag:s0] =	ssyncset.done $0x0  }
0x6f: {  	s16 =	sadd.s32 $0x5380, s3;
	[sflag:s0] =	ssyncadd.s32 $0xFFFFF000  }
0x70: {  	[spmem:s2] =	stream.indirect.scatter.add.f32 [tilespmem:s23], [sflag:$0x8], $0x20, s16, s19, $0xb8;
	[tilespmem:$0x14000] =	vst v63  }
0x71: {  	_ =	swait.ge [sflag:s6], $0x1000  }
0x72: {  	p1 =	seq.s32 s15, $0x12C00;
	[sflag:s6] =	ssyncset.done $0x0  }
0x73: {  	s8 =	simm.s32 @p1 $0x4;
	[sflag:s6] =	ssyncadd.s32 $0xFFFFF000  }
0x74: {  	_ =	swait.ge @p1 [sflag:s8], $0x1000  }
0x75: {  	[sflag:s8] =	ssyncset.done @p1 $0x0  }
0x76: {  	[sflag:s8] =	ssyncadd.s32 @p1 $0xFFFFF000;
	s8 =	sshra.s32 @p1 s15, $0x2  }
0x77: {  	s9 =	simm.s32 @p1 $0x80;
	s13 =	simm.s32 @p1 $0xD000;
	s8 =	sadd.s32 @p1 $0x5400, s8  }
0x78: {  	[spmem:s2] =	stream.indirect.scatter.add.f32 @p1 [tilespmem:s13], [sflag:$0x9], $0x20, s8, s9, $0xb8;
	[tilespmem:$0x14000] =	vst v63  }
0x79: {  	s8 =	simm.s32 @p1 $0x7  }
0x7a: {  	_ =	swait.ge @p1 [sflag:s8], $0x1000  }
0x7b: {  	[sflag:s8] =	ssyncset.done @p1 $0x0  }
0x7c: {  	[sflag:s8] =	ssyncadd.s32 @p1 $0xFFFFF000;
	s8 =	sshra.s32 @!p1 s15, $0x2  }
0x7d: {  	s16 =	simm.s32 @!p1 $0xA000;
	s13 =	simm.s32 @!p1 $0x80;
	s9 =	sadd.s32 @!p1 $0x500, s8  }
0x7e: {  	[tilespmem:s16], [sflag:$0x1] =	stream.indirect.gather @!p1 [hbm4b:s5+s13], $0x20, s9, s13, $0xb8;
	[tilespmem:$0x14000] =	vst v63  }
0x7f: {  	s9 =	simm.s32 @!p1 $0x4  }
0x80: {  	_ =	swait.ge @!p1 [sflag:s9], $0x1000  }
0x81: {  	[sflag:s9] =	ssyncset.done @!p1 $0x0  }
0x82: {  	s16 =	simm.s32 @!p1 $0xD000;
	[sflag:s9] =	ssyncadd.s32 @!p1 $0xFFFFF000;
	s9 =	sadd.s32 @!p1 $0x5400, s8  }
0x83: {  	[spmem:s2] =	stream.indirect.scatter.add.f32 @!p1 [tilespmem:s16], [sflag:$0x9], $0x20, s9, s13, $0xb8;
	[tilespmem:$0x14000] =	vst v63  }
0x84: {  	s9 =	simm.s32 @!p1 $0x7  }
0x85: {  	_ =	swait.ge @!p1 [sflag:s9], $0x1000  }
0x86: {  	[sflag:s9] =	ssyncset.done @!p1 $0x0  }
0x87: {  	s8 =	sadd.s32 @!p1 $0x580, s8;
	[sflag:s9] =	ssyncadd.s32 @!p1 $0xFFFFF000;
	s9 =	simm.s32 @!p1 $0xB000  }
0x88: {  	[tilespmem:s9], [sflag:$0x2] =	stream.indirect.gather @!p1 [hbm4b:s5+s13], $0x20, s8, s13, $0xb8;
	[tilespmem:$0x14000] =	vst v63  }
0x89: {  	_ =	swait.ge [sflag:s29], $0x1000  }
0x8a: {  	[sflag:s29] =	ssyncset.done $0x0  }
.Ltmp3:
0x8b: {  	s17 =	sadd.s32 $0x5480, s3;
	[sflag:s29] =	ssyncadd.s32 $0xFFFFF000;
	(pc) =	sbr.rel @p1 .LBB2_8-.Ltmp3, $4  }
0x8c: {  	[spmem:s2] =	stream.indirect.scatter.add.f32 [tilespmem:s31], [sflag:$0xA], $0x20, s17, s19, $0xb8;
	[tilespmem:$0x14000] =	vst v63  }
0x8d: {  	_ =	swait.ge [sflag:s1], $0x1000  }
0x8e: {  	[sflag:s1] =	ssyncset.done $0x0  }
0x8f: {  	[sflag:s1] =	ssyncadd.s32 $0xFFFFF000  }
.Ltmp4:
0x90: {  	(pc) =	sbr.rel .LBB2_7-.Ltmp4, $3  }
0x91: {  	_ =	sdelay $0x1  }
0x92: {  	s3 =	sadd.s32 $0x600, s3;
	s15 =	sadd.s32 $0xA00, s15  }
0x93: {  	[tilespmem:s23], [sflag:$0x3] =	stream.indirect.gather [hbm4b:s5+s19], $0x20, s3, s19, $0xb8;
	[tilespmem:$0x14000] =	vst v63  }
.LBB2_2:
0x94: {  	s3 =	rddreg [dreg:$0xa]  }
0x95: {  	s8 =	rddreg [dreg:$0x7];
	s17 =	sor.u32 $0x1C0B, s3  }
0x96: {  	[spmem:s18], [sflag:s17] =	dma.local [hbm:s8], $0xA00  }
0x97: {  	_ =	swait.ge [sflag:s14], $0xA00  }
0x98: {  	[sflag:s14] =	ssyncset.done $0x0  }
0x99: {  	[sflag:s14] =	ssyncadd.s32 $0xFFFFF600  }
0x9a: {  	s15 =	simm.s32 $0x0;
	[bflag:$0x0] =	sbarrier.arrive $0xFFFF  }
0x9b: {  	[tilespmem:s20], [sflag:$0x1] =	stream.indirect.gather [hbm4b:s4+s19], $0x20, s15, s19, $0xb8;
	[tilespmem:$0x14000] =	vst v63  }
0x9c: {  	_ = 	snop  }
0x9d: {  	[tilespmem:s21], [sflag:$0x2] =	stream.indirect.gather [hbm4b:s4+s19], $0x20, s19, s19, $0xb8;
	[tilespmem:$0x14000] =	vst v63  }
0x9e: {  	s13 =	simm.s32 $0x100  }
0x9f: {  	[tilespmem:s23], [sflag:$0x3] =	stream.indirect.gather [hbm4b:s4+s19], $0x20, s13, s19, $0xb8;
	[tilespmem:$0x14000] =	vst v63  }
0xa0: {  	_ =	swait.ge [sflag:s24], $0x1000  }
0xa1: {  	[sflag:s24] =	ssyncset.done $0x0  }
0xa2: {  	[sflag:s24] =	ssyncadd.s32 $0xFFFFF000  }
0xa3: {  	[spmem:s2] =	stream.indirect.scatter.add.f32 [tilespmem:s20], [sflag:$0x6], $0x20, s9, s19, $0xb8;
	[tilespmem:$0x14000] =	vst v63  }
0xa4: {  	s16 =	simm.s32 $0x180  }
0xa5: {  	[tilespmem:s26], [sflag:$0x4] =	stream.indirect.gather [hbm4b:s4+s19], $0x20, s16, s19, $0xb8;
	[tilespmem:$0x14000] =	vst v63  }
0xa6: {  	_ =	swait.ge [sflag:s28], $0x1000  }
0xa7: {  	[sflag:s28] =	ssyncset.done $0x0  }
0xa8: {  	s8 =	simm.s32 $0x5080;
	[sflag:s28] =	ssyncadd.s32 $0xFFFFF000  }
0xa9: {  	[spmem:s2] =	stream.indirect.scatter.add.f32 [tilespmem:s21], [sflag:$0x7], $0x20, s8, s19, $0xb8;
	[tilespmem:$0x14000] =	vst v63  }
0xaa: {  	s9 =	simm.s32 $0x200  }
0xab: {  	[tilespmem:s31], [sflag:$0x5] =	stream.indirect.gather [hbm4b:s4+s19], $0x20, s9, s19, $0xb8;
	[tilespmem:$0x14000] =	vst v63  }
0xac: {  	_ =	swait.ge [sflag:s0], $0x1000  }
0xad: {  	[sflag:s0] =	ssyncset.done $0x0  }
0xae: {  	s13 =	simm.s32 $0x5100;
	[sflag:s0] =	ssyncadd.s32 $0xFFFFF000  }
0xaf: {  	[spmem:s2] =	stream.indirect.scatter.add.f32 [tilespmem:s23], [sflag:$0x8], $0x20, s13, s19, $0xb8;
	[tilespmem:$0x14000] =	vst v63  }
0xb0: {  	_ =	swait.ge [sflag:s6], $0x1000  }
0xb1: {  	[sflag:s6] =	ssyncset.done $0x0  }
0xb2: {  	s16 =	simm.s32 $0x280;
	[sflag:s6] =	ssyncadd.s32 $0xFFFFF000  }
0xb3: {  	[tilespmem:s20], [sflag:$0x1] =	stream.indirect.gather [hbm4b:s4+s19], $0x20, s16, s19, $0xb8;
	[tilespmem:$0x14000] =	vst v63  }
0xb4: {  	_ =	swait.ge [sflag:s11], $0x1000  }
0xb5: {  	[sflag:s11] =	ssyncset.done $0x0  }
0xb6: {  	s8 =	simm.s32 $0x5180;
	[sflag:s11] =	ssyncadd.s32 $0xFFFFF000  }
0xb7: {  	[spmem:s2] =	stream.indirect.scatter.add.f32 [tilespmem:s26], [sflag:$0x9], $0x20, s8, s19, $0xb8;
	[tilespmem:$0x14000] =	vst v63  }
0xb8: {  	_ =	swait.ge [sflag:s22], $0x1000  }
0xb9: {  	[sflag:s22] =	ssyncset.done $0x0  }
0xba: {  	s9 =	simm.s32 $0x300;
	[sflag:s22] =	ssyncadd.s32 $0xFFFFF000  }
0xbb: {  	[tilespmem:s21], [sflag:$0x2] =	stream.indirect.gather [hbm4b:s4+s19], $0x20, s9, s19, $0xb8;
	[tilespmem:$0x14000] =	vst v63  }
0xbc: {  	_ =	swait.ge [sflag:s29], $0x1000  }
0xbd: {  	[sflag:s29] =	ssyncset.done $0x0  }
0xbe: {  	s13 =	simm.s32 $0x5200;
	[sflag:s29] =	ssyncadd.s32 $0xFFFFF000  }
0xbf: {  	[spmem:s2] =	stream.indirect.scatter.add.f32 [tilespmem:s31], [sflag:$0xA], $0x20, s13, s19, $0xb8;
	[tilespmem:$0x14000] =	vst v63  }
0xc0: {  	_ =	swait.ge [sflag:s1], $0x1000  }
0xc1: {  	[sflag:s1] =	ssyncset.done $0x0  }
0xc2: {  	s16 =	simm.s32 $0x380;
	[sflag:s1] =	ssyncadd.s32 $0xFFFFF000  }
0xc3: {  	[tilespmem:s23], [sflag:$0x3] =	stream.indirect.gather [hbm4b:s4+s19], $0x20, s16, s19, $0xb8;
	[tilespmem:$0x14000] =	vst v63  }
.LBB2_3:
0xc4: {  	_ =	swait.ge [sflag:s24], $0x1000  }
0xc5: {  	s3 =	sshra.s32 s15, $0x2;
	[sflag:s24] =	ssyncset.done $0x0  }
0xc6: {  	s8 =	sadd.s32 $0x5280, s3;
	[sflag:s24] =	ssyncadd.s32 $0xFFFFF000  }
0xc7: {  	[spmem:s2] =	stream.indirect.scatter.add.f32 [tilespmem:s20], [sflag:$0x6], $0x20, s8, s19, $0xb8;
	[tilespmem:$0x14000] =	vst v63  }
0xc8: {  	_ =	swait.ge [sflag:s12], $0x1000  }
0xc9: {  	[sflag:s12] =	ssyncset.done $0x0  }
0xca: {  	s13 =	sadd.s32 $0x400, s3;
	[sflag:s12] =	ssyncadd.s32 $0xFFFFF000  }
0xcb: {  	[tilespmem:s26], [sflag:$0x4] =	stream.indirect.gather [hbm4b:s4+s19], $0x20, s13, s19, $0xb8;
	[tilespmem:$0x14000] =	vst v63  }
0xcc: {  	_ =	swait.ge [sflag:s28], $0x1000  }
0xcd: {  	[sflag:s28] =	ssyncset.done $0x0  }
0xce: {  	s16 =	sadd.s32 $0x5300, s3;
	[sflag:s28] =	ssyncadd.s32 $0xFFFFF000  }
0xcf: {  	[spmem:s2] =	stream.indirect.scatter.add.f32 [tilespmem:s21], [sflag:$0x7], $0x20, s16, s19, $0xb8;
	[tilespmem:$0x14000] =	vst v63  }
0xd0: {  	_ =	swait.ge [sflag:s25], $0x1000  }
0xd1: {  	[sflag:s25] =	ssyncset.done $0x0  }
0xd2: {  	s9 =	sadd.s32 $0x480, s3;
	[sflag:s25] =	ssyncadd.s32 $0xFFFFF000  }
0xd3: {  	[tilespmem:s31], [sflag:$0x5] =	stream.indirect.gather [hbm4b:s4+s19], $0x20, s9, s19, $0xb8;
	[tilespmem:$0x14000] =	vst v63  }
0xd4: {  	_ =	swait.ge [sflag:s0], $0x1000  }
0xd5: {  	[sflag:s0] =	ssyncset.done $0x0  }
0xd6: {  	s13 =	sadd.s32 $0x5380, s3;
	[sflag:s0] =	ssyncadd.s32 $0xFFFFF000  }
0xd7: {  	[spmem:s2] =	stream.indirect.scatter.add.f32 [tilespmem:s23], [sflag:$0x8], $0x20, s13, s19, $0xb8;
	[tilespmem:$0x14000] =	vst v63  }
0xd8: {  	_ =	swait.ge [sflag:s6], $0x1000  }
0xd9: {  	p1 =	seq.s32 s15, $0x12C00;
	[sflag:s6] =	ssyncset.done $0x0  }
0xda: {  	s8 =	simm.s32 @p1 $0x4;
	[sflag:s6] =	ssyncadd.s32 $0xFFFFF000  }
0xdb: {  	_ =	swait.ge @p1 [sflag:s8], $0x1000  }
0xdc: {  	[sflag:s8] =	ssyncset.done @p1 $0x0  }
0xdd: {  	[sflag:s8] =	ssyncadd.s32 @p1 $0xFFFFF000;
	s8 =	sshra.s32 @p1 s15, $0x2  }
0xde: {  	s16 =	simm.s32 @p1 $0xD000;
	s9 =	simm.s32 @p1 $0x80;
	s8 =	sadd.s32 @p1 $0x5400, s8  }
0xdf: {  	[spmem:s2] =	stream.indirect.scatter.add.f32 @p1 [tilespmem:s16], [sflag:$0x9], $0x20, s8, s9, $0xb8;
	[tilespmem:$0x14000] =	vst v63  }
0xe0: {  	s8 =	simm.s32 @p1 $0x7  }
0xe1: {  	_ =	swait.ge @p1 [sflag:s8], $0x1000  }
0xe2: {  	[sflag:s8] =	ssyncset.done @p1 $0x0  }
0xe3: {  	[sflag:s8] =	ssyncadd.s32 @p1 $0xFFFFF000;
	s8 =	sshra.s32 @!p1 s15, $0x2  }
0xe4: {  	s13 =	simm.s32 @!p1 $0xA000;
	s16 =	simm.s32 @!p1 $0x80;
	s9 =	sadd.s32 @!p1 $0x500, s8  }
0xe5: {  	[tilespmem:s13], [sflag:$0x1] =	stream.indirect.gather @!p1 [hbm4b:s4+s16], $0x20, s9, s16, $0xb8;
	[tilespmem:$0x14000] =	vst v63  }
0xe6: {  	s9 =	simm.s32 @!p1 $0x4  }
0xe7: {  	_ =	swait.ge @!p1 [sflag:s9], $0x1000  }
0xe8: {  	[sflag:s9] =	ssyncset.done @!p1 $0x0  }
0xe9: {  	s13 =	simm.s32 @!p1 $0xD000;
	[sflag:s9] =	ssyncadd.s32 @!p1 $0xFFFFF000;
	s9 =	sadd.s32 @!p1 $0x5400, s8  }
0xea: {  	[spmem:s2] =	stream.indirect.scatter.add.f32 @!p1 [tilespmem:s13], [sflag:$0x9], $0x20, s9, s16, $0xb8;
	[tilespmem:$0x14000] =	vst v63  }
0xeb: {  	s9 =	simm.s32 @!p1 $0x7  }
0xec: {  	_ =	swait.ge @!p1 [sflag:s9], $0x1000  }
0xed: {  	[sflag:s9] =	ssyncset.done @!p1 $0x0  }
0xee: {  	s8 =	sadd.s32 @!p1 $0x580, s8;
	[sflag:s9] =	ssyncadd.s32 @!p1 $0xFFFFF000;
	s9 =	simm.s32 @!p1 $0xB000  }
0xef: {  	[tilespmem:s9], [sflag:$0x2] =	stream.indirect.gather @!p1 [hbm4b:s4+s16], $0x20, s8, s16, $0xb8;
	[tilespmem:$0x14000] =	vst v63  }
0xf0: {  	_ =	swait.ge [sflag:s29], $0x1000  }
0xf1: {  	[sflag:s29] =	ssyncset.done $0x0  }
.Ltmp5:
0xf2: {  	s16 =	sadd.s32 $0x5480, s3;
	[sflag:s29] =	ssyncadd.s32 $0xFFFFF000;
	(pc) =	sbr.rel @p1 .LBB2_4-.Ltmp5, $4  }
0xf3: {  	[spmem:s2] =	stream.indirect.scatter.add.f32 [tilespmem:s31], [sflag:$0xA], $0x20, s16, s19, $0xb8;
	[tilespmem:$0x14000] =	vst v63  }
0xf4: {  	_ =	swait.ge [sflag:s1], $0x1000  }
0xf5: {  	[sflag:s1] =	ssyncset.done $0x0  }
0xf6: {  	[sflag:s1] =	ssyncadd.s32 $0xFFFFF000  }
.Ltmp6:
0xf7: {  	(pc) =	sbr.rel .LBB2_3-.Ltmp6, $3  }
0xf8: {  	_ =	sdelay $0x1  }
0xf9: {  	s3 =	sadd.s32 $0x600, s3;
	s15 =	sadd.s32 $0xA00, s15  }
0xfa: {  	[tilespmem:s23], [sflag:$0x3] =	stream.indirect.gather [hbm4b:s4+s19], $0x20, s3, s19, $0xb8;
	[tilespmem:$0x14000] =	vst v63  }
.LBB2_4:
.Ltmp7:
0xfb: {  	(pc) =	sbr.rel .LBB2_9-.Ltmp7, $2  }
0xfc: {  	_ =	sdelay $0x2  }
0xfd: {  	s3 =	rddreg [dreg:$0x3]  }
.LBB2_10:
0xfe: {  	_ =	sfence.sel $0x180000  }
0xff: {  	[bflag:$0x0] =	sbarrier.arrive $0xFFFF  }
0x100: {  	_ =	strace $0x9000004D  }
0x101: {  	s0 =	stileid.u32;
	[bflag:$0x2] =	sbarrier.arrive $0xFFFF  }
0x102: {  	p0 =	sne.s32 s0, $0x0;
	s0 =	rddreg [dreg:$0x2]  }
0x103: {  	s0 =	sadd.s32 @!p0 $0x100000, s0  }
0x104: {  	[sflag:s0] =	ssyncadd.tile.s32 @!p0 $0x1;
	_ =	shalt  }
.Lfunc_end2:
_tile_overlayer_lowered:
.L_overlay_start_2:
0x105: {  	(tag) =	ssettag $0x2  }
0x106: {  	s0 =	rddreg [dreg:$0x0];
	s2 =	stileid.u32  }
0x107: {  	s1 =	rddreg [dreg:$0x1];
	p0 =	sne.s32 s2, $0x0  }
0x108: {  	s3 =	rddreg [dreg:$0x2];
	[bflag:$0x3] =	sbarrier.arrive $0xFFFF;
	s2 =	simm.s32 @!p0 $0x1C0B  }
0x109: {  	[timem:s3], [sflag:s2] =	dma.local @!p0 [hbm:s0], s1  }
0x10a: {  	s0 =	simm.s32 @!p0 $0xB  }
0x10b: {  	_ =	swait.ge @!p0 [sflag:s0], s1  }
0x10c: {  	s1 =	ssub.s32 @!p0 $0x0, s1;
	[sflag:s0] =	ssyncset.done @!p0 $0x0  }
0x10d: {  	[sflag:s0] =	ssyncadd.s32 @!p0 s1  }
0x10e: {  	[bflag:$0x3] =	sbarrier.arrive $0xFFFF  }
0x10f: {  	_ =	shalt  }

// kernel: kernel.20.cloned.1.call-start
scs
__scs_entry_jumppad:
0x0: {  	(pc) =	sbr.rel $0x88, $3  }
0x1: {  	(tag) =	ssettag $0x0;
	lr =	simm.s32 $0x1  }
0x2: {  	[smem:$0x3F94] =	sst lr;
	_ =	strace $0xD0000000  }
0x3: {  	_ = 	snop  }
0x4: {  	_ = 	snop  }
0x5: {  	_ = 	snop  }
0x6: {  	_ = 	snop  }
0x7: {  	_ = 	snop  }
__scs_overlays_trampoline_lowered:
0x8: {  	[smem:$0x3FA3] =	sst s0  }
0x9: {  	[smem:$0x3FA4] =	sst s1  }
0xa: {  	[smem:$0x3FA5] =	sst s2  }
0xb: {  	[smem:$0x3FA6] =	sst s3  }
0xc: {  	[smem:$0x3FA7] =	sst s4  }
0xd: {  	[smem:$0x3FA8] =	sst s5  }
0xe: {  	[smem:$0x3FA9] =	sst s6  }
0xf: {  	[smem:$0x3FAA] =	sst s7  }
0x10: {  	[smem:$0x3FAB] =	sst s8  }
0x11: {  	[smem:$0x3FAC] =	sst s9;
	s0 =	simm.s32 @!p0 $0x0  }
0x12: {  	s1 =	sld [smem:$0x3F92];
	s0 =	simm.s32 @p0 $0x1  }
0x13: {  	[smem:$0x3FAD] =	sst s0;
	s0 =	simm.s32 @!p1 $0x0  }
0x14: {  	s2 =	sld [smem:$0x3F91];
	s0 =	simm.s32 @p1 $0x1  }
0x15: {  	[smem:$0x3FAE] =	sst s0;
	s0 =	simm.s32 @!p2 $0x0  }
0x16: {  	s3 =	sld [smem:$0x3FDB];
	s0 =	simm.s32 @p2 $0x1  }
0x17: {  	s4 =	simm.s32 $0x1BF5;
	[smem:$0x3FB0] =	sst s0  }
0x18: {  	s0 =	sld [smem:$0x3F93];
	_ =	swait.ge [sflag:s4], $0x0  }
0x19: {  	s7 =	sld [smem:$0x3F94]  }
0x1a: {  	s8 =	sadd.s32 $0xFFFFE003, lr  }
0x1b: {  	s9 =	sadd.s32 $0xFFFFFEF7, lr;
	s5 =	simm.s32 $0xFFFFFFFF;
	p2 =	slt.u32 s8, $0xFFFFF086  }
0x1c: {  	p1 =	slt.u32 s9, $0xF7A;
	s5 =	simm.s32 @!p2 $0x0  }
0x1d: {  	s5 =	simm.s32 @p1 $0x1;
	p0 =	seq.s32 s7, s2  }
0x1e: {  	s7 =	smul.u32 @!p0 $0xF7A, s2;
	p2 =	seq.s32 @!p0 s5, $0x0  }
0x1f: {  	s9 =	smul.u32 $0xF7A, s1;
	s8 =	simm.s32 @!p0 $0x1BF5;
	p2 =	por !p2, p0  }
0x20: {  	[sflag:s8] =	ssyncset.s32 @!p0 $0xFFFFF086;
	s6 =	sadd.s32 @!p0 s3, s7;
	s7 =	simm.s32 @!p0 $0x108  }
0x21: {  	s3 =	sadd.s32 s3, s9;
	s6 =	sadd.s32 @!p0 $0x88, s6;
	s7 =	simm.s32 @p2 $0x1082  }
0x22: {  	[simem:s7], [sflag:s8] =	dma.local @!p0 [hbm:s6], $0xF7A  }
0x23: {  	s9 =	sor.u32 $0xD0000000, s2;
	s6 =	simm.s32 $0x108;
	_ =	swait.ge @!p0 [sflag:s8], $0x0  }
0x24: {  	s3 =	sadd.s32 $0x88, s3;
	s6 =	simm.s32 @!p1 $0x1082;
	[sflag:s4] =	ssyncset.s32 $0xFFFFF086  }
0x25: {  	[simem:s6], [sflag:s4] =	dma.local [hbm:s3], $0xF7A  }
0x26: {  	[smem:$0x3F94] =	sst s1;
	(tag) =	ssettag s2;
	_ =	strace s9  }
0x27: {  	s1 =	sld [smem:$0x3FA4]  }
0x28: {  	s2 =	sld [smem:$0x3FA5]  }
0x29: {  	s4 =	sld [smem:$0x3FA7]  }
0x2a: {  	p0 =	seq.s32 s5, $0x0;
	s5 =	sld [smem:$0x3FA8]  }
0x2b: {  	s6 =	sld [smem:$0x3FA9]  }
0x2c: {  	s7 =	sld [smem:$0x3FAA]  }
0x2d: {  	s3 =	simm.s32 $0x108;
	s8 =	sld [smem:$0x3FAB]  }
0x2e: {  	s3 =	simm.s32 @!p0 $0x1082;
	s9 =	sld [smem:$0x3FAC]  }
0x2f: {  	lr =	sadd.s32 s0, s3;
	s0 =	sld [smem:$0x3FA3]  }
0x30: {  	s3 =	sld [smem:$0x3FA6]  }
0x31: {  	[smem:$0x3FAF] =	sst s10  }
0x32: {  	s10 =	sld [smem:$0x3FAD];
	_ =	sdelay $0x3  }
0x33: {  	p0 =	seq.s32 s10, $0x1;
	s10 =	sld [smem:$0x3FAF];
	_ =	sdelay $0x3  }
0x34: {  	[smem:$0x3FAF] =	sst s10  }
0x35: {  	s10 =	sld [smem:$0x3FAE];
	_ =	sdelay $0x3  }
0x36: {  	p1 =	seq.s32 s10, $0x1;
	s10 =	sld [smem:$0x3FAF];
	_ =	sdelay $0x3  }
0x37: {  	[smem:$0x3FAF] =	sst s10  }
0x38: {  	s10 =	sld [smem:$0x3FB0]  }
0x39: {  	_ = 	snop;
	(pc) =	sbr.ind lr, $3  }
0x3a: {  	_ = 	snop  }
0x3b: {  	_ = 	snop  }
0x3c: {  	p2 =	seq.s32 s10, $0x1;
	s10 =	sld [smem:$0x3FAF]  }
0x3d: {  	_ =	shalt  }
0x3e: {  	_ =	shalt  }
0x3f: {  	_ =	shalt  }
0x40: {  	_ =	shalt  }
0x41: {  	_ =	shalt  }
0x42: {  	_ =	shalt  }
0x43: {  	_ =	shalt  }
0x44: {  	_ =	shalt  }
0x45: {  	_ =	shalt  }
0x46: {  	_ =	shalt  }
0x47: {  	_ =	shalt  }
0x48: {  	_ =	shalt  }
0x49: {  	_ =	shalt  }
0x4a: {  	_ =	shalt  }
0x4b: {  	_ =	shalt  }
0x4c: {  	_ =	shalt  }
0x4d: {  	_ =	shalt  }
0x4e: {  	_ =	shalt  }
0x4f: {  	_ =	shalt  }
0x50: {  	_ =	shalt  }
0x51: {  	_ =	shalt  }
0x52: {  	_ =	shalt  }
0x53: {  	_ =	shalt  }
0x54: {  	_ =	shalt  }
0x55: {  	_ =	shalt  }
0x56: {  	_ =	shalt  }
0x57: {  	_ =	shalt  }
0x58: {  	_ =	shalt  }
0x59: {  	_ =	shalt  }
0x5a: {  	_ =	shalt  }
0x5b: {  	_ =	shalt  }
0x5c: {  	_ =	shalt  }
0x5d: {  	_ =	shalt  }
0x5e: {  	_ =	shalt  }
0x5f: {  	_ =	shalt  }
0x60: {  	_ =	shalt  }
0x61: {  	_ =	shalt  }
0x62: {  	_ =	shalt  }
0x63: {  	_ =	shalt  }
0x64: {  	_ =	shalt  }
0x65: {  	_ =	shalt  }
0x66: {  	_ =	shalt  }
0x67: {  	_ =	shalt  }
0x68: {  	_ =	shalt  }
0x69: {  	_ =	shalt  }
0x6a: {  	_ =	shalt  }
0x6b: {  	_ =	shalt  }
0x6c: {  	_ =	shalt  }
0x6d: {  	_ =	shalt  }
0x6e: {  	_ =	shalt  }
0x6f: {  	_ =	shalt  }
0x70: {  	_ =	shalt  }
0x71: {  	_ =	shalt  }
0x72: {  	_ =	shalt  }
0x73: {  	_ =	shalt  }
0x74: {  	_ =	shalt  }
0x75: {  	_ =	shalt  }
0x76: {  	_ =	shalt  }
0x77: {  	_ =	shalt  }
0x78: {  	_ =	shalt  }
0x79: {  	_ =	shalt  }
0x7a: {  	_ =	shalt  }
0x7b: {  	_ =	shalt  }
0x7c: {  	_ =	shalt  }
0x7d: {  	_ =	shalt  }
0x7e: {  	_ =	shalt  }
0x7f: {  	_ =	shalt  }
0x80: {  	_ =	shalt  }
0x81: {  	_ =	shalt  }
0x82: {  	_ =	shalt  }
0x83: {  	_ =	shalt  }
0x84: {  	_ =	shalt  }
0x85: {  	_ =	shalt  }
0x86: {  	_ =	shalt  }
0x87: {  	_ =	shalt  }
.Lfunc_end0:
.L_simem_size_0:
called_computation.3_lowered:
.L_overlay_start_0:
0x88: {  	s2 =	sld [smem:$0x3FD9]  }
0x89: {  	s3 =	sld [smem:$0x3FFE];
	_ =	sdelay $0x1  }
0x8a: {  	s1 =	srdreg.scid  }
0x8b: {  	s0 =	sand.u32 $0x1, s1  }
0x8c: {  	s16 =	sshll.u32 s0, $0xA;
	s2 =	sadd.s32 s3, s2  }
0x8d: {  	s2 =	sadd.s32 s2, s16  }
0x8e: {  	[smem:$0x3FBB] =	sst s2  }
0x8f: {  	_ = 	snop  }
0x90: {  	(tm) =	ssettm $0x1  }
0x91: {  	s17 =	sld [smem:$0x3FFB];
	_ =	sdelay $0x3  }
0x92: {  	_ =	strace s17  }
0x93: {  	s2 =	sld [smem:$0x3FFC];
	_ =	sdelay $0x3  }
0x94: {  	_ =	strace s2  }
0x95: {  	s2 =	sld [smem:$0x3FFD];
	_ =	sdelay $0x3  }
0x96: {  	_ =	strace s2  }
0x97: {  	_ =	strace $0x8FFFFFFF  }
0x98: {  	s18 =	sld [smem:$0x3FDB];
	_ =	sdelay $0x1  }
0x99: {  	s19 =	simm.s32 $_scs_section_size  }
0x9a: {  	s4 =	simm.s32 $_size__tile_overlayer_lowered;
	s5 =	simm.s32 $_tile_overlayer_lowered  }
0x9b: {  	s22 =	simm.s32 $0x1BFF;
	s21 =	sshll.u32 s5, $0x1;
	s2 =	sadd.s32 s19, s18  }
0x9c: {  	s6 =	simm.s32 $0x0;
	s20 =	sshll.u32 s4, $0x1;
	s4 =	sadd.s32 s21, s2  }
0x9d: {  	[timem:s6], [sflag:s22] =	dma.local [hbm:s4], s20  }
0x9e: {  	_ =	swait.ge [sflag:s22], s20  }
0x9f: {  	s3 =	ssub.s32 $0x0, s20;
	[sflag:s22] =	ssyncset.done $0x0  }
0xa0: {  	[sflag:s22] =	ssyncadd.s32 s3;
	_ =	sdelay $0x1  }
0xa1: {  	s23 =	simm.s32 $0x1B8B  }
0xa2: {  	_ =	swait.ge [sflag:s23], $0x1  }
0xa3: {  	[sflag:s23] =	ssyncset.done $0x0  }
0xa4: {  	s25 =	simm.s32 $0x1B8E;
	s24 =	sld [smem:$0x3FFE];
	[sflag:s23] =	ssyncadd.s32 $0xFFFFFFFF  }
0xa5: {  	s26 =	simm.s32 $execute0_lowered;
	[smem:$0x3FD2] =	sst s25  }
0xa6: {  	s4 =	sshll.u32 s26, $0x1;
	_ =	strace $0x8000004F;
	[dreg:$0x1] =	wrdreg $0xFFFFFFFF  }
0xa7: {  	s28 =	simm.s32 $_size_execute0_lowered;
	s2 =	sadd.s32 s2, s4;
	[dreg:$0x0] =	wrdreg $0x0  }
0xa8: {  	s4 =	sshll.u32 s28, $0x1;
	[dreg:$0x2] =	wrdreg s2  }
0xa9: {  	[dreg:$0x3] =	wrdreg s4  }
0xaa: {  	[dreg:$0x4] =	wrdreg $0xC0  }
0xab: {  	_ =	task [dreg:s6], $0x5FFFF  }
0xac: {  	[dreg:$0x1] =	wrdreg $0xFFFFFFFF  }
0xad: {  	[dreg:$0x0] =	wrdreg $0x60  }
0xae: {  	[dreg:$0x2] =	wrdreg s24  }
0xaf: {  	[dreg:$0x3] =	wrdreg $0x140000  }
0xb0: {  	[dreg:$0x4] =	wrdreg $0x9  }
0xb1: {  	_ =	task.clear_ibuf [dreg:s6], $0x5FFFF;
	_ =	strace $0x9000004F  }
0xb2: {  	s29 =	simm.s32 $0x9;
	_ =	strace $0x80000051  }
0xb3: {  	_ =	swait.ge [sflag:s29], $0x1  }
0xb4: {  	[sflag:s29] =	ssyncadd.s32 $0xFFFFFFFF  }
0xb5: {  	_ =	strace $0x90000051  }
0xb6: {  	_ =	sfence  }
0xb7: {  	s30 =	sld [smem:$0x0];
	_ =	sdelay $0x2  }
0xb8: {  	s31 =	sshll.u32 s1, $0xD;
	s1 =	sshrl.u32 s1, $0x2  }
0xb9: {  	s3 =	sand.u32 $0x4000, s31;
	s1 =	sadd.s32 s1, s30  }
0xba: {  	s0 =	sor.u32 s3, s0;
	s1 =	sshll.u32 s1, $0x11  }
0xbb: {  	s0 =	sor.u32 s1, s0  }
0xbc: {  	s0 =	sadd.s32 $0x8F2B, s0  }
0xbd: {  	[sflag:s0] =	ssyncadd.remote.s32 $0x1  }
0xbe: {  	_ =	sfence.sel $0xFFFF  }
0xbf: {  	[dreg:$0x0] =	wrdreg $0xFFFFFFFF;
	(pc) =	sbr.abs _section_cstart, $3  }
0xc0: {  	[dreg:$0x1] =	wrdreg $0xFFFFFFFF  }
0xc1: {  	_ =	task.clear_ibuf [dreg:s6], $0x2FFFF;
	_ =	strace $0x9FFFFFFF  }
0xc2: {  	(tm) =	ssettm $0x7FFFFFFF  }
0xc3: {  	_ =	shalt  }
tec
execute0_lowered:
.L_overlay_start_1:
0x0: {  	(tag) =	ssettag $0x1  }
0x1: {  	s0 =	rddreg [dreg:$0x0]  }
0x2: {  	s2 =	rddreg [dreg:$0x1];
	s1 =	simm.s32 $0x0  }
0x3: {  	s8 =	stileid.u32;
	s3 =	srdreg.scid;
	s14 =	simm.s32 $0xB  }
0x4: {  	s9 =	simm.s32 $0x5000;
	s28 =	simm.s32 $0x2;
	s31 =	simm.s32 $0x12000  }
0x5: {  	s29 =	simm.s32 $0x5;
	s12 =	simm.s32 $0x9;
	s30 =	simm.s32 $0x0  }
0x6: {  	[smem:$0x7FF] =	sst s1;
	s19 =	smul.u32 $0xA00, s8;
	s4 =	sadd.s32 $0x2CA00, s0  }
0x7: {  	s3 =	sand.u32 $0x1, s3;
	s5 =	sadd.s32 $0x18A00, s0;
	s7 =	sadd.s32 $0x54A00, s0  }
0x8: {  	s11 =	smul.u32 $0xA000, s8;
	s26 =	sshll.u32 s8, $0x6;
	_ =	strace $0x80000050  }
0x9: {  	s6 =	ssub.s32 $0x2, s3;
	[dreg:$0x3] =	wrdreg s7;
	p0 =	seq.s32 s3, $0x1  }
0xa: {  	[dreg:$0xa] =	wrdreg s26;
	s7 =	sor.u32 $0x1C0B, s26;
	s26 =	simm.s32 $0x10000  }
0xb: {  	s1 =	sadd.s32 s19, s0;
	s20 =	sshrl.u32 s6, $0x1;
	s0 =	sadd.s32 $0x40A00, s0  }
0xc: {  	s10 =	sshrl.u32 s11, $0x3;
	s23 =	sadd.s32 s11, s2;
	s19 =	simm.s32 $0x80  }
0xd: {  	s11 =	simm.s32 $0x4;
	[dreg:$0x4] =	wrdreg s0;
	s21 =	ssub.s32 s6, s20  }
0xe: {  	s22 =	sadd.s32 $0xEA00, s1;
	s1 =	sadd.s32 $0x4A00, s1;
	s24 =	sadd.s32 s4, s10  }
0xf: {  	s25 =	sadd.s32 s5, s10;
	s18 =	sshrl.u32 s23, $0x3;
	[dreg:$0x5] =	wrdreg s22  }
.Ltmp0:
0x10: {  	s20 =	simm.s32 $0xA000;
	[dreg:$0x6] =	wrdreg s1;
	(pc) =	sbr.rel .LBB2_1-.Ltmp0, $4  }
0x11: {  	s23 =	simm.s32 $0xE000;
	s6 =	simm.s32 $0x6;
	[dreg:$0x7] =	wrdreg s24  }
0x12: {  	[dreg:$0x8] =	wrdreg s25;
	s0 =	smax.u32 s21, $0x1;
	s21 =	simm.s32 $0xC000  }
0x13: {  	s24 =	simm.s32 $0x1;
	s22 =	simm.s32 $0x7;
	s1 =	simm.s32 $0x8  }
0x14: {  	s25 =	simm.s32 $0xA;
	[dreg:$0x9] =	wrdreg s0;
	s0 =	simm.s32 $0x3  }
.LBB2_8:
0x15: {  	s3 =	rddreg [dreg:$0x4];
	s17 =	smov.u32 s7  }
.LBB2_9:
0x16: {  	_ =	swait.ge [sflag:s12], $0x2000  }
0x17: {  	[sflag:s12] =	ssyncset.done $0x0  }
0x18: {  	[sflag:s12] =	ssyncadd.s32 $0xFFFFE000  }
0x19: {  	_ =	swait.ge [sflag:s25], $0x2000  }
0x1a: {  	[sflag:s25] =	ssyncset.done $0x0  }
0x1b: {  	[sflag:s25] =	ssyncadd.s32 $0xFFFFE000  }
0x1c: {  	s3 =	sadd.s32 s3, s10;
	[bflag:$0x0] =	sbarrier.arrive $0xFFFF  }
0x1d: {  	[hbm:s3], [sflag:s17] =	dma.local [spmem:s18], $0x1400  }
0x1e: {  	_ =	swait.ge [sflag:s14], $0x1400  }
0x1f: {  	s30 =	sadd.s32 $0x1, s30;
	s17 =	rddreg [dreg:$0x9]  }
0x20: {  	p1 =	sne.s32 s30, s17  }
.Ltmp1:
0x21: {  	_ = 	snop;
	(pc) =	sbr.rel @!p1 .LBB2_10-.Ltmp1, $3  }
0x22: {  	_ =	sdelay $0x1  }
0x23: {  	[sflag:s14] =	ssyncset.done $0x0  }
0x24: {  	s9 =	simm.s32 $0x5000;
	[sflag:s14] =	ssyncadd.s32 $0xFFFFEC00  }
.LBB2_1:
0x25: {  	s3 =	simm.s32 $0x0;
	s8 =	rddreg [dreg:$0x5]  }
0x26: {  	[tilespmem:s3], [sflag:$0xB] =	stream.linear.gather [hbm4b:s8+s3], $0x5000, $0x38;
	[tilespmem:$0x1E000] =	vst v63  }
0x27: {  	_ =	swait.ge [sflag:s14], $0x5000  }
0x28: {  	[sflag:s14] =	ssyncset.done $0x0  }
.Ltmp2:
0x29: {  	s17 =	rddreg [dreg:$0x6];
	[sflag:s14] =	ssyncadd.s32 $0xFFFFB000;
	(pc) =	sbr.rel @!p0 .LBB2_2-.Ltmp2, $4  }
0x2a: {  	[tilespmem:s9], [sflag:$0xB] =	stream.linear.gather [hbm4b:s17+s3], $0x5000, $0x38;
	[tilespmem:$0x1E000] =	vst v63  }
0x2b: {  	_ =	swait.ge [sflag:s14], $0x5000  }
0x2c: {  	[sflag:s14] =	ssyncset.done $0x0  }
0x2d: {  	[sflag:s14] =	ssyncadd.s32 $0xFFFFB000  }
0x2e: {  	s3 =	rddreg [dreg:$0x8]  }
0x2f: {  	[spmem:s18], [sflag:s7] =	dma.local [hbm:s3], $0x1400  }
0x30: {  	_ =	swait.ge [sflag:s14], $0x1400  }
0x31: {  	[sflag:s14] =	ssyncset.done $0x0  }
0x32: {  	[sflag:s14] =	ssyncadd.s32 $0xFFFFEC00  }
0x33: {  	s15 =	simm.s32 $0x0;
	[bflag:$0x0] =	sbarrier.arrive $0xFFFF  }
0x34: {  	[tilespmem:s20], [sflag:$0x1] =	stream.indirect.gather [hbm4b:s5+s19], $0x40, s15, s19, $0xb8;
	[tilespmem:$0x1E000] =	vst v63  }
0x35: {  	_ = 	snop  }
0x36: {  	[tilespmem:s21], [sflag:$0x2] =	stream.indirect.gather [hbm4b:s5+s19], $0x40, s19, s19, $0xb8;
	[tilespmem:$0x1E000] =	vst v63  }
0x37: {  	s8 =	simm.s32 $0x100  }
0x38: {  	[tilespmem:s23], [sflag:$0x3] =	stream.indirect.gather [hbm4b:s5+s19], $0x40, s8, s19, $0xb8;
	[tilespmem:$0x1E000] =	vst v63  }
0x39: {  	_ =	swait.ge [sflag:s24], $0x2000  }
0x3a: {  	[sflag:s24] =	ssyncset.done $0x0  }
0x3b: {  	[sflag:s24] =	ssyncadd.s32 $0xFFFFE000  }
0x3c: {  	[spmem:s2] =	stream.indirect.scatter.add.f32 [tilespmem:s20], [sflag:$0x6], $0x40, s9, s19, $0xb8;
	[tilespmem:$0x1E000] =	vst v63  }
0x3d: {  	s9 =	simm.s32 $0x180  }
0x3e: {  	[tilespmem:s26], [sflag:$0x4] =	stream.indirect.gather [hbm4b:s5+s19], $0x40, s9, s19, $0xb8;
	[tilespmem:$0x1E000] =	vst v63  }
0x3f: {  	_ =	swait.ge [sflag:s28], $0x2000  }
0x40: {  	[sflag:s28] =	ssyncset.done $0x0  }
0x41: {  	s13 =	simm.s32 $0x5080;
	[sflag:s28] =	ssyncadd.s32 $0xFFFFE000  }
0x42: {  	[spmem:s2] =	stream.indirect.scatter.add.f32 [tilespmem:s21], [sflag:$0x7], $0x40, s13, s19, $0xb8;
	[tilespmem:$0x1E000] =	vst v63  }
0x43: {  	s16 =	simm.s32 $0x200  }
0x44: {  	[tilespmem:s31], [sflag:$0x5] =	stream.indirect.gather [hbm4b:s5+s19], $0x40, s16, s19, $0xb8;
	[tilespmem:$0x1E000] =	vst v63  }
0x45: {  	_ =	swait.ge [sflag:s0], $0x2000  }
0x46: {  	[sflag:s0] =	ssyncset.done $0x0  }
0x47: {  	s17 =	simm.s32 $0x5100;
	[sflag:s0] =	ssyncadd.s32 $0xFFFFE000  }
0x48: {  	[spmem:s2] =	stream.indirect.scatter.add.f32 [tilespmem:s23], [sflag:$0x8], $0x40, s17, s19, $0xb8;
	[tilespmem:$0x1E000] =	vst v63  }
0x49: {  	_ =	swait.ge [sflag:s6], $0x2000  }
0x4a: {  	[sflag:s6] =	ssyncset.done $0x0  }
0x4b: {  	s8 =	simm.s32 $0x280;
	[sflag:s6] =	ssyncadd.s32 $0xFFFFE000  }
0x4c: {  	[tilespmem:s20], [sflag:$0x1] =	stream.indirect.gather [hbm4b:s5+s19], $0x40, s8, s19, $0xb8;
	[tilespmem:$0x1E000] =	vst v63  }
0x4d: {  	_ =	swait.ge [sflag:s11], $0x2000  }
0x4e: {  	[sflag:s11] =	ssyncset.done $0x0  }
0x4f: {  	s9 =	simm.s32 $0x5180;
	[sflag:s11] =	ssyncadd.s32 $0xFFFFE000  }
0x50: {  	[spmem:s2] =	stream.indirect.scatter.add.f32 [tilespmem:s26], [sflag:$0x9], $0x40, s9, s19, $0xb8;
	[tilespmem:$0x1E000] =	vst v63  }
0x51: {  	_ =	swait.ge [sflag:s22], $0x2000  }
0x52: {  	[sflag:s22] =	ssyncset.done $0x0  }
0x53: {  	s13 =	simm.s32 $0x300;
	[sflag:s22] =	ssyncadd.s32 $0xFFFFE000  }
0x54: {  	[tilespmem:s21], [sflag:$0x2] =	stream.indirect.gather [hbm4b:s5+s19], $0x40, s13, s19, $0xb8;
	[tilespmem:$0x1E000] =	vst v63  }
0x55: {  	_ =	swait.ge [sflag:s29], $0x2000  }
0x56: {  	[sflag:s29] =	ssyncset.done $0x0  }
0x57: {  	s16 =	simm.s32 $0x5200;
	[sflag:s29] =	ssyncadd.s32 $0xFFFFE000  }
0x58: {  	[spmem:s2] =	stream.indirect.scatter.add.f32 [tilespmem:s31], [sflag:$0xA], $0x40, s16, s19, $0xb8;
	[tilespmem:$0x1E000] =	vst v63  }
0x59: {  	_ =	swait.ge [sflag:s1], $0x2000  }
0x5a: {  	[sflag:s1] =	ssyncset.done $0x0  }
0x5b: {  	s17 =	simm.s32 $0x380;
	[sflag:s1] =	ssyncadd.s32 $0xFFFFE000  }
0x5c: {  	[tilespmem:s23], [sflag:$0x3] =	stream.indirect.gather [hbm4b:s5+s19], $0x40, s17, s19, $0xb8;
	[tilespmem:$0x1E000] =	vst v63  }
.LBB2_7:
0x5d: {  	_ =	swait.ge [sflag:s24], $0x2000  }
0x5e: {  	s3 =	sshra.s32 s15, $0x2;
	[sflag:s24] =	ssyncset.done $0x0  }
0x5f: {  	s8 =	sadd.s32 $0x5280, s3;
	[sflag:s24] =	ssyncadd.s32 $0xFFFFE000  }
0x60: {  	[spmem:s2] =	stream.indirect.scatter.add.f32 [tilespmem:s20], [sflag:$0x6], $0x40, s8, s19, $0xb8;
	[tilespmem:$0x1E000] =	vst v63  }
0x61: {  	_ =	swait.ge [sflag:s12], $0x2000  }
0x62: {  	[sflag:s12] =	ssyncset.done $0x0  }
0x63: {  	s17 =	sadd.s32 $0x400, s3;
	[sflag:s12] =	ssyncadd.s32 $0xFFFFE000  }
0x64: {  	[tilespmem:s26], [sflag:$0x4] =	stream.indirect.gather [hbm4b:s5+s19], $0x40, s17, s19, $0xb8;
	[tilespmem:$0x1E000] =	vst v63  }
0x65: {  	_ =	swait.ge [sflag:s28], $0x2000  }
0x66: {  	[sflag:s28] =	ssyncset.done $0x0  }
0x67: {  	s9 =	sadd.s32 $0x5300, s3;
	[sflag:s28] =	ssyncadd.s32 $0xFFFFE000  }
0x68: {  	[spmem:s2] =	stream.indirect.scatter.add.f32 [tilespmem:s21], [sflag:$0x7], $0x40, s9, s19, $0xb8;
	[tilespmem:$0x1E000] =	vst v63  }
0x69: {  	_ =	swait.ge [sflag:s25], $0x2000  }
0x6a: {  	[sflag:s25] =	ssyncset.done $0x0  }
0x6b: {  	s13 =	sadd.s32 $0x480, s3;
	[sflag:s25] =	ssyncadd.s32 $0xFFFFE000  }
0x6c: {  	[tilespmem:s31], [sflag:$0x5] =	stream.indirect.gather [hbm4b:s5+s19], $0x40, s13, s19, $0xb8;
	[tilespmem:$0x1E000] =	vst v63  }
0x6d: {  	_ =	swait.ge [sflag:s0], $0x2000  }
0x6e: {  	[sflag:s0] =	ssyncset.done $0x0  }
0x6f: {  	s16 =	sadd.s32 $0x5380, s3;
	[sflag:s0] =	ssyncadd.s32 $0xFFFFE000  }
0x70: {  	[spmem:s2] =	stream.indirect.scatter.add.f32 [tilespmem:s23], [sflag:$0x8], $0x40, s16, s19, $0xb8;
	[tilespmem:$0x1E000] =	vst v63  }
0x71: {  	_ =	swait.ge [sflag:s6], $0x2000  }
0x72: {  	p1 =	seq.s32 s15, $0x12C00;
	[sflag:s6] =	ssyncset.done $0x0  }
0x73: {  	s8 =	simm.s32 @p1 $0x4;
	[sflag:s6] =	ssyncadd.s32 $0xFFFFE000  }
0x74: {  	_ =	swait.ge @p1 [sflag:s8], $0x2000  }
0x75: {  	[sflag:s8] =	ssyncset.done @p1 $0x0  }
0x76: {  	[sflag:s8] =	ssyncadd.s32 @p1 $0xFFFFE000;
	s8 =	sshra.s32 @p1 s15, $0x2  }
0x77: {  	s9 =	simm.s32 @p1 $0x80;
	s13 =	simm.s32 @p1 $0x10000;
	s8 =	sadd.s32 @p1 $0x5400, s8  }
0x78: {  	[spmem:s2] =	stream.indirect.scatter.add.f32 @p1 [tilespmem:s13], [sflag:$0x9], $0x40, s8, s9, $0xb8;
	[tilespmem:$0x1E000] =	vst v63  }
0x79: {  	s8 =	simm.s32 @p1 $0x7  }
0x7a: {  	_ =	swait.ge @p1 [sflag:s8], $0x2000  }
0x7b: {  	[sflag:s8] =	ssyncset.done @p1 $0x0  }
0x7c: {  	[sflag:s8] =	ssyncadd.s32 @p1 $0xFFFFE000;
	s8 =	sshra.s32 @!p1 s15, $0x2  }
0x7d: {  	s16 =	simm.s32 @!p1 $0xA000;
	s13 =	simm.s32 @!p1 $0x80;
	s9 =	sadd.s32 @!p1 $0x500, s8  }
0x7e: {  	[tilespmem:s16], [sflag:$0x1] =	stream.indirect.gather @!p1 [hbm4b:s5+s13], $0x40, s9, s13, $0xb8;
	[tilespmem:$0x1E000] =	vst v63  }
0x7f: {  	s9 =	simm.s32 @!p1 $0x4  }
0x80: {  	_ =	swait.ge @!p1 [sflag:s9], $0x2000  }
0x81: {  	[sflag:s9] =	ssyncset.done @!p1 $0x0  }
0x82: {  	s16 =	simm.s32 @!p1 $0x10000;
	[sflag:s9] =	ssyncadd.s32 @!p1 $0xFFFFE000;
	s9 =	sadd.s32 @!p1 $0x5400, s8  }
0x83: {  	[spmem:s2] =	stream.indirect.scatter.add.f32 @!p1 [tilespmem:s16], [sflag:$0x9], $0x40, s9, s13, $0xb8;
	[tilespmem:$0x1E000] =	vst v63  }
0x84: {  	s9 =	simm.s32 @!p1 $0x7  }
0x85: {  	_ =	swait.ge @!p1 [sflag:s9], $0x2000  }
0x86: {  	[sflag:s9] =	ssyncset.done @!p1 $0x0  }
0x87: {  	s8 =	sadd.s32 @!p1 $0x580, s8;
	[sflag:s9] =	ssyncadd.s32 @!p1 $0xFFFFE000;
	s9 =	simm.s32 @!p1 $0xC000  }
0x88: {  	[tilespmem:s9], [sflag:$0x2] =	stream.indirect.gather @!p1 [hbm4b:s5+s13], $0x40, s8, s13, $0xb8;
	[tilespmem:$0x1E000] =	vst v63  }
0x89: {  	_ =	swait.ge [sflag:s29], $0x2000  }
0x8a: {  	[sflag:s29] =	ssyncset.done $0x0  }
.Ltmp3:
0x8b: {  	s17 =	sadd.s32 $0x5480, s3;
	[sflag:s29] =	ssyncadd.s32 $0xFFFFE000;
	(pc) =	sbr.rel @p1 .LBB2_8-.Ltmp3, $4  }
0x8c: {  	[spmem:s2] =	stream.indirect.scatter.add.f32 [tilespmem:s31], [sflag:$0xA], $0x40, s17, s19, $0xb8;
	[tilespmem:$0x1E000] =	vst v63  }
0x8d: {  	_ =	swait.ge [sflag:s1], $0x2000  }
0x8e: {  	[sflag:s1] =	ssyncset.done $0x0  }
0x8f: {  	[sflag:s1] =	ssyncadd.s32 $0xFFFFE000  }
.Ltmp4:
0x90: {  	(pc) =	sbr.rel .LBB2_7-.Ltmp4, $3  }
0x91: {  	_ =	sdelay $0x1  }
0x92: {  	s3 =	sadd.s32 $0x600, s3;
	s15 =	sadd.s32 $0xA00, s15  }
0x93: {  	[tilespmem:s23], [sflag:$0x3] =	stream.indirect.gather [hbm4b:s5+s19], $0x40, s3, s19, $0xb8;
	[tilespmem:$0x1E000] =	vst v63  }
.LBB2_2:
0x94: {  	s3 =	rddreg [dreg:$0xa]  }
0x95: {  	s8 =	rddreg [dreg:$0x7];
	s17 =	sor.u32 $0x1C0B, s3  }
0x96: {  	[spmem:s18], [sflag:s17] =	dma.local [hbm:s8], $0x1400  }
0x97: {  	_ =	swait.ge [sflag:s14], $0x1400  }
0x98: {  	[sflag:s14] =	ssyncset.done $0x0  }
0x99: {  	[sflag:s14] =	ssyncadd.s32 $0xFFFFEC00  }
0x9a: {  	s15 =	simm.s32 $0x0;
	[bflag:$0x0] =	sbarrier.arrive $0xFFFF  }
0x9b: {  	[tilespmem:s20], [sflag:$0x1] =	stream.indirect.gather [hbm4b:s4+s19], $0x40, s15, s19, $0xb8;
	[tilespmem:$0x1E000] =	vst v63  }
0x9c: {  	_ = 	snop  }
0x9d: {  	[tilespmem:s21], [sflag:$0x2] =	stream.indirect.gather [hbm4b:s4+s19], $0x40, s19, s19, $0xb8;
	[tilespmem:$0x1E000] =	vst v63  }
0x9e: {  	s13 =	simm.s32 $0x100  }
0x9f: {  	[tilespmem:s23], [sflag:$0x3] =	stream.indirect.gather [hbm4b:s4+s19], $0x40, s13, s19, $0xb8;
	[tilespmem:$0x1E000] =	vst v63  }
0xa0: {  	_ =	swait.ge [sflag:s24], $0x2000  }
0xa1: {  	[sflag:s24] =	ssyncset.done $0x0  }
0xa2: {  	[sflag:s24] =	ssyncadd.s32 $0xFFFFE000  }
0xa3: {  	[spmem:s2] =	stream.indirect.scatter.add.f32 [tilespmem:s20], [sflag:$0x6], $0x40, s9, s19, $0xb8;
	[tilespmem:$0x1E000] =	vst v63  }
0xa4: {  	s16 =	simm.s32 $0x180  }
0xa5: {  	[tilespmem:s26], [sflag:$0x4] =	stream.indirect.gather [hbm4b:s4+s19], $0x40, s16, s19, $0xb8;
	[tilespmem:$0x1E000] =	vst v63  }
0xa6: {  	_ =	swait.ge [sflag:s28], $0x2000  }
0xa7: {  	[sflag:s28] =	ssyncset.done $0x0  }
0xa8: {  	s8 =	simm.s32 $0x5080;
	[sflag:s28] =	ssyncadd.s32 $0xFFFFE000  }
0xa9: {  	[spmem:s2] =	stream.indirect.scatter.add.f32 [tilespmem:s21], [sflag:$0x7], $0x40, s8, s19, $0xb8;
	[tilespmem:$0x1E000] =	vst v63  }
0xaa: {  	s9 =	simm.s32 $0x200  }
0xab: {  	[tilespmem:s31], [sflag:$0x5] =	stream.indirect.gather [hbm4b:s4+s19], $0x40, s9, s19, $0xb8;
	[tilespmem:$0x1E000] =	vst v63  }
0xac: {  	_ =	swait.ge [sflag:s0], $0x2000  }
0xad: {  	[sflag:s0] =	ssyncset.done $0x0  }
0xae: {  	s13 =	simm.s32 $0x5100;
	[sflag:s0] =	ssyncadd.s32 $0xFFFFE000  }
0xaf: {  	[spmem:s2] =	stream.indirect.scatter.add.f32 [tilespmem:s23], [sflag:$0x8], $0x40, s13, s19, $0xb8;
	[tilespmem:$0x1E000] =	vst v63  }
0xb0: {  	_ =	swait.ge [sflag:s6], $0x2000  }
0xb1: {  	[sflag:s6] =	ssyncset.done $0x0  }
0xb2: {  	s16 =	simm.s32 $0x280;
	[sflag:s6] =	ssyncadd.s32 $0xFFFFE000  }
0xb3: {  	[tilespmem:s20], [sflag:$0x1] =	stream.indirect.gather [hbm4b:s4+s19], $0x40, s16, s19, $0xb8;
	[tilespmem:$0x1E000] =	vst v63  }
0xb4: {  	_ =	swait.ge [sflag:s11], $0x2000  }
0xb5: {  	[sflag:s11] =	ssyncset.done $0x0  }
0xb6: {  	s8 =	simm.s32 $0x5180;
	[sflag:s11] =	ssyncadd.s32 $0xFFFFE000  }
0xb7: {  	[spmem:s2] =	stream.indirect.scatter.add.f32 [tilespmem:s26], [sflag:$0x9], $0x40, s8, s19, $0xb8;
	[tilespmem:$0x1E000] =	vst v63  }
0xb8: {  	_ =	swait.ge [sflag:s22], $0x2000  }
0xb9: {  	[sflag:s22] =	ssyncset.done $0x0  }
0xba: {  	s9 =	simm.s32 $0x300;
	[sflag:s22] =	ssyncadd.s32 $0xFFFFE000  }
0xbb: {  	[tilespmem:s21], [sflag:$0x2] =	stream.indirect.gather [hbm4b:s4+s19], $0x40, s9, s19, $0xb8;
	[tilespmem:$0x1E000] =	vst v63  }
0xbc: {  	_ =	swait.ge [sflag:s29], $0x2000  }
0xbd: {  	[sflag:s29] =	ssyncset.done $0x0  }
0xbe: {  	s13 =	simm.s32 $0x5200;
	[sflag:s29] =	ssyncadd.s32 $0xFFFFE000  }
0xbf: {  	[spmem:s2] =	stream.indirect.scatter.add.f32 [tilespmem:s31], [sflag:$0xA], $0x40, s13, s19, $0xb8;
	[tilespmem:$0x1E000] =	vst v63  }
0xc0: {  	_ =	swait.ge [sflag:s1], $0x2000  }
0xc1: {  	[sflag:s1] =	ssyncset.done $0x0  }
0xc2: {  	s16 =	simm.s32 $0x380;
	[sflag:s1] =	ssyncadd.s32 $0xFFFFE000  }
0xc3: {  	[tilespmem:s23], [sflag:$0x3] =	stream.indirect.gather [hbm4b:s4+s19], $0x40, s16, s19, $0xb8;
	[tilespmem:$0x1E000] =	vst v63  }
.LBB2_3:
0xc4: {  	_ =	swait.ge [sflag:s24], $0x2000  }
0xc5: {  	s3 =	sshra.s32 s15, $0x2;
	[sflag:s24] =	ssyncset.done $0x0  }
0xc6: {  	s8 =	sadd.s32 $0x5280, s3;
	[sflag:s24] =	ssyncadd.s32 $0xFFFFE000  }
0xc7: {  	[spmem:s2] =	stream.indirect.scatter.add.f32 [tilespmem:s20], [sflag:$0x6], $0x40, s8, s19, $0xb8;
	[tilespmem:$0x1E000] =	vst v63  }
0xc8: {  	_ =	swait.ge [sflag:s12], $0x2000  }
0xc9: {  	[sflag:s12] =	ssyncset.done $0x0  }
0xca: {  	s13 =	sadd.s32 $0x400, s3;
	[sflag:s12] =	ssyncadd.s32 $0xFFFFE000  }
0xcb: {  	[tilespmem:s26], [sflag:$0x4] =	stream.indirect.gather [hbm4b:s4+s19], $0x40, s13, s19, $0xb8;
	[tilespmem:$0x1E000] =	vst v63  }
0xcc: {  	_ =	swait.ge [sflag:s28], $0x2000  }
0xcd: {  	[sflag:s28] =	ssyncset.done $0x0  }
0xce: {  	s16 =	sadd.s32 $0x5300, s3;
	[sflag:s28] =	ssyncadd.s32 $0xFFFFE000  }
0xcf: {  	[spmem:s2] =	stream.indirect.scatter.add.f32 [tilespmem:s21], [sflag:$0x7], $0x40, s16, s19, $0xb8;
	[tilespmem:$0x1E000] =	vst v63  }
0xd0: {  	_ =	swait.ge [sflag:s25], $0x2000  }
0xd1: {  	[sflag:s25] =	ssyncset.done $0x0  }
0xd2: {  	s9 =	sadd.s32 $0x480, s3;
	[sflag:s25] =	ssyncadd.s32 $0xFFFFE000  }
0xd3: {  	[tilespmem:s31], [sflag:$0x5] =	stream.indirect.gather [hbm4b:s4+s19], $0x40, s9, s19, $0xb8;
	[tilespmem:$0x1E000] =	vst v63  }
0xd4: {  	_ =	swait.ge [sflag:s0], $0x2000  }
0xd5: {  	[sflag:s0] =	ssyncset.done $0x0  }
0xd6: {  	s13 =	sadd.s32 $0x5380, s3;
	[sflag:s0] =	ssyncadd.s32 $0xFFFFE000  }
0xd7: {  	[spmem:s2] =	stream.indirect.scatter.add.f32 [tilespmem:s23], [sflag:$0x8], $0x40, s13, s19, $0xb8;
	[tilespmem:$0x1E000] =	vst v63  }
0xd8: {  	_ =	swait.ge [sflag:s6], $0x2000  }
0xd9: {  	p1 =	seq.s32 s15, $0x12C00;
	[sflag:s6] =	ssyncset.done $0x0  }
0xda: {  	s8 =	simm.s32 @p1 $0x4;
	[sflag:s6] =	ssyncadd.s32 $0xFFFFE000  }
0xdb: {  	_ =	swait.ge @p1 [sflag:s8], $0x2000  }
0xdc: {  	[sflag:s8] =	ssyncset.done @p1 $0x0  }
0xdd: {  	[sflag:s8] =	ssyncadd.s32 @p1 $0xFFFFE000;
	s8 =	sshra.s32 @p1 s15, $0x2  }
0xde: {  	s16 =	simm.s32 @p1 $0x10000;
	s9 =	simm.s32 @p1 $0x80;
	s8 =	sadd.s32 @p1 $0x5400, s8  }
0xdf: {  	[spmem:s2] =	stream.indirect.scatter.add.f32 @p1 [tilespmem:s16], [sflag:$0x9], $0x40, s8, s9, $0xb8;
	[tilespmem:$0x1E000] =	vst v63  }
0xe0: {  	s8 =	simm.s32 @p1 $0x7  }
0xe1: {  	_ =	swait.ge @p1 [sflag:s8], $0x2000  }
0xe2: {  	[sflag:s8] =	ssyncset.done @p1 $0x0  }
0xe3: {  	[sflag:s8] =	ssyncadd.s32 @p1 $0xFFFFE000;
	s8 =	sshra.s32 @!p1 s15, $0x2  }
0xe4: {  	s13 =	simm.s32 @!p1 $0xA000;
	s16 =	simm.s32 @!p1 $0x80;
	s9 =	sadd.s32 @!p1 $0x500, s8  }
0xe5: {  	[tilespmem:s13], [sflag:$0x1] =	stream.indirect.gather @!p1 [hbm4b:s4+s16], $0x40, s9, s16, $0xb8;
	[tilespmem:$0x1E000] =	vst v63  }
0xe6: {  	s9 =	simm.s32 @!p1 $0x4  }
0xe7: {  	_ =	swait.ge @!p1 [sflag:s9], $0x2000  }
0xe8: {  	[sflag:s9] =	ssyncset.done @!p1 $0x0  }
0xe9: {  	s13 =	simm.s32 @!p1 $0x10000;
	[sflag:s9] =	ssyncadd.s32 @!p1 $0xFFFFE000;
	s9 =	sadd.s32 @!p1 $0x5400, s8  }
0xea: {  	[spmem:s2] =	stream.indirect.scatter.add.f32 @!p1 [tilespmem:s13], [sflag:$0x9], $0x40, s9, s16, $0xb8;
	[tilespmem:$0x1E000] =	vst v63  }
0xeb: {  	s9 =	simm.s32 @!p1 $0x7  }
0xec: {  	_ =	swait.ge @!p1 [sflag:s9], $0x2000  }
0xed: {  	[sflag:s9] =	ssyncset.done @!p1 $0x0  }
0xee: {  	s8 =	sadd.s32 @!p1 $0x580, s8;
	[sflag:s9] =	ssyncadd.s32 @!p1 $0xFFFFE000;
	s9 =	simm.s32 @!p1 $0xC000  }
0xef: {  	[tilespmem:s9], [sflag:$0x2] =	stream.indirect.gather @!p1 [hbm4b:s4+s16], $0x40, s8, s16, $0xb8;
	[tilespmem:$0x1E000] =	vst v63  }
0xf0: {  	_ =	swait.ge [sflag:s29], $0x2000  }
0xf1: {  	[sflag:s29] =	ssyncset.done $0x0  }
.Ltmp5:
0xf2: {  	s16 =	sadd.s32 $0x5480, s3;
	[sflag:s29] =	ssyncadd.s32 $0xFFFFE000;
	(pc) =	sbr.rel @p1 .LBB2_4-.Ltmp5, $4  }
0xf3: {  	[spmem:s2] =	stream.indirect.scatter.add.f32 [tilespmem:s31], [sflag:$0xA], $0x40, s16, s19, $0xb8;
	[tilespmem:$0x1E000] =	vst v63  }
0xf4: {  	_ =	swait.ge [sflag:s1], $0x2000  }
0xf5: {  	[sflag:s1] =	ssyncset.done $0x0  }
0xf6: {  	[sflag:s1] =	ssyncadd.s32 $0xFFFFE000  }
.Ltmp6:
0xf7: {  	(pc) =	sbr.rel .LBB2_3-.Ltmp6, $3  }
0xf8: {  	_ =	sdelay $0x1  }
0xf9: {  	s3 =	sadd.s32 $0x600, s3;
	s15 =	sadd.s32 $0xA00, s15  }
0xfa: {  	[tilespmem:s23], [sflag:$0x3] =	stream.indirect.gather [hbm4b:s4+s19], $0x40, s3, s19, $0xb8;
	[tilespmem:$0x1E000] =	vst v63  }
.LBB2_4:
.Ltmp7:
0xfb: {  	(pc) =	sbr.rel .LBB2_9-.Ltmp7, $2  }
0xfc: {  	_ =	sdelay $0x2  }
0xfd: {  	s3 =	rddreg [dreg:$0x3]  }
.LBB2_10:
0xfe: {  	_ =	sfence.sel $0x180000  }
0xff: {  	[bflag:$0x0] =	sbarrier.arrive $0xFFFF  }
0x100: {  	_ =	strace $0x90000050  }
0x101: {  	s0 =	stileid.u32;
	[bflag:$0x2] =	sbarrier.arrive $0xFFFF  }
0x102: {  	p0 =	sne.s32 s0, $0x0;
	s0 =	rddreg [dreg:$0x2]  }
0x103: {  	s0 =	sadd.s32 @!p0 $0x100000, s0  }
0x104: {  	[sflag:s0] =	ssyncadd.tile.s32 @!p0 $0x1;
	_ =	shalt  }
.Lfunc_end2:
_tile_overlayer_lowered:
.L_overlay_start_2:
0x105: {  	(tag) =	ssettag $0x2  }
0x106: {  	s0 =	rddreg [dreg:$0x0];
	s2 =	stileid.u32  }
0x107: {  	s1 =	rddreg [dreg:$0x1];
	p0 =	sne.s32 s2, $0x0  }
0x108: {  	s3 =	rddreg [dreg:$0x2];
	[bflag:$0x3] =	sbarrier.arrive $0xFFFF;
	s2 =	simm.s32 @!p0 $0x1C0B  }
0x109: {  	[timem:s3], [sflag:s2] =	dma.local @!p0 [hbm:s0], s1  }
0x10a: {  	s0 =	simm.s32 @!p0 $0xB  }
0x10b: {  	_ =	swait.ge @!p0 [sflag:s0], s1  }
0x10c: {  	s1 =	ssub.s32 @!p0 $0x0, s1;
	[sflag:s0] =	ssyncset.done @!p0 $0x0  }
0x10d: {  	[sflag:s0] =	ssyncadd.s32 @!p0 s1  }
0x10e: {  	[bflag:$0x3] =	sbarrier.arrive $0xFFFF  }
0x10f: {  	_ =	shalt  }

</sc_bundles>
